<compile_context>
chip_gen: v7x
topology: tpu7x:2x2x1
jax: 0.10.2.dev20260603
libtpu: 0.0.44.dev20260713+nightly
codegen_flags: <defaults>
</compile_context>

<pallas_src>
import functools

import jax
import jax.numpy as jnp
from jax import lax
from jax.experimental import pallas as pl
from jax.experimental.pallas import tpu as pltpu
from jax.experimental.pallas import tpu_sc as plsc

N = 10000
NPAD = 10240
E = 320000
G = 128
NC = 2
NS = 16
NW = NC * NS
CH = 128
KC = 80
EPAD = NW * KC * CH
NBUF = 2
NLAG = 1
KC2 = 2 * KC
ASPL = 80
MAXC = max(ASPL, KC2 - ASPL)
RPS = NPAD // NS
BLK = 2560
NG = NPAD // BLK
_EPS = 1e-5

_mesh = plsc.VectorSubcoreMesh(core_axis_name="c", subcore_axis_name="s")



def _degree_body(src_hbm, dst_hbm, eye_hbm, z8_hbm, deg_hbm,
                 src_v, dst_v, e0_v, e1_v, deg_sh, sem, sem2):
    cid = lax.axis_index("c")
    sid = lax.axis_index("s")
    wid = sid * NC + cid
    pltpu.sync_copy(src_hbm.at[wid], src_v)
    pltpu.sync_copy(dst_hbm.at[wid], dst_v)
    pltpu.sync_copy(eye_hbm.at[0], e0_v)
    pltpu.sync_copy(eye_hbm.at[1], e1_v)
    pltpu.sync_copy(z8_hbm.at[pl.ds(sid * RPS, RPS)],
                    deg_sh.at[pl.ds(sid * RPS, RPS)])
    plsc.subcore_barrier()

    def body(j, carry):
        pltpu.async_copy(e0_v, deg_sh.at[src_v.at[j]], sem, add=True)
        pltpu.async_copy(e1_v, deg_sh.at[dst_v.at[j]], sem2, add=True)

        @pl.when(j >= 1)
        def _():
            pltpu.make_async_copy(e0_v, deg_sh.at[src_v.at[j - 1]],
                                  sem).wait()
            pltpu.make_async_copy(e1_v, deg_sh.at[dst_v.at[j - 1]],
                                  sem2).wait()

        return carry

    lax.fori_loop(0, KC, body, 0)
    pltpu.make_async_copy(e0_v, deg_sh.at[src_v.at[KC - 1]], sem).wait()
    pltpu.make_async_copy(e1_v, deg_sh.at[dst_v.at[KC - 1]], sem2).wait()
    plsc.subcore_barrier()
    pltpu.sync_copy(deg_sh.at[pl.ds(sid * RPS, RPS)],
                    deg_hbm.at[cid].at[pl.ds(sid * RPS, RPS)])


_degree = functools.partial(
    pl.kernel,
    out_type=jax.ShapeDtypeStruct((NC, NPAD, 8), jnp.float32),
    mesh=_mesh,
    scratch_types=[
        pltpu.VMEM((KC, CH), jnp.int32),
        pltpu.VMEM((KC, CH), jnp.int32),
        pltpu.VMEM((CH, 8), jnp.float32),
        pltpu.VMEM((CH, 8), jnp.float32),
        pltpu.VMEM_SHARED((NPAD, 8), jnp.float32),
        pltpu.SemaphoreType.DMA,
        pltpu.SemaphoreType.DMA,
    ],
    compiler_params=pltpu.CompilerParams(use_tc_tiling_on_sc=False),
)(_degree_body)


def _make_edge_pass(D, nslab):
    def body(*refs):
        xs_list = refs[:nslab]
        src_hbm, dst_hbm, zd_hbm = refs[nslab:nslab + 3]
        out_list = refs[nslab + 3:nslab + 3 + nslab]
        (src_v, dst_v, r0, r1, xs_sh, agg_sh,
         g0, g1, s0, s1) = refs[nslab + 3 + nslab:]
        cid = lax.axis_index("c")
        sid = lax.axis_index("s")
        rows = (r0, r1)
        gsem = (g0, g1)
        ssem = (s0, s1)

        def run(off, cnt, load_idx):
            if load_idx:
                pltpu.sync_copy(src_hbm.at[sid].at[pl.ds(off, cnt)],
                                src_v.at[pl.ds(0, cnt)])
                pltpu.sync_copy(dst_hbm.at[sid].at[pl.ds(off, cnt)],
                                dst_v.at[pl.ds(0, cnt)])
            for b in range(NLAG):
                pltpu.async_copy(xs_sh.at[src_v.at[b]], rows[b], gsem[b])

            def group(gi, carry):
                for b in range(NBUF):
                    j = gi * NBUF + b
                    bh = (b + NLAG) % NBUF
                    pltpu.make_async_copy(xs_sh.at[src_v.at[j]], rows[b],
                                          gsem[b]).wait()
                    pltpu.async_copy(rows[b], agg_sh.at[dst_v.at[j]],
                                     ssem[b], add=True)

                    @pl.when(j >= NLAG)
                    def _():
                        pltpu.make_async_copy(rows[bh],
                                              agg_sh.at[dst_v.at[j - NLAG]],
                                              ssem[bh]).wait()

                    @pl.when(j + NLAG < cnt)
                    def _():
                        pltpu.async_copy(xs_sh.at[src_v.at[j + NLAG]],
                                         rows[bh], gsem[bh])
                return carry

            lax.fori_loop(0, cnt // NBUF, group, 0)
            for c in range(cnt - NLAG, cnt):
                pltpu.make_async_copy(rows[c % NBUF], agg_sh.at[dst_v.at[c]],
                                      ssem[c % NBUF]).wait()

        for k in range(nslab):
            pltpu.sync_copy(xs_list[k].at[pl.ds(sid * RPS, RPS)],
                            xs_sh.at[pl.ds(sid * RPS, RPS)])
            pltpu.sync_copy(zd_hbm.at[pl.ds(sid * RPS, RPS)],
                            agg_sh.at[pl.ds(sid * RPS, RPS)])
            plsc.subcore_barrier()

            @pl.when(cid == 0)
            def _():
                run(0, ASPL, k == 0)

            @pl.when(cid == 1)
            def _():
                run(ASPL, KC2 - ASPL, k == 0)

            plsc.subcore_barrier()
            pltpu.sync_copy(agg_sh.at[pl.ds(sid * RPS, RPS)],
                            out_list[k].at[cid].at[pl.ds(sid * RPS, RPS)])

    return functools.partial(
        pl.kernel,
        out_type=[jax.ShapeDtypeStruct((NC, NPAD, D), jnp.float32)
                  for _ in range(nslab)],
        mesh=_mesh,
        scratch_types=[
            pltpu.VMEM((MAXC, CH), jnp.int32),
            pltpu.VMEM((MAXC, CH), jnp.int32),
        ] + [pltpu.VMEM((CH, D), jnp.float32) for _ in range(NBUF)] + [
            pltpu.VMEM_SHARED((NPAD, D), jnp.float32),
            pltpu.VMEM_SHARED((NPAD, D), jnp.float32),
        ] + [pltpu.SemaphoreType.DMA for _ in range(2 * NBUF)],
        compiler_params=pltpu.CompilerParams(use_tc_tiling_on_sc=False),
    )(body)


_edge64 = _make_edge_pass(64, 1)



def _prep_body(deg_ref, x_ref, no_ref, ni_ref, xsa_ref, xsb_ref):
    d = deg_ref[0] + deg_ref[1]
    do = d[:, 0:1]
    di = d[:, 1:2]
    no = jnp.where(do > 0, lax.rsqrt(jnp.maximum(do, 1.0)), 0.0)
    ni = jnp.where(di > 0, lax.rsqrt(jnp.maximum(di, 1.0)), 0.0)
    no_ref[...] = jnp.broadcast_to(no, (BLK, 8))
    ni_ref[...] = jnp.broadcast_to(ni, (BLK, 8))
    xs = x_ref[...] * no
    xsa_ref[...] = xs[:, :64]
    xsb_ref[...] = xs[:, 64:]


def _prep(degp, xp):
    return pl.pallas_call(
        _prep_body,
        grid=(NG,),
        in_specs=[
            pl.BlockSpec((NC, BLK, 8), lambda i: (0, i, 0)),
            pl.BlockSpec((BLK, 128), lambda i: (i, 0)),
        ],
        out_specs=[
            pl.BlockSpec((BLK, 8), lambda i: (i, 0)),
            pl.BlockSpec((BLK, 8), lambda i: (i, 0)),
            pl.BlockSpec((BLK, 64), lambda i: (i, 0)),
            pl.BlockSpec((BLK, 64), lambda i: (i, 0)),
        ],
        out_shape=[
            jax.ShapeDtypeStruct((NPAD, 8), jnp.float32),
            jax.ShapeDtypeStruct((NPAD, 8), jnp.float32),
            jax.ShapeDtypeStruct((NPAD, 64), jnp.float32),
            jax.ShapeDtypeStruct((NPAD, 64), jnp.float32),
        ],
    )(degp, xp)


def _make_layer_body(slabs):
    def body(*refs):
        p_refs = refs[:slabs]
        (x_ref, ni_ref, no_ref, w_ref, b_ref, rw_ref, rb_ref,
         g_ref, beta_ref, m_ref, v_ref, h_ref, hs_ref) = refs[slabs:]
        ni = ni_ref[...][:, 0:1]
        aggs = [(p[0] + p[1]) * ni for p in p_refs]
        agg = aggs[0] if slabs == 1 else jnp.concatenate(aggs, axis=1)
        hm = jnp.dot(agg, w_ref[...], preferred_element_type=jnp.float32)
        hm = jnp.maximum(hm + b_ref[...], 0.0)
        res = jnp.dot(x_ref[...], rw_ref[...],
                      preferred_element_type=jnp.float32)
        res = jnp.maximum(res + rb_ref[...], 0.0)
        h = hm + res
        h = (h - m_ref[...]) * lax.rsqrt(v_ref[...] + _EPS) * g_ref[...] \
            + beta_ref[...]
        h_ref[...] = h
        hs_ref[...] = h * no_ref[...][:, 0:1]
    return body


def _layer(p_list, x, ni, no, w, b, rw, rb, g, beta, m, v):
    slabs = len(p_list)
    D = 64 * slabs
    vec = lambda: pl.BlockSpec((1, 64), lambda i: (0, 0))
    return pl.pallas_call(
        _make_layer_body(slabs),
        grid=(NG,),
        in_specs=[pl.BlockSpec((NC, BLK, 64), lambda i: (0, i, 0))
                  for _ in range(slabs)] + [
            pl.BlockSpec((BLK, D), lambda i: (i, 0)),
            pl.BlockSpec((BLK, 8), lambda i: (i, 0)),
            pl.BlockSpec((BLK, 8), lambda i: (i, 0)),
            pl.BlockSpec((D, 64), lambda i: (0, 0)),
            vec(),
            pl.BlockSpec((D, 64), lambda i: (0, 0)),
            vec(), vec(), vec(), vec(), vec(),
        ],
        out_specs=[
            pl.BlockSpec((BLK, 64), lambda i: (i, 0)),
            pl.BlockSpec((BLK, 64), lambda i: (i, 0)),
        ],
        out_shape=[
            jax.ShapeDtypeStruct((NPAD, 64), jnp.float32),
            jax.ShapeDtypeStruct((NPAD, 64), jnp.float32),
        ],
    )(*p_list, x, ni, no, w, b.reshape(1, 64), rw, rb.reshape(1, 64),
      g.reshape(1, 64), beta.reshape(1, 64), m.reshape(1, 64),
      v.reshape(1, 64))


def _l3f_body(p_ref, x_ref, ni_ref, gid_ref, w_ref, b_ref, rw_ref, rb_ref,
              g_ref, beta_ref, m_ref, v_ref, w1_ref, b1_ref, w2_ref, b2_ref,
              out_ref, acc_ref):
    i = pl.program_id(0)

    @pl.when(i == 0)
    def _():
        acc_ref[...] = jnp.zeros_like(acc_ref)
        out_ref[...] = jnp.zeros_like(out_ref)

    agg = (p_ref[0] + p_ref[1]) * ni_ref[...][:, 0:1]
    hm = jnp.dot(agg, w_ref[...], preferred_element_type=jnp.float32)
    hm = jnp.maximum(hm + b_ref[...], 0.0)
    res = jnp.dot(x_ref[...], rw_ref[...], preferred_element_type=jnp.float32)
    res = jnp.maximum(res + rb_ref[...], 0.0)
    h = hm + res
    h = (h - m_ref[...]) * lax.rsqrt(v_ref[...] + _EPS) * g_ref[...] \
        + beta_ref[...]
    gid = gid_ref[0, 0]
    oh = (lax.broadcasted_iota(jnp.int32, (G, BLK), 0) == gid[None, :])
    acc_ref[...] += jnp.dot(oh.astype(jnp.float32), h,
                            preferred_element_type=jnp.float32)

    @pl.when(i == NG - 1)
    def _():
        hid = jnp.dot(acc_ref[...], w1_ref[...],
                      preferred_element_type=jnp.float32)
        hid = jnp.maximum(hid + b1_ref[...], 0.0)
        out_ref[...] = jnp.dot(hid, w2_ref[...],
                               preferred_element_type=jnp.float32) \
            + b2_ref[...]


def _layer3_final(p, x, ni, gid3, w, b, rw, rb, g, beta, m, v,
                  w1, b1, w2p, b2p):
    vec = lambda: pl.BlockSpec((1, 64), lambda i: (0, 0))
    return pl.pallas_call(
        _l3f_body,
        grid=(NG,),
        in_specs=[
            pl.BlockSpec((NC, BLK, 64), lambda i: (0, i, 0)),
            pl.BlockSpec((BLK, 64), lambda i: (i, 0)),
            pl.BlockSpec((BLK, 8), lambda i: (i, 0)),
            pl.BlockSpec((1, 1, BLK), lambda i: (i, 0, 0)),
            pl.BlockSpec((64, 64), lambda i: (0, 0)),
            vec(),
            pl.BlockSpec((64, 64), lambda i: (0, 0)),
            vec(), vec(), vec(), vec(), vec(),
            pl.BlockSpec((64, 128), lambda i: (0, 0)),
            pl.BlockSpec((1, 128), lambda i: (0, 0)),
            pl.BlockSpec((128, 128), lambda i: (0, 0)),
            pl.BlockSpec((1, 128), lambda i: (0, 0)),
        ],
        out_specs=pl.BlockSpec((G, 128), lambda i: (0, 0)),
        out_shape=jax.ShapeDtypeStruct((G, 128), jnp.float32),
        scratch_shapes=[pltpu.VMEM((G, 64), jnp.float32)],
    )(p, x, ni, gid3, w, b.reshape(1, 64), rw, rb.reshape(1, 64),
      g.reshape(1, 64), beta.reshape(1, 64), m.reshape(1, 64),
      v.reshape(1, 64), w1, b1, w2p, b2p)



def kernel(node_feats, edge_index, graph_ids,
           W0, b0, Rw0, Rb0, g0, beta0, m0, v0,
           W1, b1, Rw1, Rb1, g1, beta1, m1, v1,
           W2, b2, Rw2, Rb2, g2, beta2, m2, v2,
           Wc1, bc1, Wc2, bc2):
    pad_e = EPAD - E
    srcp = jnp.concatenate(
        [edge_index[0], jnp.full((pad_e,), N, jnp.int32)]).reshape(NW, KC, CH)
    dstp = jnp.concatenate(
        [edge_index[1], jnp.full((pad_e,), N, jnp.int32)]).reshape(NW, KC, CH)
    xp = jnp.pad(node_feats, ((0, NPAD - N), (0, 0)))
    gid3 = jnp.pad(graph_ids, (0, NPAD - N),
                   constant_values=G).reshape(NG, 1, BLK)
    eye = jnp.zeros((2, CH, 8), jnp.float32)
    eye = eye.at[0, :, 0].set(1.0).at[1, :, 1].set(1.0)
    z8 = jnp.zeros((NPAD, 8), jnp.float32)
    z64 = jnp.zeros((NPAD, 64), jnp.float32)

    degp = _degree(srcp, dstp, eye, z8)
    no, ni, xs0a, xs0b = _prep(degp, xp)

    srcE = srcp.reshape(NS, KC2, CH)
    dstE = dstp.reshape(NS, KC2, CH)
    (p0a,) = _edge64(xs0a, srcE, dstE, z64)
    (p0b,) = _edge64(xs0b, srcE, dstE, z64)
    h1, h1s = _layer([p0a, p0b], xp, ni, no,
                     W0, b0, Rw0, Rb0, g0, beta0, m0, v0)

    (p1,) = _edge64(h1s, srcE, dstE, z64)
    h2, h2s = _layer([p1], h1, ni, no, W1, b1, Rw1, Rb1, g1, beta1, m1, v1)

    (p2,) = _edge64(h2s, srcE, dstE, z64)
    w2p = jnp.pad(Wc2, ((0, 0), (0, 126)))
    b2p = jnp.pad(bc2, (0, 126)).reshape(1, 128)
    logits = _layer3_final(p2, h2, ni, gid3, W2, b2, Rw2, Rb2, g2, beta2,
                           m2, v2, Wc1, bc1.reshape(1, 128), w2p, b2p)
    return logits[:, :2]

# --- scband reference (transcript-rebuilt; emitter-appended) ---
"""Pipeline reference for scband-dgllife-gcnclassifier-11785390260439 (READ-ONLY COPY).

The authoritative reference and input builder live on the scoring server;
editing this copy changes nothing except your own understanding.
"""

import jax, jax.numpy as jnp
import numpy as np

_EPS = 1e-5

def _gcn_layer(x, src, dst, W, b, Rw, Rb, g, beta, m, v):
    N, D = x.shape
    outdeg = jnp.zeros((N,), x.dtype).at[src].add(1.0)
    indeg = jnp.zeros((N,), x.dtype).at[dst].add(1.0)
    norm_out = jnp.where(outdeg > 0, jax.lax.rsqrt(jnp.maximum(outdeg, 1.0)), 0.0)
    norm_in = jnp.where(indeg > 0, jax.lax.rsqrt(jnp.maximum(indeg, 1.0)), 0.0)
    h = x * norm_out[:, None]
    agg = jnp.zeros((N, D), x.dtype).at[dst].add(h[src])
    agg = agg * norm_in[:, None]
    h = jax.nn.relu(agg @ W + b)
    res = jax.nn.relu(x @ Rw + Rb)
    h = h + res
    h = (h - m) * jax.lax.rsqrt(v + _EPS) * g + beta
    return h

def setup_inputs(seed: int = 0) -> dict:
    key = jax.random.key(seed)
    ks = jax.random.split(key, 32)
    N, E, Din, H, G = 10000, 320000, 128, 64, 128
    inp = {}
    inp['node_feats'] = jax.random.normal(ks[0], (N, Din), jnp.float32)
    inp['edge_index'] = jax.random.randint(ks[1], (2, E), 0, N, dtype=jnp.int32)
    inp['graph_ids'] = jnp.sort(jax.random.randint(ks[2], (N,), 0, G, dtype=jnp.int32))
    dims = [(Din, H), (H, H), (H, H)]
    ki = 3
    for i, (di, do) in enumerate(dims):
        inp[f'W{i}'] = jax.random.normal(ks[ki], (di, do), jnp.float32) * (1.0 / np.sqrt(di)); ki += 1
        inp[f'b{i}'] = jnp.zeros((do,), jnp.float32)
        inp[f'Rw{i}'] = jax.random.normal(ks[ki], (di, do), jnp.float32) * (1.0 / np.sqrt(di)); ki += 1
        inp[f'Rb{i}'] = jnp.zeros((do,), jnp.float32)
        inp[f'g{i}'] = jnp.ones((do,), jnp.float32)
        inp[f'beta{i}'] = jnp.zeros((do,), jnp.float32)
        inp[f'm{i}'] = jnp.zeros((do,), jnp.float32)
        inp[f'v{i}'] = jnp.ones((do,), jnp.float32)
    inp['Wc1'] = jax.random.normal(ks[ki], (H, 128), jnp.float32) * (1.0 / np.sqrt(H)); ki += 1
    inp['bc1'] = jnp.zeros((128,), jnp.float32)
    inp['Wc2'] = jax.random.normal(ks[ki], (128, 2), jnp.float32) * (1.0 / np.sqrt(128.0)); ki += 1
    inp['bc2'] = jnp.zeros((2,), jnp.float32)
    return inp

def reference(node_feats, edge_index, graph_ids,
              W0, b0, Rw0, Rb0, g0, beta0, m0, v0,
              W1, b1, Rw1, Rb1, g1, beta1, m1, v1,
              W2, b2, Rw2, Rb2, g2, beta2, m2, v2,
              Wc1, bc1, Wc2, bc2):
    src = edge_index[0]
    dst = edge_index[1]
    h = _gcn_layer(node_feats, src, dst, W0, b0, Rw0, Rb0, g0, beta0, m0, v0)
    h = _gcn_layer(h, src, dst, W1, b1, Rw1, Rb1, g1, beta1, m1, v1)
    h = _gcn_layer(h, src, dst, W2, b2, Rw2, Rb2, g2, beta2, m2, v2)
    pooled = jax.ops.segment_sum(h, graph_ids, num_segments=128)
    hid = jax.nn.relu(pooled @ Wc1 + bc1)
    logits = hid @ Wc2 + bc2
    return logits

if __name__ == "__main__":
    import jax
    _d = setup_inputs()
    print(jax.jit(kernel)(*tuple(_d.values())))

</pallas_src>

<mosaic_0001>
#map = affine_map<(d0, d1) -> (0, 0)>
#map1 = affine_map<(d0, d1) -> (0, 0, 0)>
module attributes {stable_mosaic.version = 14 : i64} {
  func.func @body(%arg0: i32, %arg1: i32, %arg2: memref<10240x64xf32, #tpu.memory_space<hbm>>, %arg3: memref<16x160x128xi32, #tpu.memory_space<hbm>>, %arg4: memref<16x160x128xi32, #tpu.memory_space<hbm>>, %arg5: memref<10240x64xf32, #tpu.memory_space<hbm>>, %arg6: memref<2x10240x64xf32, #tpu.memory_space<hbm>>, %arg7: memref<80x128xi32, #tpu.memory_space<vmem>>, %arg8: memref<80x128xi32, #tpu.memory_space<vmem>>, %arg9: memref<128x64xf32, #tpu.memory_space<vmem>>, %arg10: memref<128x64xf32, #tpu.memory_space<vmem>>, %arg11: memref<10240x64xf32, #tpu.memory_space<vmem_shared>>, %arg12: memref<10240x64xf32, #tpu.memory_space<vmem_shared>>, %arg13: memref<!tpu.dma_semaphore, #tpu.memory_space<semaphore_mem>>, %arg14: memref<!tpu.dma_semaphore, #tpu.memory_space<semaphore_mem>>, %arg15: memref<!tpu.dma_semaphore, #tpu.memory_space<semaphore_mem>>, %arg16: memref<!tpu.dma_semaphore, #tpu.memory_space<semaphore_mem>>) attributes {dimension_semantics = [#tpu.dimension_semantics<core_parallel>, #tpu.dimension_semantics<subcore_parallel>], iteration_bounds = array<i64: 2, 16>, scalar_prefetch = 0 : i64, scratch_operands = 10 : i64, tpu.core_type = #tpu.core_type<sc_vector_subcore>, window_params = [{transform_indices = #map}, {transform_indices = #map1}, {transform_indices = #map1}, {transform_indices = #map}, {transform_indices = #map1}]} {
    %mul3A = arith.constant 640 : i32
    %mul3A_0 = arith.muli %arg1, %mul3A : i32
    %mul3A_1 = arith.constant 640 : i32
    %mul3A_2 = arith.muli %arg1, %mul3A_1 : i32
    "tpu.region"() ({
      %run_scoped3A = tpu.sem_alloc : memref<!tpu.dma_semaphore, #tpu.memory_space<semaphore_mem>>
      %dma_start3A = arith.constant 0 : i32
      %dma_start3A_19 = tpu.memref_slice %arg11[%mul3A_2, %dma_start3A] : memref<10240x64xf32, #tpu.memory_space<vmem_shared>> -> memref<640x64xf32, #tpu.memory_space<vmem_shared>>
      %dma_start3A_20 = arith.constant 0 : i32
      %dma_start3A_21 = tpu.memref_slice %arg2[%mul3A_0, %dma_start3A_20] : memref<10240x64xf32, #tpu.memory_space<hbm>> -> memref<640x64xf32, #tpu.memory_space<hbm>>
      tpu.enqueue_dma source(%dma_start3A_21 : memref<640x64xf32, #tpu.memory_space<hbm>>) target(%dma_start3A_19 : memref<640x64xf32, #tpu.memory_space<vmem_shared>>) target_semaphore(%run_scoped3A : memref<!tpu.dma_semaphore, #tpu.memory_space<semaphore_mem>>)
      %dma_wait3A = arith.constant 0 : i32
      %dma_wait3A_22 = tpu.memref_slice %arg11[%mul3A_2, %dma_wait3A] : memref<10240x64xf32, #tpu.memory_space<vmem_shared>> -> memref<640x64xf32, #tpu.memory_space<vmem_shared>>
      %dma_wait3A_23 = arith.constant 0 : i32
      %dma_wait3A_24 = tpu.memref_slice %arg2[%mul3A_0, %dma_wait3A_23] : memref<10240x64xf32, #tpu.memory_space<hbm>> -> memref<640x64xf32, #tpu.memory_space<hbm>>
      tpu.wait_dma2 semaphore(%run_scoped3A : memref<!tpu.dma_semaphore, #tpu.memory_space<semaphore_mem>>) src(%dma_wait3A_24 : memref<640x64xf32, #tpu.memory_space<hbm>>) dst(%dma_wait3A_22 : memref<640x64xf32, #tpu.memory_space<vmem_shared>>)
      tpu.yield
    }) : () -> ()
    %mul3A_3 = arith.constant 640 : i32
    %mul3A_4 = arith.muli %arg1, %mul3A_3 : i32
    %mul3A_5 = arith.constant 640 : i32
    %mul3A_6 = arith.muli %arg1, %mul3A_5 : i32
    "tpu.region"() ({
      %run_scoped3A = tpu.sem_alloc : memref<!tpu.dma_semaphore, #tpu.memory_space<semaphore_mem>>
      %dma_start3A = arith.constant 0 : i32
      %dma_start3A_19 = tpu.memref_slice %arg12[%mul3A_6, %dma_start3A] : memref<10240x64xf32, #tpu.memory_space<vmem_shared>> -> memref<640x64xf32, #tpu.memory_space<vmem_shared>>
      %dma_start3A_20 = arith.constant 0 : i32
      %dma_start3A_21 = tpu.memref_slice %arg5[%mul3A_4, %dma_start3A_20] : memref<10240x64xf32, #tpu.memory_space<hbm>> -> memref<640x64xf32, #tpu.memory_space<hbm>>
      tpu.enqueue_dma source(%dma_start3A_21 : memref<640x64xf32, #tpu.memory_space<hbm>>) target(%dma_start3A_19 : memref<640x64xf32, #tpu.memory_space<vmem_shared>>) target_semaphore(%run_scoped3A : memref<!tpu.dma_semaphore, #tpu.memory_space<semaphore_mem>>)
      %dma_wait3A = arith.constant 0 : i32
      %dma_wait3A_22 = tpu.memref_slice %arg12[%mul3A_6, %dma_wait3A] : memref<10240x64xf32, #tpu.memory_space<vmem_shared>> -> memref<640x64xf32, #tpu.memory_space<vmem_shared>>
      %dma_wait3A_23 = arith.constant 0 : i32
      %dma_wait3A_24 = tpu.memref_slice %arg5[%mul3A_4, %dma_wait3A_23] : memref<10240x64xf32, #tpu.memory_space<hbm>> -> memref<640x64xf32, #tpu.memory_space<hbm>>
      tpu.wait_dma2 semaphore(%run_scoped3A : memref<!tpu.dma_semaphore, #tpu.memory_space<semaphore_mem>>) src(%dma_wait3A_24 : memref<640x64xf32, #tpu.memory_space<hbm>>) dst(%dma_wait3A_22 : memref<640x64xf32, #tpu.memory_space<vmem_shared>>)
      tpu.yield
    }) : () -> ()
    %barrier3A = arith.constant 0 : index
    tpu.barrier barrier_id(%barrier3A)
    %eq3A = arith.constant 0 : i32
    %eq3A_7 = arith.cmpi eq, %arg0, %eq3A : i32
    %convert_element_type3A = arith.extui %eq3A_7 : i1 to i32
    %cond3A = arith.constant 0 : i32
    %cond3A_8 = arith.cmpi ne, %convert_element_type3A, %cond3A : i32
    scf.if %cond3A_8 {
      "tpu.region"() ({
        %run_scoped3A = tpu.sem_alloc : memref<!tpu.dma_semaphore, #tpu.memory_space<semaphore_mem>>
        %dma_start3A_36 = arith.constant 0 : i32
        %dma_start3A_37 = arith.constant 0 : i32
        %dma_start3A_38 = tpu.memref_slice %arg7[%dma_start3A_36, %dma_start3A_37] : memref<80x128xi32, #tpu.memory_space<vmem>> -> memref<80x128xi32, #tpu.memory_space<vmem>>
        %dma_start3A_39 = arith.constant 0 : i32
        %dma_start3A_40 = arith.constant 0 : i32
        %dma_start3A_41 = tpu.memref_slice %arg3[%arg1, %dma_start3A_39, %dma_start3A_40] : memref<16x160x128xi32, #tpu.memory_space<hbm>> -> memref<1x160x128xi32, #tpu.memory_space<hbm>>
        %dma_start3A_42 = tpu.memref_squeeze %dma_start3A_41 : memref<1x160x128xi32, #tpu.memory_space<hbm>> -> memref<160x128xi32, #tpu.memory_space<hbm>>
        %dma_start3A_43 = arith.constant 0 : i32
        %dma_start3A_44 = arith.constant 0 : i32
        %dma_start3A_45 = tpu.memref_slice %dma_start3A_42[%dma_start3A_43, %dma_start3A_44] : memref<160x128xi32, #tpu.memory_space<hbm>> -> memref<80x128xi32, #tpu.memory_space<hbm>>
        %dma_start3A_46 = arith.constant 0 : i32
        %dma_start3A_47 = arith.constant 0 : i32
        %dma_start3A_48 = tpu.memref_slice %arg7[%dma_start3A_46, %dma_start3A_47] : memref<80x128xi32, #tpu.memory_space<vmem>> -> memref<80x128xi32, #tpu.memory_space<vmem>>
        %dma_start3A_49 = arith.constant 0 : i32
        %dma_start3A_50 = arith.constant 0 : i32
        %dma_start3A_51 = tpu.memref_slice %arg3[%arg1, %dma_start3A_49, %dma_start3A_50] : memref<16x160x128xi32, #tpu.memory_space<hbm>> -> memref<1x160x128xi32, #tpu.memory_space<hbm>>
        %dma_start3A_52 = tpu.memref_squeeze %dma_start3A_51 : memref<1x160x128xi32, #tpu.memory_space<hbm>> -> memref<160x128xi32, #tpu.memory_space<hbm>>
        %dma_start3A_53 = arith.constant 0 : i32
        %dma_start3A_54 = arith.constant 0 : i32
        %dma_start3A_55 = tpu.memref_slice %dma_start3A_52[%dma_start3A_53, %dma_start3A_54] : memref<160x128xi32, #tpu.memory_space<hbm>> -> memref<80x128xi32, #tpu.memory_space<hbm>>
        tpu.enqueue_dma source(%dma_start3A_55 : memref<80x128xi32, #tpu.memory_space<hbm>>) target(%dma_start3A_48 : memref<80x128xi32, #tpu.memory_space<vmem>>) target_semaphore(%run_scoped3A : memref<!tpu.dma_semaphore, #tpu.memory_space<semaphore_mem>>)
        %dma_wait3A_56 = arith.constant 0 : i32
        %dma_wait3A_57 = arith.constant 0 : i32
        %dma_wait3A_58 = tpu.memref_slice %arg7[%dma_wait3A_56, %dma_wait3A_57] : memref<80x128xi32, #tpu.memory_space<vmem>> -> memref<80x128xi32, #tpu.memory_space<vmem>>
        %dma_wait3A_59 = arith.constant 0 : i32
        %dma_wait3A_60 = arith.constant 0 : i32
        %dma_wait3A_61 = tpu.memref_slice %arg3[%arg1, %dma_wait3A_59, %dma_wait3A_60] : memref<16x160x128xi32, #tpu.memory_space<hbm>> -> memref<1x160x128xi32, #tpu.memory_space<hbm>>
        %dma_wait3A_62 = tpu.memref_squeeze %dma_wait3A_61 : memref<1x160x128xi32, #tpu.memory_space<hbm>> -> memref<160x128xi32, #tpu.memory_space<hbm>>
        %dma_wait3A_63 = arith.constant 0 : i32
        %dma_wait3A_64 = arith.constant 0 : i32
        %dma_wait3A_65 = tpu.memref_slice %dma_wait3A_62[%dma_wait3A_63, %dma_wait3A_64] : memref<160x128xi32, #tpu.memory_space<hbm>> -> memref<80x128xi32, #tpu.memory_space<hbm>>
        %dma_wait3A_66 = arith.constant 0 : i32
        %dma_wait3A_67 = arith.constant 0 : i32
        %dma_wait3A_68 = tpu.memref_slice %arg7[%dma_wait3A_66, %dma_wait3A_67] : memref<80x128xi32, #tpu.memory_space<vmem>> -> memref<80x128xi32, #tpu.memory_space<vmem>>
        %dma_wait3A_69 = arith.constant 0 : i32
        %dma_wait3A_70 = arith.constant 0 : i32
        %dma_wait3A_71 = tpu.memref_slice %arg3[%arg1, %dma_wait3A_69, %dma_wait3A_70] : memref<16x160x128xi32, #tpu.memory_space<hbm>> -> memref<1x160x128xi32, #tpu.memory_space<hbm>>
        %dma_wait3A_72 = tpu.memref_squeeze %dma_wait3A_71 : memref<1x160x128xi32, #tpu.memory_space<hbm>> -> memref<160x128xi32, #tpu.memory_space<hbm>>
        %dma_wait3A_73 = arith.constant 0 : i32
        %dma_wait3A_74 = arith.constant 0 : i32
        %dma_wait3A_75 = tpu.memref_slice %dma_wait3A_72[%dma_wait3A_73, %dma_wait3A_74] : memref<160x128xi32, #tpu.memory_space<hbm>> -> memref<80x128xi32, #tpu.memory_space<hbm>>
        tpu.wait_dma2 semaphore(%run_scoped3A : memref<!tpu.dma_semaphore, #tpu.memory_space<semaphore_mem>>) src(%dma_wait3A_75 : memref<80x128xi32, #tpu.memory_space<hbm>>) dst(%dma_wait3A_68 : memref<80x128xi32, #tpu.memory_space<vmem>>)
        tpu.yield
      }) : () -> ()
      "tpu.region"() ({
        %run_scoped3A = tpu.sem_alloc : memref<!tpu.dma_semaphore, #tpu.memory_space<semaphore_mem>>
        %dma_start3A_36 = arith.constant 0 : i32
        %dma_start3A_37 = arith.constant 0 : i32
        %dma_start3A_38 = tpu.memref_slice %arg8[%dma_start3A_36, %dma_start3A_37] : memref<80x128xi32, #tpu.memory_space<vmem>> -> memref<80x128xi32, #tpu.memory_space<vmem>>
        %dma_start3A_39 = arith.constant 0 : i32
        %dma_start3A_40 = arith.constant 0 : i32
        %dma_start3A_41 = tpu.memref_slice %arg4[%arg1, %dma_start3A_39, %dma_start3A_40] : memref<16x160x128xi32, #tpu.memory_space<hbm>> -> memref<1x160x128xi32, #tpu.memory_space<hbm>>
        %dma_start3A_42 = tpu.memref_squeeze %dma_start3A_41 : memref<1x160x128xi32, #tpu.memory_space<hbm>> -> memref<160x128xi32, #tpu.memory_space<hbm>>
        %dma_start3A_43 = arith.constant 0 : i32
        %dma_start3A_44 = arith.constant 0 : i32
        %dma_start3A_45 = tpu.memref_slice %dma_start3A_42[%dma_start3A_43, %dma_start3A_44] : memref<160x128xi32, #tpu.memory_space<hbm>> -> memref<80x128xi32, #tpu.memory_space<hbm>>
        %dma_start3A_46 = arith.constant 0 : i32
        %dma_start3A_47 = arith.constant 0 : i32
        %dma_start3A_48 = tpu.memref_slice %arg8[%dma_start3A_46, %dma_start3A_47] : memref<80x128xi32, #tpu.memory_space<vmem>> -> memref<80x128xi32, #tpu.memory_space<vmem>>
        %dma_start3A_49 = arith.constant 0 : i32
        %dma_start3A_50 = arith.constant 0 : i32
        %dma_start3A_51 = tpu.memref_slice %arg4[%arg1, %dma_start3A_49, %dma_start3A_50] : memref<16x160x128xi32, #tpu.memory_space<hbm>> -> memref<1x160x128xi32, #tpu.memory_space<hbm>>
        %dma_start3A_52 = tpu.memref_squeeze %dma_start3A_51 : memref<1x160x128xi32, #tpu.memory_space<hbm>> -> memref<160x128xi32, #tpu.memory_space<hbm>>
        %dma_start3A_53 = arith.constant 0 : i32
        %dma_start3A_54 = arith.constant 0 : i32
        %dma_start3A_55 = tpu.memref_slice %dma_start3A_52[%dma_start3A_53, %dma_start3A_54] : memref<160x128xi32, #tpu.memory_space<hbm>> -> memref<80x128xi32, #tpu.memory_space<hbm>>
        tpu.enqueue_dma source(%dma_start3A_55 : memref<80x128xi32, #tpu.memory_space<hbm>>) target(%dma_start3A_48 : memref<80x128xi32, #tpu.memory_space<vmem>>) target_semaphore(%run_scoped3A : memref<!tpu.dma_semaphore, #tpu.memory_space<semaphore_mem>>)
        %dma_wait3A_56 = arith.constant 0 : i32
        %dma_wait3A_57 = arith.constant 0 : i32
        %dma_wait3A_58 = tpu.memref_slice %arg8[%dma_wait3A_56, %dma_wait3A_57] : memref<80x128xi32, #tpu.memory_space<vmem>> -> memref<80x128xi32, #tpu.memory_space<vmem>>
        %dma_wait3A_59 = arith.constant 0 : i32
        %dma_wait3A_60 = arith.constant 0 : i32
        %dma_wait3A_61 = tpu.memref_slice %arg4[%arg1, %dma_wait3A_59, %dma_wait3A_60] : memref<16x160x128xi32, #tpu.memory_space<hbm>> -> memref<1x160x128xi32, #tpu.memory_space<hbm>>
        %dma_wait3A_62 = tpu.memref_squeeze %dma_wait3A_61 : memref<1x160x128xi32, #tpu.memory_space<hbm>> -> memref<160x128xi32, #tpu.memory_space<hbm>>
        %dma_wait3A_63 = arith.constant 0 : i32
        %dma_wait3A_64 = arith.constant 0 : i32
        %dma_wait3A_65 = tpu.memref_slice %dma_wait3A_62[%dma_wait3A_63, %dma_wait3A_64] : memref<160x128xi32, #tpu.memory_space<hbm>> -> memref<80x128xi32, #tpu.memory_space<hbm>>
        %dma_wait3A_66 = arith.constant 0 : i32
        %dma_wait3A_67 = arith.constant 0 : i32
        %dma_wait3A_68 = tpu.memref_slice %arg8[%dma_wait3A_66, %dma_wait3A_67] : memref<80x128xi32, #tpu.memory_space<vmem>> -> memref<80x128xi32, #tpu.memory_space<vmem>>
        %dma_wait3A_69 = arith.constant 0 : i32
        %dma_wait3A_70 = arith.constant 0 : i32
        %dma_wait3A_71 = tpu.memref_slice %arg4[%arg1, %dma_wait3A_69, %dma_wait3A_70] : memref<16x160x128xi32, #tpu.memory_space<hbm>> -> memref<1x160x128xi32, #tpu.memory_space<hbm>>
        %dma_wait3A_72 = tpu.memref_squeeze %dma_wait3A_71 : memref<1x160x128xi32, #tpu.memory_space<hbm>> -> memref<160x128xi32, #tpu.memory_space<hbm>>
        %dma_wait3A_73 = arith.constant 0 : i32
        %dma_wait3A_74 = arith.constant 0 : i32
        %dma_wait3A_75 = tpu.memref_slice %dma_wait3A_72[%dma_wait3A_73, %dma_wait3A_74] : memref<160x128xi32, #tpu.memory_space<hbm>> -> memref<80x128xi32, #tpu.memory_space<hbm>>
        tpu.wait_dma2 semaphore(%run_scoped3A : memref<!tpu.dma_semaphore, #tpu.memory_space<semaphore_mem>>) src(%dma_wait3A_75 : memref<80x128xi32, #tpu.memory_space<hbm>>) dst(%dma_wait3A_68 : memref<80x128xi32, #tpu.memory_space<vmem>>)
        tpu.yield
      }) : () -> ()
      %dma_start3A = arith.constant 0 : i32
      %dma_start3A_19 = arith.constant 0 : i32
      %dma_start3A_20 = tpu.memref_slice %arg7[%dma_start3A, %dma_start3A_19] : memref<80x128xi32, #tpu.memory_space<vmem>> -> memref<1x128xi32, #tpu.memory_space<vmem>>
      %dma_start3A_21 = tpu.memref_squeeze %dma_start3A_20 : memref<1x128xi32, #tpu.memory_space<vmem>> -> memref<128xi32, #tpu.memory_space<vmem>>
      %dma_start3A_22 = arith.constant 0 : i32
      %dma_start3A_23 = arith.constant 0 : i32
      %dma_start3A_24 = tpu.memref_slice %arg11[%dma_start3A_22, %dma_start3A_23] : memref<10240x64xf32, #tpu.memory_space<vmem_shared>> -> memref<10240x64xf32, #tpu.memory_space<vmem_shared>>
      tpu.enqueue_indirect_dma source(%dma_start3A_24 : memref<10240x64xf32, #tpu.memory_space<vmem_shared>>) target(%arg9 : memref<128x64xf32, #tpu.memory_space<vmem>>) offsets(%dma_start3A_21 : memref<128xi32, #tpu.memory_space<vmem>>) semaphore(%arg13 : memref<!tpu.dma_semaphore, #tpu.memory_space<semaphore_mem>>)
      %scan3A = arith.constant 0 : i32
      %scan3A_25 = arith.constant 0 : i32
      %scan3A_26 = arith.constant 40 : i32
      %scan3A_27 = arith.addi %scan3A_25, %scan3A_26 : i32
      %scan3A_28 = arith.constant 1 : i32
      scf.for %scan3A_36 = %scan3A_25 to %scan3A_27 step %scan3A_28  : i32 {
        %mul3A_37 = arith.constant 2 : i32
        %mul3A_38 = arith.muli %scan3A_36, %mul3A_37 : i32
        %add3A = arith.constant 0 : i32
        %add3A_39 = arith.addi %mul3A_38, %add3A : i32
        %dma_wait3A_40 = arith.constant 0 : i32
        %dma_wait3A_41 = tpu.memref_slice %arg7[%add3A_39, %dma_wait3A_40] : memref<80x128xi32, #tpu.memory_space<vmem>> -> memref<1x128xi32, #tpu.memory_space<vmem>>
        %dma_wait3A_42 = tpu.memref_squeeze %dma_wait3A_41 : memref<1x128xi32, #tpu.memory_space<vmem>> -> memref<128xi32, #tpu.memory_space<vmem>>
        %dma_wait3A_43 = arith.constant 0 : i32
        %dma_wait3A_44 = arith.constant 0 : i32
        %dma_wait3A_45 = tpu.memref_slice %arg11[%dma_wait3A_43, %dma_wait3A_44] : memref<10240x64xf32, #tpu.memory_space<vmem_shared>> -> memref<10240x64xf32, #tpu.memory_space<vmem_shared>>
        tpu.wait_indirect_dma semaphore(%arg13 : memref<!tpu.dma_semaphore, #tpu.memory_space<semaphore_mem>>) src(%dma_wait3A_45 : memref<10240x64xf32, #tpu.memory_space<vmem_shared>>) dst(%arg9 : memref<128x64xf32, #tpu.memory_space<vmem>>)
        %dma_start3A_46 = arith.constant 0 : i32
        %dma_start3A_47 = tpu.memref_slice %arg8[%add3A_39, %dma_start3A_46] : memref<80x128xi32, #tpu.memory_space<vmem>> -> memref<1x128xi32, #tpu.memory_space<vmem>>
        %dma_start3A_48 = tpu.memref_squeeze %dma_start3A_47 : memref<1x128xi32, #tpu.memory_space<vmem>> -> memref<128xi32, #tpu.memory_space<vmem>>
        %dma_start3A_49 = arith.constant 0 : i32
        %dma_start3A_50 = arith.constant 0 : i32
        %dma_start3A_51 = tpu.memref_slice %arg12[%dma_start3A_49, %dma_start3A_50] : memref<10240x64xf32, #tpu.memory_space<vmem_shared>> -> memref<10240x64xf32, #tpu.memory_space<vmem_shared>>
        tpu.enqueue_indirect_dma source(%arg9 : memref<128x64xf32, #tpu.memory_space<vmem>>) target(%dma_start3A_51 : memref<10240x64xf32, #tpu.memory_space<vmem_shared>>) offsets(%dma_start3A_48 : memref<128xi32, #tpu.memory_space<vmem>>) semaphore(%arg15 : memref<!tpu.dma_semaphore, #tpu.memory_space<semaphore_mem>>) {add = true}
        %ge3A = arith.constant 1 : i32
        %ge3A_52 = arith.cmpi sge, %add3A_39, %ge3A : i32
        %convert_element_type3A_53 = arith.extui %ge3A_52 : i1 to i32
        %cond3A_54 = arith.constant 0 : i32
        %cond3A_55 = arith.cmpi ne, %convert_element_type3A_53, %cond3A_54 : i32
        scf.if %cond3A_55 {
          %sub3A = arith.constant 1 : i32
          %sub3A_90 = arith.subi %add3A_39, %sub3A : i32
          %dma_wait3A_91 = arith.constant 0 : i32
          %dma_wait3A_92 = tpu.memref_slice %arg8[%sub3A_90, %dma_wait3A_91] : memref<80x128xi32, #tpu.memory_space<vmem>> -> memref<1x128xi32, #tpu.memory_space<vmem>>
          %dma_wait3A_93 = tpu.memref_squeeze %dma_wait3A_92 : memref<1x128xi32, #tpu.memory_space<vmem>> -> memref<128xi32, #tpu.memory_space<vmem>>
          %dma_wait3A_94 = arith.constant 0 : i32
          %dma_wait3A_95 = arith.constant 0 : i32
          %dma_wait3A_96 = tpu.memref_slice %arg12[%dma_wait3A_94, %dma_wait3A_95] : memref<10240x64xf32, #tpu.memory_space<vmem_shared>> -> memref<10240x64xf32, #tpu.memory_space<vmem_shared>>
          tpu.wait_indirect_dma semaphore(%arg16 : memref<!tpu.dma_semaphore, #tpu.memory_space<semaphore_mem>>) src(%arg10 : memref<128x64xf32, #tpu.memory_space<vmem>>) dst(%dma_wait3A_96 : memref<10240x64xf32, #tpu.memory_space<vmem_shared>>)
        } else {
        }
        %add3A_56 = arith.constant 1 : i32
        %add3A_57 = arith.addi %add3A_39, %add3A_56 : i32
        %lt3A = arith.constant 80 : i32
        %lt3A_58 = arith.cmpi slt, %add3A_57, %lt3A : i32
        %convert_element_type3A_59 = arith.extui %lt3A_58 : i1 to i32
        %cond3A_60 = arith.constant 0 : i32
        %cond3A_61 = arith.cmpi ne, %convert_element_type3A_59, %cond3A_60 : i32
        scf.if %cond3A_61 {
          %add3A_90 = arith.constant 1 : i32
          %add3A_91 = arith.addi %add3A_39, %add3A_90 : i32
          %dma_start3A_92 = arith.constant 0 : i32
          %dma_start3A_93 = tpu.memref_slice %arg7[%add3A_91, %dma_start3A_92] : memref<80x128xi32, #tpu.memory_space<vmem>> -> memref<1x128xi32, #tpu.memory_space<vmem>>
          %dma_start3A_94 = tpu.memref_squeeze %dma_start3A_93 : memref<1x128xi32, #tpu.memory_space<vmem>> -> memref<128xi32, #tpu.memory_space<vmem>>
          %dma_start3A_95 = arith.constant 0 : i32
          %dma_start3A_96 = arith.constant 0 : i32
          %dma_start3A_97 = tpu.memref_slice %arg11[%dma_start3A_95, %dma_start3A_96] : memref<10240x64xf32, #tpu.memory_space<vmem_shared>> -> memref<10240x64xf32, #tpu.memory_space<vmem_shared>>
          tpu.enqueue_indirect_dma source(%dma_start3A_97 : memref<10240x64xf32, #tpu.memory_space<vmem_shared>>) target(%arg10 : memref<128x64xf32, #tpu.memory_space<vmem>>) offsets(%dma_start3A_94 : memref<128xi32, #tpu.memory_space<vmem>>) semaphore(%arg14 : memref<!tpu.dma_semaphore, #tpu.memory_space<semaphore_mem>>)
        } else {
        }
        %mul3A_62 = arith.constant 2 : i32
        %mul3A_63 = arith.muli %scan3A_36, %mul3A_62 : i32
        %add3A_64 = arith.constant 1 : i32
        %add3A_65 = arith.addi %mul3A_63, %add3A_64 : i32
        %dma_wait3A_66 = arith.constant 0 : i32
        %dma_wait3A_67 = tpu.memref_slice %arg7[%add3A_65, %dma_wait3A_66] : memref<80x128xi32, #tpu.memory_space<vmem>> -> memref<1x128xi32, #tpu.memory_space<vmem>>
        %dma_wait3A_68 = tpu.memref_squeeze %dma_wait3A_67 : memref<1x128xi32, #tpu.memory_space<vmem>> -> memref<128xi32, #tpu.memory_space<vmem>>
        %dma_wait3A_69 = arith.constant 0 : i32
        %dma_wait3A_70 = arith.constant 0 : i32
        %dma_wait3A_71 = tpu.memref_slice %arg11[%dma_wait3A_69, %dma_wait3A_70] : memref<10240x64xf32, #tpu.memory_space<vmem_shared>> -> memref<10240x64xf32, #tpu.memory_space<vmem_shared>>
        tpu.wait_indirect_dma semaphore(%arg14 : memref<!tpu.dma_semaphore, #tpu.memory_space<semaphore_mem>>) src(%dma_wait3A_71 : memref<10240x64xf32, #tpu.memory_space<vmem_shared>>) dst(%arg10 : memref<128x64xf32, #tpu.memory_space<vmem>>)
        %dma_start3A_72 = arith.constant 0 : i32
        %dma_start3A_73 = tpu.memref_slice %arg8[%add3A_65, %dma_start3A_72] : memref<80x128xi32, #tpu.memory_space<vmem>> -> memref<1x128xi32, #tpu.memory_space<vmem>>
        %dma_start3A_74 = tpu.memref_squeeze %dma_start3A_73 : memref<1x128xi32, #tpu.memory_space<vmem>> -> memref<128xi32, #tpu.memory_space<vmem>>
        %dma_start3A_75 = arith.constant 0 : i32
        %dma_start3A_76 = arith.constant 0 : i32
        %dma_start3A_77 = tpu.memref_slice %arg12[%dma_start3A_75, %dma_start3A_76] : memref<10240x64xf32, #tpu.memory_space<vmem_shared>> -> memref<10240x64xf32, #tpu.memory_space<vmem_shared>>
        tpu.enqueue_indirect_dma source(%arg10 : memref<128x64xf32, #tpu.memory_space<vmem>>) target(%dma_start3A_77 : memref<10240x64xf32, #tpu.memory_space<vmem_shared>>) offsets(%dma_start3A_74 : memref<128xi32, #tpu.memory_space<vmem>>) semaphore(%arg16 : memref<!tpu.dma_semaphore, #tpu.memory_space<semaphore_mem>>) {add = true}
        %ge3A_78 = arith.constant 1 : i32
        %ge3A_79 = arith.cmpi sge, %add3A_65, %ge3A_78 : i32
        %convert_element_type3A_80 = arith.extui %ge3A_79 : i1 to i32
        %cond3A_81 = arith.constant 0 : i32
        %cond3A_82 = arith.cmpi ne, %convert_element_type3A_80, %cond3A_81 : i32
        scf.if %cond3A_82 {
          %sub3A = arith.constant 1 : i32
          %sub3A_90 = arith.subi %add3A_65, %sub3A : i32
          %dma_wait3A_91 = arith.constant 0 : i32
          %dma_wait3A_92 = tpu.memref_slice %arg8[%sub3A_90, %dma_wait3A_91] : memref<80x128xi32, #tpu.memory_space<vmem>> -> memref<1x128xi32, #tpu.memory_space<vmem>>
          %dma_wait3A_93 = tpu.memref_squeeze %dma_wait3A_92 : memref<1x128xi32, #tpu.memory_space<vmem>> -> memref<128xi32, #tpu.memory_space<vmem>>
          %dma_wait3A_94 = arith.constant 0 : i32
          %dma_wait3A_95 = arith.constant 0 : i32
          %dma_wait3A_96 = tpu.memref_slice %arg12[%dma_wait3A_94, %dma_wait3A_95] : memref<10240x64xf32, #tpu.memory_space<vmem_shared>> -> memref<10240x64xf32, #tpu.memory_space<vmem_shared>>
          tpu.wait_indirect_dma semaphore(%arg15 : memref<!tpu.dma_semaphore, #tpu.memory_space<semaphore_mem>>) src(%arg9 : memref<128x64xf32, #tpu.memory_space<vmem>>) dst(%dma_wait3A_96 : memref<10240x64xf32, #tpu.memory_space<vmem_shared>>)
        } else {
        }
        %add3A_83 = arith.constant 1 : i32
        %add3A_84 = arith.addi %add3A_65, %add3A_83 : i32
        %lt3A_85 = arith.constant 80 : i32
        %lt3A_86 = arith.cmpi slt, %add3A_84, %lt3A_85 : i32
        %convert_element_type3A_87 = arith.extui %lt3A_86 : i1 to i32
        %cond3A_88 = arith.constant 0 : i32
        %cond3A_89 = arith.cmpi ne, %convert_element_type3A_87, %cond3A_88 : i32
        scf.if %cond3A_89 {
          %add3A_90 = arith.constant 1 : i32
          %add3A_91 = arith.addi %add3A_65, %add3A_90 : i32
          %dma_start3A_92 = arith.constant 0 : i32
          %dma_start3A_93 = tpu.memref_slice %arg7[%add3A_91, %dma_start3A_92] : memref<80x128xi32, #tpu.memory_space<vmem>> -> memref<1x128xi32, #tpu.memory_space<vmem>>
          %dma_start3A_94 = tpu.memref_squeeze %dma_start3A_93 : memref<1x128xi32, #tpu.memory_space<vmem>> -> memref<128xi32, #tpu.memory_space<vmem>>
          %dma_start3A_95 = arith.constant 0 : i32
          %dma_start3A_96 = arith.constant 0 : i32
          %dma_start3A_97 = tpu.memref_slice %arg11[%dma_start3A_95, %dma_start3A_96] : memref<10240x64xf32, #tpu.memory_space<vmem_shared>> -> memref<10240x64xf32, #tpu.memory_space<vmem_shared>>
          tpu.enqueue_indirect_dma source(%dma_start3A_97 : memref<10240x64xf32, #tpu.memory_space<vmem_shared>>) target(%arg9 : memref<128x64xf32, #tpu.memory_space<vmem>>) offsets(%dma_start3A_94 : memref<128xi32, #tpu.memory_space<vmem>>) semaphore(%arg13 : memref<!tpu.dma_semaphore, #tpu.memory_space<semaphore_mem>>)
        } else {
        }
      }
      %scan3A_29 = arith.constant 40 : i32
      %dma_wait3A = arith.constant 79 : i32
      %dma_wait3A_30 = arith.constant 0 : i32
      %dma_wait3A_31 = tpu.memref_slice %arg8[%dma_wait3A, %dma_wait3A_30] : memref<80x128xi32, #tpu.memory_space<vmem>> -> memref<1x128xi32, #tpu.memory_space<vmem>>
      %dma_wait3A_32 = tpu.memref_squeeze %dma_wait3A_31 : memref<1x128xi32, #tpu.memory_space<vmem>> -> memref<128xi32, #tpu.memory_space<vmem>>
      %dma_wait3A_33 = arith.constant 0 : i32
      %dma_wait3A_34 = arith.constant 0 : i32
      %dma_wait3A_35 = tpu.memref_slice %arg12[%dma_wait3A_33, %dma_wait3A_34] : memref<10240x64xf32, #tpu.memory_space<vmem_shared>> -> memref<10240x64xf32, #tpu.memory_space<vmem_shared>>
      tpu.wait_indirect_dma semaphore(%arg16 : memref<!tpu.dma_semaphore, #tpu.memory_space<semaphore_mem>>) src(%arg10 : memref<128x64xf32, #tpu.memory_space<vmem>>) dst(%dma_wait3A_35 : memref<10240x64xf32, #tpu.memory_space<vmem_shared>>)
    } else {
    }
    %eq3A_9 = arith.constant 1 : i32
    %eq3A_10 = arith.cmpi eq, %arg0, %eq3A_9 : i32
    %convert_element_type3A_11 = arith.extui %eq3A_10 : i1 to i32
    %cond3A_12 = arith.constant 0 : i32
    %cond3A_13 = arith.cmpi ne, %convert_element_type3A_11, %cond3A_12 : i32
    scf.if %cond3A_13 {
      "tpu.region"() ({
        %run_scoped3A = tpu.sem_alloc : memref<!tpu.dma_semaphore, #tpu.memory_space<semaphore_mem>>
        %dma_start3A_36 = arith.constant 0 : i32
        %dma_start3A_37 = arith.constant 0 : i32
        %dma_start3A_38 = tpu.memref_slice %arg7[%dma_start3A_36, %dma_start3A_37] : memref<80x128xi32, #tpu.memory_space<vmem>> -> memref<80x128xi32, #tpu.memory_space<vmem>>
        %dma_start3A_39 = arith.constant 0 : i32
        %dma_start3A_40 = arith.constant 0 : i32
        %dma_start3A_41 = tpu.memref_slice %arg3[%arg1, %dma_start3A_39, %dma_start3A_40] : memref<16x160x128xi32, #tpu.memory_space<hbm>> -> memref<1x160x128xi32, #tpu.memory_space<hbm>>
        %dma_start3A_42 = tpu.memref_squeeze %dma_start3A_41 : memref<1x160x128xi32, #tpu.memory_space<hbm>> -> memref<160x128xi32, #tpu.memory_space<hbm>>
        %dma_start3A_43 = arith.constant 80 : i32
        %dma_start3A_44 = arith.constant 0 : i32
        %dma_start3A_45 = tpu.memref_slice %dma_start3A_42[%dma_start3A_43, %dma_start3A_44] : memref<160x128xi32, #tpu.memory_space<hbm>> -> memref<80x128xi32, #tpu.memory_space<hbm>>
        %dma_start3A_46 = arith.constant 0 : i32
        %dma_start3A_47 = arith.constant 0 : i32
        %dma_start3A_48 = tpu.memref_slice %arg7[%dma_start3A_46, %dma_start3A_47] : memref<80x128xi32, #tpu.memory_space<vmem>> -> memref<80x128xi32, #tpu.memory_space<vmem>>
        %dma_start3A_49 = arith.constant 0 : i32
        %dma_start3A_50 = arith.constant 0 : i32
        %dma_start3A_51 = tpu.memref_slice %arg3[%arg1, %dma_start3A_49, %dma_start3A_50] : memref<16x160x128xi32, #tpu.memory_space<hbm>> -> memref<1x160x128xi32, #tpu.memory_space<hbm>>
        %dma_start3A_52 = tpu.memref_squeeze %dma_start3A_51 : memref<1x160x128xi32, #tpu.memory_space<hbm>> -> memref<160x128xi32, #tpu.memory_space<hbm>>
        %dma_start3A_53 = arith.constant 80 : i32
        %dma_start3A_54 = arith.constant 0 : i32
        %dma_start3A_55 = tpu.memref_slice %dma_start3A_52[%dma_start3A_53, %dma_start3A_54] : memref<160x128xi32, #tpu.memory_space<hbm>> -> memref<80x128xi32, #tpu.memory_space<hbm>>
        tpu.enqueue_dma source(%dma_start3A_55 : memref<80x128xi32, #tpu.memory_space<hbm>>) target(%dma_start3A_48 : memref<80x128xi32, #tpu.memory_space<vmem>>) target_semaphore(%run_scoped3A : memref<!tpu.dma_semaphore, #tpu.memory_space<semaphore_mem>>)
        %dma_wait3A_56 = arith.constant 0 : i32
        %dma_wait3A_57 = arith.constant 0 : i32
        %dma_wait3A_58 = tpu.memref_slice %arg7[%dma_wait3A_56, %dma_wait3A_57] : memref<80x128xi32, #tpu.memory_space<vmem>> -> memref<80x128xi32, #tpu.memory_space<vmem>>
        %dma_wait3A_59 = arith.constant 0 : i32
        %dma_wait3A_60 = arith.constant 0 : i32
        %dma_wait3A_61 = tpu.memref_slice %arg3[%arg1, %dma_wait3A_59, %dma_wait3A_60] : memref<16x160x128xi32, #tpu.memory_space<hbm>> -> memref<1x160x128xi32, #tpu.memory_space<hbm>>
        %dma_wait3A_62 = tpu.memref_squeeze %dma_wait3A_61 : memref<1x160x128xi32, #tpu.memory_space<hbm>> -> memref<160x128xi32, #tpu.memory_space<hbm>>
        %dma_wait3A_63 = arith.constant 80 : i32
        %dma_wait3A_64 = arith.constant 0 : i32
        %dma_wait3A_65 = tpu.memref_slice %dma_wait3A_62[%dma_wait3A_63, %dma_wait3A_64] : memref<160x128xi32, #tpu.memory_space<hbm>> -> memref<80x128xi32, #tpu.memory_space<hbm>>
        %dma_wait3A_66 = arith.constant 0 : i32
        %dma_wait3A_67 = arith.constant 0 : i32
        %dma_wait3A_68 = tpu.memref_slice %arg7[%dma_wait3A_66, %dma_wait3A_67] : memref<80x128xi32, #tpu.memory_space<vmem>> -> memref<80x128xi32, #tpu.memory_space<vmem>>
        %dma_wait3A_69 = arith.constant 0 : i32
        %dma_wait3A_70 = arith.constant 0 : i32
        %dma_wait3A_71 = tpu.memref_slice %arg3[%arg1, %dma_wait3A_69, %dma_wait3A_70] : memref<16x160x128xi32, #tpu.memory_space<hbm>> -> memref<1x160x128xi32, #tpu.memory_space<hbm>>
        %dma_wait3A_72 = tpu.memref_squeeze %dma_wait3A_71 : memref<1x160x128xi32, #tpu.memory_space<hbm>> -> memref<160x128xi32, #tpu.memory_space<hbm>>
        %dma_wait3A_73 = arith.constant 80 : i32
        %dma_wait3A_74 = arith.constant 0 : i32
        %dma_wait3A_75 = tpu.memref_slice %dma_wait3A_72[%dma_wait3A_73, %dma_wait3A_74] : memref<160x128xi32, #tpu.memory_space<hbm>> -> memref<80x128xi32, #tpu.memory_space<hbm>>
        tpu.wait_dma2 semaphore(%run_scoped3A : memref<!tpu.dma_semaphore, #tpu.memory_space<semaphore_mem>>) src(%dma_wait3A_75 : memref<80x128xi32, #tpu.memory_space<hbm>>) dst(%dma_wait3A_68 : memref<80x128xi32, #tpu.memory_space<vmem>>)
        tpu.yield
      }) : () -> ()
      "tpu.region"() ({
        %run_scoped3A = tpu.sem_alloc : memref<!tpu.dma_semaphore, #tpu.memory_space<semaphore_mem>>
        %dma_start3A_36 = arith.constant 0 : i32
        %dma_start3A_37 = arith.constant 0 : i32
        %dma_start3A_38 = tpu.memref_slice %arg8[%dma_start3A_36, %dma_start3A_37] : memref<80x128xi32, #tpu.memory_space<vmem>> -> memref<80x128xi32, #tpu.memory_space<vmem>>
        %dma_start3A_39 = arith.constant 0 : i32
        %dma_start3A_40 = arith.constant 0 : i32
        %dma_start3A_41 = tpu.memref_slice %arg4[%arg1, %dma_start3A_39, %dma_start3A_40] : memref<16x160x128xi32, #tpu.memory_space<hbm>> -> memref<1x160x128xi32, #tpu.memory_space<hbm>>
        %dma_start3A_42 = tpu.memref_squeeze %dma_start3A_41 : memref<1x160x128xi32, #tpu.memory_space<hbm>> -> memref<160x128xi32, #tpu.memory_space<hbm>>
        %dma_start3A_43 = arith.constant 80 : i32
        %dma_start3A_44 = arith.constant 0 : i32
        %dma_start3A_45 = tpu.memref_slice %dma_start3A_42[%dma_start3A_43, %dma_start3A_44] : memref<160x128xi32, #tpu.memory_space<hbm>> -> memref<80x128xi32, #tpu.memory_space<hbm>>
        %dma_start3A_46 = arith.constant 0 : i32
        %dma_start3A_47 = arith.constant 0 : i32
        %dma_start3A_48 = tpu.memref_slice %arg8[%dma_start3A_46, %dma_start3A_47] : memref<80x128xi32, #tpu.memory_space<vmem>> -> memref<80x128xi32, #tpu.memory_space<vmem>>
        %dma_start3A_49 = arith.constant 0 : i32
        %dma_start3A_50 = arith.constant 0 : i32
        %dma_start3A_51 = tpu.memref_slice %arg4[%arg1, %dma_start3A_49, %dma_start3A_50] : memref<16x160x128xi32, #tpu.memory_space<hbm>> -> memref<1x160x128xi32, #tpu.memory_space<hbm>>
        %dma_start3A_52 = tpu.memref_squeeze %dma_start3A_51 : memref<1x160x128xi32, #tpu.memory_space<hbm>> -> memref<160x128xi32, #tpu.memory_space<hbm>>
        %dma_start3A_53 = arith.constant 80 : i32
        %dma_start3A_54 = arith.constant 0 : i32
        %dma_start3A_55 = tpu.memref_slice %dma_start3A_52[%dma_start3A_53, %dma_start3A_54] : memref<160x128xi32, #tpu.memory_space<hbm>> -> memref<80x128xi32, #tpu.memory_space<hbm>>
        tpu.enqueue_dma source(%dma_start3A_55 : memref<80x128xi32, #tpu.memory_space<hbm>>) target(%dma_start3A_48 : memref<80x128xi32, #tpu.memory_space<vmem>>) target_semaphore(%run_scoped3A : memref<!tpu.dma_semaphore, #tpu.memory_space<semaphore_mem>>)
        %dma_wait3A_56 = arith.constant 0 : i32
        %dma_wait3A_57 = arith.constant 0 : i32
        %dma_wait3A_58 = tpu.memref_slice %arg8[%dma_wait3A_56, %dma_wait3A_57] : memref<80x128xi32, #tpu.memory_space<vmem>> -> memref<80x128xi32, #tpu.memory_space<vmem>>
        %dma_wait3A_59 = arith.constant 0 : i32
        %dma_wait3A_60 = arith.constant 0 : i32
        %dma_wait3A_61 = tpu.memref_slice %arg4[%arg1, %dma_wait3A_59, %dma_wait3A_60] : memref<16x160x128xi32, #tpu.memory_space<hbm>> -> memref<1x160x128xi32, #tpu.memory_space<hbm>>
        %dma_wait3A_62 = tpu.memref_squeeze %dma_wait3A_61 : memref<1x160x128xi32, #tpu.memory_space<hbm>> -> memref<160x128xi32, #tpu.memory_space<hbm>>
        %dma_wait3A_63 = arith.constant 80 : i32
        %dma_wait3A_64 = arith.constant 0 : i32
        %dma_wait3A_65 = tpu.memref_slice %dma_wait3A_62[%dma_wait3A_63, %dma_wait3A_64] : memref<160x128xi32, #tpu.memory_space<hbm>> -> memref<80x128xi32, #tpu.memory_space<hbm>>
        %dma_wait3A_66 = arith.constant 0 : i32
        %dma_wait3A_67 = arith.constant 0 : i32
        %dma_wait3A_68 = tpu.memref_slice %arg8[%dma_wait3A_66, %dma_wait3A_67] : memref<80x128xi32, #tpu.memory_space<vmem>> -> memref<80x128xi32, #tpu.memory_space<vmem>>
        %dma_wait3A_69 = arith.constant 0 : i32
        %dma_wait3A_70 = arith.constant 0 : i32
        %dma_wait3A_71 = tpu.memref_slice %arg4[%arg1, %dma_wait3A_69, %dma_wait3A_70] : memref<16x160x128xi32, #tpu.memory_space<hbm>> -> memref<1x160x128xi32, #tpu.memory_space<hbm>>
        %dma_wait3A_72 = tpu.memref_squeeze %dma_wait3A_71 : memref<1x160x128xi32, #tpu.memory_space<hbm>> -> memref<160x128xi32, #tpu.memory_space<hbm>>
        %dma_wait3A_73 = arith.constant 80 : i32
        %dma_wait3A_74 = arith.constant 0 : i32
        %dma_wait3A_75 = tpu.memref_slice %dma_wait3A_72[%dma_wait3A_73, %dma_wait3A_74] : memref<160x128xi32, #tpu.memory_space<hbm>> -> memref<80x128xi32, #tpu.memory_space<hbm>>
        tpu.wait_dma2 semaphore(%run_scoped3A : memref<!tpu.dma_semaphore, #tpu.memory_space<semaphore_mem>>) src(%dma_wait3A_75 : memref<80x128xi32, #tpu.memory_space<hbm>>) dst(%dma_wait3A_68 : memref<80x128xi32, #tpu.memory_space<vmem>>)
        tpu.yield
      }) : () -> ()
      %dma_start3A = arith.constant 0 : i32
      %dma_start3A_19 = arith.constant 0 : i32
      %dma_start3A_20 = tpu.memref_slice %arg7[%dma_start3A, %dma_start3A_19] : memref<80x128xi32, #tpu.memory_space<vmem>> -> memref<1x128xi32, #tpu.memory_space<vmem>>
      %dma_start3A_21 = tpu.memref_squeeze %dma_start3A_20 : memref<1x128xi32, #tpu.memory_space<vmem>> -> memref<128xi32, #tpu.memory_space<vmem>>
      %dma_start3A_22 = arith.constant 0 : i32
      %dma_start3A_23 = arith.constant 0 : i32
      %dma_start3A_24 = tpu.memref_slice %arg11[%dma_start3A_22, %dma_start3A_23] : memref<10240x64xf32, #tpu.memory_space<vmem_shared>> -> memref<10240x64xf32, #tpu.memory_space<vmem_shared>>
      tpu.enqueue_indirect_dma source(%dma_start3A_24 : memref<10240x64xf32, #tpu.memory_space<vmem_shared>>) target(%arg9 : memref<128x64xf32, #tpu.memory_space<vmem>>) offsets(%dma_start3A_21 : memref<128xi32, #tpu.memory_space<vmem>>) semaphore(%arg13 : memref<!tpu.dma_semaphore, #tpu.memory_space<semaphore_mem>>)
      %scan3A = arith.constant 0 : i32
      %scan3A_25 = arith.constant 0 : i32
      %scan3A_26 = arith.constant 40 : i32
      %scan3A_27 = arith.addi %scan3A_25, %scan3A_26 : i32
      %scan3A_28 = arith.constant 1 : i32
      scf.for %scan3A_36 = %scan3A_25 to %scan3A_27 step %scan3A_28  : i32 {
        %mul3A_37 = arith.constant 2 : i32
        %mul3A_38 = arith.muli %scan3A_36, %mul3A_37 : i32
        %add3A = arith.constant 0 : i32
        %add3A_39 = arith.addi %mul3A_38, %add3A : i32
        %dma_wait3A_40 = arith.constant 0 : i32
        %dma_wait3A_41 = tpu.memref_slice %arg7[%add3A_39, %dma_wait3A_40] : memref<80x128xi32, #tpu.memory_space<vmem>> -> memref<1x128xi32, #tpu.memory_space<vmem>>
        %dma_wait3A_42 = tpu.memref_squeeze %dma_wait3A_41 : memref<1x128xi32, #tpu.memory_space<vmem>> -> memref<128xi32, #tpu.memory_space<vmem>>
        %dma_wait3A_43 = arith.constant 0 : i32
        %dma_wait3A_44 = arith.constant 0 : i32
        %dma_wait3A_45 = tpu.memref_slice %arg11[%dma_wait3A_43, %dma_wait3A_44] : memref<10240x64xf32, #tpu.memory_space<vmem_shared>> -> memref<10240x64xf32, #tpu.memory_space<vmem_shared>>
        tpu.wait_indirect_dma semaphore(%arg13 : memref<!tpu.dma_semaphore, #tpu.memory_space<semaphore_mem>>) src(%dma_wait3A_45 : memref<10240x64xf32, #tpu.memory_space<vmem_shared>>) dst(%arg9 : memref<128x64xf32, #tpu.memory_space<vmem>>)
        %dma_start3A_46 = arith.constant 0 : i32
        %dma_start3A_47 = tpu.memref_slice %arg8[%add3A_39, %dma_start3A_46] : memref<80x128xi32, #tpu.memory_space<vmem>> -> memref<1x128xi32, #tpu.memory_space<vmem>>
        %dma_start3A_48 = tpu.memref_squeeze %dma_start3A_47 : memref<1x128xi32, #tpu.memory_space<vmem>> -> memref<128xi32, #tpu.memory_space<vmem>>
        %dma_start3A_49 = arith.constant 0 : i32
        %dma_start3A_50 = arith.constant 0 : i32
        %dma_start3A_51 = tpu.memref_slice %arg12[%dma_start3A_49, %dma_start3A_50] : memref<10240x64xf32, #tpu.memory_space<vmem_shared>> -> memref<10240x64xf32, #tpu.memory_space<vmem_shared>>
        tpu.enqueue_indirect_dma source(%arg9 : memref<128x64xf32, #tpu.memory_space<vmem>>) target(%dma_start3A_51 : memref<10240x64xf32, #tpu.memory_space<vmem_shared>>) offsets(%dma_start3A_48 : memref<128xi32, #tpu.memory_space<vmem>>) semaphore(%arg15 : memref<!tpu.dma_semaphore, #tpu.memory_space<semaphore_mem>>) {add = true}
        %ge3A = arith.constant 1 : i32
        %ge3A_52 = arith.cmpi sge, %add3A_39, %ge3A : i32
        %convert_element_type3A_53 = arith.extui %ge3A_52 : i1 to i32
        %cond3A_54 = arith.constant 0 : i32
        %cond3A_55 = arith.cmpi ne, %convert_element_type3A_53, %cond3A_54 : i32
        scf.if %cond3A_55 {
          %sub3A = arith.constant 1 : i32
          %sub3A_90 = arith.subi %add3A_39, %sub3A : i32
          %dma_wait3A_91 = arith.constant 0 : i32
          %dma_wait3A_92 = tpu.memref_slice %arg8[%sub3A_90, %dma_wait3A_91] : memref<80x128xi32, #tpu.memory_space<vmem>> -> memref<1x128xi32, #tpu.memory_space<vmem>>
          %dma_wait3A_93 = tpu.memref_squeeze %dma_wait3A_92 : memref<1x128xi32, #tpu.memory_space<vmem>> -> memref<128xi32, #tpu.memory_space<vmem>>
          %dma_wait3A_94 = arith.constant 0 : i32
          %dma_wait3A_95 = arith.constant 0 : i32
          %dma_wait3A_96 = tpu.memref_slice %arg12[%dma_wait3A_94, %dma_wait3A_95] : memref<10240x64xf32, #tpu.memory_space<vmem_shared>> -> memref<10240x64xf32, #tpu.memory_space<vmem_shared>>
          tpu.wait_indirect_dma semaphore(%arg16 : memref<!tpu.dma_semaphore, #tpu.memory_space<semaphore_mem>>) src(%arg10 : memref<128x64xf32, #tpu.memory_space<vmem>>) dst(%dma_wait3A_96 : memref<10240x64xf32, #tpu.memory_space<vmem_shared>>)
        } else {
        }
        %add3A_56 = arith.constant 1 : i32
        %add3A_57 = arith.addi %add3A_39, %add3A_56 : i32
        %lt3A = arith.constant 80 : i32
        %lt3A_58 = arith.cmpi slt, %add3A_57, %lt3A : i32
        %convert_element_type3A_59 = arith.extui %lt3A_58 : i1 to i32
        %cond3A_60 = arith.constant 0 : i32
        %cond3A_61 = arith.cmpi ne, %convert_element_type3A_59, %cond3A_60 : i32
        scf.if %cond3A_61 {
          %add3A_90 = arith.constant 1 : i32
          %add3A_91 = arith.addi %add3A_39, %add3A_90 : i32
          %dma_start3A_92 = arith.constant 0 : i32
          %dma_start3A_93 = tpu.memref_slice %arg7[%add3A_91, %dma_start3A_92] : memref<80x128xi32, #tpu.memory_space<vmem>> -> memref<1x128xi32, #tpu.memory_space<vmem>>
          %dma_start3A_94 = tpu.memref_squeeze %dma_start3A_93 : memref<1x128xi32, #tpu.memory_space<vmem>> -> memref<128xi32, #tpu.memory_space<vmem>>
          %dma_start3A_95 = arith.constant 0 : i32
          %dma_start3A_96 = arith.constant 0 : i32
          %dma_start3A_97 = tpu.memref_slice %arg11[%dma_start3A_95, %dma_start3A_96] : memref<10240x64xf32, #tpu.memory_space<vmem_shared>> -> memref<10240x64xf32, #tpu.memory_space<vmem_shared>>
          tpu.enqueue_indirect_dma source(%dma_start3A_97 : memref<10240x64xf32, #tpu.memory_space<vmem_shared>>) target(%arg10 : memref<128x64xf32, #tpu.memory_space<vmem>>) offsets(%dma_start3A_94 : memref<128xi32, #tpu.memory_space<vmem>>) semaphore(%arg14 : memref<!tpu.dma_semaphore, #tpu.memory_space<semaphore_mem>>)
        } else {
        }
        %mul3A_62 = arith.constant 2 : i32
        %mul3A_63 = arith.muli %scan3A_36, %mul3A_62 : i32
        %add3A_64 = arith.constant 1 : i32
        %add3A_65 = arith.addi %mul3A_63, %add3A_64 : i32
        %dma_wait3A_66 = arith.constant 0 : i32
        %dma_wait3A_67 = tpu.memref_slice %arg7[%add3A_65, %dma_wait3A_66] : memref<80x128xi32, #tpu.memory_space<vmem>> -> memref<1x128xi32, #tpu.memory_space<vmem>>
        %dma_wait3A_68 = tpu.memref_squeeze %dma_wait3A_67 : memref<1x128xi32, #tpu.memory_space<vmem>> -> memref<128xi32, #tpu.memory_space<vmem>>
        %dma_wait3A_69 = arith.constant 0 : i32
        %dma_wait3A_70 = arith.constant 0 : i32
        %dma_wait3A_71 = tpu.memref_slice %arg11[%dma_wait3A_69, %dma_wait3A_70] : memref<10240x64xf32, #tpu.memory_space<vmem_shared>> -> memref<10240x64xf32, #tpu.memory_space<vmem_shared>>
        tpu.wait_indirect_dma semaphore(%arg14 : memref<!tpu.dma_semaphore, #tpu.memory_space<semaphore_mem>>) src(%dma_wait3A_71 : memref<10240x64xf32, #tpu.memory_space<vmem_shared>>) dst(%arg10 : memref<128x64xf32, #tpu.memory_space<vmem>>)
        %dma_start3A_72 = arith.constant 0 : i32
        %dma_start3A_73 = tpu.memref_slice %arg8[%add3A_65, %dma_start3A_72] : memref<80x128xi32, #tpu.memory_space<vmem>> -> memref<1x128xi32, #tpu.memory_space<vmem>>
        %dma_start3A_74 = tpu.memref_squeeze %dma_start3A_73 : memref<1x128xi32, #tpu.memory_space<vmem>> -> memref<128xi32, #tpu.memory_space<vmem>>
        %dma_start3A_75 = arith.constant 0 : i32
        %dma_start3A_76 = arith.constant 0 : i32
        %dma_start3A_77 = tpu.memref_slice %arg12[%dma_start3A_75, %dma_start3A_76] : memref<10240x64xf32, #tpu.memory_space<vmem_shared>> -> memref<10240x64xf32, #tpu.memory_space<vmem_shared>>
        tpu.enqueue_indirect_dma source(%arg10 : memref<128x64xf32, #tpu.memory_space<vmem>>) target(%dma_start3A_77 : memref<10240x64xf32, #tpu.memory_space<vmem_shared>>) offsets(%dma_start3A_74 : memref<128xi32, #tpu.memory_space<vmem>>) semaphore(%arg16 : memref<!tpu.dma_semaphore, #tpu.memory_space<semaphore_mem>>) {add = true}
        %ge3A_78 = arith.constant 1 : i32
        %ge3A_79 = arith.cmpi sge, %add3A_65, %ge3A_78 : i32
        %convert_element_type3A_80 = arith.extui %ge3A_79 : i1 to i32
        %cond3A_81 = arith.constant 0 : i32
        %cond3A_82 = arith.cmpi ne, %convert_element_type3A_80, %cond3A_81 : i32
        scf.if %cond3A_82 {
          %sub3A = arith.constant 1 : i32
          %sub3A_90 = arith.subi %add3A_65, %sub3A : i32
          %dma_wait3A_91 = arith.constant 0 : i32
          %dma_wait3A_92 = tpu.memref_slice %arg8[%sub3A_90, %dma_wait3A_91] : memref<80x128xi32, #tpu.memory_space<vmem>> -> memref<1x128xi32, #tpu.memory_space<vmem>>
          %dma_wait3A_93 = tpu.memref_squeeze %dma_wait3A_92 : memref<1x128xi32, #tpu.memory_space<vmem>> -> memref<128xi32, #tpu.memory_space<vmem>>
          %dma_wait3A_94 = arith.constant 0 : i32
          %dma_wait3A_95 = arith.constant 0 : i32
          %dma_wait3A_96 = tpu.memref_slice %arg12[%dma_wait3A_94, %dma_wait3A_95] : memref<10240x64xf32, #tpu.memory_space<vmem_shared>> -> memref<10240x64xf32, #tpu.memory_space<vmem_shared>>
          tpu.wait_indirect_dma semaphore(%arg15 : memref<!tpu.dma_semaphore, #tpu.memory_space<semaphore_mem>>) src(%arg9 : memref<128x64xf32, #tpu.memory_space<vmem>>) dst(%dma_wait3A_96 : memref<10240x64xf32, #tpu.memory_space<vmem_shared>>)
        } else {
        }
        %add3A_83 = arith.constant 1 : i32
        %add3A_84 = arith.addi %add3A_65, %add3A_83 : i32
        %lt3A_85 = arith.constant 80 : i32
        %lt3A_86 = arith.cmpi slt, %add3A_84, %lt3A_85 : i32
        %convert_element_type3A_87 = arith.extui %lt3A_86 : i1 to i32
        %cond3A_88 = arith.constant 0 : i32
        %cond3A_89 = arith.cmpi ne, %convert_element_type3A_87, %cond3A_88 : i32
        scf.if %cond3A_89 {
          %add3A_90 = arith.constant 1 : i32
          %add3A_91 = arith.addi %add3A_65, %add3A_90 : i32
          %dma_start3A_92 = arith.constant 0 : i32
          %dma_start3A_93 = tpu.memref_slice %arg7[%add3A_91, %dma_start3A_92] : memref<80x128xi32, #tpu.memory_space<vmem>> -> memref<1x128xi32, #tpu.memory_space<vmem>>
          %dma_start3A_94 = tpu.memref_squeeze %dma_start3A_93 : memref<1x128xi32, #tpu.memory_space<vmem>> -> memref<128xi32, #tpu.memory_space<vmem>>
          %dma_start3A_95 = arith.constant 0 : i32
          %dma_start3A_96 = arith.constant 0 : i32
          %dma_start3A_97 = tpu.memref_slice %arg11[%dma_start3A_95, %dma_start3A_96] : memref<10240x64xf32, #tpu.memory_space<vmem_shared>> -> memref<10240x64xf32, #tpu.memory_space<vmem_shared>>
          tpu.enqueue_indirect_dma source(%dma_start3A_97 : memref<10240x64xf32, #tpu.memory_space<vmem_shared>>) target(%arg9 : memref<128x64xf32, #tpu.memory_space<vmem>>) offsets(%dma_start3A_94 : memref<128xi32, #tpu.memory_space<vmem>>) semaphore(%arg13 : memref<!tpu.dma_semaphore, #tpu.memory_space<semaphore_mem>>)
        } else {
        }
      }
      %scan3A_29 = arith.constant 40 : i32
      %dma_wait3A = arith.constant 79 : i32
      %dma_wait3A_30 = arith.constant 0 : i32
      %dma_wait3A_31 = tpu.memref_slice %arg8[%dma_wait3A, %dma_wait3A_30] : memref<80x128xi32, #tpu.memory_space<vmem>> -> memref<1x128xi32, #tpu.memory_space<vmem>>
      %dma_wait3A_32 = tpu.memref_squeeze %dma_wait3A_31 : memref<1x128xi32, #tpu.memory_space<vmem>> -> memref<128xi32, #tpu.memory_space<vmem>>
      %dma_wait3A_33 = arith.constant 0 : i32
      %dma_wait3A_34 = arith.constant 0 : i32
      %dma_wait3A_35 = tpu.memref_slice %arg12[%dma_wait3A_33, %dma_wait3A_34] : memref<10240x64xf32, #tpu.memory_space<vmem_shared>> -> memref<10240x64xf32, #tpu.memory_space<vmem_shared>>
      tpu.wait_indirect_dma semaphore(%arg16 : memref<!tpu.dma_semaphore, #tpu.memory_space<semaphore_mem>>) src(%arg10 : memref<128x64xf32, #tpu.memory_space<vmem>>) dst(%dma_wait3A_35 : memref<10240x64xf32, #tpu.memory_space<vmem_shared>>)
    } else {
    }
    %barrier3A_14 = arith.constant 0 : index
    tpu.barrier barrier_id(%barrier3A_14)
    %mul3A_15 = arith.constant 640 : i32
    %mul3A_16 = arith.muli %arg1, %mul3A_15 : i32
    %mul3A_17 = arith.constant 640 : i32
    %mul3A_18 = arith.muli %arg1, %mul3A_17 : i32
    "tpu.region"() ({
      %run_scoped3A = tpu.sem_alloc : memref<!tpu.dma_semaphore, #tpu.memory_space<semaphore_mem>>
      %dma_start3A = arith.constant 0 : i32
      %dma_start3A_19 = arith.constant 0 : i32
      %dma_start3A_20 = tpu.memref_slice %arg6[%arg0, %dma_start3A, %dma_start3A_19] : memref<2x10240x64xf32, #tpu.memory_space<hbm>> -> memref<1x10240x64xf32, #tpu.memory_space<hbm>>
      %dma_start3A_21 = tpu.memref_squeeze %dma_start3A_20 : memref<1x10240x64xf32, #tpu.memory_space<hbm>> -> memref<10240x64xf32, #tpu.memory_space<hbm>>
      %dma_start3A_22 = arith.constant 0 : i32
      %dma_start3A_23 = tpu.memref_slice %dma_start3A_21[%mul3A_18, %dma_start3A_22] : memref<10240x64xf32, #tpu.memory_space<hbm>> -> memref<640x64xf32, #tpu.memory_space<hbm>>
      %dma_start3A_24 = arith.constant 0 : i32
      %dma_start3A_25 = tpu.memref_slice %arg12[%mul3A_16, %dma_start3A_24] : memref<10240x64xf32, #tpu.memory_space<vmem_shared>> -> memref<640x64xf32, #tpu.memory_space<vmem_shared>>
      tpu.enqueue_dma source(%dma_start3A_25 : memref<640x64xf32, #tpu.memory_space<vmem_shared>>) target(%dma_start3A_23 : memref<640x64xf32, #tpu.memory_space<hbm>>) target_semaphore(%run_scoped3A : memref<!tpu.dma_semaphore, #tpu.memory_space<semaphore_mem>>)
      %dma_wait3A = arith.constant 0 : i32
      %dma_wait3A_26 = arith.constant 0 : i32
      %dma_wait3A_27 = tpu.memref_slice %arg6[%arg0, %dma_wait3A, %dma_wait3A_26] : memref<2x10240x64xf32, #tpu.memory_space<hbm>> -> memref<1x10240x64xf32, #tpu.memory_space<hbm>>
      %dma_wait3A_28 = tpu.memref_squeeze %dma_wait3A_27 : memref<1x10240x64xf32, #tpu.memory_space<hbm>> -> memref<10240x64xf32, #tpu.memory_space<hbm>>
      %dma_wait3A_29 = arith.constant 0 : i32
      %dma_wait3A_30 = tpu.memref_slice %dma_wait3A_28[%mul3A_18, %dma_wait3A_29] : memref<10240x64xf32, #tpu.memory_space<hbm>> -> memref<640x64xf32, #tpu.memory_space<hbm>>
      %dma_wait3A_31 = arith.constant 0 : i32
      %dma_wait3A_32 = tpu.memref_slice %arg12[%mul3A_16, %dma_wait3A_31] : memref<10240x64xf32, #tpu.memory_space<vmem_shared>> -> memref<640x64xf32, #tpu.memory_space<vmem_shared>>
      tpu.wait_dma2 semaphore(%run_scoped3A : memref<!tpu.dma_semaphore, #tpu.memory_space<semaphore_mem>>) src(%dma_wait3A_32 : memref<640x64xf32, #tpu.memory_space<vmem_shared>>) dst(%dma_wait3A_30 : memref<640x64xf32, #tpu.memory_space<hbm>>)
      tpu.yield
    }) : () -> ()
    return
  }
}

#map = affine_map<(d0, d1) -> (0, 0, 0)>
#map1 = affine_map<(d0, d1) -> (0, 0)>
module attributes {stable_mosaic.version = 14 : i64} {
  func.func @_degree_body(%arg0: i32, %arg1: i32, %arg2: memref<32x80x128xi32, #tpu.memory_space<hbm>>, %arg3: memref<32x80x128xi32, #tpu.memory_space<hbm>>, %arg4: memref<2x128x8xf32, #tpu.memory_space<hbm>>, %arg5: memref<10240x8xf32, #tpu.memory_space<hbm>>, %arg6: memref<2x10240x8xf32, #tpu.memory_space<hbm>>, %arg7: memref<80x128xi32, #tpu.memory_space<vmem>>, %arg8: memref<80x128xi32, #tpu.memory_space<vmem>>, %arg9: memref<128x8xf32, #tpu.memory_space<vmem>>, %arg10: memref<128x8xf32, #tpu.memory_space<vmem>>, %arg11: memref<10240x8xf32, #tpu.memory_space<vmem_shared>>, %arg12: memref<!tpu.dma_semaphore, #tpu.memory_space<semaphore_mem>>, %arg13: memref<!tpu.dma_semaphore, #tpu.memory_space<semaphore_mem>>) attributes {dimension_semantics = [#tpu.dimension_semantics<core_parallel>, #tpu.dimension_semantics<subcore_parallel>], iteration_bounds = array<i64: 2, 16>, scalar_prefetch = 0 : i64, scratch_operands = 7 : i64, tpu.core_type = #tpu.core_type<sc_vector_subcore>, window_params = [{transform_indices = #map}, {transform_indices = #map}, {transform_indices = #map}, {transform_indices = #map1}, {transform_indices = #map}]} {
    %mul3A = arith.constant 2 : i32
    %mul3A_0 = arith.muli %arg1, %mul3A : i32
    %add3A = arith.addi %mul3A_0, %arg0 : i32
    "tpu.region"() ({
      %run_scoped3A_29 = tpu.sem_alloc : memref<!tpu.dma_semaphore, #tpu.memory_space<semaphore_mem>>
      %dma_start3A = arith.constant 0 : i32
      %dma_start3A_30 = arith.constant 0 : i32
      %dma_start3A_31 = tpu.memref_slice %arg2[%add3A, %dma_start3A, %dma_start3A_30] : memref<32x80x128xi32, #tpu.memory_space<hbm>> -> memref<1x80x128xi32, #tpu.memory_space<hbm>>
      %dma_start3A_32 = tpu.memref_squeeze %dma_start3A_31 : memref<1x80x128xi32, #tpu.memory_space<hbm>> -> memref<80x128xi32, #tpu.memory_space<hbm>>
      %dma_start3A_33 = arith.constant 0 : i32
      %dma_start3A_34 = arith.constant 0 : i32
      %dma_start3A_35 = tpu.memref_slice %arg2[%add3A, %dma_start3A_33, %dma_start3A_34] : memref<32x80x128xi32, #tpu.memory_space<hbm>> -> memref<1x80x128xi32, #tpu.memory_space<hbm>>
      %dma_start3A_36 = tpu.memref_squeeze %dma_start3A_35 : memref<1x80x128xi32, #tpu.memory_space<hbm>> -> memref<80x128xi32, #tpu.memory_space<hbm>>
      tpu.enqueue_dma source(%dma_start3A_36 : memref<80x128xi32, #tpu.memory_space<hbm>>) target(%arg7 : memref<80x128xi32, #tpu.memory_space<vmem>>) target_semaphore(%run_scoped3A_29 : memref<!tpu.dma_semaphore, #tpu.memory_space<semaphore_mem>>)
      %dma_wait3A_37 = arith.constant 0 : i32
      %dma_wait3A_38 = arith.constant 0 : i32
      %dma_wait3A_39 = tpu.memref_slice %arg2[%add3A, %dma_wait3A_37, %dma_wait3A_38] : memref<32x80x128xi32, #tpu.memory_space<hbm>> -> memref<1x80x128xi32, #tpu.memory_space<hbm>>
      %dma_wait3A_40 = tpu.memref_squeeze %dma_wait3A_39 : memref<1x80x128xi32, #tpu.memory_space<hbm>> -> memref<80x128xi32, #tpu.memory_space<hbm>>
      %dma_wait3A_41 = arith.constant 0 : i32
      %dma_wait3A_42 = arith.constant 0 : i32
      %dma_wait3A_43 = tpu.memref_slice %arg2[%add3A, %dma_wait3A_41, %dma_wait3A_42] : memref<32x80x128xi32, #tpu.memory_space<hbm>> -> memref<1x80x128xi32, #tpu.memory_space<hbm>>
      %dma_wait3A_44 = tpu.memref_squeeze %dma_wait3A_43 : memref<1x80x128xi32, #tpu.memory_space<hbm>> -> memref<80x128xi32, #tpu.memory_space<hbm>>
      tpu.wait_dma2 semaphore(%run_scoped3A_29 : memref<!tpu.dma_semaphore, #tpu.memory_space<semaphore_mem>>) src(%dma_wait3A_44 : memref<80x128xi32, #tpu.memory_space<hbm>>) dst(%arg7 : memref<80x128xi32, #tpu.memory_space<vmem>>)
      tpu.yield
    }) : () -> ()
    "tpu.region"() ({
      %run_scoped3A_29 = tpu.sem_alloc : memref<!tpu.dma_semaphore, #tpu.memory_space<semaphore_mem>>
      %dma_start3A = arith.constant 0 : i32
      %dma_start3A_30 = arith.constant 0 : i32
      %dma_start3A_31 = tpu.memref_slice %arg3[%add3A, %dma_start3A, %dma_start3A_30] : memref<32x80x128xi32, #tpu.memory_space<hbm>> -> memref<1x80x128xi32, #tpu.memory_space<hbm>>
      %dma_start3A_32 = tpu.memref_squeeze %dma_start3A_31 : memref<1x80x128xi32, #tpu.memory_space<hbm>> -> memref<80x128xi32, #tpu.memory_space<hbm>>
      %dma_start3A_33 = arith.constant 0 : i32
      %dma_start3A_34 = arith.constant 0 : i32
      %dma_start3A_35 = tpu.memref_slice %arg3[%add3A, %dma_start3A_33, %dma_start3A_34] : memref<32x80x128xi32, #tpu.memory_space<hbm>> -> memref<1x80x128xi32, #tpu.memory_space<hbm>>
      %dma_start3A_36 = tpu.memref_squeeze %dma_start3A_35 : memref<1x80x128xi32, #tpu.memory_space<hbm>> -> memref<80x128xi32, #tpu.memory_space<hbm>>
      tpu.enqueue_dma source(%dma_start3A_36 : memref<80x128xi32, #tpu.memory_space<hbm>>) target(%arg8 : memref<80x128xi32, #tpu.memory_space<vmem>>) target_semaphore(%run_scoped3A_29 : memref<!tpu.dma_semaphore, #tpu.memory_space<semaphore_mem>>)
      %dma_wait3A_37 = arith.constant 0 : i32
      %dma_wait3A_38 = arith.constant 0 : i32
      %dma_wait3A_39 = tpu.memref_slice %arg3[%add3A, %dma_wait3A_37, %dma_wait3A_38] : memref<32x80x128xi32, #tpu.memory_space<hbm>> -> memref<1x80x128xi32, #tpu.memory_space<hbm>>
      %dma_wait3A_40 = tpu.memref_squeeze %dma_wait3A_39 : memref<1x80x128xi32, #tpu.memory_space<hbm>> -> memref<80x128xi32, #tpu.memory_space<hbm>>
      %dma_wait3A_41 = arith.constant 0 : i32
      %dma_wait3A_42 = arith.constant 0 : i32
      %dma_wait3A_43 = tpu.memref_slice %arg3[%add3A, %dma_wait3A_41, %dma_wait3A_42] : memref<32x80x128xi32, #tpu.memory_space<hbm>> -> memref<1x80x128xi32, #tpu.memory_space<hbm>>
      %dma_wait3A_44 = tpu.memref_squeeze %dma_wait3A_43 : memref<1x80x128xi32, #tpu.memory_space<hbm>> -> memref<80x128xi32, #tpu.memory_space<hbm>>
      tpu.wait_dma2 semaphore(%run_scoped3A_29 : memref<!tpu.dma_semaphore, #tpu.memory_space<semaphore_mem>>) src(%dma_wait3A_44 : memref<80x128xi32, #tpu.memory_space<hbm>>) dst(%arg8 : memref<80x128xi32, #tpu.memory_space<vmem>>)
      tpu.yield
    }) : () -> ()
    %run_scoped3A = arith.constant 0 : i32
    "tpu.region"() ({
      %run_scoped3A_29 = tpu.sem_alloc : memref<!tpu.dma_semaphore, #tpu.memory_space<semaphore_mem>>
      %dma_start3A = arith.constant 0 : i32
      %dma_start3A_30 = arith.constant 0 : i32
      %dma_start3A_31 = tpu.memref_slice %arg4[%run_scoped3A, %dma_start3A, %dma_start3A_30] : memref<2x128x8xf32, #tpu.memory_space<hbm>> -> memref<1x128x8xf32, #tpu.memory_space<hbm>>
      %dma_start3A_32 = tpu.memref_squeeze %dma_start3A_31 : memref<1x128x8xf32, #tpu.memory_space<hbm>> -> memref<128x8xf32, #tpu.memory_space<hbm>>
      %dma_start3A_33 = arith.constant 0 : i32
      %dma_start3A_34 = arith.constant 0 : i32
      %dma_start3A_35 = tpu.memref_slice %arg4[%run_scoped3A, %dma_start3A_33, %dma_start3A_34] : memref<2x128x8xf32, #tpu.memory_space<hbm>> -> memref<1x128x8xf32, #tpu.memory_space<hbm>>
      %dma_start3A_36 = tpu.memref_squeeze %dma_start3A_35 : memref<1x128x8xf32, #tpu.memory_space<hbm>> -> memref<128x8xf32, #tpu.memory_space<hbm>>
      tpu.enqueue_dma source(%dma_start3A_36 : memref<128x8xf32, #tpu.memory_space<hbm>>) target(%arg9 : memref<128x8xf32, #tpu.memory_space<vmem>>) target_semaphore(%run_scoped3A_29 : memref<!tpu.dma_semaphore, #tpu.memory_space<semaphore_mem>>)
      %dma_wait3A_37 = arith.constant 0 : i32
      %dma_wait3A_38 = arith.constant 0 : i32
      %dma_wait3A_39 = tpu.memref_slice %arg4[%run_scoped3A, %dma_wait3A_37, %dma_wait3A_38] : memref<2x128x8xf32, #tpu.memory_space<hbm>> -> memref<1x128x8xf32, #tpu.memory_space<hbm>>
      %dma_wait3A_40 = tpu.memref_squeeze %dma_wait3A_39 : memref<1x128x8xf32, #tpu.memory_space<hbm>> -> memref<128x8xf32, #tpu.memory_space<hbm>>
      %dma_wait3A_41 = arith.constant 0 : i32
      %dma_wait3A_42 = arith.constant 0 : i32
      %dma_wait3A_43 = tpu.memref_slice %arg4[%run_scoped3A, %dma_wait3A_41, %dma_wait3A_42] : memref<2x128x8xf32, #tpu.memory_space<hbm>> -> memref<1x128x8xf32, #tpu.memory_space<hbm>>
      %dma_wait3A_44 = tpu.memref_squeeze %dma_wait3A_43 : memref<1x128x8xf32, #tpu.memory_space<hbm>> -> memref<128x8xf32, #tpu.memory_space<hbm>>
      tpu.wait_dma2 semaphore(%run_scoped3A_29 : memref<!tpu.dma_semaphore, #tpu.memory_space<semaphore_mem>>) src(%dma_wait3A_44 : memref<128x8xf32, #tpu.memory_space<hbm>>) dst(%arg9 : memref<128x8xf32, #tpu.memory_space<vmem>>)
      tpu.yield
    }) : () -> ()
    %run_scoped3A_1 = arith.constant 1 : i32
    "tpu.region"() ({
      %run_scoped3A_29 = tpu.sem_alloc : memref<!tpu.dma_semaphore, #tpu.memory_space<semaphore_mem>>
      %dma_start3A = arith.constant 0 : i32
      %dma_start3A_30 = arith.constant 0 : i32
      %dma_start3A_31 = tpu.memref_slice %arg4[%run_scoped3A_1, %dma_start3A, %dma_start3A_30] : memref<2x128x8xf32, #tpu.memory_space<hbm>> -> memref<1x128x8xf32, #tpu.memory_space<hbm>>
      %dma_start3A_32 = tpu.memref_squeeze %dma_start3A_31 : memref<1x128x8xf32, #tpu.memory_space<hbm>> -> memref<128x8xf32, #tpu.memory_space<hbm>>
      %dma_start3A_33 = arith.constant 0 : i32
      %dma_start3A_34 = arith.constant 0 : i32
      %dma_start3A_35 = tpu.memref_slice %arg4[%run_scoped3A_1, %dma_start3A_33, %dma_start3A_34] : memref<2x128x8xf32, #tpu.memory_space<hbm>> -> memref<1x128x8xf32, #tpu.memory_space<hbm>>
      %dma_start3A_36 = tpu.memref_squeeze %dma_start3A_35 : memref<1x128x8xf32, #tpu.memory_space<hbm>> -> memref<128x8xf32, #tpu.memory_space<hbm>>
      tpu.enqueue_dma source(%dma_start3A_36 : memref<128x8xf32, #tpu.memory_space<hbm>>) target(%arg10 : memref<128x8xf32, #tpu.memory_space<vmem>>) target_semaphore(%run_scoped3A_29 : memref<!tpu.dma_semaphore, #tpu.memory_space<semaphore_mem>>)
      %dma_wait3A_37 = arith.constant 0 : i32
      %dma_wait3A_38 = arith.constant 0 : i32
      %dma_wait3A_39 = tpu.memref_slice %arg4[%run_scoped3A_1, %dma_wait3A_37, %dma_wait3A_38] : memref<2x128x8xf32, #tpu.memory_space<hbm>> -> memref<1x128x8xf32, #tpu.memory_space<hbm>>
      %dma_wait3A_40 = tpu.memref_squeeze %dma_wait3A_39 : memref<1x128x8xf32, #tpu.memory_space<hbm>> -> memref<128x8xf32, #tpu.memory_space<hbm>>
      %dma_wait3A_41 = arith.constant 0 : i32
      %dma_wait3A_42 = arith.constant 0 : i32
      %dma_wait3A_43 = tpu.memref_slice %arg4[%run_scoped3A_1, %dma_wait3A_41, %dma_wait3A_42] : memref<2x128x8xf32, #tpu.memory_space<hbm>> -> memref<1x128x8xf32, #tpu.memory_space<hbm>>
      %dma_wait3A_44 = tpu.memref_squeeze %dma_wait3A_43 : memref<1x128x8xf32, #tpu.memory_space<hbm>> -> memref<128x8xf32, #tpu.memory_space<hbm>>
      tpu.wait_dma2 semaphore(%run_scoped3A_29 : memref<!tpu.dma_semaphore, #tpu.memory_space<semaphore_mem>>) src(%dma_wait3A_44 : memref<128x8xf32, #tpu.memory_space<hbm>>) dst(%arg10 : memref<128x8xf32, #tpu.memory_space<vmem>>)
      tpu.yield
    }) : () -> ()
    %mul3A_2 = arith.constant 640 : i32
    %mul3A_3 = arith.muli %arg1, %mul3A_2 : i32
    %mul3A_4 = arith.constant 640 : i32
    %mul3A_5 = arith.muli %arg1, %mul3A_4 : i32
    "tpu.region"() ({
      %run_scoped3A_29 = tpu.sem_alloc : memref<!tpu.dma_semaphore, #tpu.memory_space<semaphore_mem>>
      %dma_start3A = arith.constant 0 : i32
      %dma_start3A_30 = tpu.memref_slice %arg11[%mul3A_5, %dma_start3A] : memref<10240x8xf32, #tpu.memory_space<vmem_shared>> -> memref<640x8xf32, #tpu.memory_space<vmem_shared>>
      %dma_start3A_31 = arith.constant 0 : i32
      %dma_start3A_32 = tpu.memref_slice %arg5[%mul3A_3, %dma_start3A_31] : memref<10240x8xf32, #tpu.memory_space<hbm>> -> memref<640x8xf32, #tpu.memory_space<hbm>>
      tpu.enqueue_dma source(%dma_start3A_32 : memref<640x8xf32, #tpu.memory_space<hbm>>) target(%dma_start3A_30 : memref<640x8xf32, #tpu.memory_space<vmem_shared>>) target_semaphore(%run_scoped3A_29 : memref<!tpu.dma_semaphore, #tpu.memory_space<semaphore_mem>>)
      %dma_wait3A_33 = arith.constant 0 : i32
      %dma_wait3A_34 = tpu.memref_slice %arg11[%mul3A_5, %dma_wait3A_33] : memref<10240x8xf32, #tpu.memory_space<vmem_shared>> -> memref<640x8xf32, #tpu.memory_space<vmem_shared>>
      %dma_wait3A_35 = arith.constant 0 : i32
      %dma_wait3A_36 = tpu.memref_slice %arg5[%mul3A_3, %dma_wait3A_35] : memref<10240x8xf32, #tpu.memory_space<hbm>> -> memref<640x8xf32, #tpu.memory_space<hbm>>
      tpu.wait_dma2 semaphore(%run_scoped3A_29 : memref<!tpu.dma_semaphore, #tpu.memory_space<semaphore_mem>>) src(%dma_wait3A_36 : memref<640x8xf32, #tpu.memory_space<hbm>>) dst(%dma_wait3A_34 : memref<640x8xf32, #tpu.memory_space<vmem_shared>>)
      tpu.yield
    }) : () -> ()
    %barrier3A = arith.constant 0 : index
    tpu.barrier barrier_id(%barrier3A)
    %scan3A = arith.constant 0 : i32
    %scan3A_6 = arith.constant 0 : i32
    %scan3A_7 = arith.constant 80 : i32
    %scan3A_8 = arith.addi %scan3A_6, %scan3A_7 : i32
    %scan3A_9 = arith.constant 1 : i32
    scf.for %scan3A_29 = %scan3A_6 to %scan3A_8 step %scan3A_9  : i32 {
      %dma_start3A = arith.constant 0 : i32
      %dma_start3A_30 = tpu.memref_slice %arg7[%scan3A_29, %dma_start3A] : memref<80x128xi32, #tpu.memory_space<vmem>> -> memref<1x128xi32, #tpu.memory_space<vmem>>
      %dma_start3A_31 = tpu.memref_squeeze %dma_start3A_30 : memref<1x128xi32, #tpu.memory_space<vmem>> -> memref<128xi32, #tpu.memory_space<vmem>>
      %dma_start3A_32 = arith.constant 0 : i32
      %dma_start3A_33 = arith.constant 0 : i32
      %dma_start3A_34 = tpu.memref_slice %arg11[%dma_start3A_32, %dma_start3A_33] : memref<10240x8xf32, #tpu.memory_space<vmem_shared>> -> memref<10240x8xf32, #tpu.memory_space<vmem_shared>>
      tpu.enqueue_indirect_dma source(%arg9 : memref<128x8xf32, #tpu.memory_space<vmem>>) target(%dma_start3A_34 : memref<10240x8xf32, #tpu.memory_space<vmem_shared>>) offsets(%dma_start3A_31 : memref<128xi32, #tpu.memory_space<vmem>>) semaphore(%arg12 : memref<!tpu.dma_semaphore, #tpu.memory_space<semaphore_mem>>) {add = true}
      %dma_start3A_35 = arith.constant 0 : i32
      %dma_start3A_36 = tpu.memref_slice %arg8[%scan3A_29, %dma_start3A_35] : memref<80x128xi32, #tpu.memory_space<vmem>> -> memref<1x128xi32, #tpu.memory_space<vmem>>
      %dma_start3A_37 = tpu.memref_squeeze %dma_start3A_36 : memref<1x128xi32, #tpu.memory_space<vmem>> -> memref<128xi32, #tpu.memory_space<vmem>>
      %dma_start3A_38 = arith.constant 0 : i32
      %dma_start3A_39 = arith.constant 0 : i32
      %dma_start3A_40 = tpu.memref_slice %arg11[%dma_start3A_38, %dma_start3A_39] : memref<10240x8xf32, #tpu.memory_space<vmem_shared>> -> memref<10240x8xf32, #tpu.memory_space<vmem_shared>>
      tpu.enqueue_indirect_dma source(%arg10 : memref<128x8xf32, #tpu.memory_space<vmem>>) target(%dma_start3A_40 : memref<10240x8xf32, #tpu.memory_space<vmem_shared>>) offsets(%dma_start3A_37 : memref<128xi32, #tpu.memory_space<vmem>>) semaphore(%arg13 : memref<!tpu.dma_semaphore, #tpu.memory_space<semaphore_mem>>) {add = true}
      %ge3A = arith.constant 1 : i32
      %ge3A_41 = arith.cmpi sge, %scan3A_29, %ge3A : i32
      %convert_element_type3A = arith.extui %ge3A_41 : i1 to i32
      %cond3A = arith.constant 0 : i32
      %cond3A_42 = arith.cmpi ne, %convert_element_type3A, %cond3A : i32
      scf.if %cond3A_42 {
        %sub3A = arith.constant 1 : i32
        %sub3A_43 = arith.subi %scan3A_29, %sub3A : i32
        %dma_wait3A_44 = arith.constant 0 : i32
        %dma_wait3A_45 = tpu.memref_slice %arg7[%sub3A_43, %dma_wait3A_44] : memref<80x128xi32, #tpu.memory_space<vmem>> -> memref<1x128xi32, #tpu.memory_space<vmem>>
        %dma_wait3A_46 = tpu.memref_squeeze %dma_wait3A_45 : memref<1x128xi32, #tpu.memory_space<vmem>> -> memref<128xi32, #tpu.memory_space<vmem>>
        %dma_wait3A_47 = arith.constant 0 : i32
        %dma_wait3A_48 = arith.constant 0 : i32
        %dma_wait3A_49 = tpu.memref_slice %arg11[%dma_wait3A_47, %dma_wait3A_48] : memref<10240x8xf32, #tpu.memory_space<vmem_shared>> -> memref<10240x8xf32, #tpu.memory_space<vmem_shared>>
        tpu.wait_indirect_dma semaphore(%arg12 : memref<!tpu.dma_semaphore, #tpu.memory_space<semaphore_mem>>) src(%arg9 : memref<128x8xf32, #tpu.memory_space<vmem>>) dst(%dma_wait3A_49 : memref<10240x8xf32, #tpu.memory_space<vmem_shared>>)
        %sub3A_50 = arith.constant 1 : i32
        %sub3A_51 = arith.subi %scan3A_29, %sub3A_50 : i32
        %dma_wait3A_52 = arith.constant 0 : i32
        %dma_wait3A_53 = tpu.memref_slice %arg8[%sub3A_51, %dma_wait3A_52] : memref<80x128xi32, #tpu.memory_space<vmem>> -> memref<1x128xi32, #tpu.memory_space<vmem>>
        %dma_wait3A_54 = tpu.memref_squeeze %dma_wait3A_53 : memref<1x128xi32, #tpu.memory_space<vmem>> -> memref<128xi32, #tpu.memory_space<vmem>>
        %dma_wait3A_55 = arith.constant 0 : i32
        %dma_wait3A_56 = arith.constant 0 : i32
        %dma_wait3A_57 = tpu.memref_slice %arg11[%dma_wait3A_55, %dma_wait3A_56] : memref<10240x8xf32, #tpu.memory_space<vmem_shared>> -> memref<10240x8xf32, #tpu.memory_space<vmem_shared>>
        tpu.wait_indirect_dma semaphore(%arg13 : memref<!tpu.dma_semaphore, #tpu.memory_space<semaphore_mem>>) src(%arg10 : memref<128x8xf32, #tpu.memory_space<vmem>>) dst(%dma_wait3A_57 : memref<10240x8xf32, #tpu.memory_space<vmem_shared>>)
      } else {
      }
    }
    %scan3A_10 = arith.constant 80 : i32
    %dma_wait3A = arith.constant 79 : i32
    %dma_wait3A_11 = arith.constant 0 : i32
    %dma_wait3A_12 = tpu.memref_slice %arg7[%dma_wait3A, %dma_wait3A_11] : memref<80x128xi32, #tpu.memory_space<vmem>> -> memref<1x128xi32, #tpu.memory_space<vmem>>
    %dma_wait3A_13 = tpu.memref_squeeze %dma_wait3A_12 : memref<1x128xi32, #tpu.memory_space<vmem>> -> memref<128xi32, #tpu.memory_space<vmem>>
    %dma_wait3A_14 = arith.constant 0 : i32
    %dma_wait3A_15 = arith.constant 0 : i32
    %dma_wait3A_16 = tpu.memref_slice %arg11[%dma_wait3A_14, %dma_wait3A_15] : memref<10240x8xf32, #tpu.memory_space<vmem_shared>> -> memref<10240x8xf32, #tpu.memory_space<vmem_shared>>
    tpu.wait_indirect_dma semaphore(%arg12 : memref<!tpu.dma_semaphore, #tpu.memory_space<semaphore_mem>>) src(%arg9 : memref<128x8xf32, #tpu.memory_space<vmem>>) dst(%dma_wait3A_16 : memref<10240x8xf32, #tpu.memory_space<vmem_shared>>)
    %dma_wait3A_17 = arith.constant 79 : i32
    %dma_wait3A_18 = arith.constant 0 : i32
    %dma_wait3A_19 = tpu.memref_slice %arg8[%dma_wait3A_17, %dma_wait3A_18] : memref<80x128xi32, #tpu.memory_space<vmem>> -> memref<1x128xi32, #tpu.memory_space<vmem>>
    %dma_wait3A_20 = tpu.memref_squeeze %dma_wait3A_19 : memref<1x128xi32, #tpu.memory_space<vmem>> -> memref<128xi32, #tpu.memory_space<vmem>>
    %dma_wait3A_21 = arith.constant 0 : i32
    %dma_wait3A_22 = arith.constant 0 : i32
    %dma_wait3A_23 = tpu.memref_slice %arg11[%dma_wait3A_21, %dma_wait3A_22] : memref<10240x8xf32, #tpu.memory_space<vmem_shared>> -> memref<10240x8xf32, #tpu.memory_space<vmem_shared>>
    tpu.wait_indirect_dma semaphore(%arg13 : memref<!tpu.dma_semaphore, #tpu.memory_space<semaphore_mem>>) src(%arg10 : memref<128x8xf32, #tpu.memory_space<vmem>>) dst(%dma_wait3A_23 : memref<10240x8xf32, #tpu.memory_space<vmem_shared>>)
    %barrier3A_24 = arith.constant 0 : index
    tpu.barrier barrier_id(%barrier3A_24)
    %mul3A_25 = arith.constant 640 : i32
    %mul3A_26 = arith.muli %arg1, %mul3A_25 : i32
    %mul3A_27 = arith.constant 640 : i32
    %mul3A_28 = arith.muli %arg1, %mul3A_27 : i32
    "tpu.region"() ({
      %run_scoped3A_29 = tpu.sem_alloc : memref<!tpu.dma_semaphore, #tpu.memory_space<semaphore_mem>>
      %dma_start3A = arith.constant 0 : i32
      %dma_start3A_30 = arith.constant 0 : i32
      %dma_start3A_31 = tpu.memref_slice %arg6[%arg0, %dma_start3A, %dma_start3A_30] : memref<2x10240x8xf32, #tpu.memory_space<hbm>> -> memref<1x10240x8xf32, #tpu.memory_space<hbm>>
      %dma_start3A_32 = tpu.memref_squeeze %dma_start3A_31 : memref<1x10240x8xf32, #tpu.memory_space<hbm>> -> memref<10240x8xf32, #tpu.memory_space<hbm>>
      %dma_start3A_33 = arith.constant 0 : i32
      %dma_start3A_34 = tpu.memref_slice %dma_start3A_32[%mul3A_28, %dma_start3A_33] : memref<10240x8xf32, #tpu.memory_space<hbm>> -> memref<640x8xf32, #tpu.memory_space<hbm>>
      %dma_start3A_35 = arith.constant 0 : i32
      %dma_start3A_36 = tpu.memref_slice %arg11[%mul3A_26, %dma_start3A_35] : memref<10240x8xf32, #tpu.memory_space<vmem_shared>> -> memref<640x8xf32, #tpu.memory_space<vmem_shared>>
      tpu.enqueue_dma source(%dma_start3A_36 : memref<640x8xf32, #tpu.memory_space<vmem_shared>>) target(%dma_start3A_34 : memref<640x8xf32, #tpu.memory_space<hbm>>) target_semaphore(%run_scoped3A_29 : memref<!tpu.dma_semaphore, #tpu.memory_space<semaphore_mem>>)
      %dma_wait3A_37 = arith.constant 0 : i32
      %dma_wait3A_38 = arith.constant 0 : i32
      %dma_wait3A_39 = tpu.memref_slice %arg6[%arg0, %dma_wait3A_37, %dma_wait3A_38] : memref<2x10240x8xf32, #tpu.memory_space<hbm>> -> memref<1x10240x8xf32, #tpu.memory_space<hbm>>
      %dma_wait3A_40 = tpu.memref_squeeze %dma_wait3A_39 : memref<1x10240x8xf32, #tpu.memory_space<hbm>> -> memref<10240x8xf32, #tpu.memory_space<hbm>>
      %dma_wait3A_41 = arith.constant 0 : i32
      %dma_wait3A_42 = tpu.memref_slice %dma_wait3A_40[%mul3A_28, %dma_wait3A_41] : memref<10240x8xf32, #tpu.memory_space<hbm>> -> memref<640x8xf32, #tpu.memory_space<hbm>>
      %dma_wait3A_43 = arith.constant 0 : i32
      %dma_wait3A_44 = tpu.memref_slice %arg11[%mul3A_26, %dma_wait3A_43] : memref<10240x8xf32, #tpu.memory_space<vmem_shared>> -> memref<640x8xf32, #tpu.memory_space<vmem_shared>>
      tpu.wait_dma2 semaphore(%run_scoped3A_29 : memref<!tpu.dma_semaphore, #tpu.memory_space<semaphore_mem>>) src(%dma_wait3A_44 : memref<640x8xf32, #tpu.memory_space<vmem_shared>>) dst(%dma_wait3A_42 : memref<640x8xf32, #tpu.memory_space<hbm>>)
      tpu.yield
    }) : () -> ()
    return
  }
}

#map = affine_map<(d0, d1) -> (0, 0)>
#map1 = affine_map<(d0, d1) -> (0, 0, 0)>
module attributes {stable_mosaic.version = 14 : i64} {
  func.func @body(%arg0: i32, %arg1: i32, %arg2: memref<10240x64xf32, #tpu.memory_space<hbm>>, %arg3: memref<16x160x128xi32, #tpu.memory_space<hbm>>, %arg4: memref<16x160x128xi32, #tpu.memory_space<hbm>>, %arg5: memref<10240x64xf32, #tpu.memory_space<hbm>>, %arg6: memref<2x10240x64xf32, #tpu.memory_space<hbm>>, %arg7: memref<80x128xi32, #tpu.memory_space<vmem>>, %arg8: memref<80x128xi32, #tpu.memory_space<vmem>>, %arg9: memref<128x64xf32, #tpu.memory_space<vmem>>, %arg10: memref<128x64xf32, #tpu.memory_space<vmem>>, %arg11: memref<10240x64xf32, #tpu.memory_space<vmem_shared>>, %arg12: memref<10240x64xf32, #tpu.memory_space<vmem_shared>>, %arg13: memref<!tpu.dma_semaphore, #tpu.memory_space<semaphore_mem>>, %arg14: memref<!tpu.dma_semaphore, #tpu.memory_space<semaphore_mem>>, %arg15: memref<!tpu.dma_semaphore, #tpu.memory_space<semaphore_mem>>, %arg16: memref<!tpu.dma_semaphore, #tpu.memory_space<semaphore_mem>>) attributes {dimension_semantics = [#tpu.dimension_semantics<core_parallel>, #tpu.dimension_semantics<subcore_parallel>], iteration_bounds = array<i64: 2, 16>, scalar_prefetch = 0 : i64, scratch_operands = 10 : i64, tpu.core_type = #tpu.core_type<sc_vector_subcore>, window_params = [{transform_indices = #map}, {transform_indices = #map1}, {transform_indices = #map1}, {transform_indices = #map}, {transform_indices = #map1}]} {
    %mul3A = arith.constant 640 : i32
    %mul3A_0 = arith.muli %arg1, %mul3A : i32
    %mul3A_1 = arith.constant 640 : i32
    %mul3A_2 = arith.muli %arg1, %mul3A_1 : i32
    "tpu.region"() ({
      %run_scoped3A = tpu.sem_alloc : memref<!tpu.dma_semaphore, #tpu.memory_space<semaphore_mem>>
      %dma_start3A = arith.constant 0 : i32
      %dma_start3A_19 = tpu.memref_slice %arg11[%mul3A_2, %dma_start3A] : memref<10240x64xf32, #tpu.memory_space<vmem_shared>> -> memref<640x64xf32, #tpu.memory_space<vmem_shared>>
      %dma_start3A_20 = arith.constant 0 : i32
      %dma_start3A_21 = tpu.memref_slice %arg2[%mul3A_0, %dma_start3A_20] : memref<10240x64xf32, #tpu.memory_space<hbm>> -> memref<640x64xf32, #tpu.memory_space<hbm>>
      tpu.enqueue_dma source(%dma_start3A_21 : memref<640x64xf32, #tpu.memory_space<hbm>>) target(%dma_start3A_19 : memref<640x64xf32, #tpu.memory_space<vmem_shared>>) target_semaphore(%run_scoped3A : memref<!tpu.dma_semaphore, #tpu.memory_space<semaphore_mem>>)
      %dma_wait3A = arith.constant 0 : i32
      %dma_wait3A_22 = tpu.memref_slice %arg11[%mul3A_2, %dma_wait3A] : memref<10240x64xf32, #tpu.memory_space<vmem_shared>> -> memref<640x64xf32, #tpu.memory_space<vmem_shared>>
      %dma_wait3A_23 = arith.constant 0 : i32
      %dma_wait3A_24 = tpu.memref_slice %arg2[%mul3A_0, %dma_wait3A_23] : memref<10240x64xf32, #tpu.memory_space<hbm>> -> memref<640x64xf32, #tpu.memory_space<hbm>>
      tpu.wait_dma2 semaphore(%run_scoped3A : memref<!tpu.dma_semaphore, #tpu.memory_space<semaphore_mem>>) src(%dma_wait3A_24 : memref<640x64xf32, #tpu.memory_space<hbm>>) dst(%dma_wait3A_22 : memref<640x64xf32, #tpu.memory_space<vmem_shared>>)
      tpu.yield
    }) : () -> ()
    %mul3A_3 = arith.constant 640 : i32
    %mul3A_4 = arith.muli %arg1, %mul3A_3 : i32
    %mul3A_5 = arith.constant 640 : i32
    %mul3A_6 = arith.muli %arg1, %mul3A_5 : i32
    "tpu.region"() ({
      %run_scoped3A = tpu.sem_alloc : memref<!tpu.dma_semaphore, #tpu.memory_space<semaphore_mem>>
      %dma_start3A = arith.constant 0 : i32
      %dma_start3A_19 = tpu.memref_slice %arg12[%mul3A_6, %dma_start3A] : memref<10240x64xf32, #tpu.memory_space<vmem_shared>> -> memref<640x64xf32, #tpu.memory_space<vmem_shared>>
      %dma_start3A_20 = arith.constant 0 : i32
      %dma_start3A_21 = tpu.memref_slice %arg5[%mul3A_4, %dma_start3A_20] : memref<10240x64xf32, #tpu.memory_space<hbm>> -> memref<640x64xf32, #tpu.memory_space<hbm>>
      tpu.enqueue_dma source(%dma_start3A_21 : memref<640x64xf32, #tpu.memory_space<hbm>>) target(%dma_start3A_19 : memref<640x64xf32, #tpu.memory_space<vmem_shared>>) target_semaphore(%run_scoped3A : memref<!tpu.dma_semaphore, #tpu.memory_space<semaphore_mem>>)
      %dma_wait3A = arith.constant 0 : i32
      %dma_wait3A_22 = tpu.memref_slice %arg12[%mul3A_6, %dma_wait3A] : memref<10240x64xf32, #tpu.memory_space<vmem_shared>> -> memref<640x64xf32, #tpu.memory_space<vmem_shared>>
      %dma_wait3A_23 = arith.constant 0 : i32
      %dma_wait3A_24 = tpu.memref_slice %arg5[%mul3A_4, %dma_wait3A_23] : memref<10240x64xf32, #tpu.memory_space<hbm>> -> memref<640x64xf32, #tpu.memory_space<hbm>>
      tpu.wait_dma2 semaphore(%run_scoped3A : memref<!tpu.dma_semaphore, #tpu.memory_space<semaphore_mem>>) src(%dma_wait3A_24 : memref<640x64xf32, #tpu.memory_space<hbm>>) dst(%dma_wait3A_22 : memref<640x64xf32, #tpu.memory_space<vmem_shared>>)
      tpu.yield
    }) : () -> ()
    %barrier3A = arith.constant 0 : index
    tpu.barrier barrier_id(%barrier3A)
    %eq3A = arith.constant 0 : i32
    %eq3A_7 = arith.cmpi eq, %arg0, %eq3A : i32
    %convert_element_type3A = arith.extui %eq3A_7 : i1 to i32
    %cond3A = arith.constant 0 : i32
    %cond3A_8 = arith.cmpi ne, %convert_element_type3A, %cond3A : i32
    scf.if %cond3A_8 {
      "tpu.region"() ({
        %run_scoped3A = tpu.sem_alloc : memref<!tpu.dma_semaphore, #tpu.memory_space<semaphore_mem>>
        %dma_start3A_36 = arith.constant 0 : i32
        %dma_start3A_37 = arith.constant 0 : i32
        %dma_start3A_38 = tpu.memref_slice %arg7[%dma_start3A_36, %dma_start3A_37] : memref<80x128xi32, #tpu.memory_space<vmem>> -> memref<80x128xi32, #tpu.memory_space<vmem>>
        %dma_start3A_39 = arith.constant 0 : i32
        %dma_start3A_40 = arith.constant 0 : i32
        %dma_start3A_41 = tpu.memref_slice %arg3[%arg1, %dma_start3A_39, %dma_start3A_40] : memref<16x160x128xi32, #tpu.memory_space<hbm>> -> memref<1x160x128xi32, #tpu.memory_space<hbm>>
        %dma_start3A_42 = tpu.memref_squeeze %dma_start3A_41 : memref<1x160x128xi32, #tpu.memory_space<hbm>> -> memref<160x128xi32, #tpu.memory_space<hbm>>
        %dma_start3A_43 = arith.constant 0 : i32
        %dma_start3A_44 = arith.constant 0 : i32
        %dma_start3A_45 = tpu.memref_slice %dma_start3A_42[%dma_start3A_43, %dma_start3A_44] : memref<160x128xi32, #tpu.memory_space<hbm>> -> memref<80x128xi32, #tpu.memory_space<hbm>>
        %dma_start3A_46 = arith.constant 0 : i32
        %dma_start3A_47 = arith.constant 0 : i32
        %dma_start3A_48 = tpu.memref_slice %arg7[%dma_start3A_46, %dma_start3A_47] : memref<80x128xi32, #tpu.memory_space<vmem>> -> memref<80x128xi32, #tpu.memory_space<vmem>>
        %dma_start3A_49 = arith.constant 0 : i32
        %dma_start3A_50 = arith.constant 0 : i32
        %dma_start3A_51 = tpu.memref_slice %arg3[%arg1, %dma_start3A_49, %dma_start3A_50] : memref<16x160x128xi32, #tpu.memory_space<hbm>> -> memref<1x160x128xi32, #tpu.memory_space<hbm>>
        %dma_start3A_52 = tpu.memref_squeeze %dma_start3A_51 : memref<1x160x128xi32, #tpu.memory_space<hbm>> -> memref<160x128xi32, #tpu.memory_space<hbm>>
        %dma_start3A_53 = arith.constant 0 : i32
        %dma_start3A_54 = arith.constant 0 : i32
        %dma_start3A_55 = tpu.memref_slice %dma_start3A_52[%dma_start3A_53, %dma_start3A_54] : memref<160x128xi32, #tpu.memory_space<hbm>> -> memref<80x128xi32, #tpu.memory_space<hbm>>
        tpu.enqueue_dma source(%dma_start3A_55 : memref<80x128xi32, #tpu.memory_space<hbm>>) target(%dma_start3A_48 : memref<80x128xi32, #tpu.memory_space<vmem>>) target_semaphore(%run_scoped3A : memref<!tpu.dma_semaphore, #tpu.memory_space<semaphore_mem>>)
        %dma_wait3A_56 = arith.constant 0 : i32
        %dma_wait3A_57 = arith.constant 0 : i32
        %dma_wait3A_58 = tpu.memref_slice %arg7[%dma_wait3A_56, %dma_wait3A_57] : memref<80x128xi32, #tpu.memory_space<vmem>> -> memref<80x128xi32, #tpu.memory_space<vmem>>
        %dma_wait3A_59 = arith.constant 0 : i32
        %dma_wait3A_60 = arith.constant 0 : i32
        %dma_wait3A_61 = tpu.memref_slice %arg3[%arg1, %dma_wait3A_59, %dma_wait3A_60] : memref<16x160x128xi32, #tpu.memory_space<hbm>> -> memref<1x160x128xi32, #tpu.memory_space<hbm>>
        %dma_wait3A_62 = tpu.memref_squeeze %dma_wait3A_61 : memref<1x160x128xi32, #tpu.memory_space<hbm>> -> memref<160x128xi32, #tpu.memory_space<hbm>>
        %dma_wait3A_63 = arith.constant 0 : i32
        %dma_wait3A_64 = arith.constant 0 : i32
        %dma_wait3A_65 = tpu.memref_slice %dma_wait3A_62[%dma_wait3A_63, %dma_wait3A_64] : memref<160x128xi32, #tpu.memory_space<hbm>> -> memref<80x128xi32, #tpu.memory_space<hbm>>
        %dma_wait3A_66 = arith.constant 0 : i32
        %dma_wait3A_67 = arith.constant 0 : i32
        %dma_wait3A_68 = tpu.memref_slice %arg7[%dma_wait3A_66, %dma_wait3A_67] : memref<80x128xi32, #tpu.memory_space<vmem>> -> memref<80x128xi32, #tpu.memory_space<vmem>>
        %dma_wait3A_69 = arith.constant 0 : i32
        %dma_wait3A_70 = arith.constant 0 : i32
        %dma_wait3A_71 = tpu.memref_slice %arg3[%arg1, %dma_wait3A_69, %dma_wait3A_70] : memref<16x160x128xi32, #tpu.memory_space<hbm>> -> memref<1x160x128xi32, #tpu.memory_space<hbm>>
        %dma_wait3A_72 = tpu.memref_squeeze %dma_wait3A_71 : memref<1x160x128xi32, #tpu.memory_space<hbm>> -> memref<160x128xi32, #tpu.memory_space<hbm>>
        %dma_wait3A_73 = arith.constant 0 : i32
        %dma_wait3A_74 = arith.constant 0 : i32
        %dma_wait3A_75 = tpu.memref_slice %dma_wait3A_72[%dma_wait3A_73, %dma_wait3A_74] : memref<160x128xi32, #tpu.memory_space<hbm>> -> memref<80x128xi32, #tpu.memory_space<hbm>>
        tpu.wait_dma2 semaphore(%run_scoped3A : memref<!tpu.dma_semaphore, #tpu.memory_space<semaphore_mem>>) src(%dma_wait3A_75 : memref<80x128xi32, #tpu.memory_space<hbm>>) dst(%dma_wait3A_68 : memref<80x128xi32, #tpu.memory_space<vmem>>)
        tpu.yield
      }) : () -> ()
      "tpu.region"() ({
        %run_scoped3A = tpu.sem_alloc : memref<!tpu.dma_semaphore, #tpu.memory_space<semaphore_mem>>
        %dma_start3A_36 = arith.constant 0 : i32
        %dma_start3A_37 = arith.constant 0 : i32
        %dma_start3A_38 = tpu.memref_slice %arg8[%dma_start3A_36, %dma_start3A_37] : memref<80x128xi32, #tpu.memory_space<vmem>> -> memref<80x128xi32, #tpu.memory_space<vmem>>
        %dma_start3A_39 = arith.constant 0 : i32
        %dma_start3A_40 = arith.constant 0 : i32
        %dma_start3A_41 = tpu.memref_slice %arg4[%arg1, %dma_start3A_39, %dma_start3A_40] : memref<16x160x128xi32, #tpu.memory_space<hbm>> -> memref<1x160x128xi32, #tpu.memory_space<hbm>>
        %dma_start3A_42 = tpu.memref_squeeze %dma_start3A_41 : memref<1x160x128xi32, #tpu.memory_space<hbm>> -> memref<160x128xi32, #tpu.memory_space<hbm>>
        %dma_start3A_43 = arith.constant 0 : i32
        %dma_start3A_44 = arith.constant 0 : i32
        %dma_start3A_45 = tpu.memref_slice %dma_start3A_42[%dma_start3A_43, %dma_start3A_44] : memref<160x128xi32, #tpu.memory_space<hbm>> -> memref<80x128xi32, #tpu.memory_space<hbm>>
        %dma_start3A_46 = arith.constant 0 : i32
        %dma_start3A_47 = arith.constant 0 : i32
        %dma_start3A_48 = tpu.memref_slice %arg8[%dma_start3A_46, %dma_start3A_47] : memref<80x128xi32, #tpu.memory_space<vmem>> -> memref<80x128xi32, #tpu.memory_space<vmem>>
        %dma_start3A_49 = arith.constant 0 : i32
        %dma_start3A_50 = arith.constant 0 : i32
        %dma_start3A_51 = tpu.memref_slice %arg4[%arg1, %dma_start3A_49, %dma_start3A_50] : memref<16x160x128xi32, #tpu.memory_space<hbm>> -> memref<1x160x128xi32, #tpu.memory_space<hbm>>
        %dma_start3A_52 = tpu.memref_squeeze %dma_start3A_51 : memref<1x160x128xi32, #tpu.memory_space<hbm>> -> memref<160x128xi32, #tpu.memory_space<hbm>>
        %dma_start3A_53 = arith.constant 0 : i32
        %dma_start3A_54 = arith.constant 0 : i32
        %dma_start3A_55 = tpu.memref_slice %dma_start3A_52[%dma_start3A_53, %dma_start3A_54] : memref<160x128xi32, #tpu.memory_space<hbm>> -> memref<80x128xi32, #tpu.memory_space<hbm>>
        tpu.enqueue_dma source(%dma_start3A_55 : memref<80x128xi32, #tpu.memory_space<hbm>>) target(%dma_start3A_48 : memref<80x128xi32, #tpu.memory_space<vmem>>) target_semaphore(%run_scoped3A : memref<!tpu.dma_semaphore, #tpu.memory_space<semaphore_mem>>)
        %dma_wait3A_56 = arith.constant 0 : i32
        %dma_wait3A_57 = arith.constant 0 : i32
        %dma_wait3A_58 = tpu.memref_slice %arg8[%dma_wait3A_56, %dma_wait3A_57] : memref<80x128xi32, #tpu.memory_space<vmem>> -> memref<80x128xi32, #tpu.memory_space<vmem>>
        %dma_wait3A_59 = arith.constant 0 : i32
        %dma_wait3A_60 = arith.constant 0 : i32
        %dma_wait3A_61 = tpu.memref_slice %arg4[%arg1, %dma_wait3A_59, %dma_wait3A_60] : memref<16x160x128xi32, #tpu.memory_space<hbm>> -> memref<1x160x128xi32, #tpu.memory_space<hbm>>
        %dma_wait3A_62 = tpu.memref_squeeze %dma_wait3A_61 : memref<1x160x128xi32, #tpu.memory_space<hbm>> -> memref<160x128xi32, #tpu.memory_space<hbm>>
        %dma_wait3A_63 = arith.constant 0 : i32
        %dma_wait3A_64 = arith.constant 0 : i32
        %dma_wait3A_65 = tpu.memref_slice %dma_wait3A_62[%dma_wait3A_63, %dma_wait3A_64] : memref<160x128xi32, #tpu.memory_space<hbm>> -> memref<80x128xi32, #tpu.memory_space<hbm>>
        %dma_wait3A_66 = arith.constant 0 : i32
        %dma_wait3A_67 = arith.constant 0 : i32
        %dma_wait3A_68 = tpu.memref_slice %arg8[%dma_wait3A_66, %dma_wait3A_67] : memref<80x128xi32, #tpu.memory_space<vmem>> -> memref<80x128xi32, #tpu.memory_space<vmem>>
        %dma_wait3A_69 = arith.constant 0 : i32
        %dma_wait3A_70 = arith.constant 0 : i32
        %dma_wait3A_71 = tpu.memref_slice %arg4[%arg1, %dma_wait3A_69, %dma_wait3A_70] : memref<16x160x128xi32, #tpu.memory_space<hbm>> -> memref<1x160x128xi32, #tpu.memory_space<hbm>>
        %dma_wait3A_72 = tpu.memref_squeeze %dma_wait3A_71 : memref<1x160x128xi32, #tpu.memory_space<hbm>> -> memref<160x128xi32, #tpu.memory_space<hbm>>
        %dma_wait3A_73 = arith.constant 0 : i32
        %dma_wait3A_74 = arith.constant 0 : i32
        %dma_wait3A_75 = tpu.memref_slice %dma_wait3A_72[%dma_wait3A_73, %dma_wait3A_74] : memref<160x128xi32, #tpu.memory_space<hbm>> -> memref<80x128xi32, #tpu.memory_space<hbm>>
        tpu.wait_dma2 semaphore(%run_scoped3A : memref<!tpu.dma_semaphore, #tpu.memory_space<semaphore_mem>>) src(%dma_wait3A_75 : memref<80x128xi32, #tpu.memory_space<hbm>>) dst(%dma_wait3A_68 : memref<80x128xi32, #tpu.memory_space<vmem>>)
        tpu.yield
      }) : () -> ()
      %dma_start3A = arith.constant 0 : i32
      %dma_start3A_19 = arith.constant 0 : i32
      %dma_start3A_20 = tpu.memref_slice %arg7[%dma_start3A, %dma_start3A_19] : memref<80x128xi32, #tpu.memory_space<vmem>> -> memref<1x128xi32, #tpu.memory_space<vmem>>
      %dma_start3A_21 = tpu.memref_squeeze %dma_start3A_20 : memref<1x128xi32, #tpu.memory_space<vmem>> -> memref<128xi32, #tpu.memory_space<vmem>>
      %dma_start3A_22 = arith.constant 0 : i32
      %dma_start3A_23 = arith.constant 0 : i32
      %dma_start3A_24 = tpu.memref_slice %arg11[%dma_start3A_22, %dma_start3A_23] : memref<10240x64xf32, #tpu.memory_space<vmem_shared>> -> memref<10240x64xf32, #tpu.memory_space<vmem_shared>>
      tpu.enqueue_indirect_dma source(%dma_start3A_24 : memref<10240x64xf32, #tpu.memory_space<vmem_shared>>) target(%arg9 : memref<128x64xf32, #tpu.memory_space<vmem>>) offsets(%dma_start3A_21 : memref<128xi32, #tpu.memory_space<vmem>>) semaphore(%arg13 : memref<!tpu.dma_semaphore, #tpu.memory_space<semaphore_mem>>)
      %scan3A = arith.constant 0 : i32
      %scan3A_25 = arith.constant 0 : i32
      %scan3A_26 = arith.constant 40 : i32
      %scan3A_27 = arith.addi %scan3A_25, %scan3A_26 : i32
      %scan3A_28 = arith.constant 1 : i32
      scf.for %scan3A_36 = %scan3A_25 to %scan3A_27 step %scan3A_28  : i32 {
        %mul3A_37 = arith.constant 2 : i32
        %mul3A_38 = arith.muli %scan3A_36, %mul3A_37 : i32
        %add3A = arith.constant 0 : i32
        %add3A_39 = arith.addi %mul3A_38, %add3A : i32
        %dma_wait3A_40 = arith.constant 0 : i32
        %dma_wait3A_41 = tpu.memref_slice %arg7[%add3A_39, %dma_wait3A_40] : memref<80x128xi32, #tpu.memory_space<vmem>> -> memref<1x128xi32, #tpu.memory_space<vmem>>
        %dma_wait3A_42 = tpu.memref_squeeze %dma_wait3A_41 : memref<1x128xi32, #tpu.memory_space<vmem>> -> memref<128xi32, #tpu.memory_space<vmem>>
        %dma_wait3A_43 = arith.constant 0 : i32
        %dma_wait3A_44 = arith.constant 0 : i32
        %dma_wait3A_45 = tpu.memref_slice %arg11[%dma_wait3A_43, %dma_wait3A_44] : memref<10240x64xf32, #tpu.memory_space<vmem_shared>> -> memref<10240x64xf32, #tpu.memory_space<vmem_shared>>
        tpu.wait_indirect_dma semaphore(%arg13 : memref<!tpu.dma_semaphore, #tpu.memory_space<semaphore_mem>>) src(%dma_wait3A_45 : memref<10240x64xf32, #tpu.memory_space<vmem_shared>>) dst(%arg9 : memref<128x64xf32, #tpu.memory_space<vmem>>)
        %dma_start3A_46 = arith.constant 0 : i32
        %dma_start3A_47 = tpu.memref_slice %arg8[%add3A_39, %dma_start3A_46] : memref<80x128xi32, #tpu.memory_space<vmem>> -> memref<1x128xi32, #tpu.memory_space<vmem>>
        %dma_start3A_48 = tpu.memref_squeeze %dma_start3A_47 : memref<1x128xi32, #tpu.memory_space<vmem>> -> memref<128xi32, #tpu.memory_space<vmem>>
        %dma_start3A_49 = arith.constant 0 : i32
        %dma_start3A_50 = arith.constant 0 : i32
        %dma_start3A_51 = tpu.memref_slice %arg12[%dma_start3A_49, %dma_start3A_50] : memref<10240x64xf32, #tpu.memory_space<vmem_shared>> -> memref<10240x64xf32, #tpu.memory_space<vmem_shared>>
        tpu.enqueue_indirect_dma source(%arg9 : memref<128x64xf32, #tpu.memory_space<vmem>>) target(%dma_start3A_51 : memref<10240x64xf32, #tpu.memory_space<vmem_shared>>) offsets(%dma_start3A_48 : memref<128xi32, #tpu.memory_space<vmem>>) semaphore(%arg15 : memref<!tpu.dma_semaphore, #tpu.memory_space<semaphore_mem>>) {add = true}
        %ge3A = arith.constant 1 : i32
        %ge3A_52 = arith.cmpi sge, %add3A_39, %ge3A : i32
        %convert_element_type3A_53 = arith.extui %ge3A_52 : i1 to i32
        %cond3A_54 = arith.constant 0 : i32
        %cond3A_55 = arith.cmpi ne, %convert_element_type3A_53, %cond3A_54 : i32
        scf.if %cond3A_55 {
          %sub3A = arith.constant 1 : i32
          %sub3A_90 = arith.subi %add3A_39, %sub3A : i32
          %dma_wait3A_91 = arith.constant 0 : i32
          %dma_wait3A_92 = tpu.memref_slice %arg8[%sub3A_90, %dma_wait3A_91] : memref<80x128xi32, #tpu.memory_space<vmem>> -> memref<1x128xi32, #tpu.memory_space<vmem>>
          %dma_wait3A_93 = tpu.memref_squeeze %dma_wait3A_92 : memref<1x128xi32, #tpu.memory_space<vmem>> -> memref<128xi32, #tpu.memory_space<vmem>>
          %dma_wait3A_94 = arith.constant 0 : i32
          %dma_wait3A_95 = arith.constant 0 : i32
          %dma_wait3A_96 = tpu.memref_slice %arg12[%dma_wait3A_94, %dma_wait3A_95] : memref<10240x64xf32, #tpu.memory_space<vmem_shared>> -> memref<10240x64xf32, #tpu.memory_space<vmem_shared>>
          tpu.wait_indirect_dma semaphore(%arg16 : memref<!tpu.dma_semaphore, #tpu.memory_space<semaphore_mem>>) src(%arg10 : memref<128x64xf32, #tpu.memory_space<vmem>>) dst(%dma_wait3A_96 : memref<10240x64xf32, #tpu.memory_space<vmem_shared>>)
        } else {
        }
        %add3A_56 = arith.constant 1 : i32
        %add3A_57 = arith.addi %add3A_39, %add3A_56 : i32
        %lt3A = arith.constant 80 : i32
        %lt3A_58 = arith.cmpi slt, %add3A_57, %lt3A : i32
        %convert_element_type3A_59 = arith.extui %lt3A_58 : i1 to i32
        %cond3A_60 = arith.constant 0 : i32
        %cond3A_61 = arith.cmpi ne, %convert_element_type3A_59, %cond3A_60 : i32
        scf.if %cond3A_61 {
          %add3A_90 = arith.constant 1 : i32
          %add3A_91 = arith.addi %add3A_39, %add3A_90 : i32
          %dma_start3A_92 = arith.constant 0 : i32
          %dma_start3A_93 = tpu.memref_slice %arg7[%add3A_91, %dma_start3A_92] : memref<80x128xi32, #tpu.memory_space<vmem>> -> memref<1x128xi32, #tpu.memory_space<vmem>>
          %dma_start3A_94 = tpu.memref_squeeze %dma_start3A_93 : memref<1x128xi32, #tpu.memory_space<vmem>> -> memref<128xi32, #tpu.memory_space<vmem>>
          %dma_start3A_95 = arith.constant 0 : i32
          %dma_start3A_96 = arith.constant 0 : i32
          %dma_start3A_97 = tpu.memref_slice %arg11[%dma_start3A_95, %dma_start3A_96] : memref<10240x64xf32, #tpu.memory_space<vmem_shared>> -> memref<10240x64xf32, #tpu.memory_space<vmem_shared>>
          tpu.enqueue_indirect_dma source(%dma_start3A_97 : memref<10240x64xf32, #tpu.memory_space<vmem_shared>>) target(%arg10 : memref<128x64xf32, #tpu.memory_space<vmem>>) offsets(%dma_start3A_94 : memref<128xi32, #tpu.memory_space<vmem>>) semaphore(%arg14 : memref<!tpu.dma_semaphore, #tpu.memory_space<semaphore_mem>>)
        } else {
        }
        %mul3A_62 = arith.constant 2 : i32
        %mul3A_63 = arith.muli %scan3A_36, %mul3A_62 : i32
        %add3A_64 = arith.constant 1 : i32
        %add3A_65 = arith.addi %mul3A_63, %add3A_64 : i32
        %dma_wait3A_66 = arith.constant 0 : i32
        %dma_wait3A_67 = tpu.memref_slice %arg7[%add3A_65, %dma_wait3A_66] : memref<80x128xi32, #tpu.memory_space<vmem>> -> memref<1x128xi32, #tpu.memory_space<vmem>>
        %dma_wait3A_68 = tpu.memref_squeeze %dma_wait3A_67 : memref<1x128xi32, #tpu.memory_space<vmem>> -> memref<128xi32, #tpu.memory_space<vmem>>
        %dma_wait3A_69 = arith.constant 0 : i32
        %dma_wait3A_70 = arith.constant 0 : i32
        %dma_wait3A_71 = tpu.memref_slice %arg11[%dma_wait3A_69, %dma_wait3A_70] : memref<10240x64xf32, #tpu.memory_space<vmem_shared>> -> memref<10240x64xf32, #tpu.memory_space<vmem_shared>>
        tpu.wait_indirect_dma semaphore(%arg14 : memref<!tpu.dma_semaphore, #tpu.memory_space<semaphore_mem>>) src(%dma_wait3A_71 : memref<10240x64xf32, #tpu.memory_space<vmem_shared>>) dst(%arg10 : memref<128x64xf32, #tpu.memory_space<vmem>>)
        %dma_start3A_72 = arith.constant 0 : i32
        %dma_start3A_73 = tpu.memref_slice %arg8[%add3A_65, %dma_start3A_72] : memref<80x128xi32, #tpu.memory_space<vmem>> -> memref<1x128xi32, #tpu.memory_space<vmem>>
        %dma_start3A_74 = tpu.memref_squeeze %dma_start3A_73 : memref<1x128xi32, #tpu.memory_space<vmem>> -> memref<128xi32, #tpu.memory_space<vmem>>
        %dma_start3A_75 = arith.constant 0 : i32
        %dma_start3A_76 = arith.constant 0 : i32
        %dma_start3A_77 = tpu.memref_slice %arg12[%dma_start3A_75, %dma_start3A_76] : memref<10240x64xf32, #tpu.memory_space<vmem_shared>> -> memref<10240x64xf32, #tpu.memory_space<vmem_shared>>
        tpu.enqueue_indirect_dma source(%arg10 : memref<128x64xf32, #tpu.memory_space<vmem>>) target(%dma_start3A_77 : memref<10240x64xf32, #tpu.memory_space<vmem_shared>>) offsets(%dma_start3A_74 : memref<128xi32, #tpu.memory_space<vmem>>) semaphore(%arg16 : memref<!tpu.dma_semaphore, #tpu.memory_space<semaphore_mem>>) {add = true}
        %ge3A_78 = arith.constant 1 : i32
        %ge3A_79 = arith.cmpi sge, %add3A_65, %ge3A_78 : i32
        %convert_element_type3A_80 = arith.extui %ge3A_79 : i1 to i32
        %cond3A_81 = arith.constant 0 : i32
        %cond3A_82 = arith.cmpi ne, %convert_element_type3A_80, %cond3A_81 : i32
        scf.if %cond3A_82 {
          %sub3A = arith.constant 1 : i32
          %sub3A_90 = arith.subi %add3A_65, %sub3A : i32
          %dma_wait3A_91 = arith.constant 0 : i32
          %dma_wait3A_92 = tpu.memref_slice %arg8[%sub3A_90, %dma_wait3A_91] : memref<80x128xi32, #tpu.memory_space<vmem>> -> memref<1x128xi32, #tpu.memory_space<vmem>>
          %dma_wait3A_93 = tpu.memref_squeeze %dma_wait3A_92 : memref<1x128xi32, #tpu.memory_space<vmem>> -> memref<128xi32, #tpu.memory_space<vmem>>
          %dma_wait3A_94 = arith.constant 0 : i32
          %dma_wait3A_95 = arith.constant 0 : i32
          %dma_wait3A_96 = tpu.memref_slice %arg12[%dma_wait3A_94, %dma_wait3A_95] : memref<10240x64xf32, #tpu.memory_space<vmem_shared>> -> memref<10240x64xf32, #tpu.memory_space<vmem_shared>>
          tpu.wait_indirect_dma semaphore(%arg15 : memref<!tpu.dma_semaphore, #tpu.memory_space<semaphore_mem>>) src(%arg9 : memref<128x64xf32, #tpu.memory_space<vmem>>) dst(%dma_wait3A_96 : memref<10240x64xf32, #tpu.memory_space<vmem_shared>>)
        } else {
        }
        %add3A_83 = arith.constant 1 : i32
        %add3A_84 = arith.addi %add3A_65, %add3A_83 : i32
        %lt3A_85 = arith.constant 80 : i32
        %lt3A_86 = arith.cmpi slt, %add3A_84, %lt3A_85 : i32
        %convert_element_type3A_87 = arith.extui %lt3A_86 : i1 to i32
        %cond3A_88 = arith.constant 0 : i32
        %cond3A_89 = arith.cmpi ne, %convert_element_type3A_87, %cond3A_88 : i32
        scf.if %cond3A_89 {
          %add3A_90 = arith.constant 1 : i32
          %add3A_91 = arith.addi %add3A_65, %add3A_90 : i32
          %dma_start3A_92 = arith.constant 0 : i32
          %dma_start3A_93 = tpu.memref_slice %arg7[%add3A_91, %dma_start3A_92] : memref<80x128xi32, #tpu.memory_space<vmem>> -> memref<1x128xi32, #tpu.memory_space<vmem>>
          %dma_start3A_94 = tpu.memref_squeeze %dma_start3A_93 : memref<1x128xi32, #tpu.memory_space<vmem>> -> memref<128xi32, #tpu.memory_space<vmem>>
          %dma_start3A_95 = arith.constant 0 : i32
          %dma_start3A_96 = arith.constant 0 : i32
          %dma_start3A_97 = tpu.memref_slice %arg11[%dma_start3A_95, %dma_start3A_96] : memref<10240x64xf32, #tpu.memory_space<vmem_shared>> -> memref<10240x64xf32, #tpu.memory_space<vmem_shared>>
          tpu.enqueue_indirect_dma source(%dma_start3A_97 : memref<10240x64xf32, #tpu.memory_space<vmem_shared>>) target(%arg9 : memref<128x64xf32, #tpu.memory_space<vmem>>) offsets(%dma_start3A_94 : memref<128xi32, #tpu.memory_space<vmem>>) semaphore(%arg13 : memref<!tpu.dma_semaphore, #tpu.memory_space<semaphore_mem>>)
        } else {
        }
      }
      %scan3A_29 = arith.constant 40 : i32
      %dma_wait3A = arith.constant 79 : i32
      %dma_wait3A_30 = arith.constant 0 : i32
      %dma_wait3A_31 = tpu.memref_slice %arg8[%dma_wait3A, %dma_wait3A_30] : memref<80x128xi32, #tpu.memory_space<vmem>> -> memref<1x128xi32, #tpu.memory_space<vmem>>
      %dma_wait3A_32 = tpu.memref_squeeze %dma_wait3A_31 : memref<1x128xi32, #tpu.memory_space<vmem>> -> memref<128xi32, #tpu.memory_space<vmem>>
      %dma_wait3A_33 = arith.constant 0 : i32
      %dma_wait3A_34 = arith.constant 0 : i32
      %dma_wait3A_35 = tpu.memref_slice %arg12[%dma_wait3A_33, %dma_wait3A_34] : memref<10240x64xf32, #tpu.memory_space<vmem_shared>> -> memref<10240x64xf32, #tpu.memory_space<vmem_shared>>
      tpu.wait_indirect_dma semaphore(%arg16 : memref<!tpu.dma_semaphore, #tpu.memory_space<semaphore_mem>>) src(%arg10 : memref<128x64xf32, #tpu.memory_space<vmem>>) dst(%dma_wait3A_35 : memref<10240x64xf32, #tpu.memory_space<vmem_shared>>)
    } else {
    }
    %eq3A_9 = arith.constant 1 : i32
    %eq3A_10 = arith.cmpi eq, %arg0, %eq3A_9 : i32
    %convert_element_type3A_11 = arith.extui %eq3A_10 : i1 to i32
    %cond3A_12 = arith.constant 0 : i32
    %cond3A_13 = arith.cmpi ne, %convert_element_type3A_11, %cond3A_12 : i32
    scf.if %cond3A_13 {
      "tpu.region"() ({
        %run_scoped3A = tpu.sem_alloc : memref<!tpu.dma_semaphore, #tpu.memory_space<semaphore_mem>>
        %dma_start3A_36 = arith.constant 0 : i32
        %dma_start3A_37 = arith.constant 0 : i32
        %dma_start3A_38 = tpu.memref_slice %arg7[%dma_start3A_36, %dma_start3A_37] : memref<80x128xi32, #tpu.memory_space<vmem>> -> memref<80x128xi32, #tpu.memory_space<vmem>>
        %dma_start3A_39 = arith.constant 0 : i32
        %dma_start3A_40 = arith.constant 0 : i32
        %dma_start3A_41 = tpu.memref_slice %arg3[%arg1, %dma_start3A_39, %dma_start3A_40] : memref<16x160x128xi32, #tpu.memory_space<hbm>> -> memref<1x160x128xi32, #tpu.memory_space<hbm>>
        %dma_start3A_42 = tpu.memref_squeeze %dma_start3A_41 : memref<1x160x128xi32, #tpu.memory_space<hbm>> -> memref<160x128xi32, #tpu.memory_space<hbm>>
        %dma_start3A_43 = arith.constant 80 : i32
        %dma_start3A_44 = arith.constant 0 : i32
        %dma_start3A_45 = tpu.memref_slice %dma_start3A_42[%dma_start3A_43, %dma_start3A_44] : memref<160x128xi32, #tpu.memory_space<hbm>> -> memref<80x128xi32, #tpu.memory_space<hbm>>
        %dma_start3A_46 = arith.constant 0 : i32
        %dma_start3A_47 = arith.constant 0 : i32
        %dma_start3A_48 = tpu.memref_slice %arg7[%dma_start3A_46, %dma_start3A_47] : memref<80x128xi32, #tpu.memory_space<vmem>> -> memref<80x128xi32, #tpu.memory_space<vmem>>
        %dma_start3A_49 = arith.constant 0 : i32
        %dma_start3A_50 = arith.constant 0 : i32
        %dma_start3A_51 = tpu.memref_slice %arg3[%arg1, %dma_start3A_49, %dma_start3A_50] : memref<16x160x128xi32, #tpu.memory_space<hbm>> -> memref<1x160x128xi32, #tpu.memory_space<hbm>>
        %dma_start3A_52 = tpu.memref_squeeze %dma_start3A_51 : memref<1x160x128xi32, #tpu.memory_space<hbm>> -> memref<160x128xi32, #tpu.memory_space<hbm>>
        %dma_start3A_53 = arith.constant 80 : i32
        %dma_start3A_54 = arith.constant 0 : i32
        %dma_start3A_55 = tpu.memref_slice %dma_start3A_52[%dma_start3A_53, %dma_start3A_54] : memref<160x128xi32, #tpu.memory_space<hbm>> -> memref<80x128xi32, #tpu.memory_space<hbm>>
        tpu.enqueue_dma source(%dma_start3A_55 : memref<80x128xi32, #tpu.memory_space<hbm>>) target(%dma_start3A_48 : memref<80x128xi32, #tpu.memory_space<vmem>>) target_semaphore(%run_scoped3A : memref<!tpu.dma_semaphore, #tpu.memory_space<semaphore_mem>>)
        %dma_wait3A_56 = arith.constant 0 : i32
        %dma_wait3A_57 = arith.constant 0 : i32
        %dma_wait3A_58 = tpu.memref_slice %arg7[%dma_wait3A_56, %dma_wait3A_57] : memref<80x128xi32, #tpu.memory_space<vmem>> -> memref<80x128xi32, #tpu.memory_space<vmem>>
        %dma_wait3A_59 = arith.constant 0 : i32
        %dma_wait3A_60 = arith.constant 0 : i32
        %dma_wait3A_61 = tpu.memref_slice %arg3[%arg1, %dma_wait3A_59, %dma_wait3A_60] : memref<16x160x128xi32, #tpu.memory_space<hbm>> -> memref<1x160x128xi32, #tpu.memory_space<hbm>>
        %dma_wait3A_62 = tpu.memref_squeeze %dma_wait3A_61 : memref<1x160x128xi32, #tpu.memory_space<hbm>> -> memref<160x128xi32, #tpu.memory_space<hbm>>
        %dma_wait3A_63 = arith.constant 80 : i32
        %dma_wait3A_64 = arith.constant 0 : i32
        %dma_wait3A_65 = tpu.memref_slice %dma_wait3A_62[%dma_wait3A_63, %dma_wait3A_64] : memref<160x128xi32, #tpu.memory_space<hbm>> -> memref<80x128xi32, #tpu.memory_space<hbm>>
        %dma_wait3A_66 = arith.constant 0 : i32
        %dma_wait3A_67 = arith.constant 0 : i32
        %dma_wait3A_68 = tpu.memref_slice %arg7[%dma_wait3A_66, %dma_wait3A_67] : memref<80x128xi32, #tpu.memory_space<vmem>> -> memref<80x128xi32, #tpu.memory_space<vmem>>
        %dma_wait3A_69 = arith.constant 0 : i32
        %dma_wait3A_70 = arith.constant 0 : i32
        %dma_wait3A_71 = tpu.memref_slice %arg3[%arg1, %dma_wait3A_69, %dma_wait3A_70] : memref<16x160x128xi32, #tpu.memory_space<hbm>> -> memref<1x160x128xi32, #tpu.memory_space<hbm>>
        %dma_wait3A_72 = tpu.memref_squeeze %dma_wait3A_71 : memref<1x160x128xi32, #tpu.memory_space<hbm>> -> memref<160x128xi32, #tpu.memory_space<hbm>>
        %dma_wait3A_73 = arith.constant 80 : i32
        %dma_wait3A_74 = arith.constant 0 : i32
        %dma_wait3A_75 = tpu.memref_slice %dma_wait3A_72[%dma_wait3A_73, %dma_wait3A_74] : memref<160x128xi32, #tpu.memory_space<hbm>> -> memref<80x128xi32, #tpu.memory_space<hbm>>
        tpu.wait_dma2 semaphore(%run_scoped3A : memref<!tpu.dma_semaphore, #tpu.memory_space<semaphore_mem>>) src(%dma_wait3A_75 : memref<80x128xi32, #tpu.memory_space<hbm>>) dst(%dma_wait3A_68 : memref<80x128xi32, #tpu.memory_space<vmem>>)
        tpu.yield
      }) : () -> ()
      "tpu.region"() ({
        %run_scoped3A = tpu.sem_alloc : memref<!tpu.dma_semaphore, #tpu.memory_space<semaphore_mem>>
        %dma_start3A_36 = arith.constant 0 : i32
        %dma_start3A_37 = arith.constant 0 : i32
        %dma_start3A_38 = tpu.memref_slice %arg8[%dma_start3A_36, %dma_start3A_37] : memref<80x128xi32, #tpu.memory_space<vmem>> -> memref<80x128xi32, #tpu.memory_space<vmem>>
        %dma_start3A_39 = arith.constant 0 : i32
        %dma_start3A_40 = arith.constant 0 : i32
        %dma_start3A_41 = tpu.memref_slice %arg4[%arg1, %dma_start3A_39, %dma_start3A_40] : memref<16x160x128xi32, #tpu.memory_space<hbm>> -> memref<1x160x128xi32, #tpu.memory_space<hbm>>
        %dma_start3A_42 = tpu.memref_squeeze %dma_start3A_41 : memref<1x160x128xi32, #tpu.memory_space<hbm>> -> memref<160x128xi32, #tpu.memory_space<hbm>>
        %dma_start3A_43 = arith.constant 80 : i32
        %dma_start3A_44 = arith.constant 0 : i32
        %dma_start3A_45 = tpu.memref_slice %dma_start3A_42[%dma_start3A_43, %dma_start3A_44] : memref<160x128xi32, #tpu.memory_space<hbm>> -> memref<80x128xi32, #tpu.memory_space<hbm>>
        %dma_start3A_46 = arith.constant 0 : i32
        %dma_start3A_47 = arith.constant 0 : i32
        %dma_start3A_48 = tpu.memref_slice %arg8[%dma_start3A_46, %dma_start3A_47] : memref<80x128xi32, #tpu.memory_space<vmem>> -> memref<80x128xi32, #tpu.memory_space<vmem>>
        %dma_start3A_49 = arith.constant 0 : i32
        %dma_start3A_50 = arith.constant 0 : i32
        %dma_start3A_51 = tpu.memref_slice %arg4[%arg1, %dma_start3A_49, %dma_start3A_50] : memref<16x160x128xi32, #tpu.memory_space<hbm>> -> memref<1x160x128xi32, #tpu.memory_space<hbm>>
        %dma_start3A_52 = tpu.memref_squeeze %dma_start3A_51 : memref<1x160x128xi32, #tpu.memory_space<hbm>> -> memref<160x128xi32, #tpu.memory_space<hbm>>
        %dma_start3A_53 = arith.constant 80 : i32
        %dma_start3A_54 = arith.constant 0 : i32
        %dma_start3A_55 = tpu.memref_slice %dma_start3A_52[%dma_start3A_53, %dma_start3A_54] : memref<160x128xi32, #tpu.memory_space<hbm>> -> memref<80x128xi32, #tpu.memory_space<hbm>>
        tpu.enqueue_dma source(%dma_start3A_55 : memref<80x128xi32, #tpu.memory_space<hbm>>) target(%dma_start3A_48 : memref<80x128xi32, #tpu.memory_space<vmem>>) target_semaphore(%run_scoped3A : memref<!tpu.dma_semaphore, #tpu.memory_space<semaphore_mem>>)
        %dma_wait3A_56 = arith.constant 0 : i32
        %dma_wait3A_57 = arith.constant 0 : i32
        %dma_wait3A_58 = tpu.memref_slice %arg8[%dma_wait3A_56, %dma_wait3A_57] : memref<80x128xi32, #tpu.memory_space<vmem>> -> memref<80x128xi32, #tpu.memory_space<vmem>>
        %dma_wait3A_59 = arith.constant 0 : i32
        %dma_wait3A_60 = arith.constant 0 : i32
        %dma_wait3A_61 = tpu.memref_slice %arg4[%arg1, %dma_wait3A_59, %dma_wait3A_60] : memref<16x160x128xi32, #tpu.memory_space<hbm>> -> memref<1x160x128xi32, #tpu.memory_space<hbm>>
        %dma_wait3A_62 = tpu.memref_squeeze %dma_wait3A_61 : memref<1x160x128xi32, #tpu.memory_space<hbm>> -> memref<160x128xi32, #tpu.memory_space<hbm>>
        %dma_wait3A_63 = arith.constant 80 : i32
        %dma_wait3A_64 = arith.constant 0 : i32
        %dma_wait3A_65 = tpu.memref_slice %dma_wait3A_62[%dma_wait3A_63, %dma_wait3A_64] : memref<160x128xi32, #tpu.memory_space<hbm>> -> memref<80x128xi32, #tpu.memory_space<hbm>>
        %dma_wait3A_66 = arith.constant 0 : i32
        %dma_wait3A_67 = arith.constant 0 : i32
        %dma_wait3A_68 = tpu.memref_slice %arg8[%dma_wait3A_66, %dma_wait3A_67] : memref<80x128xi32, #tpu.memory_space<vmem>> -> memref<80x128xi32, #tpu.memory_space<vmem>>
        %dma_wait3A_69 = arith.constant 0 : i32
        %dma_wait3A_70 = arith.constant 0 : i32
        %dma_wait3A_71 = tpu.memref_slice %arg4[%arg1, %dma_wait3A_69, %dma_wait3A_70] : memref<16x160x128xi32, #tpu.memory_space<hbm>> -> memref<1x160x128xi32, #tpu.memory_space<hbm>>
        %dma_wait3A_72 = tpu.memref_squeeze %dma_wait3A_71 : memref<1x160x128xi32, #tpu.memory_space<hbm>> -> memref<160x128xi32, #tpu.memory_space<hbm>>
        %dma_wait3A_73 = arith.constant 80 : i32
        %dma_wait3A_74 = arith.constant 0 : i32
        %dma_wait3A_75 = tpu.memref_slice %dma_wait3A_72[%dma_wait3A_73, %dma_wait3A_74] : memref<160x128xi32, #tpu.memory_space<hbm>> -> memref<80x128xi32, #tpu.memory_space<hbm>>
        tpu.wait_dma2 semaphore(%run_scoped3A : memref<!tpu.dma_semaphore, #tpu.memory_space<semaphore_mem>>) src(%dma_wait3A_75 : memref<80x128xi32, #tpu.memory_space<hbm>>) dst(%dma_wait3A_68 : memref<80x128xi32, #tpu.memory_space<vmem>>)
        tpu.yield
      }) : () -> ()
      %dma_start3A = arith.constant 0 : i32
      %dma_start3A_19 = arith.constant 0 : i32
      %dma_start3A_20 = tpu.memref_slice %arg7[%dma_start3A, %dma_start3A_19] : memref<80x128xi32, #tpu.memory_space<vmem>> -> memref<1x128xi32, #tpu.memory_space<vmem>>
      %dma_start3A_21 = tpu.memref_squeeze %dma_start3A_20 : memref<1x128xi32, #tpu.memory_space<vmem>> -> memref<128xi32, #tpu.memory_space<vmem>>
      %dma_start3A_22 = arith.constant 0 : i32
      %dma_start3A_23 = arith.constant 0 : i32
      %dma_start3A_24 = tpu.memref_slice %arg11[%dma_start3A_22, %dma_start3A_23] : memref<10240x64xf32, #tpu.memory_space<vmem_shared>> -> memref<10240x64xf32, #tpu.memory_space<vmem_shared>>
      tpu.enqueue_indirect_dma source(%dma_start3A_24 : memref<10240x64xf32, #tpu.memory_space<vmem_shared>>) target(%arg9 : memref<128x64xf32, #tpu.memory_space<vmem>>) offsets(%dma_start3A_21 : memref<128xi32, #tpu.memory_space<vmem>>) semaphore(%arg13 : memref<!tpu.dma_semaphore, #tpu.memory_space<semaphore_mem>>)
      %scan3A = arith.constant 0 : i32
      %scan3A_25 = arith.constant 0 : i32
      %scan3A_26 = arith.constant 40 : i32
      %scan3A_27 = arith.addi %scan3A_25, %scan3A_26 : i32
      %scan3A_28 = arith.constant 1 : i32
      scf.for %scan3A_36 = %scan3A_25 to %scan3A_27 step %scan3A_28  : i32 {
        %mul3A_37 = arith.constant 2 : i32
        %mul3A_38 = arith.muli %scan3A_36, %mul3A_37 : i32
        %add3A = arith.constant 0 : i32
        %add3A_39 = arith.addi %mul3A_38, %add3A : i32
        %dma_wait3A_40 = arith.constant 0 : i32
        %dma_wait3A_41 = tpu.memref_slice %arg7[%add3A_39, %dma_wait3A_40] : memref<80x128xi32, #tpu.memory_space<vmem>> -> memref<1x128xi32, #tpu.memory_space<vmem>>
        %dma_wait3A_42 = tpu.memref_squeeze %dma_wait3A_41 : memref<1x128xi32, #tpu.memory_space<vmem>> -> memref<128xi32, #tpu.memory_space<vmem>>
        %dma_wait3A_43 = arith.constant 0 : i32
        %dma_wait3A_44 = arith.constant 0 : i32
        %dma_wait3A_45 = tpu.memref_slice %arg11[%dma_wait3A_43, %dma_wait3A_44] : memref<10240x64xf32, #tpu.memory_space<vmem_shared>> -> memref<10240x64xf32, #tpu.memory_space<vmem_shared>>
        tpu.wait_indirect_dma semaphore(%arg13 : memref<!tpu.dma_semaphore, #tpu.memory_space<semaphore_mem>>) src(%dma_wait3A_45 : memref<10240x64xf32, #tpu.memory_space<vmem_shared>>) dst(%arg9 : memref<128x64xf32, #tpu.memory_space<vmem>>)
        %dma_start3A_46 = arith.constant 0 : i32
        %dma_start3A_47 = tpu.memref_slice %arg8[%add3A_39, %dma_start3A_46] : memref<80x128xi32, #tpu.memory_space<vmem>> -> memref<1x128xi32, #tpu.memory_space<vmem>>
        %dma_start3A_48 = tpu.memref_squeeze %dma_start3A_47 : memref<1x128xi32, #tpu.memory_space<vmem>> -> memref<128xi32, #tpu.memory_space<vmem>>
        %dma_start3A_49 = arith.constant 0 : i32
        %dma_start3A_50 = arith.constant 0 : i32
        %dma_start3A_51 = tpu.memref_slice %arg12[%dma_start3A_49, %dma_start3A_50] : memref<10240x64xf32, #tpu.memory_space<vmem_shared>> -> memref<10240x64xf32, #tpu.memory_space<vmem_shared>>
        tpu.enqueue_indirect_dma source(%arg9 : memref<128x64xf32, #tpu.memory_space<vmem>>) target(%dma_start3A_51 : memref<10240x64xf32, #tpu.memory_space<vmem_shared>>) offsets(%dma_start3A_48 : memref<128xi32, #tpu.memory_space<vmem>>) semaphore(%arg15 : memref<!tpu.dma_semaphore, #tpu.memory_space<semaphore_mem>>) {add = true}
        %ge3A = arith.constant 1 : i32
        %ge3A_52 = arith.cmpi sge, %add3A_39, %ge3A : i32
        %convert_element_type3A_53 = arith.extui %ge3A_52 : i1 to i32
        %cond3A_54 = arith.constant 0 : i32
        %cond3A_55 = arith.cmpi ne, %convert_element_type3A_53, %cond3A_54 : i32
        scf.if %cond3A_55 {
          %sub3A = arith.constant 1 : i32
          %sub3A_90 = arith.subi %add3A_39, %sub3A : i32
          %dma_wait3A_91 = arith.constant 0 : i32
          %dma_wait3A_92 = tpu.memref_slice %arg8[%sub3A_90, %dma_wait3A_91] : memref<80x128xi32, #tpu.memory_space<vmem>> -> memref<1x128xi32, #tpu.memory_space<vmem>>
          %dma_wait3A_93 = tpu.memref_squeeze %dma_wait3A_92 : memref<1x128xi32, #tpu.memory_space<vmem>> -> memref<128xi32, #tpu.memory_space<vmem>>
          %dma_wait3A_94 = arith.constant 0 : i32
          %dma_wait3A_95 = arith.constant 0 : i32
          %dma_wait3A_96 = tpu.memref_slice %arg12[%dma_wait3A_94, %dma_wait3A_95] : memref<10240x64xf32, #tpu.memory_space<vmem_shared>> -> memref<10240x64xf32, #tpu.memory_space<vmem_shared>>
          tpu.wait_indirect_dma semaphore(%arg16 : memref<!tpu.dma_semaphore, #tpu.memory_space<semaphore_mem>>) src(%arg10 : memref<128x64xf32, #tpu.memory_space<vmem>>) dst(%dma_wait3A_96 : memref<10240x64xf32, #tpu.memory_space<vmem_shared>>)
        } else {
        }
        %add3A_56 = arith.constant 1 : i32
        %add3A_57 = arith.addi %add3A_39, %add3A_56 : i32
        %lt3A = arith.constant 80 : i32
        %lt3A_58 = arith.cmpi slt, %add3A_57, %lt3A : i32
        %convert_element_type3A_59 = arith.extui %lt3A_58 : i1 to i32
        %cond3A_60 = arith.constant 0 : i32
        %cond3A_61 = arith.cmpi ne, %convert_element_type3A_59, %cond3A_60 : i32
        scf.if %cond3A_61 {
          %add3A_90 = arith.constant 1 : i32
          %add3A_91 = arith.addi %add3A_39, %add3A_90 : i32
          %dma_start3A_92 = arith.constant 0 : i32
          %dma_start3A_93 = tpu.memref_slice %arg7[%add3A_91, %dma_start3A_92] : memref<80x128xi32, #tpu.memory_space<vmem>> -> memref<1x128xi32, #tpu.memory_space<vmem>>
          %dma_start3A_94 = tpu.memref_squeeze %dma_start3A_93 : memref<1x128xi32, #tpu.memory_space<vmem>> -> memref<128xi32, #tpu.memory_space<vmem>>
          %dma_start3A_95 = arith.constant 0 : i32
          %dma_start3A_96 = arith.constant 0 : i32
          %dma_start3A_97 = tpu.memref_slice %arg11[%dma_start3A_95, %dma_start3A_96] : memref<10240x64xf32, #tpu.memory_space<vmem_shared>> -> memref<10240x64xf32, #tpu.memory_space<vmem_shared>>
          tpu.enqueue_indirect_dma source(%dma_start3A_97 : memref<10240x64xf32, #tpu.memory_space<vmem_shared>>) target(%arg10 : memref<128x64xf32, #tpu.memory_space<vmem>>) offsets(%dma_start3A_94 : memref<128xi32, #tpu.memory_space<vmem>>) semaphore(%arg14 : memref<!tpu.dma_semaphore, #tpu.memory_space<semaphore_mem>>)
        } else {
        }
        %mul3A_62 = arith.constant 2 : i32
        %mul3A_63 = arith.muli %scan3A_36, %mul3A_62 : i32
        %add3A_64 = arith.constant 1 : i32
        %add3A_65 = arith.addi %mul3A_63, %add3A_64 : i32
        %dma_wait3A_66 = arith.constant 0 : i32
        %dma_wait3A_67 = tpu.memref_slice %arg7[%add3A_65, %dma_wait3A_66] : memref<80x128xi32, #tpu.memory_space<vmem>> -> memref<1x128xi32, #tpu.memory_space<vmem>>
        %dma_wait3A_68 = tpu.memref_squeeze %dma_wait3A_67 : memref<1x128xi32, #tpu.memory_space<vmem>> -> memref<128xi32, #tpu.memory_space<vmem>>
        %dma_wait3A_69 = arith.constant 0 : i32
        %dma_wait3A_70 = arith.constant 0 : i32
        %dma_wait3A_71 = tpu.memref_slice %arg11[%dma_wait3A_69, %dma_wait3A_70] : memref<10240x64xf32, #tpu.memory_space<vmem_shared>> -> memref<10240x64xf32, #tpu.memory_space<vmem_shared>>
        tpu.wait_indirect_dma semaphore(%arg14 : memref<!tpu.dma_semaphore, #tpu.memory_space<semaphore_mem>>) src(%dma_wait3A_71 : memref<10240x64xf32, #tpu.memory_space<vmem_shared>>) dst(%arg10 : memref<128x64xf32, #tpu.memory_space<vmem>>)
        %dma_start3A_72 = arith.constant 0 : i32
        %dma_start3A_73 = tpu.memref_slice %arg8[%add3A_65, %dma_start3A_72] : memref<80x128xi32, #tpu.memory_space<vmem>> -> memref<1x128xi32, #tpu.memory_space<vmem>>
        %dma_start3A_74 = tpu.memref_squeeze %dma_start3A_73 : memref<1x128xi32, #tpu.memory_space<vmem>> -> memref<128xi32, #tpu.memory_space<vmem>>
        %dma_start3A_75 = arith.constant 0 : i32
        %dma_start3A_76 = arith.constant 0 : i32
        %dma_start3A_77 = tpu.memref_slice %arg12[%dma_start3A_75, %dma_start3A_76] : memref<10240x64xf32, #tpu.memory_space<vmem_shared>> -> memref<10240x64xf32, #tpu.memory_space<vmem_shared>>
        tpu.enqueue_indirect_dma source(%arg10 : memref<128x64xf32, #tpu.memory_space<vmem>>) target(%dma_start3A_77 : memref<10240x64xf32, #tpu.memory_space<vmem_shared>>) offsets(%dma_start3A_74 : memref<128xi32, #tpu.memory_space<vmem>>) semaphore(%arg16 : memref<!tpu.dma_semaphore, #tpu.memory_space<semaphore_mem>>) {add = true}
        %ge3A_78 = arith.constant 1 : i32
        %ge3A_79 = arith.cmpi sge, %add3A_65, %ge3A_78 : i32
        %convert_element_type3A_80 = arith.extui %ge3A_79 : i1 to i32
        %cond3A_81 = arith.constant 0 : i32
        %cond3A_82 = arith.cmpi ne, %convert_element_type3A_80, %cond3A_81 : i32
        scf.if %cond3A_82 {
          %sub3A = arith.constant 1 : i32
          %sub3A_90 = arith.subi %add3A_65, %sub3A : i32
          %dma_wait3A_91 = arith.constant 0 : i32
          %dma_wait3A_92 = tpu.memref_slice %arg8[%sub3A_90, %dma_wait3A_91] : memref<80x128xi32, #tpu.memory_space<vmem>> -> memref<1x128xi32, #tpu.memory_space<vmem>>
          %dma_wait3A_93 = tpu.memref_squeeze %dma_wait3A_92 : memref<1x128xi32, #tpu.memory_space<vmem>> -> memref<128xi32, #tpu.memory_space<vmem>>
          %dma_wait3A_94 = arith.constant 0 : i32
          %dma_wait3A_95 = arith.constant 0 : i32
          %dma_wait3A_96 = tpu.memref_slice %arg12[%dma_wait3A_94, %dma_wait3A_95] : memref<10240x64xf32, #tpu.memory_space<vmem_shared>> -> memref<10240x64xf32, #tpu.memory_space<vmem_shared>>
          tpu.wait_indirect_dma semaphore(%arg15 : memref<!tpu.dma_semaphore, #tpu.memory_space<semaphore_mem>>) src(%arg9 : memref<128x64xf32, #tpu.memory_space<vmem>>) dst(%dma_wait3A_96 : memref<10240x64xf32, #tpu.memory_space<vmem_shared>>)
        } else {
        }
        %add3A_83 = arith.constant 1 : i32
        %add3A_84 = arith.addi %add3A_65, %add3A_83 : i32
        %lt3A_85 = arith.constant 80 : i32
        %lt3A_86 = arith.cmpi slt, %add3A_84, %lt3A_85 : i32
        %convert_element_type3A_87 = arith.extui %lt3A_86 : i1 to i32
        %cond3A_88 = arith.constant 0 : i32
        %cond3A_89 = arith.cmpi ne, %convert_element_type3A_87, %cond3A_88 : i32
        scf.if %cond3A_89 {
          %add3A_90 = arith.constant 1 : i32
          %add3A_91 = arith.addi %add3A_65, %add3A_90 : i32
          %dma_start3A_92 = arith.constant 0 : i32
          %dma_start3A_93 = tpu.memref_slice %arg7[%add3A_91, %dma_start3A_92] : memref<80x128xi32, #tpu.memory_space<vmem>> -> memref<1x128xi32, #tpu.memory_space<vmem>>
          %dma_start3A_94 = tpu.memref_squeeze %dma_start3A_93 : memref<1x128xi32, #tpu.memory_space<vmem>> -> memref<128xi32, #tpu.memory_space<vmem>>
          %dma_start3A_95 = arith.constant 0 : i32
          %dma_start3A_96 = arith.constant 0 : i32
          %dma_start3A_97 = tpu.memref_slice %arg11[%dma_start3A_95, %dma_start3A_96] : memref<10240x64xf32, #tpu.memory_space<vmem_shared>> -> memref<10240x64xf32, #tpu.memory_space<vmem_shared>>
          tpu.enqueue_indirect_dma source(%dma_start3A_97 : memref<10240x64xf32, #tpu.memory_space<vmem_shared>>) target(%arg9 : memref<128x64xf32, #tpu.memory_space<vmem>>) offsets(%dma_start3A_94 : memref<128xi32, #tpu.memory_space<vmem>>) semaphore(%arg13 : memref<!tpu.dma_semaphore, #tpu.memory_space<semaphore_mem>>)
        } else {
        }
      }
      %scan3A_29 = arith.constant 40 : i32
      %dma_wait3A = arith.constant 79 : i32
      %dma_wait3A_30 = arith.constant 0 : i32
      %dma_wait3A_31 = tpu.memref_slice %arg8[%dma_wait3A, %dma_wait3A_30] : memref<80x128xi32, #tpu.memory_space<vmem>> -> memref<1x128xi32, #tpu.memory_space<vmem>>
      %dma_wait3A_32 = tpu.memref_squeeze %dma_wait3A_31 : memref<1x128xi32, #tpu.memory_space<vmem>> -> memref<128xi32, #tpu.memory_space<vmem>>
      %dma_wait3A_33 = arith.constant 0 : i32
      %dma_wait3A_34 = arith.constant 0 : i32
      %dma_wait3A_35 = tpu.memref_slice %arg12[%dma_wait3A_33, %dma_wait3A_34] : memref<10240x64xf32, #tpu.memory_space<vmem_shared>> -> memref<10240x64xf32, #tpu.memory_space<vmem_shared>>
      tpu.wait_indirect_dma semaphore(%arg16 : memref<!tpu.dma_semaphore, #tpu.memory_space<semaphore_mem>>) src(%arg10 : memref<128x64xf32, #tpu.memory_space<vmem>>) dst(%dma_wait3A_35 : memref<10240x64xf32, #tpu.memory_space<vmem_shared>>)
    } else {
    }
    %barrier3A_14 = arith.constant 0 : index
    tpu.barrier barrier_id(%barrier3A_14)
    %mul3A_15 = arith.constant 640 : i32
    %mul3A_16 = arith.muli %arg1, %mul3A_15 : i32
    %mul3A_17 = arith.constant 640 : i32
    %mul3A_18 = arith.muli %arg1, %mul3A_17 : i32
    "tpu.region"() ({
      %run_scoped3A = tpu.sem_alloc : memref<!tpu.dma_semaphore, #tpu.memory_space<semaphore_mem>>
      %dma_start3A = arith.constant 0 : i32
      %dma_start3A_19 = arith.constant 0 : i32
      %dma_start3A_20 = tpu.memref_slice %arg6[%arg0, %dma_start3A, %dma_start3A_19] : memref<2x10240x64xf32, #tpu.memory_space<hbm>> -> memref<1x10240x64xf32, #tpu.memory_space<hbm>>
      %dma_start3A_21 = tpu.memref_squeeze %dma_start3A_20 : memref<1x10240x64xf32, #tpu.memory_space<hbm>> -> memref<10240x64xf32, #tpu.memory_space<hbm>>
      %dma_start3A_22 = arith.constant 0 : i32
      %dma_start3A_23 = tpu.memref_slice %dma_start3A_21[%mul3A_18, %dma_start3A_22] : memref<10240x64xf32, #tpu.memory_space<hbm>> -> memref<640x64xf32, #tpu.memory_space<hbm>>
      %dma_start3A_24 = arith.constant 0 : i32
      %dma_start3A_25 = tpu.memref_slice %arg12[%mul3A_16, %dma_start3A_24] : memref<10240x64xf32, #tpu.memory_space<vmem_shared>> -> memref<640x64xf32, #tpu.memory_space<vmem_shared>>
      tpu.enqueue_dma source(%dma_start3A_25 : memref<640x64xf32, #tpu.memory_space<vmem_shared>>) target(%dma_start3A_23 : memref<640x64xf32, #tpu.memory_space<hbm>>) target_semaphore(%run_scoped3A : memref<!tpu.dma_semaphore, #tpu.memory_space<semaphore_mem>>)
      %dma_wait3A = arith.constant 0 : i32
      %dma_wait3A_26 = arith.constant 0 : i32
      %dma_wait3A_27 = tpu.memref_slice %arg6[%arg0, %dma_wait3A, %dma_wait3A_26] : memref<2x10240x64xf32, #tpu.memory_space<hbm>> -> memref<1x10240x64xf32, #tpu.memory_space<hbm>>
      %dma_wait3A_28 = tpu.memref_squeeze %dma_wait3A_27 : memref<1x10240x64xf32, #tpu.memory_space<hbm>> -> memref<10240x64xf32, #tpu.memory_space<hbm>>
      %dma_wait3A_29 = arith.constant 0 : i32
      %dma_wait3A_30 = tpu.memref_slice %dma_wait3A_28[%mul3A_18, %dma_wait3A_29] : memref<10240x64xf32, #tpu.memory_space<hbm>> -> memref<640x64xf32, #tpu.memory_space<hbm>>
      %dma_wait3A_31 = arith.constant 0 : i32
      %dma_wait3A_32 = tpu.memref_slice %arg12[%mul3A_16, %dma_wait3A_31] : memref<10240x64xf32, #tpu.memory_space<vmem_shared>> -> memref<640x64xf32, #tpu.memory_space<vmem_shared>>
      tpu.wait_dma2 semaphore(%run_scoped3A : memref<!tpu.dma_semaphore, #tpu.memory_space<semaphore_mem>>) src(%dma_wait3A_32 : memref<640x64xf32, #tpu.memory_space<vmem_shared>>) dst(%dma_wait3A_30 : memref<640x64xf32, #tpu.memory_space<hbm>>)
      tpu.yield
    }) : () -> ()
    return
  }
}

#map = affine_map<(d0, d1) -> (0, 0)>
#map1 = affine_map<(d0, d1) -> (0, 0, 0)>
module attributes {stable_mosaic.version = 14 : i64} {
  func.func @body(%arg0: i32, %arg1: i32, %arg2: memref<10240x64xf32, #tpu.memory_space<hbm>>, %arg3: memref<16x160x128xi32, #tpu.memory_space<hbm>>, %arg4: memref<16x160x128xi32, #tpu.memory_space<hbm>>, %arg5: memref<10240x64xf32, #tpu.memory_space<hbm>>, %arg6: memref<2x10240x64xf32, #tpu.memory_space<hbm>>, %arg7: memref<80x128xi32, #tpu.memory_space<vmem>>, %arg8: memref<80x128xi32, #tpu.memory_space<vmem>>, %arg9: memref<128x64xf32, #tpu.memory_space<vmem>>, %arg10: memref<128x64xf32, #tpu.memory_space<vmem>>, %arg11: memref<10240x64xf32, #tpu.memory_space<vmem_shared>>, %arg12: memref<10240x64xf32, #tpu.memory_space<vmem_shared>>, %arg13: memref<!tpu.dma_semaphore, #tpu.memory_space<semaphore_mem>>, %arg14: memref<!tpu.dma_semaphore, #tpu.memory_space<semaphore_mem>>, %arg15: memref<!tpu.dma_semaphore, #tpu.memory_space<semaphore_mem>>, %arg16: memref<!tpu.dma_semaphore, #tpu.memory_space<semaphore_mem>>) attributes {dimension_semantics = [#tpu.dimension_semantics<core_parallel>, #tpu.dimension_semantics<subcore_parallel>], iteration_bounds = array<i64: 2, 16>, scalar_prefetch = 0 : i64, scratch_operands = 10 : i64, tpu.core_type = #tpu.core_type<sc_vector_subcore>, window_params = [{transform_indices = #map}, {transform_indices = #map1}, {transform_indices = #map1}, {transform_indices = #map}, {transform_indices = #map1}]} {
    %mul3A = arith.constant 640 : i32
    %mul3A_0 = arith.muli %arg1, %mul3A : i32
    %mul3A_1 = arith.constant 640 : i32
    %mul3A_2 = arith.muli %arg1, %mul3A_1 : i32
    "tpu.region"() ({
      %run_scoped3A = tpu.sem_alloc : memref<!tpu.dma_semaphore, #tpu.memory_space<semaphore_mem>>
      %dma_start3A = arith.constant 0 : i32
      %dma_start3A_19 = tpu.memref_slice %arg11[%mul3A_2, %dma_start3A] : memref<10240x64xf32, #tpu.memory_space<vmem_shared>> -> memref<640x64xf32, #tpu.memory_space<vmem_shared>>
      %dma_start3A_20 = arith.constant 0 : i32
      %dma_start3A_21 = tpu.memref_slice %arg2[%mul3A_0, %dma_start3A_20] : memref<10240x64xf32, #tpu.memory_space<hbm>> -> memref<640x64xf32, #tpu.memory_space<hbm>>
      tpu.enqueue_dma source(%dma_start3A_21 : memref<640x64xf32, #tpu.memory_space<hbm>>) target(%dma_start3A_19 : memref<640x64xf32, #tpu.memory_space<vmem_shared>>) target_semaphore(%run_scoped3A : memref<!tpu.dma_semaphore, #tpu.memory_space<semaphore_mem>>)
      %dma_wait3A = arith.constant 0 : i32
      %dma_wait3A_22 = tpu.memref_slice %arg11[%mul3A_2, %dma_wait3A] : memref<10240x64xf32, #tpu.memory_space<vmem_shared>> -> memref<640x64xf32, #tpu.memory_space<vmem_shared>>
      %dma_wait3A_23 = arith.constant 0 : i32
      %dma_wait3A_24 = tpu.memref_slice %arg2[%mul3A_0, %dma_wait3A_23] : memref<10240x64xf32, #tpu.memory_space<hbm>> -> memref<640x64xf32, #tpu.memory_space<hbm>>
      tpu.wait_dma2 semaphore(%run_scoped3A : memref<!tpu.dma_semaphore, #tpu.memory_space<semaphore_mem>>) src(%dma_wait3A_24 : memref<640x64xf32, #tpu.memory_space<hbm>>) dst(%dma_wait3A_22 : memref<640x64xf32, #tpu.memory_space<vmem_shared>>)
      tpu.yield
    }) : () -> ()
    %mul3A_3 = arith.constant 640 : i32
    %mul3A_4 = arith.muli %arg1, %mul3A_3 : i32
    %mul3A_5 = arith.constant 640 : i32
    %mul3A_6 = arith.muli %arg1, %mul3A_5 : i32
    "tpu.region"() ({
      %run_scoped3A = tpu.sem_alloc : memref<!tpu.dma_semaphore, #tpu.memory_space<semaphore_mem>>
      %dma_start3A = arith.constant 0 : i32
      %dma_start3A_19 = tpu.memref_slice %arg12[%mul3A_6, %dma_start3A] : memref<10240x64xf32, #tpu.memory_space<vmem_shared>> -> memref<640x64xf32, #tpu.memory_space<vmem_shared>>
      %dma_start3A_20 = arith.constant 0 : i32
      %dma_start3A_21 = tpu.memref_slice %arg5[%mul3A_4, %dma_start3A_20] : memref<10240x64xf32, #tpu.memory_space<hbm>> -> memref<640x64xf32, #tpu.memory_space<hbm>>
      tpu.enqueue_dma source(%dma_start3A_21 : memref<640x64xf32, #tpu.memory_space<hbm>>) target(%dma_start3A_19 : memref<640x64xf32, #tpu.memory_space<vmem_shared>>) target_semaphore(%run_scoped3A : memref<!tpu.dma_semaphore, #tpu.memory_space<semaphore_mem>>)
      %dma_wait3A = arith.constant 0 : i32
      %dma_wait3A_22 = tpu.memref_slice %arg12[%mul3A_6, %dma_wait3A] : memref<10240x64xf32, #tpu.memory_space<vmem_shared>> -> memref<640x64xf32, #tpu.memory_space<vmem_shared>>
      %dma_wait3A_23 = arith.constant 0 : i32
      %dma_wait3A_24 = tpu.memref_slice %arg5[%mul3A_4, %dma_wait3A_23] : memref<10240x64xf32, #tpu.memory_space<hbm>> -> memref<640x64xf32, #tpu.memory_space<hbm>>
      tpu.wait_dma2 semaphore(%run_scoped3A : memref<!tpu.dma_semaphore, #tpu.memory_space<semaphore_mem>>) src(%dma_wait3A_24 : memref<640x64xf32, #tpu.memory_space<hbm>>) dst(%dma_wait3A_22 : memref<640x64xf32, #tpu.memory_space<vmem_shared>>)
      tpu.yield
    }) : () -> ()
    %barrier3A = arith.constant 0 : index
    tpu.barrier barrier_id(%barrier3A)
    %eq3A = arith.constant 0 : i32
    %eq3A_7 = arith.cmpi eq, %arg0, %eq3A : i32
    %convert_element_type3A = arith.extui %eq3A_7 : i1 to i32
    %cond3A = arith.constant 0 : i32
    %cond3A_8 = arith.cmpi ne, %convert_element_type3A, %cond3A : i32
    scf.if %cond3A_8 {
      "tpu.region"() ({
        %run_scoped3A = tpu.sem_alloc : memref<!tpu.dma_semaphore, #tpu.memory_space<semaphore_mem>>
        %dma_start3A_36 = arith.constant 0 : i32
        %dma_start3A_37 = arith.constant 0 : i32
        %dma_start3A_38 = tpu.memref_slice %arg7[%dma_start3A_36, %dma_start3A_37] : memref<80x128xi32, #tpu.memory_space<vmem>> -> memref<80x128xi32, #tpu.memory_space<vmem>>
        %dma_start3A_39 = arith.constant 0 : i32
        %dma_start3A_40 = arith.constant 0 : i32
        %dma_start3A_41 = tpu.memref_slice %arg3[%arg1, %dma_start3A_39, %dma_start3A_40] : memref<16x160x128xi32, #tpu.memory_space<hbm>> -> memref<1x160x128xi32, #tpu.memory_space<hbm>>
        %dma_start3A_42 = tpu.memref_squeeze %dma_start3A_41 : memref<1x160x128xi32, #tpu.memory_space<hbm>> -> memref<160x128xi32, #tpu.memory_space<hbm>>
        %dma_start3A_43 = arith.constant 0 : i32
        %dma_start3A_44 = arith.constant 0 : i32
        %dma_start3A_45 = tpu.memref_slice %dma_start3A_42[%dma_start3A_43, %dma_start3A_44] : memref<160x128xi32, #tpu.memory_space<hbm>> -> memref<80x128xi32, #tpu.memory_space<hbm>>
        %dma_start3A_46 = arith.constant 0 : i32
        %dma_start3A_47 = arith.constant 0 : i32
        %dma_start3A_48 = tpu.memref_slice %arg7[%dma_start3A_46, %dma_start3A_47] : memref<80x128xi32, #tpu.memory_space<vmem>> -> memref<80x128xi32, #tpu.memory_space<vmem>>
        %dma_start3A_49 = arith.constant 0 : i32
        %dma_start3A_50 = arith.constant 0 : i32
        %dma_start3A_51 = tpu.memref_slice %arg3[%arg1, %dma_start3A_49, %dma_start3A_50] : memref<16x160x128xi32, #tpu.memory_space<hbm>> -> memref<1x160x128xi32, #tpu.memory_space<hbm>>
        %dma_start3A_52 = tpu.memref_squeeze %dma_start3A_51 : memref<1x160x128xi32, #tpu.memory_space<hbm>> -> memref<160x128xi32, #tpu.memory_space<hbm>>
        %dma_start3A_53 = arith.constant 0 : i32
        %dma_start3A_54 = arith.constant 0 : i32
        %dma_start3A_55 = tpu.memref_slice %dma_start3A_52[%dma_start3A_53, %dma_start3A_54] : memref<160x128xi32, #tpu.memory_space<hbm>> -> memref<80x128xi32, #tpu.memory_space<hbm>>
        tpu.enqueue_dma source(%dma_start3A_55 : memref<80x128xi32, #tpu.memory_space<hbm>>) target(%dma_start3A_48 : memref<80x128xi32, #tpu.memory_space<vmem>>) target_semaphore(%run_scoped3A : memref<!tpu.dma_semaphore, #tpu.memory_space<semaphore_mem>>)
        %dma_wait3A_56 = arith.constant 0 : i32
        %dma_wait3A_57 = arith.constant 0 : i32
        %dma_wait3A_58 = tpu.memref_slice %arg7[%dma_wait3A_56, %dma_wait3A_57] : memref<80x128xi32, #tpu.memory_space<vmem>> -> memref<80x128xi32, #tpu.memory_space<vmem>>
        %dma_wait3A_59 = arith.constant 0 : i32
        %dma_wait3A_60 = arith.constant 0 : i32
        %dma_wait3A_61 = tpu.memref_slice %arg3[%arg1, %dma_wait3A_59, %dma_wait3A_60] : memref<16x160x128xi32, #tpu.memory_space<hbm>> -> memref<1x160x128xi32, #tpu.memory_space<hbm>>
        %dma_wait3A_62 = tpu.memref_squeeze %dma_wait3A_61 : memref<1x160x128xi32, #tpu.memory_space<hbm>> -> memref<160x128xi32, #tpu.memory_space<hbm>>
        %dma_wait3A_63 = arith.constant 0 : i32
        %dma_wait3A_64 = arith.constant 0 : i32
        %dma_wait3A_65 = tpu.memref_slice %dma_wait3A_62[%dma_wait3A_63, %dma_wait3A_64] : memref<160x128xi32, #tpu.memory_space<hbm>> -> memref<80x128xi32, #tpu.memory_space<hbm>>
        %dma_wait3A_66 = arith.constant 0 : i32
        %dma_wait3A_67 = arith.constant 0 : i32
        %dma_wait3A_68 = tpu.memref_slice %arg7[%dma_wait3A_66, %dma_wait3A_67] : memref<80x128xi32, #tpu.memory_space<vmem>> -> memref<80x128xi32, #tpu.memory_space<vmem>>
        %dma_wait3A_69 = arith.constant 0 : i32
        %dma_wait3A_70 = arith.constant 0 : i32
        %dma_wait3A_71 = tpu.memref_slice %arg3[%arg1, %dma_wait3A_69, %dma_wait3A_70] : memref<16x160x128xi32, #tpu.memory_space<hbm>> -> memref<1x160x128xi32, #tpu.memory_space<hbm>>
        %dma_wait3A_72 = tpu.memref_squeeze %dma_wait3A_71 : memref<1x160x128xi32, #tpu.memory_space<hbm>> -> memref<160x128xi32, #tpu.memory_space<hbm>>
        %dma_wait3A_73 = arith.constant 0 : i32
        %dma_wait3A_74 = arith.constant 0 : i32
        %dma_wait3A_75 = tpu.memref_slice %dma_wait3A_72[%dma_wait3A_73, %dma_wait3A_74] : memref<160x128xi32, #tpu.memory_space<hbm>> -> memref<80x128xi32, #tpu.memory_space<hbm>>
        tpu.wait_dma2 semaphore(%run_scoped3A : memref<!tpu.dma_semaphore, #tpu.memory_space<semaphore_mem>>) src(%dma_wait3A_75 : memref<80x128xi32, #tpu.memory_space<hbm>>) dst(%dma_wait3A_68 : memref<80x128xi32, #tpu.memory_space<vmem>>)
        tpu.yield
      }) : () -> ()
      "tpu.region"() ({
        %run_scoped3A = tpu.sem_alloc : memref<!tpu.dma_semaphore, #tpu.memory_space<semaphore_mem>>
        %dma_start3A_36 = arith.constant 0 : i32
        %dma_start3A_37 = arith.constant 0 : i32
        %dma_start3A_38 = tpu.memref_slice %arg8[%dma_start3A_36, %dma_start3A_37] : memref<80x128xi32, #tpu.memory_space<vmem>> -> memref<80x128xi32, #tpu.memory_space<vmem>>
        %dma_start3A_39 = arith.constant 0 : i32
        %dma_start3A_40 = arith.constant 0 : i32
        %dma_start3A_41 = tpu.memref_slice %arg4[%arg1, %dma_start3A_39, %dma_start3A_40] : memref<16x160x128xi32, #tpu.memory_space<hbm>> -> memref<1x160x128xi32, #tpu.memory_space<hbm>>
        %dma_start3A_42 = tpu.memref_squeeze %dma_start3A_41 : memref<1x160x128xi32, #tpu.memory_space<hbm>> -> memref<160x128xi32, #tpu.memory_space<hbm>>
        %dma_start3A_43 = arith.constant 0 : i32
        %dma_start3A_44 = arith.constant 0 : i32
        %dma_start3A_45 = tpu.memref_slice %dma_start3A_42[%dma_start3A_43, %dma_start3A_44] : memref<160x128xi32, #tpu.memory_space<hbm>> -> memref<80x128xi32, #tpu.memory_space<hbm>>
        %dma_start3A_46 = arith.constant 0 : i32
        %dma_start3A_47 = arith.constant 0 : i32
        %dma_start3A_48 = tpu.memref_slice %arg8[%dma_start3A_46, %dma_start3A_47] : memref<80x128xi32, #tpu.memory_space<vmem>> -> memref<80x128xi32, #tpu.memory_space<vmem>>
        %dma_start3A_49 = arith.constant 0 : i32
        %dma_start3A_50 = arith.constant 0 : i32
        %dma_start3A_51 = tpu.memref_slice %arg4[%arg1, %dma_start3A_49, %dma_start3A_50] : memref<16x160x128xi32, #tpu.memory_space<hbm>> -> memref<1x160x128xi32, #tpu.memory_space<hbm>>
        %dma_start3A_52 = tpu.memref_squeeze %dma_start3A_51 : memref<1x160x128xi32, #tpu.memory_space<hbm>> -> memref<160x128xi32, #tpu.memory_space<hbm>>
        %dma_start3A_53 = arith.constant 0 : i32
        %dma_start3A_54 = arith.constant 0 : i32
        %dma_start3A_55 = tpu.memref_slice %dma_start3A_52[%dma_start3A_53, %dma_start3A_54] : memref<160x128xi32, #tpu.memory_space<hbm>> -> memref<80x128xi32, #tpu.memory_space<hbm>>
        tpu.enqueue_dma source(%dma_start3A_55 : memref<80x128xi32, #tpu.memory_space<hbm>>) target(%dma_start3A_48 : memref<80x128xi32, #tpu.memory_space<vmem>>) target_semaphore(%run_scoped3A : memref<!tpu.dma_semaphore, #tpu.memory_space<semaphore_mem>>)
        %dma_wait3A_56 = arith.constant 0 : i32
        %dma_wait3A_57 = arith.constant 0 : i32
        %dma_wait3A_58 = tpu.memref_slice %arg8[%dma_wait3A_56, %dma_wait3A_57] : memref<80x128xi32, #tpu.memory_space<vmem>> -> memref<80x128xi32, #tpu.memory_space<vmem>>
        %dma_wait3A_59 = arith.constant 0 : i32
        %dma_wait3A_60 = arith.constant 0 : i32
        %dma_wait3A_61 = tpu.memref_slice %arg4[%arg1, %dma_wait3A_59, %dma_wait3A_60] : memref<16x160x128xi32, #tpu.memory_space<hbm>> -> memref<1x160x128xi32, #tpu.memory_space<hbm>>
        %dma_wait3A_62 = tpu.memref_squeeze %dma_wait3A_61 : memref<1x160x128xi32, #tpu.memory_space<hbm>> -> memref<160x128xi32, #tpu.memory_space<hbm>>
        %dma_wait3A_63 = arith.constant 0 : i32
        %dma_wait3A_64 = arith.constant 0 : i32
        %dma_wait3A_65 = tpu.memref_slice %dma_wait3A_62[%dma_wait3A_63, %dma_wait3A_64] : memref<160x128xi32, #tpu.memory_space<hbm>> -> memref<80x128xi32, #tpu.memory_space<hbm>>
        %dma_wait3A_66 = arith.constant 0 : i32
        %dma_wait3A_67 = arith.constant 0 : i32
        %dma_wait3A_68 = tpu.memref_slice %arg8[%dma_wait3A_66, %dma_wait3A_67] : memref<80x128xi32, #tpu.memory_space<vmem>> -> memref<80x128xi32, #tpu.memory_space<vmem>>
        %dma_wait3A_69 = arith.constant 0 : i32
        %dma_wait3A_70 = arith.constant 0 : i32
        %dma_wait3A_71 = tpu.memref_slice %arg4[%arg1, %dma_wait3A_69, %dma_wait3A_70] : memref<16x160x128xi32, #tpu.memory_space<hbm>> -> memref<1x160x128xi32, #tpu.memory_space<hbm>>
        %dma_wait3A_72 = tpu.memref_squeeze %dma_wait3A_71 : memref<1x160x128xi32, #tpu.memory_space<hbm>> -> memref<160x128xi32, #tpu.memory_space<hbm>>
        %dma_wait3A_73 = arith.constant 0 : i32
        %dma_wait3A_74 = arith.constant 0 : i32
        %dma_wait3A_75 = tpu.memref_slice %dma_wait3A_72[%dma_wait3A_73, %dma_wait3A_74] : memref<160x128xi32, #tpu.memory_space<hbm>> -> memref<80x128xi32, #tpu.memory_space<hbm>>
        tpu.wait_dma2 semaphore(%run_scoped3A : memref<!tpu.dma_semaphore, #tpu.memory_space<semaphore_mem>>) src(%dma_wait3A_75 : memref<80x128xi32, #tpu.memory_space<hbm>>) dst(%dma_wait3A_68 : memref<80x128xi32, #tpu.memory_space<vmem>>)
        tpu.yield
      }) : () -> ()
      %dma_start3A = arith.constant 0 : i32
      %dma_start3A_19 = arith.constant 0 : i32
      %dma_start3A_20 = tpu.memref_slice %arg7[%dma_start3A, %dma_start3A_19] : memref<80x128xi32, #tpu.memory_space<vmem>> -> memref<1x128xi32, #tpu.memory_space<vmem>>
      %dma_start3A_21 = tpu.memref_squeeze %dma_start3A_20 : memref<1x128xi32, #tpu.memory_space<vmem>> -> memref<128xi32, #tpu.memory_space<vmem>>
      %dma_start3A_22 = arith.constant 0 : i32
      %dma_start3A_23 = arith.constant 0 : i32
      %dma_start3A_24 = tpu.memref_slice %arg11[%dma_start3A_22, %dma_start3A_23] : memref<10240x64xf32, #tpu.memory_space<vmem_shared>> -> memref<10240x64xf32, #tpu.memory_space<vmem_shared>>
      tpu.enqueue_indirect_dma source(%dma_start3A_24 : memref<10240x64xf32, #tpu.memory_space<vmem_shared>>) target(%arg9 : memref<128x64xf32, #tpu.memory_space<vmem>>) offsets(%dma_start3A_21 : memref<128xi32, #tpu.memory_space<vmem>>) semaphore(%arg13 : memref<!tpu.dma_semaphore, #tpu.memory_space<semaphore_mem>>)
      %scan3A = arith.constant 0 : i32
      %scan3A_25 = arith.constant 0 : i32
      %scan3A_26 = arith.constant 40 : i32
      %scan3A_27 = arith.addi %scan3A_25, %scan3A_26 : i32
      %scan3A_28 = arith.constant 1 : i32
      scf.for %scan3A_36 = %scan3A_25 to %scan3A_27 step %scan3A_28  : i32 {
        %mul3A_37 = arith.constant 2 : i32
        %mul3A_38 = arith.muli %scan3A_36, %mul3A_37 : i32
        %add3A = arith.constant 0 : i32
        %add3A_39 = arith.addi %mul3A_38, %add3A : i32
        %dma_wait3A_40 = arith.constant 0 : i32
        %dma_wait3A_41 = tpu.memref_slice %arg7[%add3A_39, %dma_wait3A_40] : memref<80x128xi32, #tpu.memory_space<vmem>> -> memref<1x128xi32, #tpu.memory_space<vmem>>
        %dma_wait3A_42 = tpu.memref_squeeze %dma_wait3A_41 : memref<1x128xi32, #tpu.memory_space<vmem>> -> memref<128xi32, #tpu.memory_space<vmem>>
        %dma_wait3A_43 = arith.constant 0 : i32
        %dma_wait3A_44 = arith.constant 0 : i32
        %dma_wait3A_45 = tpu.memref_slice %arg11[%dma_wait3A_43, %dma_wait3A_44] : memref<10240x64xf32, #tpu.memory_space<vmem_shared>> -> memref<10240x64xf32, #tpu.memory_space<vmem_shared>>
        tpu.wait_indirect_dma semaphore(%arg13 : memref<!tpu.dma_semaphore, #tpu.memory_space<semaphore_mem>>) src(%dma_wait3A_45 : memref<10240x64xf32, #tpu.memory_space<vmem_shared>>) dst(%arg9 : memref<128x64xf32, #tpu.memory_space<vmem>>)
        %dma_start3A_46 = arith.constant 0 : i32
        %dma_start3A_47 = tpu.memref_slice %arg8[%add3A_39, %dma_start3A_46] : memref<80x128xi32, #tpu.memory_space<vmem>> -> memref<1x128xi32, #tpu.memory_space<vmem>>
        %dma_start3A_48 = tpu.memref_squeeze %dma_start3A_47 : memref<1x128xi32, #tpu.memory_space<vmem>> -> memref<128xi32, #tpu.memory_space<vmem>>
        %dma_start3A_49 = arith.constant 0 : i32
        %dma_start3A_50 = arith.constant 0 : i32
        %dma_start3A_51 = tpu.memref_slice %arg12[%dma_start3A_49, %dma_start3A_50] : memref<10240x64xf32, #tpu.memory_space<vmem_shared>> -> memref<10240x64xf32, #tpu.memory_space<vmem_shared>>
        tpu.enqueue_indirect_dma source(%arg9 : memref<128x64xf32, #tpu.memory_space<vmem>>) target(%dma_start3A_51 : memref<10240x64xf32, #tpu.memory_space<vmem_shared>>) offsets(%dma_start3A_48 : memref<128xi32, #tpu.memory_space<vmem>>) semaphore(%arg15 : memref<!tpu.dma_semaphore, #tpu.memory_space<semaphore_mem>>) {add = true}
        %ge3A = arith.constant 1 : i32
        %ge3A_52 = arith.cmpi sge, %add3A_39, %ge3A : i32
        %convert_element_type3A_53 = arith.extui %ge3A_52 : i1 to i32
        %cond3A_54 = arith.constant 0 : i32
        %cond3A_55 = arith.cmpi ne, %convert_element_type3A_53, %cond3A_54 : i32
        scf.if %cond3A_55 {
          %sub3A = arith.constant 1 : i32
          %sub3A_90 = arith.subi %add3A_39, %sub3A : i32
          %dma_wait3A_91 = arith.constant 0 : i32
          %dma_wait3A_92 = tpu.memref_slice %arg8[%sub3A_90, %dma_wait3A_91] : memref<80x128xi32, #tpu.memory_space<vmem>> -> memref<1x128xi32, #tpu.memory_space<vmem>>
          %dma_wait3A_93 = tpu.memref_squeeze %dma_wait3A_92 : memref<1x128xi32, #tpu.memory_space<vmem>> -> memref<128xi32, #tpu.memory_space<vmem>>
          %dma_wait3A_94 = arith.constant 0 : i32
          %dma_wait3A_95 = arith.constant 0 : i32
          %dma_wait3A_96 = tpu.memref_slice %arg12[%dma_wait3A_94, %dma_wait3A_95] : memref<10240x64xf32, #tpu.memory_space<vmem_shared>> -> memref<10240x64xf32, #tpu.memory_space<vmem_shared>>
          tpu.wait_indirect_dma semaphore(%arg16 : memref<!tpu.dma_semaphore, #tpu.memory_space<semaphore_mem>>) src(%arg10 : memref<128x64xf32, #tpu.memory_space<vmem>>) dst(%dma_wait3A_96 : memref<10240x64xf32, #tpu.memory_space<vmem_shared>>)
        } else {
        }
        %add3A_56 = arith.constant 1 : i32
        %add3A_57 = arith.addi %add3A_39, %add3A_56 : i32
        %lt3A = arith.constant 80 : i32
        %lt3A_58 = arith.cmpi slt, %add3A_57, %lt3A : i32
        %convert_element_type3A_59 = arith.extui %lt3A_58 : i1 to i32
        %cond3A_60 = arith.constant 0 : i32
        %cond3A_61 = arith.cmpi ne, %convert_element_type3A_59, %cond3A_60 : i32
        scf.if %cond3A_61 {
          %add3A_90 = arith.constant 1 : i32
          %add3A_91 = arith.addi %add3A_39, %add3A_90 : i32
          %dma_start3A_92 = arith.constant 0 : i32
          %dma_start3A_93 = tpu.memref_slice %arg7[%add3A_91, %dma_start3A_92] : memref<80x128xi32, #tpu.memory_space<vmem>> -> memref<1x128xi32, #tpu.memory_space<vmem>>
          %dma_start3A_94 = tpu.memref_squeeze %dma_start3A_93 : memref<1x128xi32, #tpu.memory_space<vmem>> -> memref<128xi32, #tpu.memory_space<vmem>>
          %dma_start3A_95 = arith.constant 0 : i32
          %dma_start3A_96 = arith.constant 0 : i32
          %dma_start3A_97 = tpu.memref_slice %arg11[%dma_start3A_95, %dma_start3A_96] : memref<10240x64xf32, #tpu.memory_space<vmem_shared>> -> memref<10240x64xf32, #tpu.memory_space<vmem_shared>>
          tpu.enqueue_indirect_dma source(%dma_start3A_97 : memref<10240x64xf32, #tpu.memory_space<vmem_shared>>) target(%arg10 : memref<128x64xf32, #tpu.memory_space<vmem>>) offsets(%dma_start3A_94 : memref<128xi32, #tpu.memory_space<vmem>>) semaphore(%arg14 : memref<!tpu.dma_semaphore, #tpu.memory_space<semaphore_mem>>)
        } else {
        }
        %mul3A_62 = arith.constant 2 : i32
        %mul3A_63 = arith.muli %scan3A_36, %mul3A_62 : i32
        %add3A_64 = arith.constant 1 : i32
        %add3A_65 = arith.addi %mul3A_63, %add3A_64 : i32
        %dma_wait3A_66 = arith.constant 0 : i32
        %dma_wait3A_67 = tpu.memref_slice %arg7[%add3A_65, %dma_wait3A_66] : memref<80x128xi32, #tpu.memory_space<vmem>> -> memref<1x128xi32, #tpu.memory_space<vmem>>
        %dma_wait3A_68 = tpu.memref_squeeze %dma_wait3A_67 : memref<1x128xi32, #tpu.memory_space<vmem>> -> memref<128xi32, #tpu.memory_space<vmem>>
        %dma_wait3A_69 = arith.constant 0 : i32
        %dma_wait3A_70 = arith.constant 0 : i32
        %dma_wait3A_71 = tpu.memref_slice %arg11[%dma_wait3A_69, %dma_wait3A_70] : memref<10240x64xf32, #tpu.memory_space<vmem_shared>> -> memref<10240x64xf32, #tpu.memory_space<vmem_shared>>
        tpu.wait_indirect_dma semaphore(%arg14 : memref<!tpu.dma_semaphore, #tpu.memory_space<semaphore_mem>>) src(%dma_wait3A_71 : memref<10240x64xf32, #tpu.memory_space<vmem_shared>>) dst(%arg10 : memref<128x64xf32, #tpu.memory_space<vmem>>)
        %dma_start3A_72 = arith.constant 0 : i32
        %dma_start3A_73 = tpu.memref_slice %arg8[%add3A_65, %dma_start3A_72] : memref<80x128xi32, #tpu.memory_space<vmem>> -> memref<1x128xi32, #tpu.memory_space<vmem>>
        %dma_start3A_74 = tpu.memref_squeeze %dma_start3A_73 : memref<1x128xi32, #tpu.memory_space<vmem>> -> memref<128xi32, #tpu.memory_space<vmem>>
        %dma_start3A_75 = arith.constant 0 : i32
        %dma_start3A_76 = arith.constant 0 : i32
        %dma_start3A_77 = tpu.memref_slice %arg12[%dma_start3A_75, %dma_start3A_76] : memref<10240x64xf32, #tpu.memory_space<vmem_shared>> -> memref<10240x64xf32, #tpu.memory_space<vmem_shared>>
        tpu.enqueue_indirect_dma source(%arg10 : memref<128x64xf32, #tpu.memory_space<vmem>>) target(%dma_start3A_77 : memref<10240x64xf32, #tpu.memory_space<vmem_shared>>) offsets(%dma_start3A_74 : memref<128xi32, #tpu.memory_space<vmem>>) semaphore(%arg16 : memref<!tpu.dma_semaphore, #tpu.memory_space<semaphore_mem>>) {add = true}
        %ge3A_78 = arith.constant 1 : i32
        %ge3A_79 = arith.cmpi sge, %add3A_65, %ge3A_78 : i32
        %convert_element_type3A_80 = arith.extui %ge3A_79 : i1 to i32
        %cond3A_81 = arith.constant 0 : i32
        %cond3A_82 = arith.cmpi ne, %convert_element_type3A_80, %cond3A_81 : i32
        scf.if %cond3A_82 {
          %sub3A = arith.constant 1 : i32
          %sub3A_90 = arith.subi %add3A_65, %sub3A : i32
          %dma_wait3A_91 = arith.constant 0 : i32
          %dma_wait3A_92 = tpu.memref_slice %arg8[%sub3A_90, %dma_wait3A_91] : memref<80x128xi32, #tpu.memory_space<vmem>> -> memref<1x128xi32, #tpu.memory_space<vmem>>
          %dma_wait3A_93 = tpu.memref_squeeze %dma_wait3A_92 : memref<1x128xi32, #tpu.memory_space<vmem>> -> memref<128xi32, #tpu.memory_space<vmem>>
          %dma_wait3A_94 = arith.constant 0 : i32
          %dma_wait3A_95 = arith.constant 0 : i32
          %dma_wait3A_96 = tpu.memref_slice %arg12[%dma_wait3A_94, %dma_wait3A_95] : memref<10240x64xf32, #tpu.memory_space<vmem_shared>> -> memref<10240x64xf32, #tpu.memory_space<vmem_shared>>
          tpu.wait_indirect_dma semaphore(%arg15 : memref<!tpu.dma_semaphore, #tpu.memory_space<semaphore_mem>>) src(%arg9 : memref<128x64xf32, #tpu.memory_space<vmem>>) dst(%dma_wait3A_96 : memref<10240x64xf32, #tpu.memory_space<vmem_shared>>)
        } else {
        }
        %add3A_83 = arith.constant 1 : i32
        %add3A_84 = arith.addi %add3A_65, %add3A_83 : i32
        %lt3A_85 = arith.constant 80 : i32
        %lt3A_86 = arith.cmpi slt, %add3A_84, %lt3A_85 : i32
        %convert_element_type3A_87 = arith.extui %lt3A_86 : i1 to i32
        %cond3A_88 = arith.constant 0 : i32
        %cond3A_89 = arith.cmpi ne, %convert_element_type3A_87, %cond3A_88 : i32
        scf.if %cond3A_89 {
          %add3A_90 = arith.constant 1 : i32
          %add3A_91 = arith.addi %add3A_65, %add3A_90 : i32
          %dma_start3A_92 = arith.constant 0 : i32
          %dma_start3A_93 = tpu.memref_slice %arg7[%add3A_91, %dma_start3A_92] : memref<80x128xi32, #tpu.memory_space<vmem>> -> memref<1x128xi32, #tpu.memory_space<vmem>>
          %dma_start3A_94 = tpu.memref_squeeze %dma_start3A_93 : memref<1x128xi32, #tpu.memory_space<vmem>> -> memref<128xi32, #tpu.memory_space<vmem>>
          %dma_start3A_95 = arith.constant 0 : i32
          %dma_start3A_96 = arith.constant 0 : i32
          %dma_start3A_97 = tpu.memref_slice %arg11[%dma_start3A_95, %dma_start3A_96] : memref<10240x64xf32, #tpu.memory_space<vmem_shared>> -> memref<10240x64xf32, #tpu.memory_space<vmem_shared>>
          tpu.enqueue_indirect_dma source(%dma_start3A_97 : memref<10240x64xf32, #tpu.memory_space<vmem_shared>>) target(%arg9 : memref<128x64xf32, #tpu.memory_space<vmem>>) offsets(%dma_start3A_94 : memref<128xi32, #tpu.memory_space<vmem>>) semaphore(%arg13 : memref<!tpu.dma_semaphore, #tpu.memory_space<semaphore_mem>>)
        } else {
        }
      }
      %scan3A_29 = arith.constant 40 : i32
      %dma_wait3A = arith.constant 79 : i32
      %dma_wait3A_30 = arith.constant 0 : i32
      %dma_wait3A_31 = tpu.memref_slice %arg8[%dma_wait3A, %dma_wait3A_30] : memref<80x128xi32, #tpu.memory_space<vmem>> -> memref<1x128xi32, #tpu.memory_space<vmem>>
      %dma_wait3A_32 = tpu.memref_squeeze %dma_wait3A_31 : memref<1x128xi32, #tpu.memory_space<vmem>> -> memref<128xi32, #tpu.memory_space<vmem>>
      %dma_wait3A_33 = arith.constant 0 : i32
      %dma_wait3A_34 = arith.constant 0 : i32
      %dma_wait3A_35 = tpu.memref_slice %arg12[%dma_wait3A_33, %dma_wait3A_34] : memref<10240x64xf32, #tpu.memory_space<vmem_shared>> -> memref<10240x64xf32, #tpu.memory_space<vmem_shared>>
      tpu.wait_indirect_dma semaphore(%arg16 : memref<!tpu.dma_semaphore, #tpu.memory_space<semaphore_mem>>) src(%arg10 : memref<128x64xf32, #tpu.memory_space<vmem>>) dst(%dma_wait3A_35 : memref<10240x64xf32, #tpu.memory_space<vmem_shared>>)
    } else {
    }
    %eq3A_9 = arith.constant 1 : i32
    %eq3A_10 = arith.cmpi eq, %arg0, %eq3A_9 : i32
    %convert_element_type3A_11 = arith.extui %eq3A_10 : i1 to i32
    %cond3A_12 = arith.constant 0 : i32
    %cond3A_13 = arith.cmpi ne, %convert_element_type3A_11, %cond3A_12 : i32
    scf.if %cond3A_13 {
      "tpu.region"() ({
        %run_scoped3A = tpu.sem_alloc : memref<!tpu.dma_semaphore, #tpu.memory_space<semaphore_mem>>
        %dma_start3A_36 = arith.constant 0 : i32
        %dma_start3A_37 = arith.constant 0 : i32
        %dma_start3A_38 = tpu.memref_slice %arg7[%dma_start3A_36, %dma_start3A_37] : memref<80x128xi32, #tpu.memory_space<vmem>> -> memref<80x128xi32, #tpu.memory_space<vmem>>
        %dma_start3A_39 = arith.constant 0 : i32
        %dma_start3A_40 = arith.constant 0 : i32
        %dma_start3A_41 = tpu.memref_slice %arg3[%arg1, %dma_start3A_39, %dma_start3A_40] : memref<16x160x128xi32, #tpu.memory_space<hbm>> -> memref<1x160x128xi32, #tpu.memory_space<hbm>>
        %dma_start3A_42 = tpu.memref_squeeze %dma_start3A_41 : memref<1x160x128xi32, #tpu.memory_space<hbm>> -> memref<160x128xi32, #tpu.memory_space<hbm>>
        %dma_start3A_43 = arith.constant 80 : i32
        %dma_start3A_44 = arith.constant 0 : i32
        %dma_start3A_45 = tpu.memref_slice %dma_start3A_42[%dma_start3A_43, %dma_start3A_44] : memref<160x128xi32, #tpu.memory_space<hbm>> -> memref<80x128xi32, #tpu.memory_space<hbm>>
        %dma_start3A_46 = arith.constant 0 : i32
        %dma_start3A_47 = arith.constant 0 : i32
        %dma_start3A_48 = tpu.memref_slice %arg7[%dma_start3A_46, %dma_start3A_47] : memref<80x128xi32, #tpu.memory_space<vmem>> -> memref<80x128xi32, #tpu.memory_space<vmem>>
        %dma_start3A_49 = arith.constant 0 : i32
        %dma_start3A_50 = arith.constant 0 : i32
        %dma_start3A_51 = tpu.memref_slice %arg3[%arg1, %dma_start3A_49, %dma_start3A_50] : memref<16x160x128xi32, #tpu.memory_space<hbm>> -> memref<1x160x128xi32, #tpu.memory_space<hbm>>
        %dma_start3A_52 = tpu.memref_squeeze %dma_start3A_51 : memref<1x160x128xi32, #tpu.memory_space<hbm>> -> memref<160x128xi32, #tpu.memory_space<hbm>>
        %dma_start3A_53 = arith.constant 80 : i32
        %dma_start3A_54 = arith.constant 0 : i32
        %dma_start3A_55 = tpu.memref_slice %dma_start3A_52[%dma_start3A_53, %dma_start3A_54] : memref<160x128xi32, #tpu.memory_space<hbm>> -> memref<80x128xi32, #tpu.memory_space<hbm>>
        tpu.enqueue_dma source(%dma_start3A_55 : memref<80x128xi32, #tpu.memory_space<hbm>>) target(%dma_start3A_48 : memref<80x128xi32, #tpu.memory_space<vmem>>) target_semaphore(%run_scoped3A : memref<!tpu.dma_semaphore, #tpu.memory_space<semaphore_mem>>)
        %dma_wait3A_56 = arith.constant 0 : i32
        %dma_wait3A_57 = arith.constant 0 : i32
        %dma_wait3A_58 = tpu.memref_slice %arg7[%dma_wait3A_56, %dma_wait3A_57] : memref<80x128xi32, #tpu.memory_space<vmem>> -> memref<80x128xi32, #tpu.memory_space<vmem>>
        %dma_wait3A_59 = arith.constant 0 : i32
        %dma_wait3A_60 = arith.constant 0 : i32
        %dma_wait3A_61 = tpu.memref_slice %arg3[%arg1, %dma_wait3A_59, %dma_wait3A_60] : memref<16x160x128xi32, #tpu.memory_space<hbm>> -> memref<1x160x128xi32, #tpu.memory_space<hbm>>
        %dma_wait3A_62 = tpu.memref_squeeze %dma_wait3A_61 : memref<1x160x128xi32, #tpu.memory_space<hbm>> -> memref<160x128xi32, #tpu.memory_space<hbm>>
        %dma_wait3A_63 = arith.constant 80 : i32
        %dma_wait3A_64 = arith.constant 0 : i32
        %dma_wait3A_65 = tpu.memref_slice %dma_wait3A_62[%dma_wait3A_63, %dma_wait3A_64] : memref<160x128xi32, #tpu.memory_space<hbm>> -> memref<80x128xi32, #tpu.memory_space<hbm>>
        %dma_wait3A_66 = arith.constant 0 : i32
        %dma_wait3A_67 = arith.constant 0 : i32
        %dma_wait3A_68 = tpu.memref_slice %arg7[%dma_wait3A_66, %dma_wait3A_67] : memref<80x128xi32, #tpu.memory_space<vmem>> -> memref<80x128xi32, #tpu.memory_space<vmem>>
        %dma_wait3A_69 = arith.constant 0 : i32
        %dma_wait3A_70 = arith.constant 0 : i32
        %dma_wait3A_71 = tpu.memref_slice %arg3[%arg1, %dma_wait3A_69, %dma_wait3A_70] : memref<16x160x128xi32, #tpu.memory_space<hbm>> -> memref<1x160x128xi32, #tpu.memory_space<hbm>>
        %dma_wait3A_72 = tpu.memref_squeeze %dma_wait3A_71 : memref<1x160x128xi32, #tpu.memory_space<hbm>> -> memref<160x128xi32, #tpu.memory_space<hbm>>
        %dma_wait3A_73 = arith.constant 80 : i32
        %dma_wait3A_74 = arith.constant 0 : i32
        %dma_wait3A_75 = tpu.memref_slice %dma_wait3A_72[%dma_wait3A_73, %dma_wait3A_74] : memref<160x128xi32, #tpu.memory_space<hbm>> -> memref<80x128xi32, #tpu.memory_space<hbm>>
        tpu.wait_dma2 semaphore(%run_scoped3A : memref<!tpu.dma_semaphore, #tpu.memory_space<semaphore_mem>>) src(%dma_wait3A_75 : memref<80x128xi32, #tpu.memory_space<hbm>>) dst(%dma_wait3A_68 : memref<80x128xi32, #tpu.memory_space<vmem>>)
        tpu.yield
      }) : () -> ()
      "tpu.region"() ({
        %run_scoped3A = tpu.sem_alloc : memref<!tpu.dma_semaphore, #tpu.memory_space<semaphore_mem>>
        %dma_start3A_36 = arith.constant 0 : i32
        %dma_start3A_37 = arith.constant 0 : i32
        %dma_start3A_38 = tpu.memref_slice %arg8[%dma_start3A_36, %dma_start3A_37] : memref<80x128xi32, #tpu.memory_space<vmem>> -> memref<80x128xi32, #tpu.memory_space<vmem>>
        %dma_start3A_39 = arith.constant 0 : i32
        %dma_start3A_40 = arith.constant 0 : i32
        %dma_start3A_41 = tpu.memref_slice %arg4[%arg1, %dma_start3A_39, %dma_start3A_40] : memref<16x160x128xi32, #tpu.memory_space<hbm>> -> memref<1x160x128xi32, #tpu.memory_space<hbm>>
        %dma_start3A_42 = tpu.memref_squeeze %dma_start3A_41 : memref<1x160x128xi32, #tpu.memory_space<hbm>> -> memref<160x128xi32, #tpu.memory_space<hbm>>
        %dma_start3A_43 = arith.constant 80 : i32
        %dma_start3A_44 = arith.constant 0 : i32
        %dma_start3A_45 = tpu.memref_slice %dma_start3A_42[%dma_start3A_43, %dma_start3A_44] : memref<160x128xi32, #tpu.memory_space<hbm>> -> memref<80x128xi32, #tpu.memory_space<hbm>>
        %dma_start3A_46 = arith.constant 0 : i32
        %dma_start3A_47 = arith.constant 0 : i32
        %dma_start3A_48 = tpu.memref_slice %arg8[%dma_start3A_46, %dma_start3A_47] : memref<80x128xi32, #tpu.memory_space<vmem>> -> memref<80x128xi32, #tpu.memory_space<vmem>>
        %dma_start3A_49 = arith.constant 0 : i32
        %dma_start3A_50 = arith.constant 0 : i32
        %dma_start3A_51 = tpu.memref_slice %arg4[%arg1, %dma_start3A_49, %dma_start3A_50] : memref<16x160x128xi32, #tpu.memory_space<hbm>> -> memref<1x160x128xi32, #tpu.memory_space<hbm>>
        %dma_start3A_52 = tpu.memref_squeeze %dma_start3A_51 : memref<1x160x128xi32, #tpu.memory_space<hbm>> -> memref<160x128xi32, #tpu.memory_space<hbm>>
        %dma_start3A_53 = arith.constant 80 : i32
        %dma_start3A_54 = arith.constant 0 : i32
        %dma_start3A_55 = tpu.memref_slice %dma_start3A_52[%dma_start3A_53, %dma_start3A_54] : memref<160x128xi32, #tpu.memory_space<hbm>> -> memref<80x128xi32, #tpu.memory_space<hbm>>
        tpu.enqueue_dma source(%dma_start3A_55 : memref<80x128xi32, #tpu.memory_space<hbm>>) target(%dma_start3A_48 : memref<80x128xi32, #tpu.memory_space<vmem>>) target_semaphore(%run_scoped3A : memref<!tpu.dma_semaphore, #tpu.memory_space<semaphore_mem>>)
        %dma_wait3A_56 = arith.constant 0 : i32
        %dma_wait3A_57 = arith.constant 0 : i32
        %dma_wait3A_58 = tpu.memref_slice %arg8[%dma_wait3A_56, %dma_wait3A_57] : memref<80x128xi32, #tpu.memory_space<vmem>> -> memref<80x128xi32, #tpu.memory_space<vmem>>
        %dma_wait3A_59 = arith.constant 0 : i32
        %dma_wait3A_60 = arith.constant 0 : i32
        %dma_wait3A_61 = tpu.memref_slice %arg4[%arg1, %dma_wait3A_59, %dma_wait3A_60] : memref<16x160x128xi32, #tpu.memory_space<hbm>> -> memref<1x160x128xi32, #tpu.memory_space<hbm>>
        %dma_wait3A_62 = tpu.memref_squeeze %dma_wait3A_61 : memref<1x160x128xi32, #tpu.memory_space<hbm>> -> memref<160x128xi32, #tpu.memory_space<hbm>>
        %dma_wait3A_63 = arith.constant 80 : i32
        %dma_wait3A_64 = arith.constant 0 : i32
        %dma_wait3A_65 = tpu.memref_slice %dma_wait3A_62[%dma_wait3A_63, %dma_wait3A_64] : memref<160x128xi32, #tpu.memory_space<hbm>> -> memref<80x128xi32, #tpu.memory_space<hbm>>
        %dma_wait3A_66 = arith.constant 0 : i32
        %dma_wait3A_67 = arith.constant 0 : i32
        %dma_wait3A_68 = tpu.memref_slice %arg8[%dma_wait3A_66, %dma_wait3A_67] : memref<80x128xi32, #tpu.memory_space<vmem>> -> memref<80x128xi32, #tpu.memory_space<vmem>>
        %dma_wait3A_69 = arith.constant 0 : i32
        %dma_wait3A_70 = arith.constant 0 : i32
        %dma_wait3A_71 = tpu.memref_slice %arg4[%arg1, %dma_wait3A_69, %dma_wait3A_70] : memref<16x160x128xi32, #tpu.memory_space<hbm>> -> memref<1x160x128xi32, #tpu.memory_space<hbm>>
        %dma_wait3A_72 = tpu.memref_squeeze %dma_wait3A_71 : memref<1x160x128xi32, #tpu.memory_space<hbm>> -> memref<160x128xi32, #tpu.memory_space<hbm>>
        %dma_wait3A_73 = arith.constant 80 : i32
        %dma_wait3A_74 = arith.constant 0 : i32
        %dma_wait3A_75 = tpu.memref_slice %dma_wait3A_72[%dma_wait3A_73, %dma_wait3A_74] : memref<160x128xi32, #tpu.memory_space<hbm>> -> memref<80x128xi32, #tpu.memory_space<hbm>>
        tpu.wait_dma2 semaphore(%run_scoped3A : memref<!tpu.dma_semaphore, #tpu.memory_space<semaphore_mem>>) src(%dma_wait3A_75 : memref<80x128xi32, #tpu.memory_space<hbm>>) dst(%dma_wait3A_68 : memref<80x128xi32, #tpu.memory_space<vmem>>)
        tpu.yield
      }) : () -> ()
      %dma_start3A = arith.constant 0 : i32
      %dma_start3A_19 = arith.constant 0 : i32
      %dma_start3A_20 = tpu.memref_slice %arg7[%dma_start3A, %dma_start3A_19] : memref<80x128xi32, #tpu.memory_space<vmem>> -> memref<1x128xi32, #tpu.memory_space<vmem>>
      %dma_start3A_21 = tpu.memref_squeeze %dma_start3A_20 : memref<1x128xi32, #tpu.memory_space<vmem>> -> memref<128xi32, #tpu.memory_space<vmem>>
      %dma_start3A_22 = arith.constant 0 : i32
      %dma_start3A_23 = arith.constant 0 : i32
      %dma_start3A_24 = tpu.memref_slice %arg11[%dma_start3A_22, %dma_start3A_23] : memref<10240x64xf32, #tpu.memory_space<vmem_shared>> -> memref<10240x64xf32, #tpu.memory_space<vmem_shared>>
      tpu.enqueue_indirect_dma source(%dma_start3A_24 : memref<10240x64xf32, #tpu.memory_space<vmem_shared>>) target(%arg9 : memref<128x64xf32, #tpu.memory_space<vmem>>) offsets(%dma_start3A_21 : memref<128xi32, #tpu.memory_space<vmem>>) semaphore(%arg13 : memref<!tpu.dma_semaphore, #tpu.memory_space<semaphore_mem>>)
      %scan3A = arith.constant 0 : i32
      %scan3A_25 = arith.constant 0 : i32
      %scan3A_26 = arith.constant 40 : i32
      %scan3A_27 = arith.addi %scan3A_25, %scan3A_26 : i32
      %scan3A_28 = arith.constant 1 : i32
      scf.for %scan3A_36 = %scan3A_25 to %scan3A_27 step %scan3A_28  : i32 {
        %mul3A_37 = arith.constant 2 : i32
        %mul3A_38 = arith.muli %scan3A_36, %mul3A_37 : i32
        %add3A = arith.constant 0 : i32
        %add3A_39 = arith.addi %mul3A_38, %add3A : i32
        %dma_wait3A_40 = arith.constant 0 : i32
        %dma_wait3A_41 = tpu.memref_slice %arg7[%add3A_39, %dma_wait3A_40] : memref<80x128xi32, #tpu.memory_space<vmem>> -> memref<1x128xi32, #tpu.memory_space<vmem>>
        %dma_wait3A_42 = tpu.memref_squeeze %dma_wait3A_41 : memref<1x128xi32, #tpu.memory_space<vmem>> -> memref<128xi32, #tpu.memory_space<vmem>>
        %dma_wait3A_43 = arith.constant 0 : i32
        %dma_wait3A_44 = arith.constant 0 : i32
        %dma_wait3A_45 = tpu.memref_slice %arg11[%dma_wait3A_43, %dma_wait3A_44] : memref<10240x64xf32, #tpu.memory_space<vmem_shared>> -> memref<10240x64xf32, #tpu.memory_space<vmem_shared>>
        tpu.wait_indirect_dma semaphore(%arg13 : memref<!tpu.dma_semaphore, #tpu.memory_space<semaphore_mem>>) src(%dma_wait3A_45 : memref<10240x64xf32, #tpu.memory_space<vmem_shared>>) dst(%arg9 : memref<128x64xf32, #tpu.memory_space<vmem>>)
        %dma_start3A_46 = arith.constant 0 : i32
        %dma_start3A_47 = tpu.memref_slice %arg8[%add3A_39, %dma_start3A_46] : memref<80x128xi32, #tpu.memory_space<vmem>> -> memref<1x128xi32, #tpu.memory_space<vmem>>
        %dma_start3A_48 = tpu.memref_squeeze %dma_start3A_47 : memref<1x128xi32, #tpu.memory_space<vmem>> -> memref<128xi32, #tpu.memory_space<vmem>>
        %dma_start3A_49 = arith.constant 0 : i32
        %dma_start3A_50 = arith.constant 0 : i32
        %dma_start3A_51 = tpu.memref_slice %arg12[%dma_start3A_49, %dma_start3A_50] : memref<10240x64xf32, #tpu.memory_space<vmem_shared>> -> memref<10240x64xf32, #tpu.memory_space<vmem_shared>>
        tpu.enqueue_indirect_dma source(%arg9 : memref<128x64xf32, #tpu.memory_space<vmem>>) target(%dma_start3A_51 : memref<10240x64xf32, #tpu.memory_space<vmem_shared>>) offsets(%dma_start3A_48 : memref<128xi32, #tpu.memory_space<vmem>>) semaphore(%arg15 : memref<!tpu.dma_semaphore, #tpu.memory_space<semaphore_mem>>) {add = true}
        %ge3A = arith.constant 1 : i32
        %ge3A_52 = arith.cmpi sge, %add3A_39, %ge3A : i32
        %convert_element_type3A_53 = arith.extui %ge3A_52 : i1 to i32
        %cond3A_54 = arith.constant 0 : i32
        %cond3A_55 = arith.cmpi ne, %convert_element_type3A_53, %cond3A_54 : i32
        scf.if %cond3A_55 {
          %sub3A = arith.constant 1 : i32
          %sub3A_90 = arith.subi %add3A_39, %sub3A : i32
          %dma_wait3A_91 = arith.constant 0 : i32
          %dma_wait3A_92 = tpu.memref_slice %arg8[%sub3A_90, %dma_wait3A_91] : memref<80x128xi32, #tpu.memory_space<vmem>> -> memref<1x128xi32, #tpu.memory_space<vmem>>
          %dma_wait3A_93 = tpu.memref_squeeze %dma_wait3A_92 : memref<1x128xi32, #tpu.memory_space<vmem>> -> memref<128xi32, #tpu.memory_space<vmem>>
          %dma_wait3A_94 = arith.constant 0 : i32
          %dma_wait3A_95 = arith.constant 0 : i32
          %dma_wait3A_96 = tpu.memref_slice %arg12[%dma_wait3A_94, %dma_wait3A_95] : memref<10240x64xf32, #tpu.memory_space<vmem_shared>> -> memref<10240x64xf32, #tpu.memory_space<vmem_shared>>
          tpu.wait_indirect_dma semaphore(%arg16 : memref<!tpu.dma_semaphore, #tpu.memory_space<semaphore_mem>>) src(%arg10 : memref<128x64xf32, #tpu.memory_space<vmem>>) dst(%dma_wait3A_96 : memref<10240x64xf32, #tpu.memory_space<vmem_shared>>)
        } else {
        }
        %add3A_56 = arith.constant 1 : i32
        %add3A_57 = arith.addi %add3A_39, %add3A_56 : i32
        %lt3A = arith.constant 80 : i32
        %lt3A_58 = arith.cmpi slt, %add3A_57, %lt3A : i32
        %convert_element_type3A_59 = arith.extui %lt3A_58 : i1 to i32
        %cond3A_60 = arith.constant 0 : i32
        %cond3A_61 = arith.cmpi ne, %convert_element_type3A_59, %cond3A_60 : i32
        scf.if %cond3A_61 {
          %add3A_90 = arith.constant 1 : i32
          %add3A_91 = arith.addi %add3A_39, %add3A_90 : i32
          %dma_start3A_92 = arith.constant 0 : i32
          %dma_start3A_93 = tpu.memref_slice %arg7[%add3A_91, %dma_start3A_92] : memref<80x128xi32, #tpu.memory_space<vmem>> -> memref<1x128xi32, #tpu.memory_space<vmem>>
          %dma_start3A_94 = tpu.memref_squeeze %dma_start3A_93 : memref<1x128xi32, #tpu.memory_space<vmem>> -> memref<128xi32, #tpu.memory_space<vmem>>
          %dma_start3A_95 = arith.constant 0 : i32
          %dma_start3A_96 = arith.constant 0 : i32
          %dma_start3A_97 = tpu.memref_slice %arg11[%dma_start3A_95, %dma_start3A_96] : memref<10240x64xf32, #tpu.memory_space<vmem_shared>> -> memref<10240x64xf32, #tpu.memory_space<vmem_shared>>
          tpu.enqueue_indirect_dma source(%dma_start3A_97 : memref<10240x64xf32, #tpu.memory_space<vmem_shared>>) target(%arg10 : memref<128x64xf32, #tpu.memory_space<vmem>>) offsets(%dma_start3A_94 : memref<128xi32, #tpu.memory_space<vmem>>) semaphore(%arg14 : memref<!tpu.dma_semaphore, #tpu.memory_space<semaphore_mem>>)
        } else {
        }
        %mul3A_62 = arith.constant 2 : i32
        %mul3A_63 = arith.muli %scan3A_36, %mul3A_62 : i32
        %add3A_64 = arith.constant 1 : i32
        %add3A_65 = arith.addi %mul3A_63, %add3A_64 : i32
        %dma_wait3A_66 = arith.constant 0 : i32
        %dma_wait3A_67 = tpu.memref_slice %arg7[%add3A_65, %dma_wait3A_66] : memref<80x128xi32, #tpu.memory_space<vmem>> -> memref<1x128xi32, #tpu.memory_space<vmem>>
        %dma_wait3A_68 = tpu.memref_squeeze %dma_wait3A_67 : memref<1x128xi32, #tpu.memory_space<vmem>> -> memref<128xi32, #tpu.memory_space<vmem>>
        %dma_wait3A_69 = arith.constant 0 : i32
        %dma_wait3A_70 = arith.constant 0 : i32
        %dma_wait3A_71 = tpu.memref_slice %arg11[%dma_wait3A_69, %dma_wait3A_70] : memref<10240x64xf32, #tpu.memory_space<vmem_shared>> -> memref<10240x64xf32, #tpu.memory_space<vmem_shared>>
        tpu.wait_indirect_dma semaphore(%arg14 : memref<!tpu.dma_semaphore, #tpu.memory_space<semaphore_mem>>) src(%dma_wait3A_71 : memref<10240x64xf32, #tpu.memory_space<vmem_shared>>) dst(%arg10 : memref<128x64xf32, #tpu.memory_space<vmem>>)
        %dma_start3A_72 = arith.constant 0 : i32
        %dma_start3A_73 = tpu.memref_slice %arg8[%add3A_65, %dma_start3A_72] : memref<80x128xi32, #tpu.memory_space<vmem>> -> memref<1x128xi32, #tpu.memory_space<vmem>>
        %dma_start3A_74 = tpu.memref_squeeze %dma_start3A_73 : memref<1x128xi32, #tpu.memory_space<vmem>> -> memref<128xi32, #tpu.memory_space<vmem>>
        %dma_start3A_75 = arith.constant 0 : i32
        %dma_start3A_76 = arith.constant 0 : i32
        %dma_start3A_77 = tpu.memref_slice %arg12[%dma_start3A_75, %dma_start3A_76] : memref<10240x64xf32, #tpu.memory_space<vmem_shared>> -> memref<10240x64xf32, #tpu.memory_space<vmem_shared>>
        tpu.enqueue_indirect_dma source(%arg10 : memref<128x64xf32, #tpu.memory_space<vmem>>) target(%dma_start3A_77 : memref<10240x64xf32, #tpu.memory_space<vmem_shared>>) offsets(%dma_start3A_74 : memref<128xi32, #tpu.memory_space<vmem>>) semaphore(%arg16 : memref<!tpu.dma_semaphore, #tpu.memory_space<semaphore_mem>>) {add = true}
        %ge3A_78 = arith.constant 1 : i32
        %ge3A_79 = arith.cmpi sge, %add3A_65, %ge3A_78 : i32
        %convert_element_type3A_80 = arith.extui %ge3A_79 : i1 to i32
        %cond3A_81 = arith.constant 0 : i32
        %cond3A_82 = arith.cmpi ne, %convert_element_type3A_80, %cond3A_81 : i32
        scf.if %cond3A_82 {
          %sub3A = arith.constant 1 : i32
          %sub3A_90 = arith.subi %add3A_65, %sub3A : i32
          %dma_wait3A_91 = arith.constant 0 : i32
          %dma_wait3A_92 = tpu.memref_slice %arg8[%sub3A_90, %dma_wait3A_91] : memref<80x128xi32, #tpu.memory_space<vmem>> -> memref<1x128xi32, #tpu.memory_space<vmem>>
          %dma_wait3A_93 = tpu.memref_squeeze %dma_wait3A_92 : memref<1x128xi32, #tpu.memory_space<vmem>> -> memref<128xi32, #tpu.memory_space<vmem>>
          %dma_wait3A_94 = arith.constant 0 : i32
          %dma_wait3A_95 = arith.constant 0 : i32
          %dma_wait3A_96 = tpu.memref_slice %arg12[%dma_wait3A_94, %dma_wait3A_95] : memref<10240x64xf32, #tpu.memory_space<vmem_shared>> -> memref<10240x64xf32, #tpu.memory_space<vmem_shared>>
          tpu.wait_indirect_dma semaphore(%arg15 : memref<!tpu.dma_semaphore, #tpu.memory_space<semaphore_mem>>) src(%arg9 : memref<128x64xf32, #tpu.memory_space<vmem>>) dst(%dma_wait3A_96 : memref<10240x64xf32, #tpu.memory_space<vmem_shared>>)
        } else {
        }
        %add3A_83 = arith.constant 1 : i32
        %add3A_84 = arith.addi %add3A_65, %add3A_83 : i32
        %lt3A_85 = arith.constant 80 : i32
        %lt3A_86 = arith.cmpi slt, %add3A_84, %lt3A_85 : i32
        %convert_element_type3A_87 = arith.extui %lt3A_86 : i1 to i32
        %cond3A_88 = arith.constant 0 : i32
        %cond3A_89 = arith.cmpi ne, %convert_element_type3A_87, %cond3A_88 : i32
        scf.if %cond3A_89 {
          %add3A_90 = arith.constant 1 : i32
          %add3A_91 = arith.addi %add3A_65, %add3A_90 : i32
          %dma_start3A_92 = arith.constant 0 : i32
          %dma_start3A_93 = tpu.memref_slice %arg7[%add3A_91, %dma_start3A_92] : memref<80x128xi32, #tpu.memory_space<vmem>> -> memref<1x128xi32, #tpu.memory_space<vmem>>
          %dma_start3A_94 = tpu.memref_squeeze %dma_start3A_93 : memref<1x128xi32, #tpu.memory_space<vmem>> -> memref<128xi32, #tpu.memory_space<vmem>>
          %dma_start3A_95 = arith.constant 0 : i32
          %dma_start3A_96 = arith.constant 0 : i32
          %dma_start3A_97 = tpu.memref_slice %arg11[%dma_start3A_95, %dma_start3A_96] : memref<10240x64xf32, #tpu.memory_space<vmem_shared>> -> memref<10240x64xf32, #tpu.memory_space<vmem_shared>>
          tpu.enqueue_indirect_dma source(%dma_start3A_97 : memref<10240x64xf32, #tpu.memory_space<vmem_shared>>) target(%arg9 : memref<128x64xf32, #tpu.memory_space<vmem>>) offsets(%dma_start3A_94 : memref<128xi32, #tpu.memory_space<vmem>>) semaphore(%arg13 : memref<!tpu.dma_semaphore, #tpu.memory_space<semaphore_mem>>)
        } else {
        }
      }
      %scan3A_29 = arith.constant 40 : i32
      %dma_wait3A = arith.constant 79 : i32
      %dma_wait3A_30 = arith.constant 0 : i32
      %dma_wait3A_31 = tpu.memref_slice %arg8[%dma_wait3A, %dma_wait3A_30] : memref<80x128xi32, #tpu.memory_space<vmem>> -> memref<1x128xi32, #tpu.memory_space<vmem>>
      %dma_wait3A_32 = tpu.memref_squeeze %dma_wait3A_31 : memref<1x128xi32, #tpu.memory_space<vmem>> -> memref<128xi32, #tpu.memory_space<vmem>>
      %dma_wait3A_33 = arith.constant 0 : i32
      %dma_wait3A_34 = arith.constant 0 : i32
      %dma_wait3A_35 = tpu.memref_slice %arg12[%dma_wait3A_33, %dma_wait3A_34] : memref<10240x64xf32, #tpu.memory_space<vmem_shared>> -> memref<10240x64xf32, #tpu.memory_space<vmem_shared>>
      tpu.wait_indirect_dma semaphore(%arg16 : memref<!tpu.dma_semaphore, #tpu.memory_space<semaphore_mem>>) src(%arg10 : memref<128x64xf32, #tpu.memory_space<vmem>>) dst(%dma_wait3A_35 : memref<10240x64xf32, #tpu.memory_space<vmem_shared>>)
    } else {
    }
    %barrier3A_14 = arith.constant 0 : index
    tpu.barrier barrier_id(%barrier3A_14)
    %mul3A_15 = arith.constant 640 : i32
    %mul3A_16 = arith.muli %arg1, %mul3A_15 : i32
    %mul3A_17 = arith.constant 640 : i32
    %mul3A_18 = arith.muli %arg1, %mul3A_17 : i32
    "tpu.region"() ({
      %run_scoped3A = tpu.sem_alloc : memref<!tpu.dma_semaphore, #tpu.memory_space<semaphore_mem>>
      %dma_start3A = arith.constant 0 : i32
      %dma_start3A_19 = arith.constant 0 : i32
      %dma_start3A_20 = tpu.memref_slice %arg6[%arg0, %dma_start3A, %dma_start3A_19] : memref<2x10240x64xf32, #tpu.memory_space<hbm>> -> memref<1x10240x64xf32, #tpu.memory_space<hbm>>
      %dma_start3A_21 = tpu.memref_squeeze %dma_start3A_20 : memref<1x10240x64xf32, #tpu.memory_space<hbm>> -> memref<10240x64xf32, #tpu.memory_space<hbm>>
      %dma_start3A_22 = arith.constant 0 : i32
      %dma_start3A_23 = tpu.memref_slice %dma_start3A_21[%mul3A_18, %dma_start3A_22] : memref<10240x64xf32, #tpu.memory_space<hbm>> -> memref<640x64xf32, #tpu.memory_space<hbm>>
      %dma_start3A_24 = arith.constant 0 : i32
      %dma_start3A_25 = tpu.memref_slice %arg12[%mul3A_16, %dma_start3A_24] : memref<10240x64xf32, #tpu.memory_space<vmem_shared>> -> memref<640x64xf32, #tpu.memory_space<vmem_shared>>
      tpu.enqueue_dma source(%dma_start3A_25 : memref<640x64xf32, #tpu.memory_space<vmem_shared>>) target(%dma_start3A_23 : memref<640x64xf32, #tpu.memory_space<hbm>>) target_semaphore(%run_scoped3A : memref<!tpu.dma_semaphore, #tpu.memory_space<semaphore_mem>>)
      %dma_wait3A = arith.constant 0 : i32
      %dma_wait3A_26 = arith.constant 0 : i32
      %dma_wait3A_27 = tpu.memref_slice %arg6[%arg0, %dma_wait3A, %dma_wait3A_26] : memref<2x10240x64xf32, #tpu.memory_space<hbm>> -> memref<1x10240x64xf32, #tpu.memory_space<hbm>>
      %dma_wait3A_28 = tpu.memref_squeeze %dma_wait3A_27 : memref<1x10240x64xf32, #tpu.memory_space<hbm>> -> memref<10240x64xf32, #tpu.memory_space<hbm>>
      %dma_wait3A_29 = arith.constant 0 : i32
      %dma_wait3A_30 = tpu.memref_slice %dma_wait3A_28[%mul3A_18, %dma_wait3A_29] : memref<10240x64xf32, #tpu.memory_space<hbm>> -> memref<640x64xf32, #tpu.memory_space<hbm>>
      %dma_wait3A_31 = arith.constant 0 : i32
      %dma_wait3A_32 = tpu.memref_slice %arg12[%mul3A_16, %dma_wait3A_31] : memref<10240x64xf32, #tpu.memory_space<vmem_shared>> -> memref<640x64xf32, #tpu.memory_space<vmem_shared>>
      tpu.wait_dma2 semaphore(%run_scoped3A : memref<!tpu.dma_semaphore, #tpu.memory_space<semaphore_mem>>) src(%dma_wait3A_32 : memref<640x64xf32, #tpu.memory_space<vmem_shared>>) dst(%dma_wait3A_30 : memref<640x64xf32, #tpu.memory_space<hbm>>)
      tpu.yield
    }) : () -> ()
    return
  }
}

#map = affine_map<(d0, d1) -> (0, 0)>
#map1 = affine_map<(d0, d1) -> (0, 0, 0)>
module attributes {stable_mosaic.version = 14 : i64} {
  func.func @body(%arg0: i32, %arg1: i32, %arg2: memref<10240x64xf32, #tpu.memory_space<hbm>>, %arg3: memref<16x160x128xi32, #tpu.memory_space<hbm>>, %arg4: memref<16x160x128xi32, #tpu.memory_space<hbm>>, %arg5: memref<10240x64xf32, #tpu.memory_space<hbm>>, %arg6: memref<2x10240x64xf32, #tpu.memory_space<hbm>>, %arg7: memref<80x128xi32, #tpu.memory_space<vmem>>, %arg8: memref<80x128xi32, #tpu.memory_space<vmem>>, %arg9: memref<128x64xf32, #tpu.memory_space<vmem>>, %arg10: memref<128x64xf32, #tpu.memory_space<vmem>>, %arg11: memref<10240x64xf32, #tpu.memory_space<vmem_shared>>, %arg12: memref<10240x64xf32, #tpu.memory_space<vmem_shared>>, %arg13: memref<!tpu.dma_semaphore, #tpu.memory_space<semaphore_mem>>, %arg14: memref<!tpu.dma_semaphore, #tpu.memory_space<semaphore_mem>>, %arg15: memref<!tpu.dma_semaphore, #tpu.memory_space<semaphore_mem>>, %arg16: memref<!tpu.dma_semaphore, #tpu.memory_space<semaphore_mem>>) attributes {dimension_semantics = [#tpu.dimension_semantics<core_parallel>, #tpu.dimension_semantics<subcore_parallel>], iteration_bounds = array<i64: 2, 16>, scalar_prefetch = 0 : i64, scratch_operands = 10 : i64, tpu.core_type = #tpu.core_type<sc_vector_subcore>, window_params = [{transform_indices = #map}, {transform_indices = #map1}, {transform_indices = #map1}, {transform_indices = #map}, {transform_indices = #map1}]} {
    %mul3A = arith.constant 640 : i32
    %mul3A_0 = arith.muli %arg1, %mul3A : i32
    %mul3A_1 = arith.constant 640 : i32
    %mul3A_2 = arith.muli %arg1, %mul3A_1 : i32
    "tpu.region"() ({
      %run_scoped3A = tpu.sem_alloc : memref<!tpu.dma_semaphore, #tpu.memory_space<semaphore_mem>>
      %dma_start3A = arith.constant 0 : i32
      %dma_start3A_19 = tpu.memref_slice %arg11[%mul3A_2, %dma_start3A] : memref<10240x64xf32, #tpu.memory_space<vmem_shared>> -> memref<640x64xf32, #tpu.memory_space<vmem_shared>>
      %dma_start3A_20 = arith.constant 0 : i32
      %dma_start3A_21 = tpu.memref_slice %arg2[%mul3A_0, %dma_start3A_20] : memref<10240x64xf32, #tpu.memory_space<hbm>> -> memref<640x64xf32, #tpu.memory_space<hbm>>
      tpu.enqueue_dma source(%dma_start3A_21 : memref<640x64xf32, #tpu.memory_space<hbm>>) target(%dma_start3A_19 : memref<640x64xf32, #tpu.memory_space<vmem_shared>>) target_semaphore(%run_scoped3A : memref<!tpu.dma_semaphore, #tpu.memory_space<semaphore_mem>>)
      %dma_wait3A = arith.constant 0 : i32
      %dma_wait3A_22 = tpu.memref_slice %arg11[%mul3A_2, %dma_wait3A] : memref<10240x64xf32, #tpu.memory_space<vmem_shared>> -> memref<640x64xf32, #tpu.memory_space<vmem_shared>>
      %dma_wait3A_23 = arith.constant 0 : i32
      %dma_wait3A_24 = tpu.memref_slice %arg2[%mul3A_0, %dma_wait3A_23] : memref<10240x64xf32, #tpu.memory_space<hbm>> -> memref<640x64xf32, #tpu.memory_space<hbm>>
      tpu.wait_dma2 semaphore(%run_scoped3A : memref<!tpu.dma_semaphore, #tpu.memory_space<semaphore_mem>>) src(%dma_wait3A_24 : memref<640x64xf32, #tpu.memory_space<hbm>>) dst(%dma_wait3A_22 : memref<640x64xf32, #tpu.memory_space<vmem_shared>>)
      tpu.yield
    }) : () -> ()
    %mul3A_3 = arith.constant 640 : i32
    %mul3A_4 = arith.muli %arg1, %mul3A_3 : i32
    %mul3A_5 = arith.constant 640 : i32
    %mul3A_6 = arith.muli %arg1, %mul3A_5 : i32
    "tpu.region"() ({
      %run_scoped3A = tpu.sem_alloc : memref<!tpu.dma_semaphore, #tpu.memory_space<semaphore_mem>>
      %dma_start3A = arith.constant 0 : i32
      %dma_start3A_19 = tpu.memref_slice %arg12[%mul3A_6, %dma_start3A] : memref<10240x64xf32, #tpu.memory_space<vmem_shared>> -> memref<640x64xf32, #tpu.memory_space<vmem_shared>>
      %dma_start3A_20 = arith.constant 0 : i32
      %dma_start3A_21 = tpu.memref_slice %arg5[%mul3A_4, %dma_start3A_20] : memref<10240x64xf32, #tpu.memory_space<hbm>> -> memref<640x64xf32, #tpu.memory_space<hbm>>
      tpu.enqueue_dma source(%dma_start3A_21 : memref<640x64xf32, #tpu.memory_space<hbm>>) target(%dma_start3A_19 : memref<640x64xf32, #tpu.memory_space<vmem_shared>>) target_semaphore(%run_scoped3A : memref<!tpu.dma_semaphore, #tpu.memory_space<semaphore_mem>>)
      %dma_wait3A = arith.constant 0 : i32
      %dma_wait3A_22 = tpu.memref_slice %arg12[%mul3A_6, %dma_wait3A] : memref<10240x64xf32, #tpu.memory_space<vmem_shared>> -> memref<640x64xf32, #tpu.memory_space<vmem_shared>>
      %dma_wait3A_23 = arith.constant 0 : i32
      %dma_wait3A_24 = tpu.memref_slice %arg5[%mul3A_4, %dma_wait3A_23] : memref<10240x64xf32, #tpu.memory_space<hbm>> -> memref<640x64xf32, #tpu.memory_space<hbm>>
      tpu.wait_dma2 semaphore(%run_scoped3A : memref<!tpu.dma_semaphore, #tpu.memory_space<semaphore_mem>>) src(%dma_wait3A_24 : memref<640x64xf32, #tpu.memory_space<hbm>>) dst(%dma_wait3A_22 : memref<640x64xf32, #tpu.memory_space<vmem_shared>>)
      tpu.yield
    }) : () -> ()
    %barrier3A = arith.constant 0 : index
    tpu.barrier barrier_id(%barrier3A)
    %eq3A = arith.constant 0 : i32
    %eq3A_7 = arith.cmpi eq, %arg0, %eq3A : i32
    %convert_element_type3A = arith.extui %eq3A_7 : i1 to i32
    %cond3A = arith.constant 0 : i32
    %cond3A_8 = arith.cmpi ne, %convert_element_type3A, %cond3A : i32
    scf.if %cond3A_8 {
      "tpu.region"() ({
        %run_scoped3A = tpu.sem_alloc : memref<!tpu.dma_semaphore, #tpu.memory_space<semaphore_mem>>
        %dma_start3A_36 = arith.constant 0 : i32
        %dma_start3A_37 = arith.constant 0 : i32
        %dma_start3A_38 = tpu.memref_slice %arg7[%dma_start3A_36, %dma_start3A_37] : memref<80x128xi32, #tpu.memory_space<vmem>> -> memref<80x128xi32, #tpu.memory_space<vmem>>
        %dma_start3A_39 = arith.constant 0 : i32
        %dma_start3A_40 = arith.constant 0 : i32
        %dma_start3A_41 = tpu.memref_slice %arg3[%arg1, %dma_start3A_39, %dma_start3A_40] : memref<16x160x128xi32, #tpu.memory_space<hbm>> -> memref<1x160x128xi32, #tpu.memory_space<hbm>>
        %dma_start3A_42 = tpu.memref_squeeze %dma_start3A_41 : memref<1x160x128xi32, #tpu.memory_space<hbm>> -> memref<160x128xi32, #tpu.memory_space<hbm>>
        %dma_start3A_43 = arith.constant 0 : i32
        %dma_start3A_44 = arith.constant 0 : i32
        %dma_start3A_45 = tpu.memref_slice %dma_start3A_42[%dma_start3A_43, %dma_start3A_44] : memref<160x128xi32, #tpu.memory_space<hbm>> -> memref<80x128xi32, #tpu.memory_space<hbm>>
        %dma_start3A_46 = arith.constant 0 : i32
        %dma_start3A_47 = arith.constant 0 : i32
        %dma_start3A_48 = tpu.memref_slice %arg7[%dma_start3A_46, %dma_start3A_47] : memref<80x128xi32, #tpu.memory_space<vmem>> -> memref<80x128xi32, #tpu.memory_space<vmem>>
        %dma_start3A_49 = arith.constant 0 : i32
        %dma_start3A_50 = arith.constant 0 : i32
        %dma_start3A_51 = tpu.memref_slice %arg3[%arg1, %dma_start3A_49, %dma_start3A_50] : memref<16x160x128xi32, #tpu.memory_space<hbm>> -> memref<1x160x128xi32, #tpu.memory_space<hbm>>
        %dma_start3A_52 = tpu.memref_squeeze %dma_start3A_51 : memref<1x160x128xi32, #tpu.memory_space<hbm>> -> memref<160x128xi32, #tpu.memory_space<hbm>>
        %dma_start3A_53 = arith.constant 0 : i32
        %dma_start3A_54 = arith.constant 0 : i32
        %dma_start3A_55 = tpu.memref_slice %dma_start3A_52[%dma_start3A_53, %dma_start3A_54] : memref<160x128xi32, #tpu.memory_space<hbm>> -> memref<80x128xi32, #tpu.memory_space<hbm>>
        tpu.enqueue_dma source(%dma_start3A_55 : memref<80x128xi32, #tpu.memory_space<hbm>>) target(%dma_start3A_48 : memref<80x128xi32, #tpu.memory_space<vmem>>) target_semaphore(%run_scoped3A : memref<!tpu.dma_semaphore, #tpu.memory_space<semaphore_mem>>)
        %dma_wait3A_56 = arith.constant 0 : i32
        %dma_wait3A_57 = arith.constant 0 : i32
        %dma_wait3A_58 = tpu.memref_slice %arg7[%dma_wait3A_56, %dma_wait3A_57] : memref<80x128xi32, #tpu.memory_space<vmem>> -> memref<80x128xi32, #tpu.memory_space<vmem>>
        %dma_wait3A_59 = arith.constant 0 : i32
        %dma_wait3A_60 = arith.constant 0 : i32
        %dma_wait3A_61 = tpu.memref_slice %arg3[%arg1, %dma_wait3A_59, %dma_wait3A_60] : memref<16x160x128xi32, #tpu.memory_space<hbm>> -> memref<1x160x128xi32, #tpu.memory_space<hbm>>
        %dma_wait3A_62 = tpu.memref_squeeze %dma_wait3A_61 : memref<1x160x128xi32, #tpu.memory_space<hbm>> -> memref<160x128xi32, #tpu.memory_space<hbm>>
        %dma_wait3A_63 = arith.constant 0 : i32
        %dma_wait3A_64 = arith.constant 0 : i32
        %dma_wait3A_65 = tpu.memref_slice %dma_wait3A_62[%dma_wait3A_63, %dma_wait3A_64] : memref<160x128xi32, #tpu.memory_space<hbm>> -> memref<80x128xi32, #tpu.memory_space<hbm>>
        %dma_wait3A_66 = arith.constant 0 : i32
        %dma_wait3A_67 = arith.constant 0 : i32
        %dma_wait3A_68 = tpu.memref_slice %arg7[%dma_wait3A_66, %dma_wait3A_67] : memref<80x128xi32, #tpu.memory_space<vmem>> -> memref<80x128xi32, #tpu.memory_space<vmem>>
        %dma_wait3A_69 = arith.constant 0 : i32
        %dma_wait3A_70 = arith.constant 0 : i32
        %dma_wait3A_71 = tpu.memref_slice %arg3[%arg1, %dma_wait3A_69, %dma_wait3A_70] : memref<16x160x128xi32, #tpu.memory_space<hbm>> -> memref<1x160x128xi32, #tpu.memory_space<hbm>>
        %dma_wait3A_72 = tpu.memref_squeeze %dma_wait3A_71 : memref<1x160x128xi32, #tpu.memory_space<hbm>> -> memref<160x128xi32, #tpu.memory_space<hbm>>
        %dma_wait3A_73 = arith.constant 0 : i32
        %dma_wait3A_74 = arith.constant 0 : i32
        %dma_wait3A_75 = tpu.memref_slice %dma_wait3A_72[%dma_wait3A_73, %dma_wait3A_74] : memref<160x128xi32, #tpu.memory_space<hbm>> -> memref<80x128xi32, #tpu.memory_space<hbm>>
        tpu.wait_dma2 semaphore(%run_scoped3A : memref<!tpu.dma_semaphore, #tpu.memory_space<semaphore_mem>>) src(%dma_wait3A_75 : memref<80x128xi32, #tpu.memory_space<hbm>>) dst(%dma_wait3A_68 : memref<80x128xi32, #tpu.memory_space<vmem>>)
        tpu.yield
      }) : () -> ()
      "tpu.region"() ({
        %run_scoped3A = tpu.sem_alloc : memref<!tpu.dma_semaphore, #tpu.memory_space<semaphore_mem>>
        %dma_start3A_36 = arith.constant 0 : i32
        %dma_start3A_37 = arith.constant 0 : i32
        %dma_start3A_38 = tpu.memref_slice %arg8[%dma_start3A_36, %dma_start3A_37] : memref<80x128xi32, #tpu.memory_space<vmem>> -> memref<80x128xi32, #tpu.memory_space<vmem>>
        %dma_start3A_39 = arith.constant 0 : i32
        %dma_start3A_40 = arith.constant 0 : i32
        %dma_start3A_41 = tpu.memref_slice %arg4[%arg1, %dma_start3A_39, %dma_start3A_40] : memref<16x160x128xi32, #tpu.memory_space<hbm>> -> memref<1x160x128xi32, #tpu.memory_space<hbm>>
        %dma_start3A_42 = tpu.memref_squeeze %dma_start3A_41 : memref<1x160x128xi32, #tpu.memory_space<hbm>> -> memref<160x128xi32, #tpu.memory_space<hbm>>
        %dma_start3A_43 = arith.constant 0 : i32
        %dma_start3A_44 = arith.constant 0 : i32
        %dma_start3A_45 = tpu.memref_slice %dma_start3A_42[%dma_start3A_43, %dma_start3A_44] : memref<160x128xi32, #tpu.memory_space<hbm>> -> memref<80x128xi32, #tpu.memory_space<hbm>>
        %dma_start3A_46 = arith.constant 0 : i32
        %dma_start3A_47 = arith.constant 0 : i32
        %dma_start3A_48 = tpu.memref_slice %arg8[%dma_start3A_46, %dma_start3A_47] : memref<80x128xi32, #tpu.memory_space<vmem>> -> memref<80x128xi32, #tpu.memory_space<vmem>>
        %dma_start3A_49 = arith.constant 0 : i32
        %dma_start3A_50 = arith.constant 0 : i32
        %dma_start3A_51 = tpu.memref_slice %arg4[%arg1, %dma_start3A_49, %dma_start3A_50] : memref<16x160x128xi32, #tpu.memory_space<hbm>> -> memref<1x160x128xi32, #tpu.memory_space<hbm>>
        %dma_start3A_52 = tpu.memref_squeeze %dma_start3A_51 : memref<1x160x128xi32, #tpu.memory_space<hbm>> -> memref<160x128xi32, #tpu.memory_space<hbm>>
        %dma_start3A_53 = arith.constant 0 : i32
        %dma_start3A_54 = arith.constant 0 : i32
        %dma_start3A_55 = tpu.memref_slice %dma_start3A_52[%dma_start3A_53, %dma_start3A_54] : memref<160x128xi32, #tpu.memory_space<hbm>> -> memref<80x128xi32, #tpu.memory_space<hbm>>
        tpu.enqueue_dma source(%dma_start3A_55 : memref<80x128xi32, #tpu.memory_space<hbm>>) target(%dma_start3A_48 : memref<80x128xi32, #tpu.memory_space<vmem>>) target_semaphore(%run_scoped3A : memref<!tpu.dma_semaphore, #tpu.memory_space<semaphore_mem>>)
        %dma_wait3A_56 = arith.constant 0 : i32
        %dma_wait3A_57 = arith.constant 0 : i32
        %dma_wait3A_58 = tpu.memref_slice %arg8[%dma_wait3A_56, %dma_wait3A_57] : memref<80x128xi32, #tpu.memory_space<vmem>> -> memref<80x128xi32, #tpu.memory_space<vmem>>
        %dma_wait3A_59 = arith.constant 0 : i32
        %dma_wait3A_60 = arith.constant 0 : i32
        %dma_wait3A_61 = tpu.memref_slice %arg4[%arg1, %dma_wait3A_59, %dma_wait3A_60] : memref<16x160x128xi32, #tpu.memory_space<hbm>> -> memref<1x160x128xi32, #tpu.memory_space<hbm>>
        %dma_wait3A_62 = tpu.memref_squeeze %dma_wait3A_61 : memref<1x160x128xi32, #tpu.memory_space<hbm>> -> memref<160x128xi32, #tpu.memory_space<hbm>>
        %dma_wait3A_63 = arith.constant 0 : i32
        %dma_wait3A_64 = arith.constant 0 : i32
        %dma_wait3A_65 = tpu.memref_slice %dma_wait3A_62[%dma_wait3A_63, %dma_wait3A_64] : memref<160x128xi32, #tpu.memory_space<hbm>> -> memref<80x128xi32, #tpu.memory_space<hbm>>
        %dma_wait3A_66 = arith.constant 0 : i32
        %dma_wait3A_67 = arith.constant 0 : i32
        %dma_wait3A_68 = tpu.memref_slice %arg8[%dma_wait3A_66, %dma_wait3A_67] : memref<80x128xi32, #tpu.memory_space<vmem>> -> memref<80x128xi32, #tpu.memory_space<vmem>>
        %dma_wait3A_69 = arith.constant 0 : i32
        %dma_wait3A_70 = arith.constant 0 : i32
        %dma_wait3A_71 = tpu.memref_slice %arg4[%arg1, %dma_wait3A_69, %dma_wait3A_70] : memref<16x160x128xi32, #tpu.memory_space<hbm>> -> memref<1x160x128xi32, #tpu.memory_space<hbm>>
        %dma_wait3A_72 = tpu.memref_squeeze %dma_wait3A_71 : memref<1x160x128xi32, #tpu.memory_space<hbm>> -> memref<160x128xi32, #tpu.memory_space<hbm>>
        %dma_wait3A_73 = arith.constant 0 : i32
        %dma_wait3A_74 = arith.constant 0 : i32
        %dma_wait3A_75 = tpu.memref_slice %dma_wait3A_72[%dma_wait3A_73, %dma_wait3A_74] : memref<160x128xi32, #tpu.memory_space<hbm>> -> memref<80x128xi32, #tpu.memory_space<hbm>>
        tpu.wait_dma2 semaphore(%run_scoped3A : memref<!tpu.dma_semaphore, #tpu.memory_space<semaphore_mem>>) src(%dma_wait3A_75 : memref<80x128xi32, #tpu.memory_space<hbm>>) dst(%dma_wait3A_68 : memref<80x128xi32, #tpu.memory_space<vmem>>)
        tpu.yield
      }) : () -> ()
      %dma_start3A = arith.constant 0 : i32
      %dma_start3A_19 = arith.constant 0 : i32
      %dma_start3A_20 = tpu.memref_slice %arg7[%dma_start3A, %dma_start3A_19] : memref<80x128xi32, #tpu.memory_space<vmem>> -> memref<1x128xi32, #tpu.memory_space<vmem>>
      %dma_start3A_21 = tpu.memref_squeeze %dma_start3A_20 : memref<1x128xi32, #tpu.memory_space<vmem>> -> memref<128xi32, #tpu.memory_space<vmem>>
      %dma_start3A_22 = arith.constant 0 : i32
      %dma_start3A_23 = arith.constant 0 : i32
      %dma_start3A_24 = tpu.memref_slice %arg11[%dma_start3A_22, %dma_start3A_23] : memref<10240x64xf32, #tpu.memory_space<vmem_shared>> -> memref<10240x64xf32, #tpu.memory_space<vmem_shared>>
      tpu.enqueue_indirect_dma source(%dma_start3A_24 : memref<10240x64xf32, #tpu.memory_space<vmem_shared>>) target(%arg9 : memref<128x64xf32, #tpu.memory_space<vmem>>) offsets(%dma_start3A_21 : memref<128xi32, #tpu.memory_space<vmem>>) semaphore(%arg13 : memref<!tpu.dma_semaphore, #tpu.memory_space<semaphore_mem>>)
      %scan3A = arith.constant 0 : i32
      %scan3A_25 = arith.constant 0 : i32
      %scan3A_26 = arith.constant 40 : i32
      %scan3A_27 = arith.addi %scan3A_25, %scan3A_26 : i32
      %scan3A_28 = arith.constant 1 : i32
      scf.for %scan3A_36 = %scan3A_25 to %scan3A_27 step %scan3A_28  : i32 {
        %mul3A_37 = arith.constant 2 : i32
        %mul3A_38 = arith.muli %scan3A_36, %mul3A_37 : i32
        %add3A = arith.constant 0 : i32
        %add3A_39 = arith.addi %mul3A_38, %add3A : i32
        %dma_wait3A_40 = arith.constant 0 : i32
        %dma_wait3A_41 = tpu.memref_slice %arg7[%add3A_39, %dma_wait3A_40] : memref<80x128xi32, #tpu.memory_space<vmem>> -> memref<1x128xi32, #tpu.memory_space<vmem>>
        %dma_wait3A_42 = tpu.memref_squeeze %dma_wait3A_41 : memref<1x128xi32, #tpu.memory_space<vmem>> -> memref<128xi32, #tpu.memory_space<vmem>>
        %dma_wait3A_43 = arith.constant 0 : i32
        %dma_wait3A_44 = arith.constant 0 : i32
        %dma_wait3A_45 = tpu.memref_slice %arg11[%dma_wait3A_43, %dma_wait3A_44] : memref<10240x64xf32, #tpu.memory_space<vmem_shared>> -> memref<10240x64xf32, #tpu.memory_space<vmem_shared>>
        tpu.wait_indirect_dma semaphore(%arg13 : memref<!tpu.dma_semaphore, #tpu.memory_space<semaphore_mem>>) src(%dma_wait3A_45 : memref<10240x64xf32, #tpu.memory_space<vmem_shared>>) dst(%arg9 : memref<128x64xf32, #tpu.memory_space<vmem>>)
        %dma_start3A_46 = arith.constant 0 : i32
        %dma_start3A_47 = tpu.memref_slice %arg8[%add3A_39, %dma_start3A_46] : memref<80x128xi32, #tpu.memory_space<vmem>> -> memref<1x128xi32, #tpu.memory_space<vmem>>
        %dma_start3A_48 = tpu.memref_squeeze %dma_start3A_47 : memref<1x128xi32, #tpu.memory_space<vmem>> -> memref<128xi32, #tpu.memory_space<vmem>>
        %dma_start3A_49 = arith.constant 0 : i32
        %dma_start3A_50 = arith.constant 0 : i32
        %dma_start3A_51 = tpu.memref_slice %arg12[%dma_start3A_49, %dma_start3A_50] : memref<10240x64xf32, #tpu.memory_space<vmem_shared>> -> memref<10240x64xf32, #tpu.memory_space<vmem_shared>>
        tpu.enqueue_indirect_dma source(%arg9 : memref<128x64xf32, #tpu.memory_space<vmem>>) target(%dma_start3A_51 : memref<10240x64xf32, #tpu.memory_space<vmem_shared>>) offsets(%dma_start3A_48 : memref<128xi32, #tpu.memory_space<vmem>>) semaphore(%arg15 : memref<!tpu.dma_semaphore, #tpu.memory_space<semaphore_mem>>) {add = true}
        %ge3A = arith.constant 1 : i32
        %ge3A_52 = arith.cmpi sge, %add3A_39, %ge3A : i32
        %convert_element_type3A_53 = arith.extui %ge3A_52 : i1 to i32
        %cond3A_54 = arith.constant 0 : i32
        %cond3A_55 = arith.cmpi ne, %convert_element_type3A_53, %cond3A_54 : i32
        scf.if %cond3A_55 {
          %sub3A = arith.constant 1 : i32
          %sub3A_90 = arith.subi %add3A_39, %sub3A : i32
          %dma_wait3A_91 = arith.constant 0 : i32
          %dma_wait3A_92 = tpu.memref_slice %arg8[%sub3A_90, %dma_wait3A_91] : memref<80x128xi32, #tpu.memory_space<vmem>> -> memref<1x128xi32, #tpu.memory_space<vmem>>
          %dma_wait3A_93 = tpu.memref_squeeze %dma_wait3A_92 : memref<1x128xi32, #tpu.memory_space<vmem>> -> memref<128xi32, #tpu.memory_space<vmem>>
          %dma_wait3A_94 = arith.constant 0 : i32
          %dma_wait3A_95 = arith.constant 0 : i32
          %dma_wait3A_96 = tpu.memref_slice %arg12[%dma_wait3A_94, %dma_wait3A_95] : memref<10240x64xf32, #tpu.memory_space<vmem_shared>> -> memref<10240x64xf32, #tpu.memory_space<vmem_shared>>
          tpu.wait_indirect_dma semaphore(%arg16 : memref<!tpu.dma_semaphore, #tpu.memory_space<semaphore_mem>>) src(%arg10 : memref<128x64xf32, #tpu.memory_space<vmem>>) dst(%dma_wait3A_96 : memref<10240x64xf32, #tpu.memory_space<vmem_shared>>)
        } else {
        }
        %add3A_56 = arith.constant 1 : i32
        %add3A_57 = arith.addi %add3A_39, %add3A_56 : i32
        %lt3A = arith.constant 80 : i32
        %lt3A_58 = arith.cmpi slt, %add3A_57, %lt3A : i32
        %convert_element_type3A_59 = arith.extui %lt3A_58 : i1 to i32
        %cond3A_60 = arith.constant 0 : i32
        %cond3A_61 = arith.cmpi ne, %convert_element_type3A_59, %cond3A_60 : i32
        scf.if %cond3A_61 {
          %add3A_90 = arith.constant 1 : i32
          %add3A_91 = arith.addi %add3A_39, %add3A_90 : i32
          %dma_start3A_92 = arith.constant 0 : i32
          %dma_start3A_93 = tpu.memref_slice %arg7[%add3A_91, %dma_start3A_92] : memref<80x128xi32, #tpu.memory_space<vmem>> -> memref<1x128xi32, #tpu.memory_space<vmem>>
          %dma_start3A_94 = tpu.memref_squeeze %dma_start3A_93 : memref<1x128xi32, #tpu.memory_space<vmem>> -> memref<128xi32, #tpu.memory_space<vmem>>
          %dma_start3A_95 = arith.constant 0 : i32
          %dma_start3A_96 = arith.constant 0 : i32
          %dma_start3A_97 = tpu.memref_slice %arg11[%dma_start3A_95, %dma_start3A_96] : memref<10240x64xf32, #tpu.memory_space<vmem_shared>> -> memref<10240x64xf32, #tpu.memory_space<vmem_shared>>
          tpu.enqueue_indirect_dma source(%dma_start3A_97 : memref<10240x64xf32, #tpu.memory_space<vmem_shared>>) target(%arg10 : memref<128x64xf32, #tpu.memory_space<vmem>>) offsets(%dma_start3A_94 : memref<128xi32, #tpu.memory_space<vmem>>) semaphore(%arg14 : memref<!tpu.dma_semaphore, #tpu.memory_space<semaphore_mem>>)
        } else {
        }
        %mul3A_62 = arith.constant 2 : i32
        %mul3A_63 = arith.muli %scan3A_36, %mul3A_62 : i32
        %add3A_64 = arith.constant 1 : i32
        %add3A_65 = arith.addi %mul3A_63, %add3A_64 : i32
        %dma_wait3A_66 = arith.constant 0 : i32
        %dma_wait3A_67 = tpu.memref_slice %arg7[%add3A_65, %dma_wait3A_66] : memref<80x128xi32, #tpu.memory_space<vmem>> -> memref<1x128xi32, #tpu.memory_space<vmem>>
        %dma_wait3A_68 = tpu.memref_squeeze %dma_wait3A_67 : memref<1x128xi32, #tpu.memory_space<vmem>> -> memref<128xi32, #tpu.memory_space<vmem>>
        %dma_wait3A_69 = arith.constant 0 : i32
        %dma_wait3A_70 = arith.constant 0 : i32
        %dma_wait3A_71 = tpu.memref_slice %arg11[%dma_wait3A_69, %dma_wait3A_70] : memref<10240x64xf32, #tpu.memory_space<vmem_shared>> -> memref<10240x64xf32, #tpu.memory_space<vmem_shared>>
        tpu.wait_indirect_dma semaphore(%arg14 : memref<!tpu.dma_semaphore, #tpu.memory_space<semaphore_mem>>) src(%dma_wait3A_71 : memref<10240x64xf32, #tpu.memory_space<vmem_shared>>) dst(%arg10 : memref<128x64xf32, #tpu.memory_space<vmem>>)
        %dma_start3A_72 = arith.constant 0 : i32
        %dma_start3A_73 = tpu.memref_slice %arg8[%add3A_65, %dma_start3A_72] : memref<80x128xi32, #tpu.memory_space<vmem>> -> memref<1x128xi32, #tpu.memory_space<vmem>>
        %dma_start3A_74 = tpu.memref_squeeze %dma_start3A_73 : memref<1x128xi32, #tpu.memory_space<vmem>> -> memref<128xi32, #tpu.memory_space<vmem>>
        %dma_start3A_75 = arith.constant 0 : i32
        %dma_start3A_76 = arith.constant 0 : i32
        %dma_start3A_77 = tpu.memref_slice %arg12[%dma_start3A_75, %dma_start3A_76] : memref<10240x64xf32, #tpu.memory_space<vmem_shared>> -> memref<10240x64xf32, #tpu.memory_space<vmem_shared>>
        tpu.enqueue_indirect_dma source(%arg10 : memref<128x64xf32, #tpu.memory_space<vmem>>) target(%dma_start3A_77 : memref<10240x64xf32, #tpu.memory_space<vmem_shared>>) offsets(%dma_start3A_74 : memref<128xi32, #tpu.memory_space<vmem>>) semaphore(%arg16 : memref<!tpu.dma_semaphore, #tpu.memory_space<semaphore_mem>>) {add = true}
        %ge3A_78 = arith.constant 1 : i32
        %ge3A_79 = arith.cmpi sge, %add3A_65, %ge3A_78 : i32
        %convert_element_type3A_80 = arith.extui %ge3A_79 : i1 to i32
        %cond3A_81 = arith.constant 0 : i32
        %cond3A_82 = arith.cmpi ne, %convert_element_type3A_80, %cond3A_81 : i32
        scf.if %cond3A_82 {
          %sub3A = arith.constant 1 : i32
          %sub3A_90 = arith.subi %add3A_65, %sub3A : i32
          %dma_wait3A_91 = arith.constant 0 : i32
          %dma_wait3A_92 = tpu.memref_slice %arg8[%sub3A_90, %dma_wait3A_91] : memref<80x128xi32, #tpu.memory_space<vmem>> -> memref<1x128xi32, #tpu.memory_space<vmem>>
          %dma_wait3A_93 = tpu.memref_squeeze %dma_wait3A_92 : memref<1x128xi32, #tpu.memory_space<vmem>> -> memref<128xi32, #tpu.memory_space<vmem>>
          %dma_wait3A_94 = arith.constant 0 : i32
          %dma_wait3A_95 = arith.constant 0 : i32
          %dma_wait3A_96 = tpu.memref_slice %arg12[%dma_wait3A_94, %dma_wait3A_95] : memref<10240x64xf32, #tpu.memory_space<vmem_shared>> -> memref<10240x64xf32, #tpu.memory_space<vmem_shared>>
          tpu.wait_indirect_dma semaphore(%arg15 : memref<!tpu.dma_semaphore, #tpu.memory_space<semaphore_mem>>) src(%arg9 : memref<128x64xf32, #tpu.memory_space<vmem>>) dst(%dma_wait3A_96 : memref<10240x64xf32, #tpu.memory_space<vmem_shared>>)
        } else {
        }
        %add3A_83 = arith.constant 1 : i32
        %add3A_84 = arith.addi %add3A_65, %add3A_83 : i32
        %lt3A_85 = arith.constant 80 : i32
        %lt3A_86 = arith.cmpi slt, %add3A_84, %lt3A_85 : i32
        %convert_element_type3A_87 = arith.extui %lt3A_86 : i1 to i32
        %cond3A_88 = arith.constant 0 : i32
        %cond3A_89 = arith.cmpi ne, %convert_element_type3A_87, %cond3A_88 : i32
        scf.if %cond3A_89 {
          %add3A_90 = arith.constant 1 : i32
          %add3A_91 = arith.addi %add3A_65, %add3A_90 : i32
          %dma_start3A_92 = arith.constant 0 : i32
          %dma_start3A_93 = tpu.memref_slice %arg7[%add3A_91, %dma_start3A_92] : memref<80x128xi32, #tpu.memory_space<vmem>> -> memref<1x128xi32, #tpu.memory_space<vmem>>
          %dma_start3A_94 = tpu.memref_squeeze %dma_start3A_93 : memref<1x128xi32, #tpu.memory_space<vmem>> -> memref<128xi32, #tpu.memory_space<vmem>>
          %dma_start3A_95 = arith.constant 0 : i32
          %dma_start3A_96 = arith.constant 0 : i32
          %dma_start3A_97 = tpu.memref_slice %arg11[%dma_start3A_95, %dma_start3A_96] : memref<10240x64xf32, #tpu.memory_space<vmem_shared>> -> memref<10240x64xf32, #tpu.memory_space<vmem_shared>>
          tpu.enqueue_indirect_dma source(%dma_start3A_97 : memref<10240x64xf32, #tpu.memory_space<vmem_shared>>) target(%arg9 : memref<128x64xf32, #tpu.memory_space<vmem>>) offsets(%dma_start3A_94 : memref<128xi32, #tpu.memory_space<vmem>>) semaphore(%arg13 : memref<!tpu.dma_semaphore, #tpu.memory_space<semaphore_mem>>)
        } else {
        }
      }
      %scan3A_29 = arith.constant 40 : i32
      %dma_wait3A = arith.constant 79 : i32
      %dma_wait3A_30 = arith.constant 0 : i32
      %dma_wait3A_31 = tpu.memref_slice %arg8[%dma_wait3A, %dma_wait3A_30] : memref<80x128xi32, #tpu.memory_space<vmem>> -> memref<1x128xi32, #tpu.memory_space<vmem>>
      %dma_wait3A_32 = tpu.memref_squeeze %dma_wait3A_31 : memref<1x128xi32, #tpu.memory_space<vmem>> -> memref<128xi32, #tpu.memory_space<vmem>>
      %dma_wait3A_33 = arith.constant 0 : i32
      %dma_wait3A_34 = arith.constant 0 : i32
      %dma_wait3A_35 = tpu.memref_slice %arg12[%dma_wait3A_33, %dma_wait3A_34] : memref<10240x64xf32, #tpu.memory_space<vmem_shared>> -> memref<10240x64xf32, #tpu.memory_space<vmem_shared>>
      tpu.wait_indirect_dma semaphore(%arg16 : memref<!tpu.dma_semaphore, #tpu.memory_space<semaphore_mem>>) src(%arg10 : memref<128x64xf32, #tpu.memory_space<vmem>>) dst(%dma_wait3A_35 : memref<10240x64xf32, #tpu.memory_space<vmem_shared>>)
    } else {
    }
    %eq3A_9 = arith.constant 1 : i32
    %eq3A_10 = arith.cmpi eq, %arg0, %eq3A_9 : i32
    %convert_element_type3A_11 = arith.extui %eq3A_10 : i1 to i32
    %cond3A_12 = arith.constant 0 : i32
    %cond3A_13 = arith.cmpi ne, %convert_element_type3A_11, %cond3A_12 : i32
    scf.if %cond3A_13 {
      "tpu.region"() ({
        %run_scoped3A = tpu.sem_alloc : memref<!tpu.dma_semaphore, #tpu.memory_space<semaphore_mem>>
        %dma_start3A_36 = arith.constant 0 : i32
        %dma_start3A_37 = arith.constant 0 : i32
        %dma_start3A_38 = tpu.memref_slice %arg7[%dma_start3A_36, %dma_start3A_37] : memref<80x128xi32, #tpu.memory_space<vmem>> -> memref<80x128xi32, #tpu.memory_space<vmem>>
        %dma_start3A_39 = arith.constant 0 : i32
        %dma_start3A_40 = arith.constant 0 : i32
        %dma_start3A_41 = tpu.memref_slice %arg3[%arg1, %dma_start3A_39, %dma_start3A_40] : memref<16x160x128xi32, #tpu.memory_space<hbm>> -> memref<1x160x128xi32, #tpu.memory_space<hbm>>
        %dma_start3A_42 = tpu.memref_squeeze %dma_start3A_41 : memref<1x160x128xi32, #tpu.memory_space<hbm>> -> memref<160x128xi32, #tpu.memory_space<hbm>>
        %dma_start3A_43 = arith.constant 80 : i32
        %dma_start3A_44 = arith.constant 0 : i32
        %dma_start3A_45 = tpu.memref_slice %dma_start3A_42[%dma_start3A_43, %dma_start3A_44] : memref<160x128xi32, #tpu.memory_space<hbm>> -> memref<80x128xi32, #tpu.memory_space<hbm>>
        %dma_start3A_46 = arith.constant 0 : i32
        %dma_start3A_47 = arith.constant 0 : i32
        %dma_start3A_48 = tpu.memref_slice %arg7[%dma_start3A_46, %dma_start3A_47] : memref<80x128xi32, #tpu.memory_space<vmem>> -> memref<80x128xi32, #tpu.memory_space<vmem>>
        %dma_start3A_49 = arith.constant 0 : i32
        %dma_start3A_50 = arith.constant 0 : i32
        %dma_start3A_51 = tpu.memref_slice %arg3[%arg1, %dma_start3A_49, %dma_start3A_50] : memref<16x160x128xi32, #tpu.memory_space<hbm>> -> memref<1x160x128xi32, #tpu.memory_space<hbm>>
        %dma_start3A_52 = tpu.memref_squeeze %dma_start3A_51 : memref<1x160x128xi32, #tpu.memory_space<hbm>> -> memref<160x128xi32, #tpu.memory_space<hbm>>
        %dma_start3A_53 = arith.constant 80 : i32
        %dma_start3A_54 = arith.constant 0 : i32
        %dma_start3A_55 = tpu.memref_slice %dma_start3A_52[%dma_start3A_53, %dma_start3A_54] : memref<160x128xi32, #tpu.memory_space<hbm>> -> memref<80x128xi32, #tpu.memory_space<hbm>>
        tpu.enqueue_dma source(%dma_start3A_55 : memref<80x128xi32, #tpu.memory_space<hbm>>) target(%dma_start3A_48 : memref<80x128xi32, #tpu.memory_space<vmem>>) target_semaphore(%run_scoped3A : memref<!tpu.dma_semaphore, #tpu.memory_space<semaphore_mem>>)
        %dma_wait3A_56 = arith.constant 0 : i32
        %dma_wait3A_57 = arith.constant 0 : i32
        %dma_wait3A_58 = tpu.memref_slice %arg7[%dma_wait3A_56, %dma_wait3A_57] : memref<80x128xi32, #tpu.memory_space<vmem>> -> memref<80x128xi32, #tpu.memory_space<vmem>>
        %dma_wait3A_59 = arith.constant 0 : i32
        %dma_wait3A_60 = arith.constant 0 : i32
        %dma_wait3A_61 = tpu.memref_slice %arg3[%arg1, %dma_wait3A_59, %dma_wait3A_60] : memref<16x160x128xi32, #tpu.memory_space<hbm>> -> memref<1x160x128xi32, #tpu.memory_space<hbm>>
        %dma_wait3A_62 = tpu.memref_squeeze %dma_wait3A_61 : memref<1x160x128xi32, #tpu.memory_space<hbm>> -> memref<160x128xi32, #tpu.memory_space<hbm>>
        %dma_wait3A_63 = arith.constant 80 : i32
        %dma_wait3A_64 = arith.constant 0 : i32
        %dma_wait3A_65 = tpu.memref_slice %dma_wait3A_62[%dma_wait3A_63, %dma_wait3A_64] : memref<160x128xi32, #tpu.memory_space<hbm>> -> memref<80x128xi32, #tpu.memory_space<hbm>>
        %dma_wait3A_66 = arith.constant 0 : i32
        %dma_wait3A_67 = arith.constant 0 : i32
        %dma_wait3A_68 = tpu.memref_slice %arg7[%dma_wait3A_66, %dma_wait3A_67] : memref<80x128xi32, #tpu.memory_space<vmem>> -> memref<80x128xi32, #tpu.memory_space<vmem>>
        %dma_wait3A_69 = arith.constant 0 : i32
        %dma_wait3A_70 = arith.constant 0 : i32
        %dma_wait3A_71 = tpu.memref_slice %arg3[%arg1, %dma_wait3A_69, %dma_wait3A_70] : memref<16x160x128xi32, #tpu.memory_space<hbm>> -> memref<1x160x128xi32, #tpu.memory_space<hbm>>
        %dma_wait3A_72 = tpu.memref_squeeze %dma_wait3A_71 : memref<1x160x128xi32, #tpu.memory_space<hbm>> -> memref<160x128xi32, #tpu.memory_space<hbm>>
        %dma_wait3A_73 = arith.constant 80 : i32
        %dma_wait3A_74 = arith.constant 0 : i32
        %dma_wait3A_75 = tpu.memref_slice %dma_wait3A_72[%dma_wait3A_73, %dma_wait3A_74] : memref<160x128xi32, #tpu.memory_space<hbm>> -> memref<80x128xi32, #tpu.memory_space<hbm>>
        tpu.wait_dma2 semaphore(%run_scoped3A : memref<!tpu.dma_semaphore, #tpu.memory_space<semaphore_mem>>) src(%dma_wait3A_75 : memref<80x128xi32, #tpu.memory_space<hbm>>) dst(%dma_wait3A_68 : memref<80x128xi32, #tpu.memory_space<vmem>>)
        tpu.yield
      }) : () -> ()
      "tpu.region"() ({
        %run_scoped3A = tpu.sem_alloc : memref<!tpu.dma_semaphore, #tpu.memory_space<semaphore_mem>>
        %dma_start3A_36 = arith.constant 0 : i32
        %dma_start3A_37 = arith.constant 0 : i32
        %dma_start3A_38 = tpu.memref_slice %arg8[%dma_start3A_36, %dma_start3A_37] : memref<80x128xi32, #tpu.memory_space<vmem>> -> memref<80x128xi32, #tpu.memory_space<vmem>>
        %dma_start3A_39 = arith.constant 0 : i32
        %dma_start3A_40 = arith.constant 0 : i32
        %dma_start3A_41 = tpu.memref_slice %arg4[%arg1, %dma_start3A_39, %dma_start3A_40] : memref<16x160x128xi32, #tpu.memory_space<hbm>> -> memref<1x160x128xi32, #tpu.memory_space<hbm>>
        %dma_start3A_42 = tpu.memref_squeeze %dma_start3A_41 : memref<1x160x128xi32, #tpu.memory_space<hbm>> -> memref<160x128xi32, #tpu.memory_space<hbm>>
        %dma_start3A_43 = arith.constant 80 : i32
        %dma_start3A_44 = arith.constant 0 : i32
        %dma_start3A_45 = tpu.memref_slice %dma_start3A_42[%dma_start3A_43, %dma_start3A_44] : memref<160x128xi32, #tpu.memory_space<hbm>> -> memref<80x128xi32, #tpu.memory_space<hbm>>
        %dma_start3A_46 = arith.constant 0 : i32
        %dma_start3A_47 = arith.constant 0 : i32
        %dma_start3A_48 = tpu.memref_slice %arg8[%dma_start3A_46, %dma_start3A_47] : memref<80x128xi32, #tpu.memory_space<vmem>> -> memref<80x128xi32, #tpu.memory_space<vmem>>
        %dma_start3A_49 = arith.constant 0 : i32
        %dma_start3A_50 = arith.constant 0 : i32
        %dma_start3A_51 = tpu.memref_slice %arg4[%arg1, %dma_start3A_49, %dma_start3A_50] : memref<16x160x128xi32, #tpu.memory_space<hbm>> -> memref<1x160x128xi32, #tpu.memory_space<hbm>>
        %dma_start3A_52 = tpu.memref_squeeze %dma_start3A_51 : memref<1x160x128xi32, #tpu.memory_space<hbm>> -> memref<160x128xi32, #tpu.memory_space<hbm>>
        %dma_start3A_53 = arith.constant 80 : i32
        %dma_start3A_54 = arith.constant 0 : i32
        %dma_start3A_55 = tpu.memref_slice %dma_start3A_52[%dma_start3A_53, %dma_start3A_54] : memref<160x128xi32, #tpu.memory_space<hbm>> -> memref<80x128xi32, #tpu.memory_space<hbm>>
        tpu.enqueue_dma source(%dma_start3A_55 : memref<80x128xi32, #tpu.memory_space<hbm>>) target(%dma_start3A_48 : memref<80x128xi32, #tpu.memory_space<vmem>>) target_semaphore(%run_scoped3A : memref<!tpu.dma_semaphore, #tpu.memory_space<semaphore_mem>>)
        %dma_wait3A_56 = arith.constant 0 : i32
        %dma_wait3A_57 = arith.constant 0 : i32
        %dma_wait3A_58 = tpu.memref_slice %arg8[%dma_wait3A_56, %dma_wait3A_57] : memref<80x128xi32, #tpu.memory_space<vmem>> -> memref<80x128xi32, #tpu.memory_space<vmem>>
        %dma_wait3A_59 = arith.constant 0 : i32
        %dma_wait3A_60 = arith.constant 0 : i32
        %dma_wait3A_61 = tpu.memref_slice %arg4[%arg1, %dma_wait3A_59, %dma_wait3A_60] : memref<16x160x128xi32, #tpu.memory_space<hbm>> -> memref<1x160x128xi32, #tpu.memory_space<hbm>>
        %dma_wait3A_62 = tpu.memref_squeeze %dma_wait3A_61 : memref<1x160x128xi32, #tpu.memory_space<hbm>> -> memref<160x128xi32, #tpu.memory_space<hbm>>
        %dma_wait3A_63 = arith.constant 80 : i32
        %dma_wait3A_64 = arith.constant 0 : i32
        %dma_wait3A_65 = tpu.memref_slice %dma_wait3A_62[%dma_wait3A_63, %dma_wait3A_64] : memref<160x128xi32, #tpu.memory_space<hbm>> -> memref<80x128xi32, #tpu.memory_space<hbm>>
        %dma_wait3A_66 = arith.constant 0 : i32
        %dma_wait3A_67 = arith.constant 0 : i32
        %dma_wait3A_68 = tpu.memref_slice %arg8[%dma_wait3A_66, %dma_wait3A_67] : memref<80x128xi32, #tpu.memory_space<vmem>> -> memref<80x128xi32, #tpu.memory_space<vmem>>
        %dma_wait3A_69 = arith.constant 0 : i32
        %dma_wait3A_70 = arith.constant 0 : i32
        %dma_wait3A_71 = tpu.memref_slice %arg4[%arg1, %dma_wait3A_69, %dma_wait3A_70] : memref<16x160x128xi32, #tpu.memory_space<hbm>> -> memref<1x160x128xi32, #tpu.memory_space<hbm>>
        %dma_wait3A_72 = tpu.memref_squeeze %dma_wait3A_71 : memref<1x160x128xi32, #tpu.memory_space<hbm>> -> memref<160x128xi32, #tpu.memory_space<hbm>>
        %dma_wait3A_73 = arith.constant 80 : i32
        %dma_wait3A_74 = arith.constant 0 : i32
        %dma_wait3A_75 = tpu.memref_slice %dma_wait3A_72[%dma_wait3A_73, %dma_wait3A_74] : memref<160x128xi32, #tpu.memory_space<hbm>> -> memref<80x128xi32, #tpu.memory_space<hbm>>
        tpu.wait_dma2 semaphore(%run_scoped3A : memref<!tpu.dma_semaphore, #tpu.memory_space<semaphore_mem>>) src(%dma_wait3A_75 : memref<80x128xi32, #tpu.memory_space<hbm>>) dst(%dma_wait3A_68 : memref<80x128xi32, #tpu.memory_space<vmem>>)
        tpu.yield
      }) : () -> ()
      %dma_start3A = arith.constant 0 : i32
      %dma_start3A_19 = arith.constant 0 : i32
      %dma_start3A_20 = tpu.memref_slice %arg7[%dma_start3A, %dma_start3A_19] : memref<80x128xi32, #tpu.memory_space<vmem>> -> memref<1x128xi32, #tpu.memory_space<vmem>>
      %dma_start3A_21 = tpu.memref_squeeze %dma_start3A_20 : memref<1x128xi32, #tpu.memory_space<vmem>> -> memref<128xi32, #tpu.memory_space<vmem>>
      %dma_start3A_22 = arith.constant 0 : i32
      %dma_start3A_23 = arith.constant 0 : i32
      %dma_start3A_24 = tpu.memref_slice %arg11[%dma_start3A_22, %dma_start3A_23] : memref<10240x64xf32, #tpu.memory_space<vmem_shared>> -> memref<10240x64xf32, #tpu.memory_space<vmem_shared>>
      tpu.enqueue_indirect_dma source(%dma_start3A_24 : memref<10240x64xf32, #tpu.memory_space<vmem_shared>>) target(%arg9 : memref<128x64xf32, #tpu.memory_space<vmem>>) offsets(%dma_start3A_21 : memref<128xi32, #tpu.memory_space<vmem>>) semaphore(%arg13 : memref<!tpu.dma_semaphore, #tpu.memory_space<semaphore_mem>>)
      %scan3A = arith.constant 0 : i32
      %scan3A_25 = arith.constant 0 : i32
      %scan3A_26 = arith.constant 40 : i32
      %scan3A_27 = arith.addi %scan3A_25, %scan3A_26 : i32
      %scan3A_28 = arith.constant 1 : i32
      scf.for %scan3A_36 = %scan3A_25 to %scan3A_27 step %scan3A_28  : i32 {
        %mul3A_37 = arith.constant 2 : i32
        %mul3A_38 = arith.muli %scan3A_36, %mul3A_37 : i32
        %add3A = arith.constant 0 : i32
        %add3A_39 = arith.addi %mul3A_38, %add3A : i32
        %dma_wait3A_40 = arith.constant 0 : i32
        %dma_wait3A_41 = tpu.memref_slice %arg7[%add3A_39, %dma_wait3A_40] : memref<80x128xi32, #tpu.memory_space<vmem>> -> memref<1x128xi32, #tpu.memory_space<vmem>>
        %dma_wait3A_42 = tpu.memref_squeeze %dma_wait3A_41 : memref<1x128xi32, #tpu.memory_space<vmem>> -> memref<128xi32, #tpu.memory_space<vmem>>
        %dma_wait3A_43 = arith.constant 0 : i32
        %dma_wait3A_44 = arith.constant 0 : i32
        %dma_wait3A_45 = tpu.memref_slice %arg11[%dma_wait3A_43, %dma_wait3A_44] : memref<10240x64xf32, #tpu.memory_space<vmem_shared>> -> memref<10240x64xf32, #tpu.memory_space<vmem_shared>>
        tpu.wait_indirect_dma semaphore(%arg13 : memref<!tpu.dma_semaphore, #tpu.memory_space<semaphore_mem>>) src(%dma_wait3A_45 : memref<10240x64xf32, #tpu.memory_space<vmem_shared>>) dst(%arg9 : memref<128x64xf32, #tpu.memory_space<vmem>>)
        %dma_start3A_46 = arith.constant 0 : i32
        %dma_start3A_47 = tpu.memref_slice %arg8[%add3A_39, %dma_start3A_46] : memref<80x128xi32, #tpu.memory_space<vmem>> -> memref<1x128xi32, #tpu.memory_space<vmem>>
        %dma_start3A_48 = tpu.memref_squeeze %dma_start3A_47 : memref<1x128xi32, #tpu.memory_space<vmem>> -> memref<128xi32, #tpu.memory_space<vmem>>
        %dma_start3A_49 = arith.constant 0 : i32
        %dma_start3A_50 = arith.constant 0 : i32
        %dma_start3A_51 = tpu.memref_slice %arg12[%dma_start3A_49, %dma_start3A_50] : memref<10240x64xf32, #tpu.memory_space<vmem_shared>> -> memref<10240x64xf32, #tpu.memory_space<vmem_shared>>
        tpu.enqueue_indirect_dma source(%arg9 : memref<128x64xf32, #tpu.memory_space<vmem>>) target(%dma_start3A_51 : memref<10240x64xf32, #tpu.memory_space<vmem_shared>>) offsets(%dma_start3A_48 : memref<128xi32, #tpu.memory_space<vmem>>) semaphore(%arg15 : memref<!tpu.dma_semaphore, #tpu.memory_space<semaphore_mem>>) {add = true}
        %ge3A = arith.constant 1 : i32
        %ge3A_52 = arith.cmpi sge, %add3A_39, %ge3A : i32
        %convert_element_type3A_53 = arith.extui %ge3A_52 : i1 to i32
        %cond3A_54 = arith.constant 0 : i32
        %cond3A_55 = arith.cmpi ne, %convert_element_type3A_53, %cond3A_54 : i32
        scf.if %cond3A_55 {
          %sub3A = arith.constant 1 : i32
          %sub3A_90 = arith.subi %add3A_39, %sub3A : i32
          %dma_wait3A_91 = arith.constant 0 : i32
          %dma_wait3A_92 = tpu.memref_slice %arg8[%sub3A_90, %dma_wait3A_91] : memref<80x128xi32, #tpu.memory_space<vmem>> -> memref<1x128xi32, #tpu.memory_space<vmem>>
          %dma_wait3A_93 = tpu.memref_squeeze %dma_wait3A_92 : memref<1x128xi32, #tpu.memory_space<vmem>> -> memref<128xi32, #tpu.memory_space<vmem>>
          %dma_wait3A_94 = arith.constant 0 : i32
          %dma_wait3A_95 = arith.constant 0 : i32
          %dma_wait3A_96 = tpu.memref_slice %arg12[%dma_wait3A_94, %dma_wait3A_95] : memref<10240x64xf32, #tpu.memory_space<vmem_shared>> -> memref<10240x64xf32, #tpu.memory_space<vmem_shared>>
          tpu.wait_indirect_dma semaphore(%arg16 : memref<!tpu.dma_semaphore, #tpu.memory_space<semaphore_mem>>) src(%arg10 : memref<128x64xf32, #tpu.memory_space<vmem>>) dst(%dma_wait3A_96 : memref<10240x64xf32, #tpu.memory_space<vmem_shared>>)
        } else {
        }
        %add3A_56 = arith.constant 1 : i32
        %add3A_57 = arith.addi %add3A_39, %add3A_56 : i32
        %lt3A = arith.constant 80 : i32
        %lt3A_58 = arith.cmpi slt, %add3A_57, %lt3A : i32
        %convert_element_type3A_59 = arith.extui %lt3A_58 : i1 to i32
        %cond3A_60 = arith.constant 0 : i32
        %cond3A_61 = arith.cmpi ne, %convert_element_type3A_59, %cond3A_60 : i32
        scf.if %cond3A_61 {
          %add3A_90 = arith.constant 1 : i32
          %add3A_91 = arith.addi %add3A_39, %add3A_90 : i32
          %dma_start3A_92 = arith.constant 0 : i32
          %dma_start3A_93 = tpu.memref_slice %arg7[%add3A_91, %dma_start3A_92] : memref<80x128xi32, #tpu.memory_space<vmem>> -> memref<1x128xi32, #tpu.memory_space<vmem>>
          %dma_start3A_94 = tpu.memref_squeeze %dma_start3A_93 : memref<1x128xi32, #tpu.memory_space<vmem>> -> memref<128xi32, #tpu.memory_space<vmem>>
          %dma_start3A_95 = arith.constant 0 : i32
          %dma_start3A_96 = arith.constant 0 : i32
          %dma_start3A_97 = tpu.memref_slice %arg11[%dma_start3A_95, %dma_start3A_96] : memref<10240x64xf32, #tpu.memory_space<vmem_shared>> -> memref<10240x64xf32, #tpu.memory_space<vmem_shared>>
          tpu.enqueue_indirect_dma source(%dma_start3A_97 : memref<10240x64xf32, #tpu.memory_space<vmem_shared>>) target(%arg10 : memref<128x64xf32, #tpu.memory_space<vmem>>) offsets(%dma_start3A_94 : memref<128xi32, #tpu.memory_space<vmem>>) semaphore(%arg14 : memref<!tpu.dma_semaphore, #tpu.memory_space<semaphore_mem>>)
        } else {
        }
        %mul3A_62 = arith.constant 2 : i32
        %mul3A_63 = arith.muli %scan3A_36, %mul3A_62 : i32
        %add3A_64 = arith.constant 1 : i32
        %add3A_65 = arith.addi %mul3A_63, %add3A_64 : i32
        %dma_wait3A_66 = arith.constant 0 : i32
        %dma_wait3A_67 = tpu.memref_slice %arg7[%add3A_65, %dma_wait3A_66] : memref<80x128xi32, #tpu.memory_space<vmem>> -> memref<1x128xi32, #tpu.memory_space<vmem>>
        %dma_wait3A_68 = tpu.memref_squeeze %dma_wait3A_67 : memref<1x128xi32, #tpu.memory_space<vmem>> -> memref<128xi32, #tpu.memory_space<vmem>>
        %dma_wait3A_69 = arith.constant 0 : i32
        %dma_wait3A_70 = arith.constant 0 : i32
        %dma_wait3A_71 = tpu.memref_slice %arg11[%dma_wait3A_69, %dma_wait3A_70] : memref<10240x64xf32, #tpu.memory_space<vmem_shared>> -> memref<10240x64xf32, #tpu.memory_space<vmem_shared>>
        tpu.wait_indirect_dma semaphore(%arg14 : memref<!tpu.dma_semaphore, #tpu.memory_space<semaphore_mem>>) src(%dma_wait3A_71 : memref<10240x64xf32, #tpu.memory_space<vmem_shared>>) dst(%arg10 : memref<128x64xf32, #tpu.memory_space<vmem>>)
        %dma_start3A_72 = arith.constant 0 : i32
        %dma_start3A_73 = tpu.memref_slice %arg8[%add3A_65, %dma_start3A_72] : memref<80x128xi32, #tpu.memory_space<vmem>> -> memref<1x128xi32, #tpu.memory_space<vmem>>
        %dma_start3A_74 = tpu.memref_squeeze %dma_start3A_73 : memref<1x128xi32, #tpu.memory_space<vmem>> -> memref<128xi32, #tpu.memory_space<vmem>>
        %dma_start3A_75 = arith.constant 0 : i32
        %dma_start3A_76 = arith.constant 0 : i32
        %dma_start3A_77 = tpu.memref_slice %arg12[%dma_start3A_75, %dma_start3A_76] : memref<10240x64xf32, #tpu.memory_space<vmem_shared>> -> memref<10240x64xf32, #tpu.memory_space<vmem_shared>>
        tpu.enqueue_indirect_dma source(%arg10 : memref<128x64xf32, #tpu.memory_space<vmem>>) target(%dma_start3A_77 : memref<10240x64xf32, #tpu.memory_space<vmem_shared>>) offsets(%dma_start3A_74 : memref<128xi32, #tpu.memory_space<vmem>>) semaphore(%arg16 : memref<!tpu.dma_semaphore, #tpu.memory_space<semaphore_mem>>) {add = true}
        %ge3A_78 = arith.constant 1 : i32
        %ge3A_79 = arith.cmpi sge, %add3A_65, %ge3A_78 : i32
        %convert_element_type3A_80 = arith.extui %ge3A_79 : i1 to i32
        %cond3A_81 = arith.constant 0 : i32
        %cond3A_82 = arith.cmpi ne, %convert_element_type3A_80, %cond3A_81 : i32
        scf.if %cond3A_82 {
          %sub3A = arith.constant 1 : i32
          %sub3A_90 = arith.subi %add3A_65, %sub3A : i32
          %dma_wait3A_91 = arith.constant 0 : i32
          %dma_wait3A_92 = tpu.memref_slice %arg8[%sub3A_90, %dma_wait3A_91] : memref<80x128xi32, #tpu.memory_space<vmem>> -> memref<1x128xi32, #tpu.memory_space<vmem>>
          %dma_wait3A_93 = tpu.memref_squeeze %dma_wait3A_92 : memref<1x128xi32, #tpu.memory_space<vmem>> -> memref<128xi32, #tpu.memory_space<vmem>>
          %dma_wait3A_94 = arith.constant 0 : i32
          %dma_wait3A_95 = arith.constant 0 : i32
          %dma_wait3A_96 = tpu.memref_slice %arg12[%dma_wait3A_94, %dma_wait3A_95] : memref<10240x64xf32, #tpu.memory_space<vmem_shared>> -> memref<10240x64xf32, #tpu.memory_space<vmem_shared>>
          tpu.wait_indirect_dma semaphore(%arg15 : memref<!tpu.dma_semaphore, #tpu.memory_space<semaphore_mem>>) src(%arg9 : memref<128x64xf32, #tpu.memory_space<vmem>>) dst(%dma_wait3A_96 : memref<10240x64xf32, #tpu.memory_space<vmem_shared>>)
        } else {
        }
        %add3A_83 = arith.constant 1 : i32
        %add3A_84 = arith.addi %add3A_65, %add3A_83 : i32
        %lt3A_85 = arith.constant 80 : i32
        %lt3A_86 = arith.cmpi slt, %add3A_84, %lt3A_85 : i32
        %convert_element_type3A_87 = arith.extui %lt3A_86 : i1 to i32
        %cond3A_88 = arith.constant 0 : i32
        %cond3A_89 = arith.cmpi ne, %convert_element_type3A_87, %cond3A_88 : i32
        scf.if %cond3A_89 {
          %add3A_90 = arith.constant 1 : i32
          %add3A_91 = arith.addi %add3A_65, %add3A_90 : i32
          %dma_start3A_92 = arith.constant 0 : i32
          %dma_start3A_93 = tpu.memref_slice %arg7[%add3A_91, %dma_start3A_92] : memref<80x128xi32, #tpu.memory_space<vmem>> -> memref<1x128xi32, #tpu.memory_space<vmem>>
          %dma_start3A_94 = tpu.memref_squeeze %dma_start3A_93 : memref<1x128xi32, #tpu.memory_space<vmem>> -> memref<128xi32, #tpu.memory_space<vmem>>
          %dma_start3A_95 = arith.constant 0 : i32
          %dma_start3A_96 = arith.constant 0 : i32
          %dma_start3A_97 = tpu.memref_slice %arg11[%dma_start3A_95, %dma_start3A_96] : memref<10240x64xf32, #tpu.memory_space<vmem_shared>> -> memref<10240x64xf32, #tpu.memory_space<vmem_shared>>
          tpu.enqueue_indirect_dma source(%dma_start3A_97 : memref<10240x64xf32, #tpu.memory_space<vmem_shared>>) target(%arg9 : memref<128x64xf32, #tpu.memory_space<vmem>>) offsets(%dma_start3A_94 : memref<128xi32, #tpu.memory_space<vmem>>) semaphore(%arg13 : memref<!tpu.dma_semaphore, #tpu.memory_space<semaphore_mem>>)
        } else {
        }
      }
      %scan3A_29 = arith.constant 40 : i32
      %dma_wait3A = arith.constant 79 : i32
      %dma_wait3A_30 = arith.constant 0 : i32
      %dma_wait3A_31 = tpu.memref_slice %arg8[%dma_wait3A, %dma_wait3A_30] : memref<80x128xi32, #tpu.memory_space<vmem>> -> memref<1x128xi32, #tpu.memory_space<vmem>>
      %dma_wait3A_32 = tpu.memref_squeeze %dma_wait3A_31 : memref<1x128xi32, #tpu.memory_space<vmem>> -> memref<128xi32, #tpu.memory_space<vmem>>
      %dma_wait3A_33 = arith.constant 0 : i32
      %dma_wait3A_34 = arith.constant 0 : i32
      %dma_wait3A_35 = tpu.memref_slice %arg12[%dma_wait3A_33, %dma_wait3A_34] : memref<10240x64xf32, #tpu.memory_space<vmem_shared>> -> memref<10240x64xf32, #tpu.memory_space<vmem_shared>>
      tpu.wait_indirect_dma semaphore(%arg16 : memref<!tpu.dma_semaphore, #tpu.memory_space<semaphore_mem>>) src(%arg10 : memref<128x64xf32, #tpu.memory_space<vmem>>) dst(%dma_wait3A_35 : memref<10240x64xf32, #tpu.memory_space<vmem_shared>>)
    } else {
    }
    %barrier3A_14 = arith.constant 0 : index
    tpu.barrier barrier_id(%barrier3A_14)
    %mul3A_15 = arith.constant 640 : i32
    %mul3A_16 = arith.muli %arg1, %mul3A_15 : i32
    %mul3A_17 = arith.constant 640 : i32
    %mul3A_18 = arith.muli %arg1, %mul3A_17 : i32
    "tpu.region"() ({
      %run_scoped3A = tpu.sem_alloc : memref<!tpu.dma_semaphore, #tpu.memory_space<semaphore_mem>>
      %dma_start3A = arith.constant 0 : i32
      %dma_start3A_19 = arith.constant 0 : i32
      %dma_start3A_20 = tpu.memref_slice %arg6[%arg0, %dma_start3A, %dma_start3A_19] : memref<2x10240x64xf32, #tpu.memory_space<hbm>> -> memref<1x10240x64xf32, #tpu.memory_space<hbm>>
      %dma_start3A_21 = tpu.memref_squeeze %dma_start3A_20 : memref<1x10240x64xf32, #tpu.memory_space<hbm>> -> memref<10240x64xf32, #tpu.memory_space<hbm>>
      %dma_start3A_22 = arith.constant 0 : i32
      %dma_start3A_23 = tpu.memref_slice %dma_start3A_21[%mul3A_18, %dma_start3A_22] : memref<10240x64xf32, #tpu.memory_space<hbm>> -> memref<640x64xf32, #tpu.memory_space<hbm>>
      %dma_start3A_24 = arith.constant 0 : i32
      %dma_start3A_25 = tpu.memref_slice %arg12[%mul3A_16, %dma_start3A_24] : memref<10240x64xf32, #tpu.memory_space<vmem_shared>> -> memref<640x64xf32, #tpu.memory_space<vmem_shared>>
      tpu.enqueue_dma source(%dma_start3A_25 : memref<640x64xf32, #tpu.memory_space<vmem_shared>>) target(%dma_start3A_23 : memref<640x64xf32, #tpu.memory_space<hbm>>) target_semaphore(%run_scoped3A : memref<!tpu.dma_semaphore, #tpu.memory_space<semaphore_mem>>)
      %dma_wait3A = arith.constant 0 : i32
      %dma_wait3A_26 = arith.constant 0 : i32
      %dma_wait3A_27 = tpu.memref_slice %arg6[%arg0, %dma_wait3A, %dma_wait3A_26] : memref<2x10240x64xf32, #tpu.memory_space<hbm>> -> memref<1x10240x64xf32, #tpu.memory_space<hbm>>
      %dma_wait3A_28 = tpu.memref_squeeze %dma_wait3A_27 : memref<1x10240x64xf32, #tpu.memory_space<hbm>> -> memref<10240x64xf32, #tpu.memory_space<hbm>>
      %dma_wait3A_29 = arith.constant 0 : i32
      %dma_wait3A_30 = tpu.memref_slice %dma_wait3A_28[%mul3A_18, %dma_wait3A_29] : memref<10240x64xf32, #tpu.memory_space<hbm>> -> memref<640x64xf32, #tpu.memory_space<hbm>>
      %dma_wait3A_31 = arith.constant 0 : i32
      %dma_wait3A_32 = tpu.memref_slice %arg12[%mul3A_16, %dma_wait3A_31] : memref<10240x64xf32, #tpu.memory_space<vmem_shared>> -> memref<640x64xf32, #tpu.memory_space<vmem_shared>>
      tpu.wait_dma2 semaphore(%run_scoped3A : memref<!tpu.dma_semaphore, #tpu.memory_space<semaphore_mem>>) src(%dma_wait3A_32 : memref<640x64xf32, #tpu.memory_space<vmem_shared>>) dst(%dma_wait3A_30 : memref<640x64xf32, #tpu.memory_space<hbm>>)
      tpu.yield
    }) : () -> ()
    return
  }
}

module attributes {stable_mosaic.version = 14 : i64} {
  func.func @_prep_body(%arg0: i32, %arg1: memref<2x2560x8xf32, #tpu.memory_space<vmem>>, %arg2: memref<2560x128xf32, #tpu.memory_space<vmem>>, %arg3: memref<2560x8xf32, #tpu.memory_space<vmem>>, %arg4: memref<2560x8xf32, #tpu.memory_space<vmem>>, %arg5: memref<2560x64xf32, #tpu.memory_space<vmem>>, %arg6: memref<2560x64xf32, #tpu.memory_space<vmem>>) attributes {dimension_semantics = [#tpu.dimension_semantics<arbitrary>], iteration_bounds = array<i64: 4>, scalar_prefetch = 0 : i64, scratch_operands = 0 : i64, tpu.core_type = #tpu.core_type<tc>, window_params = [{transform_indices = @transform_0, window_bounds = array<i64: 2, 2560, 8>}, {transform_indices = @transform_1, window_bounds = array<i64: 2560, 128>}, {transform_indices = @transform_2, window_bounds = array<i64: 2560, 8>}, {transform_indices = @transform_3, window_bounds = array<i64: 2560, 8>}, {transform_indices = @transform_4, window_bounds = array<i64: 2560, 64>}, {transform_indices = @transform_5, window_bounds = array<i64: 2560, 64>}]} {
    %get3A = arith.constant 0 : index
    %get3A_0 = arith.constant 0 : index
    %get3A_1 = arith.constant 0 : index
    %get3A_2 = vector.load %arg1[%get3A, %get3A_0, %get3A_1] : memref<2x2560x8xf32, #tpu.memory_space<vmem>>, vector<1x2560x8xf32>
    %get3A_3 = vector.shape_cast %get3A_2 : vector<1x2560x8xf32> to vector<2560x8xf32>
    %get3A_4 = arith.constant 1 : index
    %get3A_5 = arith.constant 0 : index
    %get3A_6 = arith.constant 0 : index
    %get3A_7 = vector.load %arg1[%get3A_4, %get3A_5, %get3A_6] : memref<2x2560x8xf32, #tpu.memory_space<vmem>>, vector<1x2560x8xf32>
    %get3A_8 = vector.shape_cast %get3A_7 : vector<1x2560x8xf32> to vector<2560x8xf32>
    %add3A = arith.addf %get3A_3, %get3A_8 : vector<2560x8xf32>
    %slice3A = vector.extract_strided_slice %add3A {offsets = [0, 0], sizes = [2560, 1], strides = [1, 1]} : vector<2560x8xf32> to vector<2560x1xf32>
    %slice3A_9 = vector.extract_strided_slice %add3A {offsets = [0, 1], sizes = [2560, 1], strides = [1, 1]} : vector<2560x8xf32> to vector<2560x1xf32>
    %gt3A = arith.constant 0.000000e+00 : f32
    %gt3A_10 = vector.broadcast %gt3A : f32 to vector<2560x1xf32>
    %gt3A_11 = arith.cmpf ogt, %slice3A, %gt3A_10 : vector<2560x1xf32>
    %max3A = arith.constant 1.000000e+00 : f32
    %max3A_12 = vector.broadcast %max3A : f32 to vector<2560x1xf32>
    %max3A_13 = arith.maximumf %slice3A, %max3A_12 : vector<2560x1xf32>
    %rsqrt3A = math.rsqrt %max3A_13 : vector<2560x1xf32>
    %jit3A = arith.constant 0.000000e+00 : f32
    %broadcast_in_dim3A = vector.broadcast %jit3A : f32 to vector<2560x1xf32>
    %select_n3A = arith.select %gt3A_11, %rsqrt3A, %broadcast_in_dim3A : vector<2560x1xi1>, vector<2560x1xf32>
    %gt3A_14 = arith.constant 0.000000e+00 : f32
    %gt3A_15 = vector.broadcast %gt3A_14 : f32 to vector<2560x1xf32>
    %gt3A_16 = arith.cmpf ogt, %slice3A_9, %gt3A_15 : vector<2560x1xf32>
    %max3A_17 = arith.constant 1.000000e+00 : f32
    %max3A_18 = vector.broadcast %max3A_17 : f32 to vector<2560x1xf32>
    %max3A_19 = arith.maximumf %slice3A_9, %max3A_18 : vector<2560x1xf32>
    %rsqrt3A_20 = math.rsqrt %max3A_19 : vector<2560x1xf32>
    %jit3A_21 = arith.constant 0.000000e+00 : f32
    %broadcast_in_dim3A_22 = vector.broadcast %jit3A_21 : f32 to vector<2560x1xf32>
    %select_n3A_23 = arith.select %gt3A_16, %rsqrt3A_20, %broadcast_in_dim3A_22 : vector<2560x1xi1>, vector<2560x1xf32>
    %broadcast_in_dim3A_24 = vector.shape_cast %select_n3A : vector<2560x1xf32> to vector<2560x1xf32>
    %broadcast_in_dim3A_25 = vector.broadcast %broadcast_in_dim3A_24 : vector<2560x1xf32> to vector<2560x8xf32>
    %swap3A = arith.constant 0 : index
    %swap3A_26 = arith.constant 0 : index
    %swap3A_27 = vector.load %arg3[%swap3A, %swap3A_26] : memref<2560x8xf32, #tpu.memory_space<vmem>>, vector<2560x8xf32>
    tpu.vector_store %arg3[%swap3A, %swap3A_26], %broadcast_in_dim3A_25 {strides = array<i32>} : memref<2560x8xf32, #tpu.memory_space<vmem>>, vector<2560x8xf32>,
    %broadcast_in_dim3A_28 = vector.shape_cast %select_n3A_23 : vector<2560x1xf32> to vector<2560x1xf32>
    %broadcast_in_dim3A_29 = vector.broadcast %broadcast_in_dim3A_28 : vector<2560x1xf32> to vector<2560x8xf32>
    %swap3A_30 = arith.constant 0 : index
    %swap3A_31 = arith.constant 0 : index
    %swap3A_32 = vector.load %arg4[%swap3A_30, %swap3A_31] : memref<2560x8xf32, #tpu.memory_space<vmem>>, vector<2560x8xf32>
    tpu.vector_store %arg4[%swap3A_30, %swap3A_31], %broadcast_in_dim3A_29 {strides = array<i32>} : memref<2560x8xf32, #tpu.memory_space<vmem>>, vector<2560x8xf32>,
    %get3A_33 = arith.constant 0 : index
    %get3A_34 = arith.constant 0 : index
    %get3A_35 = vector.load %arg2[%get3A_33, %get3A_34] : memref<2560x128xf32, #tpu.memory_space<vmem>>, vector<2560x128xf32>
    %mul3A = vector.broadcast %select_n3A : vector<2560x1xf32> to vector<2560x128xf32>
    %mul3A_36 = arith.mulf %get3A_35, %mul3A : vector<2560x128xf32>
    %slice3A_37 = vector.extract_strided_slice %mul3A_36 {offsets = [0, 0], sizes = [2560, 64], strides = [1, 1]} : vector<2560x128xf32> to vector<2560x64xf32>
    %swap3A_38 = arith.constant 0 : index
    %swap3A_39 = arith.constant 0 : index
    %swap3A_40 = vector.load %arg5[%swap3A_38, %swap3A_39] : memref<2560x64xf32, #tpu.memory_space<vmem>>, vector<2560x64xf32>
    tpu.vector_store %arg5[%swap3A_38, %swap3A_39], %slice3A_37 {strides = array<i32>} : memref<2560x64xf32, #tpu.memory_space<vmem>>, vector<2560x64xf32>,
    %slice3A_41 = vector.extract_strided_slice %mul3A_36 {offsets = [0, 64], sizes = [2560, 64], strides = [1, 1]} : vector<2560x128xf32> to vector<2560x64xf32>
    %swap3A_42 = arith.constant 0 : index
    %swap3A_43 = arith.constant 0 : index
    %swap3A_44 = vector.load %arg6[%swap3A_42, %swap3A_43] : memref<2560x64xf32, #tpu.memory_space<vmem>>, vector<2560x64xf32>
    tpu.vector_store %arg6[%swap3A_42, %swap3A_43], %slice3A_41 {strides = array<i32>} : memref<2560x64xf32, #tpu.memory_space<vmem>>, vector<2560x64xf32>,
    return
  }
  func.func @transform_0(%arg0: i32) -> (i32, i32, i32) {
    %c0_i32 = arith.constant 0 : i32
    %c0_i32_0 = arith.constant 0 : i32
    %c0_i32_1 = arith.constant 0 : i32
    return %c0_i32, %arg0, %c0_i32_0 : i32, i32, i32
  }
  func.func @transform_1(%arg0: i32) -> (i32, i32) {
    %c0_i32 = arith.constant 0 : i32
    %c0_i32_0 = arith.constant 0 : i32
    return %arg0, %c0_i32 : i32, i32
  }
  func.func @transform_2(%arg0: i32) -> (i32, i32) {
    %c0_i32 = arith.constant 0 : i32
    %c0_i32_0 = arith.constant 0 : i32
    return %arg0, %c0_i32 : i32, i32
  }
  func.func @transform_3(%arg0: i32) -> (i32, i32) {
    %c0_i32 = arith.constant 0 : i32
    %c0_i32_0 = arith.constant 0 : i32
    return %arg0, %c0_i32 : i32, i32
  }
  func.func @transform_4(%arg0: i32) -> (i32, i32) {
    %c0_i32 = arith.constant 0 : i32
    %c0_i32_0 = arith.constant 0 : i32
    return %arg0, %c0_i32 : i32, i32
  }
  func.func @transform_5(%arg0: i32) -> (i32, i32) {
    %c0_i32 = arith.constant 0 : i32
    %c0_i32_0 = arith.constant 0 : i32
    return %arg0, %c0_i32 : i32, i32
  }
}

module attributes {stable_mosaic.version = 14 : i64} {
  func.func @body(%arg0: i32, %arg1: memref<2x2560x64xf32, #tpu.memory_space<vmem>>, %arg2: memref<2x2560x64xf32, #tpu.memory_space<vmem>>, %arg3: memref<2560x128xf32, #tpu.memory_space<vmem>>, %arg4: memref<2560x8xf32, #tpu.memory_space<vmem>>, %arg5: memref<2560x8xf32, #tpu.memory_space<vmem>>, %arg6: memref<128x64xf32, #tpu.memory_space<vmem>>, %arg7: memref<1x64xf32, #tpu.memory_space<vmem>>, %arg8: memref<128x64xf32, #tpu.memory_space<vmem>>, %arg9: memref<1x64xf32, #tpu.memory_space<vmem>>, %arg10: memref<1x64xf32, #tpu.memory_space<vmem>>, %arg11: memref<1x64xf32, #tpu.memory_space<vmem>>, %arg12: memref<1x64xf32, #tpu.memory_space<vmem>>, %arg13: memref<1x64xf32, #tpu.memory_space<vmem>>, %arg14: memref<2560x64xf32, #tpu.memory_space<vmem>>, %arg15: memref<2560x64xf32, #tpu.memory_space<vmem>>) attributes {dimension_semantics = [#tpu.dimension_semantics<arbitrary>], iteration_bounds = array<i64: 4>, scalar_prefetch = 0 : i64, scratch_operands = 0 : i64, tpu.core_type = #tpu.core_type<tc>, window_params = [{transform_indices = @transform_0, window_bounds = array<i64: 2, 2560, 64>}, {transform_indices = @transform_1, window_bounds = array<i64: 2, 2560, 64>}, {transform_indices = @transform_2, window_bounds = array<i64: 2560, 128>}, {transform_indices = @transform_3, window_bounds = array<i64: 2560, 8>}, {transform_indices = @transform_4, window_bounds = array<i64: 2560, 8>}, {pipeline_mode = #tpu.pipeline_mode<synchronous>, transform_indices = @transform_5, window_bounds = array<i64: 128, 64>}, {pipeline_mode = #tpu.pipeline_mode<synchronous>, transform_indices = @transform_6, window_bounds = array<i64: 1, 64>}, {pipeline_mode = #tpu.pipeline_mode<synchronous>, transform_indices = @transform_7, window_bounds = array<i64: 128, 64>}, {pipeline_mode = #tpu.pipeline_mode<synchronous>, transform_indices = @transform_8, window_bounds = array<i64: 1, 64>}, {pipeline_mode = #tpu.pipeline_mode<synchronous>, transform_indices = @transform_9, window_bounds = array<i64: 1, 64>}, {pipeline_mode = #tpu.pipeline_mode<synchronous>, transform_indices = @transform_10, window_bounds = array<i64: 1, 64>}, {pipeline_mode = #tpu.pipeline_mode<synchronous>, transform_indices = @transform_11, window_bounds = array<i64: 1, 64>}, {pipeline_mode = #tpu.pipeline_mode<synchronous>, transform_indices = @transform_12, window_bounds = array<i64: 1, 64>}, {transform_indices = @transform_13, window_bounds = array<i64: 2560, 64>}, {transform_indices = @transform_14, window_bounds = array<i64: 2560, 64>}]} {
    %get3A = arith.constant 0 : index
    %get3A_0 = arith.constant 0 : index
    %get3A_1 = vector.load %arg4[%get3A, %get3A_0] : memref<2560x8xf32, #tpu.memory_space<vmem>>, vector<2560x8xf32>
    %slice3A = vector.extract_strided_slice %get3A_1 {offsets = [0, 0], sizes = [2560, 1], strides = [1, 1]} : vector<2560x8xf32> to vector<2560x1xf32>
    %get3A_2 = arith.constant 0 : index
    %get3A_3 = arith.constant 0 : index
    %get3A_4 = arith.constant 0 : index
    %get3A_5 = vector.load %arg1[%get3A_2, %get3A_3, %get3A_4] : memref<2x2560x64xf32, #tpu.memory_space<vmem>>, vector<1x2560x64xf32>
    %get3A_6 = vector.shape_cast %get3A_5 : vector<1x2560x64xf32> to vector<2560x64xf32>
    %get3A_7 = arith.constant 1 : index
    %get3A_8 = arith.constant 0 : index
    %get3A_9 = arith.constant 0 : index
    %get3A_10 = vector.load %arg1[%get3A_7, %get3A_8, %get3A_9] : memref<2x2560x64xf32, #tpu.memory_space<vmem>>, vector<1x2560x64xf32>
    %get3A_11 = vector.shape_cast %get3A_10 : vector<1x2560x64xf32> to vector<2560x64xf32>
    %add3A = arith.addf %get3A_6, %get3A_11 : vector<2560x64xf32>
    %mul3A = vector.broadcast %slice3A : vector<2560x1xf32> to vector<2560x64xf32>
    %mul3A_12 = arith.mulf %add3A, %mul3A : vector<2560x64xf32>
    %get3A_13 = arith.constant 0 : index
    %get3A_14 = arith.constant 0 : index
    %get3A_15 = arith.constant 0 : index
    %get3A_16 = vector.load %arg2[%get3A_13, %get3A_14, %get3A_15] : memref<2x2560x64xf32, #tpu.memory_space<vmem>>, vector<1x2560x64xf32>
    %get3A_17 = vector.shape_cast %get3A_16 : vector<1x2560x64xf32> to vector<2560x64xf32>
    %get3A_18 = arith.constant 1 : index
    %get3A_19 = arith.constant 0 : index
    %get3A_20 = arith.constant 0 : index
    %get3A_21 = vector.load %arg2[%get3A_18, %get3A_19, %get3A_20] : memref<2x2560x64xf32, #tpu.memory_space<vmem>>, vector<1x2560x64xf32>
    %get3A_22 = vector.shape_cast %get3A_21 : vector<1x2560x64xf32> to vector<2560x64xf32>
    %add3A_23 = arith.addf %get3A_17, %get3A_22 : vector<2560x64xf32>
    %mul3A_24 = vector.broadcast %slice3A : vector<2560x1xf32> to vector<2560x64xf32>
    %mul3A_25 = arith.mulf %add3A_23, %mul3A_24 : vector<2560x64xf32>
    %concatenate3A = tpu.concatenate %mul3A_12, %mul3A_25 in 1 : vector<2560x64xf32>, vector<2560x64xf32> -> vector<2560x128xf32>
    %get3A_26 = arith.constant 0 : index
    %get3A_27 = arith.constant 0 : index
    %get3A_28 = vector.load %arg6[%get3A_26, %get3A_27] : memref<128x64xf32, #tpu.memory_space<vmem>>, vector<128x64xf32>
    %dot_general3A = arith.constant dense<0.000000e+00> : vector<2560x64xf32>
    %dot_general3A_29 = tpu.matmul %concatenate3A, %get3A_28, %dot_general3A {dimension_numbers = #tpu.dot_dimension_numbers<[1], [0], [0], [1], [0, 0, 1, 1], [], []>, transpose_lhs_hint = false} : vector<2560x128xf32>, vector<128x64xf32>, vector<2560x64xf32> -> vector<2560x64xf32>
    %get3A_30 = arith.constant 0 : index
    %get3A_31 = arith.constant 0 : index
    %get3A_32 = vector.load %arg7[%get3A_30, %get3A_31] : memref<1x64xf32, #tpu.memory_space<vmem>>, vector<1x64xf32>
    %add3A_33 = vector.broadcast %get3A_32 : vector<1x64xf32> to vector<2560x64xf32>
    %add3A_34 = arith.addf %dot_general3A_29, %add3A_33 : vector<2560x64xf32>
    %max3A = arith.constant 0.000000e+00 : f32
    %max3A_35 = vector.broadcast %max3A : f32 to vector<2560x64xf32>
    %max3A_36 = arith.maximumf %add3A_34, %max3A_35 : vector<2560x64xf32>
    %get3A_37 = arith.constant 0 : index
    %get3A_38 = arith.constant 0 : index
    %get3A_39 = vector.load %arg3[%get3A_37, %get3A_38] : memref<2560x128xf32, #tpu.memory_space<vmem>>, vector<2560x128xf32>
    %get3A_40 = arith.constant 0 : index
    %get3A_41 = arith.constant 0 : index
    %get3A_42 = vector.load %arg8[%get3A_40, %get3A_41] : memref<128x64xf32, #tpu.memory_space<vmem>>, vector<128x64xf32>
    %dot_general3A_43 = arith.constant dense<0.000000e+00> : vector<2560x64xf32>
    %dot_general3A_44 = tpu.matmul %get3A_39, %get3A_42, %dot_general3A_43 {dimension_numbers = #tpu.dot_dimension_numbers<[1], [0], [0], [1], [0, 0, 1, 1], [], []>, transpose_lhs_hint = false} : vector<2560x128xf32>, vector<128x64xf32>, vector<2560x64xf32> -> vector<2560x64xf32>
    %get3A_45 = arith.constant 0 : index
    %get3A_46 = arith.constant 0 : index
    %get3A_47 = vector.load %arg9[%get3A_45, %get3A_46] : memref<1x64xf32, #tpu.memory_space<vmem>>, vector<1x64xf32>
    %add3A_48 = vector.broadcast %get3A_47 : vector<1x64xf32> to vector<2560x64xf32>
    %add3A_49 = arith.addf %dot_general3A_44, %add3A_48 : vector<2560x64xf32>
    %max3A_50 = arith.constant 0.000000e+00 : f32
    %max3A_51 = vector.broadcast %max3A_50 : f32 to vector<2560x64xf32>
    %max3A_52 = arith.maximumf %add3A_49, %max3A_51 : vector<2560x64xf32>
    %add3A_53 = arith.addf %max3A_36, %max3A_52 : vector<2560x64xf32>
    %get3A_54 = arith.constant 0 : index
    %get3A_55 = arith.constant 0 : index
    %get3A_56 = vector.load %arg12[%get3A_54, %get3A_55] : memref<1x64xf32, #tpu.memory_space<vmem>>, vector<1x64xf32>
    %sub3A = vector.broadcast %get3A_56 : vector<1x64xf32> to vector<2560x64xf32>
    %sub3A_57 = arith.subf %add3A_53, %sub3A : vector<2560x64xf32>
    %get3A_58 = arith.constant 0 : index
    %get3A_59 = arith.constant 0 : index
    %get3A_60 = vector.load %arg13[%get3A_58, %get3A_59] : memref<1x64xf32, #tpu.memory_space<vmem>>, vector<1x64xf32>
    %add3A_61 = arith.constant 9.99999974E-6 : f32
    %add3A_62 = vector.broadcast %add3A_61 : f32 to vector<1x64xf32>
    %add3A_63 = arith.addf %get3A_60, %add3A_62 : vector<1x64xf32>
    %rsqrt3A = math.rsqrt %add3A_63 : vector<1x64xf32>
    %mul3A_64 = vector.broadcast %rsqrt3A : vector<1x64xf32> to vector<2560x64xf32>
    %mul3A_65 = arith.mulf %sub3A_57, %mul3A_64 : vector<2560x64xf32>
    %get3A_66 = arith.constant 0 : index
    %get3A_67 = arith.constant 0 : index
    %get3A_68 = vector.load %arg10[%get3A_66, %get3A_67] : memref<1x64xf32, #tpu.memory_space<vmem>>, vector<1x64xf32>
    %mul3A_69 = vector.broadcast %get3A_68 : vector<1x64xf32> to vector<2560x64xf32>
    %mul3A_70 = arith.mulf %mul3A_65, %mul3A_69 : vector<2560x64xf32>
    %get3A_71 = arith.constant 0 : index
    %get3A_72 = arith.constant 0 : index
    %get3A_73 = vector.load %arg11[%get3A_71, %get3A_72] : memref<1x64xf32, #tpu.memory_space<vmem>>, vector<1x64xf32>
    %add3A_74 = vector.broadcast %get3A_73 : vector<1x64xf32> to vector<2560x64xf32>
    %add3A_75 = arith.addf %mul3A_70, %add3A_74 : vector<2560x64xf32>
    %swap3A = arith.constant 0 : index
    %swap3A_76 = arith.constant 0 : index
    %swap3A_77 = vector.load %arg14[%swap3A, %swap3A_76] : memref<2560x64xf32, #tpu.memory_space<vmem>>, vector<2560x64xf32>
    tpu.vector_store %arg14[%swap3A, %swap3A_76], %add3A_75 {strides = array<i32>} : memref<2560x64xf32, #tpu.memory_space<vmem>>, vector<2560x64xf32>,
    %get3A_78 = arith.constant 0 : index
    %get3A_79 = arith.constant 0 : index
    %get3A_80 = vector.load %arg5[%get3A_78, %get3A_79] : memref<2560x8xf32, #tpu.memory_space<vmem>>, vector<2560x8xf32>
    %slice3A_81 = vector.extract_strided_slice %get3A_80 {offsets = [0, 0], sizes = [2560, 1], strides = [1, 1]} : vector<2560x8xf32> to vector<2560x1xf32>
    %mul3A_82 = vector.broadcast %slice3A_81 : vector<2560x1xf32> to vector<2560x64xf32>
    %mul3A_83 = arith.mulf %add3A_75, %mul3A_82 : vector<2560x64xf32>
    %swap3A_84 = arith.constant 0 : index
    %swap3A_85 = arith.constant 0 : index
    %swap3A_86 = vector.load %arg15[%swap3A_84, %swap3A_85] : memref<2560x64xf32, #tpu.memory_space<vmem>>, vector<2560x64xf32>
    tpu.vector_store %arg15[%swap3A_84, %swap3A_85], %mul3A_83 {strides = array<i32>} : memref<2560x64xf32, #tpu.memory_space<vmem>>, vector<2560x64xf32>,
    return
  }
  func.func @transform_0(%arg0: i32) -> (i32, i32, i32) {
    %c0_i32 = arith.constant 0 : i32
    %c0_i32_0 = arith.constant 0 : i32
    %c0_i32_1 = arith.constant 0 : i32
    return %c0_i32, %arg0, %c0_i32_0 : i32, i32, i32
  }
  func.func @transform_1(%arg0: i32) -> (i32, i32, i32) {
    %c0_i32 = arith.constant 0 : i32
    %c0_i32_0 = arith.constant 0 : i32
    %c0_i32_1 = arith.constant 0 : i32
    return %c0_i32, %arg0, %c0_i32_0 : i32, i32, i32
  }
  func.func @transform_2(%arg0: i32) -> (i32, i32) {
    %c0_i32 = arith.constant 0 : i32
    %c0_i32_0 = arith.constant 0 : i32
    return %arg0, %c0_i32 : i32, i32
  }
  func.func @transform_3(%arg0: i32) -> (i32, i32) {
    %c0_i32 = arith.constant 0 : i32
    %c0_i32_0 = arith.constant 0 : i32
    return %arg0, %c0_i32 : i32, i32
  }
  func.func @transform_4(%arg0: i32) -> (i32, i32) {
    %c0_i32 = arith.constant 0 : i32
    %c0_i32_0 = arith.constant 0 : i32
    return %arg0, %c0_i32 : i32, i32
  }
  func.func @transform_5(%arg0: i32) -> (i32, i32) {
    %c0_i32 = arith.constant 0 : i32
    %c0_i32_0 = arith.constant 0 : i32
    %c0_i32_1 = arith.constant 0 : i32
    return %c0_i32, %c0_i32_0 : i32, i32
  }
  func.func @transform_6(%arg0: i32) -> (i32, i32) {
    %c0_i32 = arith.constant 0 : i32
    %c0_i32_0 = arith.constant 0 : i32
    %c0_i32_1 = arith.constant 0 : i32
    return %c0_i32, %c0_i32_0 : i32, i32
  }
  func.func @transform_7(%arg0: i32) -> (i32, i32) {
    %c0_i32 = arith.constant 0 : i32
    %c0_i32_0 = arith.constant 0 : i32
    %c0_i32_1 = arith.constant 0 : i32
    return %c0_i32, %c0_i32_0 : i32, i32
  }
  func.func @transform_8(%arg0: i32) -> (i32, i32) {
    %c0_i32 = arith.constant 0 : i32
    %c0_i32_0 = arith.constant 0 : i32
    %c0_i32_1 = arith.constant 0 : i32
    return %c0_i32, %c0_i32_0 : i32, i32
  }
  func.func @transform_9(%arg0: i32) -> (i32, i32) {
    %c0_i32 = arith.constant 0 : i32
    %c0_i32_0 = arith.constant 0 : i32
    %c0_i32_1 = arith.constant 0 : i32
    return %c0_i32, %c0_i32_0 : i32, i32
  }
  func.func @transform_10(%arg0: i32) -> (i32, i32) {
    %c0_i32 = arith.constant 0 : i32
    %c0_i32_0 = arith.constant 0 : i32
    %c0_i32_1 = arith.constant 0 : i32
    return %c0_i32, %c0_i32_0 : i32, i32
  }
  func.func @transform_11(%arg0: i32) -> (i32, i32) {
    %c0_i32 = arith.constant 0 : i32
    %c0_i32_0 = arith.constant 0 : i32
    %c0_i32_1 = arith.constant 0 : i32
    return %c0_i32, %c0_i32_0 : i32, i32
  }
  func.func @transform_12(%arg0: i32) -> (i32, i32) {
    %c0_i32 = arith.constant 0 : i32
    %c0_i32_0 = arith.constant 0 : i32
    %c0_i32_1 = arith.constant 0 : i32
    return %c0_i32, %c0_i32_0 : i32, i32
  }
  func.func @transform_13(%arg0: i32) -> (i32, i32) {
    %c0_i32 = arith.constant 0 : i32
    %c0_i32_0 = arith.constant 0 : i32
    return %arg0, %c0_i32 : i32, i32
  }
  func.func @transform_14(%arg0: i32) -> (i32, i32) {
    %c0_i32 = arith.constant 0 : i32
    %c0_i32_0 = arith.constant 0 : i32
    return %arg0, %c0_i32 : i32, i32
  }
}

module attributes {stable_mosaic.version = 14 : i64} {
  func.func @body(%arg0: i32, %arg1: memref<2x2560x64xf32, #tpu.memory_space<vmem>>, %arg2: memref<2560x64xf32, #tpu.memory_space<vmem>>, %arg3: memref<2560x8xf32, #tpu.memory_space<vmem>>, %arg4: memref<2560x8xf32, #tpu.memory_space<vmem>>, %arg5: memref<64x64xf32, #tpu.memory_space<vmem>>, %arg6: memref<1x64xf32, #tpu.memory_space<vmem>>, %arg7: memref<64x64xf32, #tpu.memory_space<vmem>>, %arg8: memref<1x64xf32, #tpu.memory_space<vmem>>, %arg9: memref<1x64xf32, #tpu.memory_space<vmem>>, %arg10: memref<1x64xf32, #tpu.memory_space<vmem>>, %arg11: memref<1x64xf32, #tpu.memory_space<vmem>>, %arg12: memref<1x64xf32, #tpu.memory_space<vmem>>, %arg13: memref<2560x64xf32, #tpu.memory_space<vmem>>, %arg14: memref<2560x64xf32, #tpu.memory_space<vmem>>) attributes {dimension_semantics = [#tpu.dimension_semantics<arbitrary>], iteration_bounds = array<i64: 4>, scalar_prefetch = 0 : i64, scratch_operands = 0 : i64, tpu.core_type = #tpu.core_type<tc>, window_params = [{transform_indices = @transform_0, window_bounds = array<i64: 2, 2560, 64>}, {transform_indices = @transform_1, window_bounds = array<i64: 2560, 64>}, {transform_indices = @transform_2, window_bounds = array<i64: 2560, 8>}, {transform_indices = @transform_3, window_bounds = array<i64: 2560, 8>}, {pipeline_mode = #tpu.pipeline_mode<synchronous>, transform_indices = @transform_4, window_bounds = array<i64: 64, 64>}, {pipeline_mode = #tpu.pipeline_mode<synchronous>, transform_indices = @transform_5, window_bounds = array<i64: 1, 64>}, {pipeline_mode = #tpu.pipeline_mode<synchronous>, transform_indices = @transform_6, window_bounds = array<i64: 64, 64>}, {pipeline_mode = #tpu.pipeline_mode<synchronous>, transform_indices = @transform_7, window_bounds = array<i64: 1, 64>}, {pipeline_mode = #tpu.pipeline_mode<synchronous>, transform_indices = @transform_8, window_bounds = array<i64: 1, 64>}, {pipeline_mode = #tpu.pipeline_mode<synchronous>, transform_indices = @transform_9, window_bounds = array<i64: 1, 64>}, {pipeline_mode = #tpu.pipeline_mode<synchronous>, transform_indices = @transform_10, window_bounds = array<i64: 1, 64>}, {pipeline_mode = #tpu.pipeline_mode<synchronous>, transform_indices = @transform_11, window_bounds = array<i64: 1, 64>}, {transform_indices = @transform_12, window_bounds = array<i64: 2560, 64>}, {transform_indices = @transform_13, window_bounds = array<i64: 2560, 64>}]} {
    %get3A = arith.constant 0 : index
    %get3A_0 = arith.constant 0 : index
    %get3A_1 = vector.load %arg3[%get3A, %get3A_0] : memref<2560x8xf32, #tpu.memory_space<vmem>>, vector<2560x8xf32>
    %slice3A = vector.extract_strided_slice %get3A_1 {offsets = [0, 0], sizes = [2560, 1], strides = [1, 1]} : vector<2560x8xf32> to vector<2560x1xf32>
    %get3A_2 = arith.constant 0 : index
    %get3A_3 = arith.constant 0 : index
    %get3A_4 = arith.constant 0 : index
    %get3A_5 = vector.load %arg1[%get3A_2, %get3A_3, %get3A_4] : memref<2x2560x64xf32, #tpu.memory_space<vmem>>, vector<1x2560x64xf32>
    %get3A_6 = vector.shape_cast %get3A_5 : vector<1x2560x64xf32> to vector<2560x64xf32>
    %get3A_7 = arith.constant 1 : index
    %get3A_8 = arith.constant 0 : index
    %get3A_9 = arith.constant 0 : index
    %get3A_10 = vector.load %arg1[%get3A_7, %get3A_8, %get3A_9] : memref<2x2560x64xf32, #tpu.memory_space<vmem>>, vector<1x2560x64xf32>
    %get3A_11 = vector.shape_cast %get3A_10 : vector<1x2560x64xf32> to vector<2560x64xf32>
    %add3A = arith.addf %get3A_6, %get3A_11 : vector<2560x64xf32>
    %mul3A = vector.broadcast %slice3A : vector<2560x1xf32> to vector<2560x64xf32>
    %mul3A_12 = arith.mulf %add3A, %mul3A : vector<2560x64xf32>
    %get3A_13 = arith.constant 0 : index
    %get3A_14 = arith.constant 0 : index
    %get3A_15 = vector.load %arg5[%get3A_13, %get3A_14] : memref<64x64xf32, #tpu.memory_space<vmem>>, vector<64x64xf32>
    %dot_general3A = arith.constant dense<0.000000e+00> : vector<2560x64xf32>
    %dot_general3A_16 = tpu.matmul %mul3A_12, %get3A_15, %dot_general3A {dimension_numbers = #tpu.dot_dimension_numbers<[1], [0], [0], [1], [0, 0, 1, 1], [], []>, transpose_lhs_hint = false} : vector<2560x64xf32>, vector<64x64xf32>, vector<2560x64xf32> -> vector<2560x64xf32>
    %get3A_17 = arith.constant 0 : index
    %get3A_18 = arith.constant 0 : index
    %get3A_19 = vector.load %arg6[%get3A_17, %get3A_18] : memref<1x64xf32, #tpu.memory_space<vmem>>, vector<1x64xf32>
    %add3A_20 = vector.broadcast %get3A_19 : vector<1x64xf32> to vector<2560x64xf32>
    %add3A_21 = arith.addf %dot_general3A_16, %add3A_20 : vector<2560x64xf32>
    %max3A = arith.constant 0.000000e+00 : f32
    %max3A_22 = vector.broadcast %max3A : f32 to vector<2560x64xf32>
    %max3A_23 = arith.maximumf %add3A_21, %max3A_22 : vector<2560x64xf32>
    %get3A_24 = arith.constant 0 : index
    %get3A_25 = arith.constant 0 : index
    %get3A_26 = vector.load %arg2[%get3A_24, %get3A_25] : memref<2560x64xf32, #tpu.memory_space<vmem>>, vector<2560x64xf32>
    %get3A_27 = arith.constant 0 : index
    %get3A_28 = arith.constant 0 : index
    %get3A_29 = vector.load %arg7[%get3A_27, %get3A_28] : memref<64x64xf32, #tpu.memory_space<vmem>>, vector<64x64xf32>
    %dot_general3A_30 = arith.constant dense<0.000000e+00> : vector<2560x64xf32>
    %dot_general3A_31 = tpu.matmul %get3A_26, %get3A_29, %dot_general3A_30 {dimension_numbers = #tpu.dot_dimension_numbers<[1], [0], [0], [1], [0, 0, 1, 1], [], []>, transpose_lhs_hint = false} : vector<2560x64xf32>, vector<64x64xf32>, vector<2560x64xf32> -> vector<2560x64xf32>
    %get3A_32 = arith.constant 0 : index
    %get3A_33 = arith.constant 0 : index
    %get3A_34 = vector.load %arg8[%get3A_32, %get3A_33] : memref<1x64xf32, #tpu.memory_space<vmem>>, vector<1x64xf32>
    %add3A_35 = vector.broadcast %get3A_34 : vector<1x64xf32> to vector<2560x64xf32>
    %add3A_36 = arith.addf %dot_general3A_31, %add3A_35 : vector<2560x64xf32>
    %max3A_37 = arith.constant 0.000000e+00 : f32
    %max3A_38 = vector.broadcast %max3A_37 : f32 to vector<2560x64xf32>
    %max3A_39 = arith.maximumf %add3A_36, %max3A_38 : vector<2560x64xf32>
    %add3A_40 = arith.addf %max3A_23, %max3A_39 : vector<2560x64xf32>
    %get3A_41 = arith.constant 0 : index
    %get3A_42 = arith.constant 0 : index
    %get3A_43 = vector.load %arg11[%get3A_41, %get3A_42] : memref<1x64xf32, #tpu.memory_space<vmem>>, vector<1x64xf32>
    %sub3A = vector.broadcast %get3A_43 : vector<1x64xf32> to vector<2560x64xf32>
    %sub3A_44 = arith.subf %add3A_40, %sub3A : vector<2560x64xf32>
    %get3A_45 = arith.constant 0 : index
    %get3A_46 = arith.constant 0 : index
    %get3A_47 = vector.load %arg12[%get3A_45, %get3A_46] : memref<1x64xf32, #tpu.memory_space<vmem>>, vector<1x64xf32>
    %add3A_48 = arith.constant 9.99999974E-6 : f32
    %add3A_49 = vector.broadcast %add3A_48 : f32 to vector<1x64xf32>
    %add3A_50 = arith.addf %get3A_47, %add3A_49 : vector<1x64xf32>
    %rsqrt3A = math.rsqrt %add3A_50 : vector<1x64xf32>
    %mul3A_51 = vector.broadcast %rsqrt3A : vector<1x64xf32> to vector<2560x64xf32>
    %mul3A_52 = arith.mulf %sub3A_44, %mul3A_51 : vector<2560x64xf32>
    %get3A_53 = arith.constant 0 : index
    %get3A_54 = arith.constant 0 : index
    %get3A_55 = vector.load %arg9[%get3A_53, %get3A_54] : memref<1x64xf32, #tpu.memory_space<vmem>>, vector<1x64xf32>
    %mul3A_56 = vector.broadcast %get3A_55 : vector<1x64xf32> to vector<2560x64xf32>
    %mul3A_57 = arith.mulf %mul3A_52, %mul3A_56 : vector<2560x64xf32>
    %get3A_58 = arith.constant 0 : index
    %get3A_59 = arith.constant 0 : index
    %get3A_60 = vector.load %arg10[%get3A_58, %get3A_59] : memref<1x64xf32, #tpu.memory_space<vmem>>, vector<1x64xf32>
    %add3A_61 = vector.broadcast %get3A_60 : vector<1x64xf32> to vector<2560x64xf32>
    %add3A_62 = arith.addf %mul3A_57, %add3A_61 : vector<2560x64xf32>
    %swap3A = arith.constant 0 : index
    %swap3A_63 = arith.constant 0 : index
    %swap3A_64 = vector.load %arg13[%swap3A, %swap3A_63] : memref<2560x64xf32, #tpu.memory_space<vmem>>, vector<2560x64xf32>
    tpu.vector_store %arg13[%swap3A, %swap3A_63], %add3A_62 {strides = array<i32>} : memref<2560x64xf32, #tpu.memory_space<vmem>>, vector<2560x64xf32>,
    %get3A_65 = arith.constant 0 : index
    %get3A_66 = arith.constant 0 : index
    %get3A_67 = vector.load %arg4[%get3A_65, %get3A_66] : memref<2560x8xf32, #tpu.memory_space<vmem>>, vector<2560x8xf32>
    %slice3A_68 = vector.extract_strided_slice %get3A_67 {offsets = [0, 0], sizes = [2560, 1], strides = [1, 1]} : vector<2560x8xf32> to vector<2560x1xf32>
    %mul3A_69 = vector.broadcast %slice3A_68 : vector<2560x1xf32> to vector<2560x64xf32>
    %mul3A_70 = arith.mulf %add3A_62, %mul3A_69 : vector<2560x64xf32>
    %swap3A_71 = arith.constant 0 : index
    %swap3A_72 = arith.constant 0 : index
    %swap3A_73 = vector.load %arg14[%swap3A_71, %swap3A_72] : memref<2560x64xf32, #tpu.memory_space<vmem>>, vector<2560x64xf32>
    tpu.vector_store %arg14[%swap3A_71, %swap3A_72], %mul3A_70 {strides = array<i32>} : memref<2560x64xf32, #tpu.memory_space<vmem>>, vector<2560x64xf32>,
    return
  }
  func.func @transform_0(%arg0: i32) -> (i32, i32, i32) {
    %c0_i32 = arith.constant 0 : i32
    %c0_i32_0 = arith.constant 0 : i32
    %c0_i32_1 = arith.constant 0 : i32
    return %c0_i32, %arg0, %c0_i32_0 : i32, i32, i32
  }
  func.func @transform_1(%arg0: i32) -> (i32, i32) {
    %c0_i32 = arith.constant 0 : i32
    %c0_i32_0 = arith.constant 0 : i32
    return %arg0, %c0_i32 : i32, i32
  }
  func.func @transform_2(%arg0: i32) -> (i32, i32) {
    %c0_i32 = arith.constant 0 : i32
    %c0_i32_0 = arith.constant 0 : i32
    return %arg0, %c0_i32 : i32, i32
  }
  func.func @transform_3(%arg0: i32) -> (i32, i32) {
    %c0_i32 = arith.constant 0 : i32
    %c0_i32_0 = arith.constant 0 : i32
    return %arg0, %c0_i32 : i32, i32
  }
  func.func @transform_4(%arg0: i32) -> (i32, i32) {
    %c0_i32 = arith.constant 0 : i32
    %c0_i32_0 = arith.constant 0 : i32
    %c0_i32_1 = arith.constant 0 : i32
    return %c0_i32, %c0_i32_0 : i32, i32
  }
  func.func @transform_5(%arg0: i32) -> (i32, i32) {
    %c0_i32 = arith.constant 0 : i32
    %c0_i32_0 = arith.constant 0 : i32
    %c0_i32_1 = arith.constant 0 : i32
    return %c0_i32, %c0_i32_0 : i32, i32
  }
  func.func @transform_6(%arg0: i32) -> (i32, i32) {
    %c0_i32 = arith.constant 0 : i32
    %c0_i32_0 = arith.constant 0 : i32
    %c0_i32_1 = arith.constant 0 : i32
    return %c0_i32, %c0_i32_0 : i32, i32
  }
  func.func @transform_7(%arg0: i32) -> (i32, i32) {
    %c0_i32 = arith.constant 0 : i32
    %c0_i32_0 = arith.constant 0 : i32
    %c0_i32_1 = arith.constant 0 : i32
    return %c0_i32, %c0_i32_0 : i32, i32
  }
  func.func @transform_8(%arg0: i32) -> (i32, i32) {
    %c0_i32 = arith.constant 0 : i32
    %c0_i32_0 = arith.constant 0 : i32
    %c0_i32_1 = arith.constant 0 : i32
    return %c0_i32, %c0_i32_0 : i32, i32
  }
  func.func @transform_9(%arg0: i32) -> (i32, i32) {
    %c0_i32 = arith.constant 0 : i32
    %c0_i32_0 = arith.constant 0 : i32
    %c0_i32_1 = arith.constant 0 : i32
    return %c0_i32, %c0_i32_0 : i32, i32
  }
  func.func @transform_10(%arg0: i32) -> (i32, i32) {
    %c0_i32 = arith.constant 0 : i32
    %c0_i32_0 = arith.constant 0 : i32
    %c0_i32_1 = arith.constant 0 : i32
    return %c0_i32, %c0_i32_0 : i32, i32
  }
  func.func @transform_11(%arg0: i32) -> (i32, i32) {
    %c0_i32 = arith.constant 0 : i32
    %c0_i32_0 = arith.constant 0 : i32
    %c0_i32_1 = arith.constant 0 : i32
    return %c0_i32, %c0_i32_0 : i32, i32
  }
  func.func @transform_12(%arg0: i32) -> (i32, i32) {
    %c0_i32 = arith.constant 0 : i32
    %c0_i32_0 = arith.constant 0 : i32
    return %arg0, %c0_i32 : i32, i32
  }
  func.func @transform_13(%arg0: i32) -> (i32, i32) {
    %c0_i32 = arith.constant 0 : i32
    %c0_i32_0 = arith.constant 0 : i32
    return %arg0, %c0_i32 : i32, i32
  }
}

module attributes {stable_mosaic.version = 14 : i64} {
  func.func @_l3f_body(%arg0: i32, %arg1: memref<2x2560x64xf32, #tpu.memory_space<vmem>>, %arg2: memref<2560x64xf32, #tpu.memory_space<vmem>>, %arg3: memref<2560x8xf32, #tpu.memory_space<vmem>>, %arg4: memref<1x1x2560xi32, #tpu.memory_space<vmem>>, %arg5: memref<64x64xf32, #tpu.memory_space<vmem>>, %arg6: memref<1x64xf32, #tpu.memory_space<vmem>>, %arg7: memref<64x64xf32, #tpu.memory_space<vmem>>, %arg8: memref<1x64xf32, #tpu.memory_space<vmem>>, %arg9: memref<1x64xf32, #tpu.memory_space<vmem>>, %arg10: memref<1x64xf32, #tpu.memory_space<vmem>>, %arg11: memref<1x64xf32, #tpu.memory_space<vmem>>, %arg12: memref<1x64xf32, #tpu.memory_space<vmem>>, %arg13: memref<64x128xf32, #tpu.memory_space<vmem>>, %arg14: memref<1x128xf32, #tpu.memory_space<vmem>>, %arg15: memref<128x128xf32, #tpu.memory_space<vmem>>, %arg16: memref<1x128xf32, #tpu.memory_space<vmem>>, %arg17: memref<128x128xf32, #tpu.memory_space<vmem>>, %arg18: memref<128x64xf32, #tpu.memory_space<vmem>>) attributes {dimension_semantics = [#tpu.dimension_semantics<arbitrary>], iteration_bounds = array<i64: 4>, scalar_prefetch = 0 : i64, scratch_operands = 1 : i64, tpu.core_type = #tpu.core_type<tc>, window_params = [{transform_indices = @transform_0, window_bounds = array<i64: 2, 2560, 64>}, {transform_indices = @transform_1, window_bounds = array<i64: 2560, 64>}, {transform_indices = @transform_2, window_bounds = array<i64: 2560, 8>}, {transform_indices = @transform_3, window_bounds = array<i64: 1, 1, 2560>}, {pipeline_mode = #tpu.pipeline_mode<synchronous>, transform_indices = @transform_4, window_bounds = array<i64: 64, 64>}, {pipeline_mode = #tpu.pipeline_mode<synchronous>, transform_indices = @transform_5, window_bounds = array<i64: 1, 64>}, {pipeline_mode = #tpu.pipeline_mode<synchronous>, transform_indices = @transform_6, window_bounds = array<i64: 64, 64>}, {pipeline_mode = #tpu.pipeline_mode<synchronous>, transform_indices = @transform_7, window_bounds = array<i64: 1, 64>}, {pipeline_mode = #tpu.pipeline_mode<synchronous>, transform_indices = @transform_8, window_bounds = array<i64: 1, 64>}, {pipeline_mode = #tpu.pipeline_mode<synchronous>, transform_indices = @transform_9, window_bounds = array<i64: 1, 64>}, {pipeline_mode = #tpu.pipeline_mode<synchronous>, transform_indices = @transform_10, window_bounds = array<i64: 1, 64>}, {pipeline_mode = #tpu.pipeline_mode<synchronous>, transform_indices = @transform_11, window_bounds = array<i64: 1, 64>}, {pipeline_mode = #tpu.pipeline_mode<synchronous>, transform_indices = @transform_12, window_bounds = array<i64: 64, 128>}, {pipeline_mode = #tpu.pipeline_mode<synchronous>, transform_indices = @transform_13, window_bounds = array<i64: 1, 128>}, {pipeline_mode = #tpu.pipeline_mode<synchronous>, transform_indices = @transform_14, window_bounds = array<i64: 128, 128>}, {pipeline_mode = #tpu.pipeline_mode<synchronous>, transform_indices = @transform_15, window_bounds = array<i64: 1, 128>}, {pipeline_mode = #tpu.pipeline_mode<synchronous>, transform_indices = @transform_16, window_bounds = array<i64: 128, 128>}]} {
    %eq3A = arith.constant 0 : i32
    %eq3A_0 = arith.cmpi eq, %arg0, %eq3A : i32
    %convert_element_type3A = arith.extui %eq3A_0 : i1 to i32
    %cond3A = arith.constant 0 : i32
    %cond3A_1 = arith.cmpi ne, %convert_element_type3A, %cond3A : i32
    scf.if %cond3A_1 {
      %broadcast_in_dim3A_87 = arith.constant 0.000000e+00 : f32
      %broadcast_in_dim3A_88 = vector.broadcast %broadcast_in_dim3A_87 : f32 to vector<128x64xf32>
      %swap3A_89 = arith.constant 0 : index
      %swap3A_90 = arith.constant 0 : index
      %swap3A_91 = vector.load %arg18[%swap3A_89, %swap3A_90] : memref<128x64xf32, #tpu.memory_space<vmem>>, vector<128x64xf32>
      tpu.vector_store %arg18[%swap3A_89, %swap3A_90], %broadcast_in_dim3A_88 {strides = array<i32>} : memref<128x64xf32, #tpu.memory_space<vmem>>, vector<128x64xf32>,
      %broadcast_in_dim3A_92 = arith.constant 0.000000e+00 : f32
      %broadcast_in_dim3A_93 = vector.broadcast %broadcast_in_dim3A_92 : f32 to vector<128x128xf32>
      %swap3A_94 = arith.constant 0 : index
      %swap3A_95 = arith.constant 0 : index
      %swap3A_96 = vector.load %arg17[%swap3A_94, %swap3A_95] : memref<128x128xf32, #tpu.memory_space<vmem>>, vector<128x128xf32>
      tpu.vector_store %arg17[%swap3A_94, %swap3A_95], %broadcast_in_dim3A_93 {strides = array<i32>} : memref<128x128xf32, #tpu.memory_space<vmem>>, vector<128x128xf32>,
    } else {
    }
    %get3A = arith.constant 0 : index
    %get3A_2 = arith.constant 0 : index
    %get3A_3 = arith.constant 0 : index
    %get3A_4 = vector.load %arg1[%get3A, %get3A_2, %get3A_3] : memref<2x2560x64xf32, #tpu.memory_space<vmem>>, vector<1x2560x64xf32>
    %get3A_5 = vector.shape_cast %get3A_4 : vector<1x2560x64xf32> to vector<2560x64xf32>
    %get3A_6 = arith.constant 1 : index
    %get3A_7 = arith.constant 0 : index
    %get3A_8 = arith.constant 0 : index
    %get3A_9 = vector.load %arg1[%get3A_6, %get3A_7, %get3A_8] : memref<2x2560x64xf32, #tpu.memory_space<vmem>>, vector<1x2560x64xf32>
    %get3A_10 = vector.shape_cast %get3A_9 : vector<1x2560x64xf32> to vector<2560x64xf32>
    %add3A = arith.addf %get3A_5, %get3A_10 : vector<2560x64xf32>
    %get3A_11 = arith.constant 0 : index
    %get3A_12 = arith.constant 0 : index
    %get3A_13 = vector.load %arg3[%get3A_11, %get3A_12] : memref<2560x8xf32, #tpu.memory_space<vmem>>, vector<2560x8xf32>
    %slice3A = vector.extract_strided_slice %get3A_13 {offsets = [0, 0], sizes = [2560, 1], strides = [1, 1]} : vector<2560x8xf32> to vector<2560x1xf32>
    %mul3A = vector.broadcast %slice3A : vector<2560x1xf32> to vector<2560x64xf32>
    %mul3A_14 = arith.mulf %add3A, %mul3A : vector<2560x64xf32>
    %get3A_15 = arith.constant 0 : index
    %get3A_16 = arith.constant 0 : index
    %get3A_17 = vector.load %arg5[%get3A_15, %get3A_16] : memref<64x64xf32, #tpu.memory_space<vmem>>, vector<64x64xf32>
    %dot_general3A = arith.constant dense<0.000000e+00> : vector<2560x64xf32>
    %dot_general3A_18 = tpu.matmul %mul3A_14, %get3A_17, %dot_general3A {dimension_numbers = #tpu.dot_dimension_numbers<[1], [0], [0], [1], [0, 0, 1, 1], [], []>, transpose_lhs_hint = false} : vector<2560x64xf32>, vector<64x64xf32>, vector<2560x64xf32> -> vector<2560x64xf32>
    %get3A_19 = arith.constant 0 : index
    %get3A_20 = arith.constant 0 : index
    %get3A_21 = vector.load %arg6[%get3A_19, %get3A_20] : memref<1x64xf32, #tpu.memory_space<vmem>>, vector<1x64xf32>
    %add3A_22 = vector.broadcast %get3A_21 : vector<1x64xf32> to vector<2560x64xf32>
    %add3A_23 = arith.addf %dot_general3A_18, %add3A_22 : vector<2560x64xf32>
    %max3A = arith.constant 0.000000e+00 : f32
    %max3A_24 = vector.broadcast %max3A : f32 to vector<2560x64xf32>
    %max3A_25 = arith.maximumf %add3A_23, %max3A_24 : vector<2560x64xf32>
    %get3A_26 = arith.constant 0 : index
    %get3A_27 = arith.constant 0 : index
    %get3A_28 = vector.load %arg2[%get3A_26, %get3A_27] : memref<2560x64xf32, #tpu.memory_space<vmem>>, vector<2560x64xf32>
    %get3A_29 = arith.constant 0 : index
    %get3A_30 = arith.constant 0 : index
    %get3A_31 = vector.load %arg7[%get3A_29, %get3A_30] : memref<64x64xf32, #tpu.memory_space<vmem>>, vector<64x64xf32>
    %dot_general3A_32 = arith.constant dense<0.000000e+00> : vector<2560x64xf32>
    %dot_general3A_33 = tpu.matmul %get3A_28, %get3A_31, %dot_general3A_32 {dimension_numbers = #tpu.dot_dimension_numbers<[1], [0], [0], [1], [0, 0, 1, 1], [], []>, transpose_lhs_hint = false} : vector<2560x64xf32>, vector<64x64xf32>, vector<2560x64xf32> -> vector<2560x64xf32>
    %get3A_34 = arith.constant 0 : index
    %get3A_35 = arith.constant 0 : index
    %get3A_36 = vector.load %arg8[%get3A_34, %get3A_35] : memref<1x64xf32, #tpu.memory_space<vmem>>, vector<1x64xf32>
    %add3A_37 = vector.broadcast %get3A_36 : vector<1x64xf32> to vector<2560x64xf32>
    %add3A_38 = arith.addf %dot_general3A_33, %add3A_37 : vector<2560x64xf32>
    %max3A_39 = arith.constant 0.000000e+00 : f32
    %max3A_40 = vector.broadcast %max3A_39 : f32 to vector<2560x64xf32>
    %max3A_41 = arith.maximumf %add3A_38, %max3A_40 : vector<2560x64xf32>
    %add3A_42 = arith.addf %max3A_25, %max3A_41 : vector<2560x64xf32>
    %get3A_43 = arith.constant 0 : index
    %get3A_44 = arith.constant 0 : index
    %get3A_45 = vector.load %arg11[%get3A_43, %get3A_44] : memref<1x64xf32, #tpu.memory_space<vmem>>, vector<1x64xf32>
    %sub3A = vector.broadcast %get3A_45 : vector<1x64xf32> to vector<2560x64xf32>
    %sub3A_46 = arith.subf %add3A_42, %sub3A : vector<2560x64xf32>
    %get3A_47 = arith.constant 0 : index
    %get3A_48 = arith.constant 0 : index
    %get3A_49 = vector.load %arg12[%get3A_47, %get3A_48] : memref<1x64xf32, #tpu.memory_space<vmem>>, vector<1x64xf32>
    %add3A_50 = arith.constant 9.99999974E-6 : f32
    %add3A_51 = vector.broadcast %add3A_50 : f32 to vector<1x64xf32>
    %add3A_52 = arith.addf %get3A_49, %add3A_51 : vector<1x64xf32>
    %rsqrt3A = math.rsqrt %add3A_52 : vector<1x64xf32>
    %mul3A_53 = vector.broadcast %rsqrt3A : vector<1x64xf32> to vector<2560x64xf32>
    %mul3A_54 = arith.mulf %sub3A_46, %mul3A_53 : vector<2560x64xf32>
    %get3A_55 = arith.constant 0 : index
    %get3A_56 = arith.constant 0 : index
    %get3A_57 = vector.load %arg9[%get3A_55, %get3A_56] : memref<1x64xf32, #tpu.memory_space<vmem>>, vector<1x64xf32>
    %mul3A_58 = vector.broadcast %get3A_57 : vector<1x64xf32> to vector<2560x64xf32>
    %mul3A_59 = arith.mulf %mul3A_54, %mul3A_58 : vector<2560x64xf32>
    %get3A_60 = arith.constant 0 : index
    %get3A_61 = arith.constant 0 : index
    %get3A_62 = vector.load %arg10[%get3A_60, %get3A_61] : memref<1x64xf32, #tpu.memory_space<vmem>>, vector<1x64xf32>
    %add3A_63 = vector.broadcast %get3A_62 : vector<1x64xf32> to vector<2560x64xf32>
    %add3A_64 = arith.addf %mul3A_59, %add3A_63 : vector<2560x64xf32>
    %get3A_65 = arith.constant 0 : index
    %get3A_66 = arith.constant 0 : index
    %get3A_67 = arith.constant 0 : index
    %get3A_68 = vector.load %arg4[%get3A_65, %get3A_66, %get3A_67] : memref<1x1x2560xi32, #tpu.memory_space<vmem>>, vector<1x1x2560xi32>
    %get3A_69 = vector.shape_cast %get3A_68 : vector<1x1x2560xi32> to vector<2560xi32>
    %iota3A = tpu.iota {dimensions = array<i32: 0>} : vector<128x2560xi32>
    %broadcast_in_dim3A = vector.shape_cast %get3A_69 : vector<2560xi32> to vector<1x2560xi32>
    %eq3A_70 = vector.broadcast %broadcast_in_dim3A : vector<1x2560xi32> to vector<128x2560xi32>
    %eq3A_71 = arith.cmpi eq, %iota3A, %eq3A_70 : vector<128x2560xi32>
    %get3A_72 = arith.constant 0 : index
    %get3A_73 = arith.constant 0 : index
    %get3A_74 = vector.load %arg18[%get3A_72, %get3A_73] : memref<128x64xf32, #tpu.memory_space<vmem>>, vector<128x64xf32>
    %convert_element_type3A_75 = arith.extui %eq3A_71 : vector<128x2560xi1> to vector<128x2560xi32>
    %convert_element_type3A_76 = arith.sitofp %convert_element_type3A_75 : vector<128x2560xi32> to vector<128x2560xf32>
    %dot_general3A_77 = arith.constant dense<0.000000e+00> : vector<128x64xf32>
    %dot_general3A_78 = tpu.matmul %convert_element_type3A_76, %add3A_64, %dot_general3A_77 {dimension_numbers = #tpu.dot_dimension_numbers<[1], [0], [0], [1], [0, 0, 1, 1], [], []>, transpose_lhs_hint = false} : vector<128x2560xf32>, vector<2560x64xf32>, vector<128x64xf32> -> vector<128x64xf32>
    %add3A_79 = arith.addf %get3A_74, %dot_general3A_78 : vector<128x64xf32>
    %swap3A = arith.constant 0 : index
    %swap3A_80 = arith.constant 0 : index
    %swap3A_81 = vector.load %arg18[%swap3A, %swap3A_80] : memref<128x64xf32, #tpu.memory_space<vmem>>, vector<128x64xf32>
    tpu.vector_store %arg18[%swap3A, %swap3A_80], %add3A_79 {strides = array<i32>} : memref<128x64xf32, #tpu.memory_space<vmem>>, vector<128x64xf32>,
    %eq3A_82 = arith.constant 3 : i32
    %eq3A_83 = arith.cmpi eq, %arg0, %eq3A_82 : i32
    %convert_element_type3A_84 = arith.extui %eq3A_83 : i1 to i32
    %cond3A_85 = arith.constant 0 : i32
    %cond3A_86 = arith.cmpi ne, %convert_element_type3A_84, %cond3A_85 : i32
    scf.if %cond3A_86 {
      %get3A_87 = arith.constant 0 : index
      %get3A_88 = arith.constant 0 : index
      %get3A_89 = vector.load %arg18[%get3A_87, %get3A_88] : memref<128x64xf32, #tpu.memory_space<vmem>>, vector<128x64xf32>
      %get3A_90 = arith.constant 0 : index
      %get3A_91 = arith.constant 0 : index
      %get3A_92 = vector.load %arg13[%get3A_90, %get3A_91] : memref<64x128xf32, #tpu.memory_space<vmem>>, vector<64x128xf32>
      %dot_general3A_93 = arith.constant dense<0.000000e+00> : vector<128x128xf32>
      %dot_general3A_94 = tpu.matmul %get3A_89, %get3A_92, %dot_general3A_93 {dimension_numbers = #tpu.dot_dimension_numbers<[1], [0], [0], [1], [0, 0, 1, 1], [], []>, transpose_lhs_hint = false} : vector<128x64xf32>, vector<64x128xf32>, vector<128x128xf32> -> vector<128x128xf32>
      %get3A_95 = arith.constant 0 : index
      %get3A_96 = arith.constant 0 : index
      %get3A_97 = vector.load %arg14[%get3A_95, %get3A_96] : memref<1x128xf32, #tpu.memory_space<vmem>>, vector<1x128xf32>
      %add3A_98 = vector.broadcast %get3A_97 : vector<1x128xf32> to vector<128x128xf32>
      %add3A_99 = arith.addf %dot_general3A_94, %add3A_98 : vector<128x128xf32>
      %max3A_100 = arith.constant 0.000000e+00 : f32
      %max3A_101 = vector.broadcast %max3A_100 : f32 to vector<128x128xf32>
      %max3A_102 = arith.maximumf %add3A_99, %max3A_101 : vector<128x128xf32>
      %get3A_103 = arith.constant 0 : index
      %get3A_104 = arith.constant 0 : index
      %get3A_105 = vector.load %arg15[%get3A_103, %get3A_104] : memref<128x128xf32, #tpu.memory_space<vmem>>, vector<128x128xf32>
      %dot_general3A_106 = arith.constant dense<0.000000e+00> : vector<128x128xf32>
      %dot_general3A_107 = tpu.matmul %max3A_102, %get3A_105, %dot_general3A_106 {dimension_numbers = #tpu.dot_dimension_numbers<[1], [0], [0], [1], [0, 0, 1, 1], [], []>, transpose_lhs_hint = false} : vector<128x128xf32>, vector<128x128xf32>, vector<128x128xf32> -> vector<128x128xf32>
      %get3A_108 = arith.constant 0 : index
      %get3A_109 = arith.constant 0 : index
      %get3A_110 = vector.load %arg16[%get3A_108, %get3A_109] : memref<1x128xf32, #tpu.memory_space<vmem>>, vector<1x128xf32>
      %add3A_111 = vector.broadcast %get3A_110 : vector<1x128xf32> to vector<128x128xf32>
      %add3A_112 = arith.addf %dot_general3A_107, %add3A_111 : vector<128x128xf32>
      %swap3A_113 = arith.constant 0 : index
      %swap3A_114 = arith.constant 0 : index
      %swap3A_115 = vector.load %arg17[%swap3A_113, %swap3A_114] : memref<128x128xf32, #tpu.memory_space<vmem>>, vector<128x128xf32>
      tpu.vector_store %arg17[%swap3A_113, %swap3A_114], %add3A_112 {strides = array<i32>} : memref<128x128xf32, #tpu.memory_space<vmem>>, vector<128x128xf32>,
    } else {
    }
    return
  }
  func.func @transform_0(%arg0: i32) -> (i32, i32, i32) {
    %c0_i32 = arith.constant 0 : i32
    %c0_i32_0 = arith.constant 0 : i32
    %c0_i32_1 = arith.constant 0 : i32
    return %c0_i32, %arg0, %c0_i32_0 : i32, i32, i32
  }
  func.func @transform_1(%arg0: i32) -> (i32, i32) {
    %c0_i32 = arith.constant 0 : i32
    %c0_i32_0 = arith.constant 0 : i32
    return %arg0, %c0_i32 : i32, i32
  }
  func.func @transform_2(%arg0: i32) -> (i32, i32) {
    %c0_i32 = arith.constant 0 : i32
    %c0_i32_0 = arith.constant 0 : i32
    return %arg0, %c0_i32 : i32, i32
  }
  func.func @transform_3(%arg0: i32) -> (i32, i32, i32) {
    %c0_i32 = arith.constant 0 : i32
    %c0_i32_0 = arith.constant 0 : i32
    %c0_i32_1 = arith.constant 0 : i32
    return %arg0, %c0_i32, %c0_i32_0 : i32, i32, i32
  }
  func.func @transform_4(%arg0: i32) -> (i32, i32) {
    %c0_i32 = arith.constant 0 : i32
    %c0_i32_0 = arith.constant 0 : i32
    %c0_i32_1 = arith.constant 0 : i32
    return %c0_i32, %c0_i32_0 : i32, i32
  }
  func.func @transform_5(%arg0: i32) -> (i32, i32) {
    %c0_i32 = arith.constant 0 : i32
    %c0_i32_0 = arith.constant 0 : i32
    %c0_i32_1 = arith.constant 0 : i32
    return %c0_i32, %c0_i32_0 : i32, i32
  }
  func.func @transform_6(%arg0: i32) -> (i32, i32) {
    %c0_i32 = arith.constant 0 : i32
    %c0_i32_0 = arith.constant 0 : i32
    %c0_i32_1 = arith.constant 0 : i32
    return %c0_i32, %c0_i32_0 : i32, i32
  }
  func.func @transform_7(%arg0: i32) -> (i32, i32) {
    %c0_i32 = arith.constant 0 : i32
    %c0_i32_0 = arith.constant 0 : i32
    %c0_i32_1 = arith.constant 0 : i32
    return %c0_i32, %c0_i32_0 : i32, i32
  }
  func.func @transform_8(%arg0: i32) -> (i32, i32) {
    %c0_i32 = arith.constant 0 : i32
    %c0_i32_0 = arith.constant 0 : i32
    %c0_i32_1 = arith.constant 0 : i32
    return %c0_i32, %c0_i32_0 : i32, i32
  }
  func.func @transform_9(%arg0: i32) -> (i32, i32) {
    %c0_i32 = arith.constant 0 : i32
    %c0_i32_0 = arith.constant 0 : i32
    %c0_i32_1 = arith.constant 0 : i32
    return %c0_i32, %c0_i32_0 : i32, i32
  }
  func.func @transform_10(%arg0: i32) -> (i32, i32) {
    %c0_i32 = arith.constant 0 : i32
    %c0_i32_0 = arith.constant 0 : i32
    %c0_i32_1 = arith.constant 0 : i32
    return %c0_i32, %c0_i32_0 : i32, i32
  }
  func.func @transform_11(%arg0: i32) -> (i32, i32) {
    %c0_i32 = arith.constant 0 : i32
    %c0_i32_0 = arith.constant 0 : i32
    %c0_i32_1 = arith.constant 0 : i32
    return %c0_i32, %c0_i32_0 : i32, i32
  }
  func.func @transform_12(%arg0: i32) -> (i32, i32) {
    %c0_i32 = arith.constant 0 : i32
    %c0_i32_0 = arith.constant 0 : i32
    %c0_i32_1 = arith.constant 0 : i32
    return %c0_i32, %c0_i32_0 : i32, i32
  }
  func.func @transform_13(%arg0: i32) -> (i32, i32) {
    %c0_i32 = arith.constant 0 : i32
    %c0_i32_0 = arith.constant 0 : i32
    %c0_i32_1 = arith.constant 0 : i32
    return %c0_i32, %c0_i32_0 : i32, i32
  }
  func.func @transform_14(%arg0: i32) -> (i32, i32) {
    %c0_i32 = arith.constant 0 : i32
    %c0_i32_0 = arith.constant 0 : i32
    %c0_i32_1 = arith.constant 0 : i32
    return %c0_i32, %c0_i32_0 : i32, i32
  }
  func.func @transform_15(%arg0: i32) -> (i32, i32) {
    %c0_i32 = arith.constant 0 : i32
    %c0_i32_0 = arith.constant 0 : i32
    %c0_i32_1 = arith.constant 0 : i32
    return %c0_i32, %c0_i32_0 : i32, i32
  }
  func.func @transform_16(%arg0: i32) -> (i32, i32) {
    %c0_i32 = arith.constant 0 : i32
    %c0_i32_0 = arith.constant 0 : i32
    %c0_i32_1 = arith.constant 0 : i32
    return %c0_i32, %c0_i32_0 : i32, i32
  }
}

</mosaic_0001>

<sc_bundles>
// kernel: kernel.11.cloned.1.call-start
scs
__scs_entry_jumppad:
0x0: {  	(pc) =	sbr.rel $0x88, $3  }
0x1: {  	(tag) =	ssettag $0x0;
	lr =	simm.s32 $0x1  }
0x2: {  	[smem:$0x3F82] =	sst lr;
	_ =	strace $0xD0000000  }
0x3: {  	_ = 	snop  }
0x4: {  	_ = 	snop  }
0x5: {  	_ = 	snop  }
0x6: {  	_ = 	snop  }
0x7: {  	_ = 	snop  }
__scs_overlays_trampoline_lowered:
0x8: {  	[smem:$0x3F91] =	sst s0  }
0x9: {  	[smem:$0x3F92] =	sst s1  }
0xa: {  	[smem:$0x3F93] =	sst s2  }
0xb: {  	[smem:$0x3F94] =	sst s3  }
0xc: {  	[smem:$0x3F95] =	sst s4  }
0xd: {  	[smem:$0x3F96] =	sst s5  }
0xe: {  	[smem:$0x3F97] =	sst s6  }
0xf: {  	[smem:$0x3F98] =	sst s7  }
0x10: {  	[smem:$0x3F99] =	sst s8  }
0x11: {  	[smem:$0x3F9A] =	sst s9;
	s0 =	simm.s32 @!p0 $0x0  }
0x12: {  	s1 =	sld [smem:$0x3F80];
	s0 =	simm.s32 @p0 $0x1  }
0x13: {  	[smem:$0x3F9B] =	sst s0;
	s0 =	simm.s32 @!p1 $0x0  }
0x14: {  	s2 =	sld [smem:$0x3F7F];
	s0 =	simm.s32 @p1 $0x1  }
0x15: {  	[smem:$0x3F9C] =	sst s0;
	s0 =	simm.s32 @!p2 $0x0  }
0x16: {  	s3 =	sld [smem:$0x3FDB];
	s0 =	simm.s32 @p2 $0x1  }
0x17: {  	s4 =	simm.s32 $0x1BF5;
	[smem:$0x3F9E] =	sst s0  }
0x18: {  	s0 =	sld [smem:$0x3F81];
	_ =	swait.ge [sflag:s4], $0x0  }
0x19: {  	s7 =	sld [smem:$0x3F82]  }
0x1a: {  	s8 =	sadd.s32 $0xFFFFE003, lr  }
0x1b: {  	s9 =	sadd.s32 $0xFFFFFEF7, lr;
	s5 =	simm.s32 $0xFFFFFFFF;
	p2 =	slt.u32 s8, $0xFFFFF086  }
0x1c: {  	p1 =	slt.u32 s9, $0xF7A;
	s5 =	simm.s32 @!p2 $0x0  }
0x1d: {  	s5 =	simm.s32 @p1 $0x1;
	p0 =	seq.s32 s7, s2  }
0x1e: {  	s7 =	smul.u32 @!p0 $0xF7A, s2;
	p2 =	seq.s32 @!p0 s5, $0x0  }
0x1f: {  	s9 =	smul.u32 $0xF7A, s1;
	s8 =	simm.s32 @!p0 $0x1BF5;
	p2 =	por !p2, p0  }
0x20: {  	[sflag:s8] =	ssyncset.s32 @!p0 $0xFFFFF086;
	s6 =	sadd.s32 @!p0 s3, s7;
	s7 =	simm.s32 @!p0 $0x108  }
0x21: {  	s3 =	sadd.s32 s3, s9;
	s6 =	sadd.s32 @!p0 $0x88, s6;
	s7 =	simm.s32 @p2 $0x1082  }
0x22: {  	[simem:s7], [sflag:s8] =	dma.local @!p0 [hbm:s6], $0xF7A  }
0x23: {  	s9 =	sor.u32 $0xD0000000, s2;
	s6 =	simm.s32 $0x108;
	_ =	swait.ge @!p0 [sflag:s8], $0x0  }
0x24: {  	s3 =	sadd.s32 $0x88, s3;
	s6 =	simm.s32 @!p1 $0x1082;
	[sflag:s4] =	ssyncset.s32 $0xFFFFF086  }
0x25: {  	[simem:s6], [sflag:s4] =	dma.local [hbm:s3], $0xF7A  }
0x26: {  	[smem:$0x3F82] =	sst s1;
	(tag) =	ssettag s2;
	_ =	strace s9  }
0x27: {  	s1 =	sld [smem:$0x3F92]  }
0x28: {  	s2 =	sld [smem:$0x3F93]  }
0x29: {  	s4 =	sld [smem:$0x3F95]  }
0x2a: {  	p0 =	seq.s32 s5, $0x0;
	s5 =	sld [smem:$0x3F96]  }
0x2b: {  	s6 =	sld [smem:$0x3F97]  }
0x2c: {  	s7 =	sld [smem:$0x3F98]  }
0x2d: {  	s3 =	simm.s32 $0x108;
	s8 =	sld [smem:$0x3F99]  }
0x2e: {  	s3 =	simm.s32 @!p0 $0x1082;
	s9 =	sld [smem:$0x3F9A]  }
0x2f: {  	lr =	sadd.s32 s0, s3;
	s0 =	sld [smem:$0x3F91]  }
0x30: {  	s3 =	sld [smem:$0x3F94]  }
0x31: {  	[smem:$0x3F9D] =	sst s10  }
0x32: {  	s10 =	sld [smem:$0x3F9B];
	_ =	sdelay $0x3  }
0x33: {  	p0 =	seq.s32 s10, $0x1;
	s10 =	sld [smem:$0x3F9D];
	_ =	sdelay $0x3  }
0x34: {  	[smem:$0x3F9D] =	sst s10  }
0x35: {  	s10 =	sld [smem:$0x3F9C];
	_ =	sdelay $0x3  }
0x36: {  	p1 =	seq.s32 s10, $0x1;
	s10 =	sld [smem:$0x3F9D];
	_ =	sdelay $0x3  }
0x37: {  	[smem:$0x3F9D] =	sst s10  }
0x38: {  	s10 =	sld [smem:$0x3F9E]  }
0x39: {  	_ = 	snop;
	(pc) =	sbr.ind lr, $3  }
0x3a: {  	_ = 	snop  }
0x3b: {  	_ = 	snop  }
0x3c: {  	p2 =	seq.s32 s10, $0x1;
	s10 =	sld [smem:$0x3F9D]  }
0x3d: {  	_ =	shalt  }
0x3e: {  	_ =	shalt  }
0x3f: {  	_ =	shalt  }
0x40: {  	_ =	shalt  }
0x41: {  	_ =	shalt  }
0x42: {  	_ =	shalt  }
0x43: {  	_ =	shalt  }
0x44: {  	_ =	shalt  }
0x45: {  	_ =	shalt  }
0x46: {  	_ =	shalt  }
0x47: {  	_ =	shalt  }
0x48: {  	_ =	shalt  }
0x49: {  	_ =	shalt  }
0x4a: {  	_ =	shalt  }
0x4b: {  	_ =	shalt  }
0x4c: {  	_ =	shalt  }
0x4d: {  	_ =	shalt  }
0x4e: {  	_ =	shalt  }
0x4f: {  	_ =	shalt  }
0x50: {  	_ =	shalt  }
0x51: {  	_ =	shalt  }
0x52: {  	_ =	shalt  }
0x53: {  	_ =	shalt  }
0x54: {  	_ =	shalt  }
0x55: {  	_ =	shalt  }
0x56: {  	_ =	shalt  }
0x57: {  	_ =	shalt  }
0x58: {  	_ =	shalt  }
0x59: {  	_ =	shalt  }
0x5a: {  	_ =	shalt  }
0x5b: {  	_ =	shalt  }
0x5c: {  	_ =	shalt  }
0x5d: {  	_ =	shalt  }
0x5e: {  	_ =	shalt  }
0x5f: {  	_ =	shalt  }
0x60: {  	_ =	shalt  }
0x61: {  	_ =	shalt  }
0x62: {  	_ =	shalt  }
0x63: {  	_ =	shalt  }
0x64: {  	_ =	shalt  }
0x65: {  	_ =	shalt  }
0x66: {  	_ =	shalt  }
0x67: {  	_ =	shalt  }
0x68: {  	_ =	shalt  }
0x69: {  	_ =	shalt  }
0x6a: {  	_ =	shalt  }
0x6b: {  	_ =	shalt  }
0x6c: {  	_ =	shalt  }
0x6d: {  	_ =	shalt  }
0x6e: {  	_ =	shalt  }
0x6f: {  	_ =	shalt  }
0x70: {  	_ =	shalt  }
0x71: {  	_ =	shalt  }
0x72: {  	_ =	shalt  }
0x73: {  	_ =	shalt  }
0x74: {  	_ =	shalt  }
0x75: {  	_ =	shalt  }
0x76: {  	_ =	shalt  }
0x77: {  	_ =	shalt  }
0x78: {  	_ =	shalt  }
0x79: {  	_ =	shalt  }
0x7a: {  	_ =	shalt  }
0x7b: {  	_ =	shalt  }
0x7c: {  	_ =	shalt  }
0x7d: {  	_ =	shalt  }
0x7e: {  	_ =	shalt  }
0x7f: {  	_ =	shalt  }
0x80: {  	_ =	shalt  }
0x81: {  	_ =	shalt  }
0x82: {  	_ =	shalt  }
0x83: {  	_ =	shalt  }
0x84: {  	_ =	shalt  }
0x85: {  	_ =	shalt  }
0x86: {  	_ =	shalt  }
0x87: {  	_ =	shalt  }
.Lfunc_end0:
.L_simem_size_0:
called_computation_lowered:
.L_overlay_start_0:
0x88: {  	s2 =	sld [smem:$0x3FD9]  }
0x89: {  	s3 =	sld [smem:$0x3FFE];
	_ =	sdelay $0x1  }
0x8a: {  	s1 =	srdreg.scid  }
0x8b: {  	s0 =	sand.u32 $0x1, s1  }
0x8c: {  	s16 =	sshll.u32 s0, $0xA;
	s2 =	sadd.s32 s3, s2  }
0x8d: {  	s2 =	sadd.s32 s2, s16  }
0x8e: {  	[smem:$0x3FA9] =	sst s2  }
0x8f: {  	_ = 	snop  }
0x90: {  	(tm) =	ssettm $0x1  }
0x91: {  	s17 =	sld [smem:$0x3FFB];
	_ =	sdelay $0x3  }
0x92: {  	_ =	strace s17  }
0x93: {  	s2 =	sld [smem:$0x3FFC];
	_ =	sdelay $0x3  }
0x94: {  	_ =	strace s2  }
0x95: {  	s2 =	sld [smem:$0x3FFD];
	_ =	sdelay $0x3  }
0x96: {  	_ =	strace s2  }
0x97: {  	_ =	strace $0x8FFFFFFF  }
0x98: {  	s18 =	sld [smem:$0x3FDB];
	_ =	sdelay $0x1  }
0x99: {  	s19 =	simm.s32 $_scs_section_size  }
0x9a: {  	s4 =	simm.s32 $_size__tile_overlayer_lowered;
	s5 =	simm.s32 $_tile_overlayer_lowered  }
0x9b: {  	s22 =	simm.s32 $0x1BFF;
	s21 =	sshll.u32 s5, $0x1;
	s2 =	sadd.s32 s19, s18  }
0x9c: {  	s6 =	simm.s32 $0x0;
	s20 =	sshll.u32 s4, $0x1;
	s4 =	sadd.s32 s21, s2  }
0x9d: {  	[timem:s6], [sflag:s22] =	dma.local [hbm:s4], s20  }
0x9e: {  	_ =	swait.ge [sflag:s22], s20  }
0x9f: {  	s3 =	ssub.s32 $0x0, s20;
	[sflag:s22] =	ssyncset.done $0x0  }
0xa0: {  	[sflag:s22] =	ssyncadd.s32 s3;
	_ =	sdelay $0x1  }
0xa1: {  	s23 =	simm.s32 $0x1B8B  }
0xa2: {  	_ =	swait.ge [sflag:s23], $0x1  }
0xa3: {  	[sflag:s23] =	ssyncset.done $0x0  }
0xa4: {  	s25 =	simm.s32 $0x1B8E;
	s24 =	sld [smem:$0x3FFE];
	[sflag:s23] =	ssyncadd.s32 $0xFFFFFFFF  }
0xa5: {  	s26 =	simm.s32 $execute0_lowered;
	[smem:$0x3FD2] =	sst s25  }
0xa6: {  	s4 =	sshll.u32 s26, $0x1;
	_ =	strace $0x80000046;
	[dreg:$0x1] =	wrdreg $0xFFFFFFFF  }
0xa7: {  	s28 =	simm.s32 $_size_execute0_lowered;
	s2 =	sadd.s32 s2, s4;
	[dreg:$0x0] =	wrdreg $0x0  }
0xa8: {  	s4 =	sshll.u32 s28, $0x1;
	[dreg:$0x2] =	wrdreg s2  }
0xa9: {  	[dreg:$0x3] =	wrdreg s4  }
0xaa: {  	[dreg:$0x4] =	wrdreg $0xC0  }
0xab: {  	_ =	task [dreg:s6], $0x5FFFF  }
0xac: {  	[dreg:$0x1] =	wrdreg $0xFFFFFFFF  }
0xad: {  	[dreg:$0x0] =	wrdreg $0x60  }
0xae: {  	[dreg:$0x2] =	wrdreg s24  }
0xaf: {  	[dreg:$0x3] =	wrdreg $0x58000  }
0xb0: {  	[dreg:$0x4] =	wrdreg $0x9  }
0xb1: {  	_ =	task.clear_ibuf [dreg:s6], $0x5FFFF;
	_ =	strace $0x90000046  }
0xb2: {  	s29 =	simm.s32 $0x9;
	_ =	strace $0x80000048  }
0xb3: {  	_ =	swait.ge [sflag:s29], $0x1  }
0xb4: {  	[sflag:s29] =	ssyncadd.s32 $0xFFFFFFFF  }
0xb5: {  	_ =	strace $0x90000048  }
0xb6: {  	_ =	sfence  }
0xb7: {  	s30 =	sld [smem:$0x0];
	_ =	sdelay $0x2  }
0xb8: {  	s31 =	sshll.u32 s1, $0xD;
	s1 =	sshrl.u32 s1, $0x2  }
0xb9: {  	s3 =	sand.u32 $0x4000, s31;
	s1 =	sadd.s32 s1, s30  }
0xba: {  	s0 =	sor.u32 s3, s0;
	s1 =	sshll.u32 s1, $0x11  }
0xbb: {  	s0 =	sor.u32 s1, s0  }
0xbc: {  	s0 =	sadd.s32 $0x8F2B, s0  }
0xbd: {  	[sflag:s0] =	ssyncadd.remote.s32 $0x1  }
0xbe: {  	_ =	sfence.sel $0xFFFF  }
0xbf: {  	[dreg:$0x0] =	wrdreg $0xFFFFFFFF;
	(pc) =	sbr.abs _section_cstart, $3  }
0xc0: {  	[dreg:$0x1] =	wrdreg $0xFFFFFFFF  }
0xc1: {  	_ =	task.clear_ibuf [dreg:s6], $0x2FFFF;
	_ =	strace $0x9FFFFFFF  }
0xc2: {  	(tm) =	ssettm $0x7FFFFFFF  }
0xc3: {  	_ =	shalt  }
tec
execute0_lowered:
.L_overlay_start_1:
0x0: {  	(tag) =	ssettag $0x1  }
0x1: {  	s1 =	srdreg.scid;
	s7 =	rddreg [dreg:$0x0]  }
0x2: {  	s0 =	stileid.u32;
	s2 =	rddreg [dreg:$0x1];
	s3 =	simm.s32 $0x0  }
0x3: {  	s13 =	simm.s32 $0x5400;
	s16 =	simm.s32 $0x80;
	s17 =	simm.s32 $0x1  }
0x4: {  	s18 =	simm.s32 $0x2;
	s4 =	sand.u32 $0x1, s1;
	s1 =	rddreg [dreg:$0x2]  }
0x5: {  	s30 =	sshll.u32 s0, $0x1;
	[smem:$0x7FF] =	sst s3;
	s8 =	smul.u32 $0x1400, s0  }
0x6: {  	s14 =	sshll.u32 s0, $0x6;
	s5 =	sor.u32 s4, s30;
	_ =	strace $0x80000047  }
0x7: {  	s31 =	smul.u32 $0x2800, s4;
	s9 =	ssub.s32 $0x2, s4;
	s4 =	sadd.s32 $0x1A000, s7  }
0x8: {  	s14 =	sor.u32 $0x1C03, s14;
	s5 =	smul.u32 $0x500, s5;
	s19 =	sshrl.u32 s8, $0x3  }
0x9: {  	s11 =	sshrl.u32 s9, $0x1;
	s15 =	sadd.s32 s8, s2;
	s10 =	sadd.s32 s19, s7  }
0xa: {  	s12 =	sadd.s32 s31, s7;
	s9 =	ssub.s32 s9, s11;
	s11 =	simm.s32 $0x2800  }
0xb: {  	s15 =	sshrl.u32 s15, $0x3;
	s6 =	sadd.s32 s5, s7;
	s7 =	sadd.s32 $0x1A080, s7  }
0xc: {  	s8 =	sadd.s32 $0x1A200, s10;
	s20 =	sadd.s32 $0x1CA00, s12;
	s9 =	smax.u32 s9, $0x1  }
0xd: {  	s10 =	simm.s32 $0x3;
	s12 =	simm.s32 $0x5000;
	s5 =	sadd.s32 $0x10000, s6  }
0xe: {  	s6 =	sadd.s32 $0x6000, s6;
	s19 =	sadd.s32 s19, s20;
	s20 =	simm.s32 $0x0  }
.LBB2_1:
0xf: {  	[tilespmem:s3], [sflag:$0x3] =	stream.linear.gather [hbm4b:s5+s3], $0x2800, $0x38;
	[tilespmem:$0x6C00] =	vst v63  }
0x10: {  	_ =	swait.ge [sflag:s10], $0x2800  }
0x11: {  	[sflag:s10] =	ssyncset.done $0x0  }
0x12: {  	[sflag:s10] =	ssyncadd.s32 $0xFFFFD800  }
0x13: {  	[tilespmem:s11], [sflag:$0x3] =	stream.linear.gather [hbm4b:s6+s3], $0x2800, $0x38;
	[tilespmem:$0x6C00] =	vst v63  }
0x14: {  	_ =	swait.ge [sflag:s10], $0x2800  }
0x15: {  	[sflag:s10] =	ssyncset.done $0x0  }
0x16: {  	[sflag:s10] =	ssyncadd.s32 $0xFFFFD800  }
0x17: {  	[tilespmem:s12], [sflag:$0x3] =	stream.linear.gather [hbm4b:s4+s3], $0x400, $0x38;
	[tilespmem:$0x6C00] =	vst v63  }
0x18: {  	_ =	swait.ge [sflag:s10], $0x400  }
0x19: {  	[sflag:s10] =	ssyncset.done $0x0  }
0x1a: {  	[sflag:s10] =	ssyncadd.s32 $0xFFFFFC00  }
0x1b: {  	[tilespmem:s13], [sflag:$0x3] =	stream.linear.gather [hbm4b:s7+s3], $0x400, $0x38;
	[tilespmem:$0x6C00] =	vst v63  }
0x1c: {  	_ =	swait.ge [sflag:s10], $0x400  }
0x1d: {  	[sflag:s10] =	ssyncset.done $0x0  }
0x1e: {  	[sflag:s10] =	ssyncadd.s32 $0xFFFFFC00  }
0x1f: {  	[spmem:s15], [sflag:s14] =	dma.local [hbm:s8], $0x280  }
0x20: {  	_ =	swait.ge [sflag:s10], $0x280  }
0x21: {  	[sflag:s10] =	ssyncset.done $0x0  }
0x22: {  	[sflag:s10] =	ssyncadd.s32 $0xFFFFFD80  }
0x23: {  	[bflag:$0x0] =	sbarrier.arrive $0xFFFF  }
0x24: {  	[spmem:s2] =	stream.indirect.scatter.add.f32 [tilespmem:s12], [sflag:$0x1], $0x8, s3, s16, $0xb8;
	[tilespmem:$0x6C00] =	vst v63  }
0x25: {  	_ = 	snop  }
0x26: {  	[spmem:s2] =	stream.indirect.scatter.add.f32 [tilespmem:s13], [sflag:$0x2], $0x8, s11, s16, $0xb8;
	[tilespmem:$0x6C00] =	vst v63  }
0x27: {  	s21 =	simm.s32 $0x80  }
0x28: {  	[spmem:s2] =	stream.indirect.scatter.add.f32 [tilespmem:s12], [sflag:$0x1], $0x8, s21, s16, $0xb8;
	[tilespmem:$0x6C00] =	vst v63  }
0x29: {  	s31 =	simm.s32 $0x2880  }
0x2a: {  	[spmem:s2] =	stream.indirect.scatter.add.f32 [tilespmem:s13], [sflag:$0x2], $0x8, s31, s16, $0xb8;
	[tilespmem:$0x6C00] =	vst v63  }
0x2b: {  	_ =	swait.ge [sflag:s17], $0x400  }
0x2c: {  	[sflag:s17] =	ssyncset.done $0x0  }
0x2d: {  	[sflag:s17] =	ssyncadd.s32 $0xFFFFFC00  }
0x2e: {  	_ =	swait.ge [sflag:s18], $0x400  }
0x2f: {  	s22 =	simm.s32 $0x600;
	s21 =	simm.s32 $0x400;
	[sflag:s18] =	ssyncset.done $0x0  }
.LBB2_2:
0x30: {  	s23 =	sshra.s32 s21, $0x2  }
0x31: {  	[sflag:s18] =	ssyncadd.s32 $0xFFFFFC00;
	s21 =	smov.u32 s22;
	s24 =	sadd.s32 $0x200, s22  }
0x32: {  	[spmem:s2] =	stream.indirect.scatter.add.f32 [tilespmem:s12], [sflag:$0x1], $0x8, s23, s16, $0xb8;
	[tilespmem:$0x6C00] =	vst v63  }
0x33: {  	p0 =	sne.s32 s22, $0x9E00;
	s22 =	sadd.s32 $0x2800, s23  }
0x34: {  	[spmem:s2] =	stream.indirect.scatter.add.f32 [tilespmem:s13], [sflag:$0x2], $0x8, s22, s16, $0xb8;
	[tilespmem:$0x6C00] =	vst v63  }
.Ltmp0:
0x35: {  	_ =	swait.ge [sflag:s17], $0x400;
	(pc) =	sbr.rel @p0 .LBB2_2-.Ltmp0, $4  }
0x36: {  	[sflag:s17] =	ssyncset.done $0x0  }
0x37: {  	[sflag:s17] =	ssyncadd.s32 $0xFFFFFC00  }
0x38: {  	_ =	swait.ge [sflag:s18], $0x400  }
0x39: {  	s22 =	smov.u32 s24;
	[sflag:s18] =	ssyncset.done $0x0  }
0x3a: {  	s21 =	sshra.s32 s21, $0x2;
	[sflag:s18] =	ssyncadd.s32 $0xFFFFFC00  }
0x3b: {  	[spmem:s2] =	stream.indirect.scatter.add.f32 [tilespmem:s12], [sflag:$0x1], $0x8, s21, s16, $0xb8;
	[tilespmem:$0x6C00] =	vst v63  }
0x3c: {  	s21 =	sadd.s32 $0x2800, s21  }
0x3d: {  	[spmem:s2] =	stream.indirect.scatter.add.f32 [tilespmem:s13], [sflag:$0x2], $0x8, s21, s16, $0xb8;
	[tilespmem:$0x6C00] =	vst v63  }
0x3e: {  	_ =	swait.ge [sflag:s17], $0x400  }
0x3f: {  	[sflag:s17] =	ssyncset.done $0x0  }
0x40: {  	[sflag:s17] =	ssyncadd.s32 $0xFFFFFC00  }
0x41: {  	_ =	swait.ge [sflag:s18], $0x400  }
0x42: {  	[sflag:s18] =	ssyncset.done $0x0  }
0x43: {  	[sflag:s18] =	ssyncadd.s32 $0xFFFFFC00  }
0x44: {  	_ =	swait.ge [sflag:s17], $0x400  }
0x45: {  	[sflag:s17] =	ssyncset.done $0x0  }
0x46: {  	[sflag:s17] =	ssyncadd.s32 $0xFFFFFC00  }
0x47: {  	_ =	swait.ge [sflag:s18], $0x400  }
0x48: {  	s20 =	sadd.s32 $0x1, s20;
	[sflag:s18] =	ssyncset.done $0x0  }
0x49: {  	p0 =	sne.s32 s20, s9;
	[sflag:s18] =	ssyncadd.s32 $0xFFFFFC00  }
.Ltmp1:
0x4a: {  	[bflag:$0x0] =	sbarrier.arrive $0xFFFF;
	(pc) =	sbr.rel @p0 .LBB2_1-.Ltmp1, $4  }
0x4b: {  	[hbm:s19], [sflag:s14] =	dma.local [spmem:s15], $0x280  }
0x4c: {  	_ =	swait.ge [sflag:s10], $0x280  }
0x4d: {  	[sflag:s10] =	ssyncset.done $0x0  }
0x4e: {  	[sflag:s10] =	ssyncadd.s32 $0xFFFFFD80  }
0x4f: {  	_ =	sfence.sel $0x180000  }
0x50: {  	[bflag:$0x0] =	sbarrier.arrive $0xFFFF  }
0x51: {  	p0 =	sne.s32 s0, $0x0;
	_ =	strace $0x90000047  }
0x52: {  	s0 =	sadd.s32 @!p0 $0x100000, s1;
	[bflag:$0x2] =	sbarrier.arrive $0xFFFF  }
0x53: {  	[sflag:s0] =	ssyncadd.tile.s32 @!p0 $0x1;
	_ =	shalt  }
.Lfunc_end2:
_tile_overlayer_lowered:
.L_overlay_start_2:
0x54: {  	(tag) =	ssettag $0x2  }
0x55: {  	s0 =	rddreg [dreg:$0x0];
	s2 =	stileid.u32  }
0x56: {  	s1 =	rddreg [dreg:$0x1];
	p0 =	sne.s32 s2, $0x0  }
0x57: {  	s3 =	rddreg [dreg:$0x2];
	[bflag:$0x3] =	sbarrier.arrive $0xFFFF;
	s2 =	simm.s32 @!p0 $0x1C03  }
0x58: {  	[timem:s3], [sflag:s2] =	dma.local @!p0 [hbm:s0], s1  }
0x59: {  	s0 =	simm.s32 @!p0 $0x3  }
0x5a: {  	_ =	swait.ge @!p0 [sflag:s0], s1  }
0x5b: {  	s1 =	ssub.s32 @!p0 $0x0, s1;
	[sflag:s0] =	ssyncset.done @!p0 $0x0  }
0x5c: {  	[sflag:s0] =	ssyncadd.s32 @!p0 s1  }
0x5d: {  	[bflag:$0x3] =	sbarrier.arrive $0xFFFF  }
0x5e: {  	_ =	shalt  }

// kernel: kernel.14.cloned.1.call-start
scs
__scs_entry_jumppad:
0x0: {  	(pc) =	sbr.rel $0x88, $3  }
0x1: {  	(tag) =	ssettag $0x0;
	lr =	simm.s32 $0x1  }
0x2: {  	[smem:$0x3F82] =	sst lr;
	_ =	strace $0xD0000000  }
0x3: {  	_ = 	snop  }
0x4: {  	_ = 	snop  }
0x5: {  	_ = 	snop  }
0x6: {  	_ = 	snop  }
0x7: {  	_ = 	snop  }
__scs_overlays_trampoline_lowered:
0x8: {  	[smem:$0x3F91] =	sst s0  }
0x9: {  	[smem:$0x3F92] =	sst s1  }
0xa: {  	[smem:$0x3F93] =	sst s2  }
0xb: {  	[smem:$0x3F94] =	sst s3  }
0xc: {  	[smem:$0x3F95] =	sst s4  }
0xd: {  	[smem:$0x3F96] =	sst s5  }
0xe: {  	[smem:$0x3F97] =	sst s6  }
0xf: {  	[smem:$0x3F98] =	sst s7  }
0x10: {  	[smem:$0x3F99] =	sst s8  }
0x11: {  	[smem:$0x3F9A] =	sst s9;
	s0 =	simm.s32 @!p0 $0x0  }
0x12: {  	s1 =	sld [smem:$0x3F80];
	s0 =	simm.s32 @p0 $0x1  }
0x13: {  	[smem:$0x3F9B] =	sst s0;
	s0 =	simm.s32 @!p1 $0x0  }
0x14: {  	s2 =	sld [smem:$0x3F7F];
	s0 =	simm.s32 @p1 $0x1  }
0x15: {  	[smem:$0x3F9C] =	sst s0;
	s0 =	simm.s32 @!p2 $0x0  }
0x16: {  	s3 =	sld [smem:$0x3FDB];
	s0 =	simm.s32 @p2 $0x1  }
0x17: {  	s4 =	simm.s32 $0x1BF5;
	[smem:$0x3F9E] =	sst s0  }
0x18: {  	s0 =	sld [smem:$0x3F81];
	_ =	swait.ge [sflag:s4], $0x0  }
0x19: {  	s7 =	sld [smem:$0x3F82]  }
0x1a: {  	s8 =	sadd.s32 $0xFFFFE003, lr  }
0x1b: {  	s9 =	sadd.s32 $0xFFFFFEF7, lr;
	s5 =	simm.s32 $0xFFFFFFFF;
	p2 =	slt.u32 s8, $0xFFFFF086  }
0x1c: {  	p1 =	slt.u32 s9, $0xF7A;
	s5 =	simm.s32 @!p2 $0x0  }
0x1d: {  	s5 =	simm.s32 @p1 $0x1;
	p0 =	seq.s32 s7, s2  }
0x1e: {  	s7 =	smul.u32 @!p0 $0xF7A, s2;
	p2 =	seq.s32 @!p0 s5, $0x0  }
0x1f: {  	s9 =	smul.u32 $0xF7A, s1;
	s8 =	simm.s32 @!p0 $0x1BF5;
	p2 =	por !p2, p0  }
0x20: {  	[sflag:s8] =	ssyncset.s32 @!p0 $0xFFFFF086;
	s6 =	sadd.s32 @!p0 s3, s7;
	s7 =	simm.s32 @!p0 $0x108  }
0x21: {  	s3 =	sadd.s32 s3, s9;
	s6 =	sadd.s32 @!p0 $0x88, s6;
	s7 =	simm.s32 @p2 $0x1082  }
0x22: {  	[simem:s7], [sflag:s8] =	dma.local @!p0 [hbm:s6], $0xF7A  }
0x23: {  	s9 =	sor.u32 $0xD0000000, s2;
	s6 =	simm.s32 $0x108;
	_ =	swait.ge @!p0 [sflag:s8], $0x0  }
0x24: {  	s3 =	sadd.s32 $0x88, s3;
	s6 =	simm.s32 @!p1 $0x1082;
	[sflag:s4] =	ssyncset.s32 $0xFFFFF086  }
0x25: {  	[simem:s6], [sflag:s4] =	dma.local [hbm:s3], $0xF7A  }
0x26: {  	[smem:$0x3F82] =	sst s1;
	(tag) =	ssettag s2;
	_ =	strace s9  }
0x27: {  	s1 =	sld [smem:$0x3F92]  }
0x28: {  	s2 =	sld [smem:$0x3F93]  }
0x29: {  	s4 =	sld [smem:$0x3F95]  }
0x2a: {  	p0 =	seq.s32 s5, $0x0;
	s5 =	sld [smem:$0x3F96]  }
0x2b: {  	s6 =	sld [smem:$0x3F97]  }
0x2c: {  	s7 =	sld [smem:$0x3F98]  }
0x2d: {  	s3 =	simm.s32 $0x108;
	s8 =	sld [smem:$0x3F99]  }
0x2e: {  	s3 =	simm.s32 @!p0 $0x1082;
	s9 =	sld [smem:$0x3F9A]  }
0x2f: {  	lr =	sadd.s32 s0, s3;
	s0 =	sld [smem:$0x3F91]  }
0x30: {  	s3 =	sld [smem:$0x3F94]  }
0x31: {  	[smem:$0x3F9D] =	sst s10  }
0x32: {  	s10 =	sld [smem:$0x3F9B];
	_ =	sdelay $0x3  }
0x33: {  	p0 =	seq.s32 s10, $0x1;
	s10 =	sld [smem:$0x3F9D];
	_ =	sdelay $0x3  }
0x34: {  	[smem:$0x3F9D] =	sst s10  }
0x35: {  	s10 =	sld [smem:$0x3F9C];
	_ =	sdelay $0x3  }
0x36: {  	p1 =	seq.s32 s10, $0x1;
	s10 =	sld [smem:$0x3F9D];
	_ =	sdelay $0x3  }
0x37: {  	[smem:$0x3F9D] =	sst s10  }
0x38: {  	s10 =	sld [smem:$0x3F9E]  }
0x39: {  	_ = 	snop;
	(pc) =	sbr.ind lr, $3  }
0x3a: {  	_ = 	snop  }
0x3b: {  	_ = 	snop  }
0x3c: {  	p2 =	seq.s32 s10, $0x1;
	s10 =	sld [smem:$0x3F9D]  }
0x3d: {  	_ =	shalt  }
0x3e: {  	_ =	shalt  }
0x3f: {  	_ =	shalt  }
0x40: {  	_ =	shalt  }
0x41: {  	_ =	shalt  }
0x42: {  	_ =	shalt  }
0x43: {  	_ =	shalt  }
0x44: {  	_ =	shalt  }
0x45: {  	_ =	shalt  }
0x46: {  	_ =	shalt  }
0x47: {  	_ =	shalt  }
0x48: {  	_ =	shalt  }
0x49: {  	_ =	shalt  }
0x4a: {  	_ =	shalt  }
0x4b: {  	_ =	shalt  }
0x4c: {  	_ =	shalt  }
0x4d: {  	_ =	shalt  }
0x4e: {  	_ =	shalt  }
0x4f: {  	_ =	shalt  }
0x50: {  	_ =	shalt  }
0x51: {  	_ =	shalt  }
0x52: {  	_ =	shalt  }
0x53: {  	_ =	shalt  }
0x54: {  	_ =	shalt  }
0x55: {  	_ =	shalt  }
0x56: {  	_ =	shalt  }
0x57: {  	_ =	shalt  }
0x58: {  	_ =	shalt  }
0x59: {  	_ =	shalt  }
0x5a: {  	_ =	shalt  }
0x5b: {  	_ =	shalt  }
0x5c: {  	_ =	shalt  }
0x5d: {  	_ =	shalt  }
0x5e: {  	_ =	shalt  }
0x5f: {  	_ =	shalt  }
0x60: {  	_ =	shalt  }
0x61: {  	_ =	shalt  }
0x62: {  	_ =	shalt  }
0x63: {  	_ =	shalt  }
0x64: {  	_ =	shalt  }
0x65: {  	_ =	shalt  }
0x66: {  	_ =	shalt  }
0x67: {  	_ =	shalt  }
0x68: {  	_ =	shalt  }
0x69: {  	_ =	shalt  }
0x6a: {  	_ =	shalt  }
0x6b: {  	_ =	shalt  }
0x6c: {  	_ =	shalt  }
0x6d: {  	_ =	shalt  }
0x6e: {  	_ =	shalt  }
0x6f: {  	_ =	shalt  }
0x70: {  	_ =	shalt  }
0x71: {  	_ =	shalt  }
0x72: {  	_ =	shalt  }
0x73: {  	_ =	shalt  }
0x74: {  	_ =	shalt  }
0x75: {  	_ =	shalt  }
0x76: {  	_ =	shalt  }
0x77: {  	_ =	shalt  }
0x78: {  	_ =	shalt  }
0x79: {  	_ =	shalt  }
0x7a: {  	_ =	shalt  }
0x7b: {  	_ =	shalt  }
0x7c: {  	_ =	shalt  }
0x7d: {  	_ =	shalt  }
0x7e: {  	_ =	shalt  }
0x7f: {  	_ =	shalt  }
0x80: {  	_ =	shalt  }
0x81: {  	_ =	shalt  }
0x82: {  	_ =	shalt  }
0x83: {  	_ =	shalt  }
0x84: {  	_ =	shalt  }
0x85: {  	_ =	shalt  }
0x86: {  	_ =	shalt  }
0x87: {  	_ =	shalt  }
.Lfunc_end0:
.L_simem_size_0:
called_computation.1_lowered:
.L_overlay_start_0:
0x88: {  	s2 =	sld [smem:$0x3FD9]  }
0x89: {  	s3 =	sld [smem:$0x3FFE];
	_ =	sdelay $0x1  }
0x8a: {  	s1 =	srdreg.scid  }
0x8b: {  	s0 =	sand.u32 $0x1, s1  }
0x8c: {  	s17 =	sshll.u32 s0, $0xA;
	s2 =	sadd.s32 s3, s2  }
0x8d: {  	s2 =	sadd.s32 s2, s17  }
0x8e: {  	[smem:$0x3FA9] =	sst s2  }
0x8f: {  	_ = 	snop  }
0x90: {  	(tm) =	ssettm $0x1  }
0x91: {  	s18 =	sld [smem:$0x3FFB];
	_ =	sdelay $0x3  }
0x92: {  	_ =	strace s18  }
0x93: {  	s2 =	sld [smem:$0x3FFC];
	_ =	sdelay $0x3  }
0x94: {  	_ =	strace s2  }
0x95: {  	s2 =	sld [smem:$0x3FFD];
	_ =	sdelay $0x3  }
0x96: {  	_ =	strace s2  }
0x97: {  	_ =	strace $0x8FFFFFFF  }
0x98: {  	s19 =	sld [smem:$0x3FDB];
	_ =	sdelay $0x1  }
0x99: {  	s20 =	simm.s32 $_scs_section_size  }
0x9a: {  	s4 =	simm.s32 $_size__tile_overlayer_lowered;
	s5 =	simm.s32 $_tile_overlayer_lowered  }
0x9b: {  	s6 =	simm.s32 $0x1BFF;
	s21 =	sshll.u32 s5, $0x1;
	s3 =	sadd.s32 s20, s19  }
0x9c: {  	s22 =	simm.s32 $0x0;
	s4 =	sshll.u32 s4, $0x1;
	s5 =	sadd.s32 s21, s3  }
0x9d: {  	[timem:s22], [sflag:s6] =	dma.local [hbm:s5], s4  }
0x9e: {  	_ =	swait.ge [sflag:s6], s4  }
0x9f: {  	s4 =	ssub.s32 $0x0, s4;
	[sflag:s6] =	ssyncset.done $0x0  }
0xa0: {  	[sflag:s6] =	ssyncadd.s32 s4;
	_ =	sdelay $0x1  }
0xa1: {  	s23 =	simm.s32 $0x1B8B  }
0xa2: {  	_ =	swait.ge [sflag:s23], $0x1  }
0xa3: {  	[sflag:s23] =	ssyncset.done $0x0  }
0xa4: {  	[sflag:s23] =	ssyncadd.s32 $0xFFFFFFFF  }
0xa5: {  	s4 =	sld [smem:$0x0]  }
0xa6: {  	s5 =	sand.u32 $0xFFFFFFFE, s1  }
0xa7: {  	p0 =	sne.s32 s1, s5  }
0xa8: {  	s5 =	sshll.u32 @p0 s5, $0xE  }
0xa9: {  	s5 =	sadd.s32 @p0 $0x11B8D, s5;
	s6 =	sshll.u32 @p0 s4, $0x11  }
0xaa: {  	s5 =	sor.u32 @p0 s6, s5  }
0xab: {  	[sflag:s5] =	ssyncadd.remote.s32 @p0 $0x1;
	_ =	sdelay $0x1  }
0xac: {  	s5 =	simm.s32 @p0 $0x1B8D  }
0xad: {  	_ =	swait.eq @p0 [sflag:s5], $0x1  }
0xae: {  	[sflag:s5] =	ssyncadd.s32 @p0 $0xFFFFFFFF  }
0xaf: {  	s6 =	sshll.u32 @!p0 s1, $0xE  }
0xb0: {  	s6 =	sor.u32 @!p0 $0x4000, s6;
	s5 =	simm.s32 @!p0 $0x1B8D  }
0xb1: {  	s4 =	sshll.u32 @!p0 s4, $0x11;
	s6 =	sadd.s32 @!p0 $0x11B8D, s6;
	_ =	swait.eq @!p0 [sflag:s5], $0x1  }
0xb2: {  	s4 =	sor.u32 @!p0 s4, s6;
	[sflag:s5] =	ssyncadd.s32 @!p0 $0xFFFFFFFF  }
0xb3: {  	s25 =	simm.s32 $0x1B8E;
	s24 =	sld [smem:$0x3FFE];
	[sflag:s4] =	ssyncadd.remote.s32 @!p0 $0x1  }
0xb4: {  	s26 =	simm.s32 $execute0_lowered;
	[smem:$0x3FD2] =	sst s25  }
0xb5: {  	s5 =	sshll.u32 s26, $0x1;
	_ =	strace $0x8000004C;
	[dreg:$0x1] =	wrdreg $0xFFFFFFFF  }
0xb6: {  	s28 =	simm.s32 $_size_execute0_lowered;
	s3 =	sadd.s32 s3, s5;
	[dreg:$0x0] =	wrdreg $0x0  }
0xb7: {  	s5 =	sshll.u32 s28, $0x1;
	[dreg:$0x2] =	wrdreg s3  }
0xb8: {  	[dreg:$0x3] =	wrdreg s5  }
0xb9: {  	[dreg:$0x4] =	wrdreg $0xC0  }
0xba: {  	_ =	task [dreg:s22], $0x5FFFF  }
0xbb: {  	[dreg:$0x1] =	wrdreg $0xFFFFFFFF  }
0xbc: {  	[dreg:$0x0] =	wrdreg $0x60  }
0xbd: {  	[dreg:$0x2] =	wrdreg s24  }
0xbe: {  	[dreg:$0x3] =	wrdreg $0x90000  }
0xbf: {  	[dreg:$0x4] =	wrdreg $0x130000  }
0xc0: {  	[dreg:$0x5] =	wrdreg $0x9  }
0xc1: {  	_ =	task.clear_ibuf [dreg:s22], $0x6FFFF;
	_ =	strace $0x9000004C  }
0xc2: {  	s29 =	simm.s32 $0x9;
	_ =	strace $0x8000004E  }
0xc3: {  	_ =	swait.ge [sflag:s29], $0x1  }
0xc4: {  	[sflag:s29] =	ssyncadd.s32 $0xFFFFFFFF  }
0xc5: {  	_ =	strace $0x9000004E  }
0xc6: {  	_ =	sfence  }
0xc7: {  	s30 =	sld [smem:$0x0];
	_ =	sdelay $0x2  }
0xc8: {  	s31 =	sshll.u32 s1, $0xD;
	s1 =	sshrl.u32 s1, $0x2  }
0xc9: {  	s4 =	sand.u32 $0x4000, s31;
	s1 =	sadd.s32 s1, s30  }
0xca: {  	s0 =	sor.u32 s4, s0;
	s1 =	sshll.u32 s1, $0x11  }
0xcb: {  	s0 =	sor.u32 s1, s0  }
0xcc: {  	s0 =	sadd.s32 $0x8F2B, s0  }
0xcd: {  	[sflag:s0] =	ssyncadd.remote.s32 $0x1  }
0xce: {  	_ =	sfence.sel $0xFFFF  }
0xcf: {  	[dreg:$0x0] =	wrdreg $0xFFFFFFFF;
	(pc) =	sbr.abs _section_cstart, $3  }
0xd0: {  	[dreg:$0x1] =	wrdreg $0xFFFFFFFF  }
0xd1: {  	_ =	task.clear_ibuf [dreg:s22], $0x2FFFF;
	_ =	strace $0x9FFFFFFF  }
0xd2: {  	(tm) =	ssettm $0x7FFFFFFF  }
0xd3: {  	_ =	shalt  }
tec
execute0_lowered:
.L_overlay_start_1:
0x0: {  	(tag) =	ssettag $0x1  }
0x1: {  	s5 =	rddreg [dreg:$0x0]  }
0x2: {  	s1 =	rddreg [dreg:$0x1]  }
0x3: {  	s3 =	rddreg [dreg:$0x2]  }
0x4: {  	s0 =	rddreg [dreg:$0x3]  }
0x5: {  	s4 =	simm.s32 $0x0;
	s2 =	stileid.u32;
	s6 =	srdreg.scid  }
0x6: {  	s16 =	simm.s32 $0x2800;
	s17 =	simm.s32 $0x80;
	s18 =	simm.s32 $0x5000  }
0x7: {  	s19 =	simm.s32 $0x1;
	s20 =	simm.s32 $0x7000;
	s21 =	simm.s32 $0x2  }
0x8: {  	s22 =	simm.s32 $0x2880;
	s23 =	simm.s32 $0x3;
	s26 =	simm.s32 $0x4  }
0x9: {  	s28 =	simm.s32 $0x0;
	[smem:$0x7FF] =	sst s4;
	s7 =	smul.u32 $0xA000, s2  }
0xa: {  	s8 =	smul.u32 $0xA00, s2;
	s9 =	sand.u32 $0x1, s6;
	s30 =	sshll.u32 s2, $0x6  }
0xb: {  	_ =	strace $0x8000004D;
	s6 =	smul.u32 $0x14000, s9;
	s10 =	ssub.s32 $0x2, s9  }
0xc: {  	p0 =	seq.s32 s9, $0x1;
	s24 =	sshrl.u32 s7, $0x3;
	s11 =	sadd.s32 s8, s5  }
0xd: {  	s12 =	sshrl.u32 s10, $0x1;
	s31 =	sadd.s32 s7, s1;
	s14 =	sadd.s32 s7, s3  }
0xe: {  	s29 =	sadd.s32 s24, s5;
	s13 =	sadd.s32 s6, s5;
	s10 =	ssub.s32 s10, s12  }
.Ltmp0:
0xf: {  	s6 =	sor.u32 $0x1C05, s30;
	s8 =	sadd.s32 $0x10000, s11;
	(pc) =	sbr.rel .LBB2_1-.Ltmp0, $4  }
0x10: {  	s9 =	sadd.s32 $0x6000, s11;
	s11 =	sshrl.u32 s31, $0x3;
	s12 =	simm.s32 $0x5  }
0x11: {  	s5 =	sadd.s32 $0xC1A00, s29;
	s7 =	sadd.s32 $0x85A00, s29;
	s25 =	sadd.s32 $0xD5A00, s13  }
0x12: {  	s10 =	smax.u32 s10, $0x1;
	s13 =	sshrl.u32 s14, $0x3;
	s14 =	sadd.s32 $0x500, s8  }
0x13: {  	s15 =	sadd.s32 $0x500, s9;
	s24 =	sadd.s32 s24, s25;
	s25 =	simm.s32 $0x100  }
.LBB2_8:
0x14: {  	_ =	swait.ge [sflag:s26], $0x2000  }
0x15: {  	s28 =	sadd.s32 $0x1, s28;
	[sflag:s26] =	ssyncset.done $0x0  }
0x16: {  	p1 =	sne.s32 s28, s10;
	[sflag:s26] =	ssyncadd.s32 $0xFFFFE000  }
.Ltmp1:
0x17: {  	[bflag:$0x0] =	sbarrier.arrive $0xFFFF;
	(pc) =	sbr.rel @!p1 .LBB2_9-.Ltmp1, $4  }
0x18: {  	[hbm:s24], [sflag:s6] =	dma.local [spmem:s13], $0x1400  }
0x19: {  	_ =	swait.ge [sflag:s12], $0x1400  }
0x1a: {  	[sflag:s12] =	ssyncset.done $0x0  }
0x1b: {  	[sflag:s12] =	ssyncadd.s32 $0xFFFFEC00  }
.LBB2_1:
0x1c: {  	[spmem:s11], [sflag:s6] =	dma.local [hbm:s5], $0x1400  }
0x1d: {  	_ =	swait.ge [sflag:s12], $0x1400  }
0x1e: {  	[sflag:s12] =	ssyncset.done $0x0  }
0x1f: {  	[sflag:s12] =	ssyncadd.s32 $0xFFFFEC00  }
0x20: {  	[spmem:s13], [sflag:s6] =	dma.local [hbm:s7], $0x1400  }
.Ltmp2:
0x21: {  	_ =	swait.ge [sflag:s12], $0x1400;
	(pc) =	sbr.rel @!p0 .LBB2_2-.Ltmp2, $3  }
0x22: {  	[sflag:s12] =	ssyncset.done $0x0  }
0x23: {  	[sflag:s12] =	ssyncadd.s32 $0xFFFFEC00  }
0x24: {  	[bflag:$0x0] =	sbarrier.arrive $0xFFFF;
	_ =	sdelay $0x1  }
0x25: {  	[tilespmem:s4], [sflag:$0x5] =	stream.linear.gather [hbm4b:s14+s4], $0x2800, $0x38;
	[tilespmem:$0x1D000] =	vst v63  }
0x26: {  	_ =	swait.ge [sflag:s12], $0x2800  }
0x27: {  	[sflag:s12] =	ssyncset.done $0x0  }
0x28: {  	[sflag:s12] =	ssyncadd.s32 $0xFFFFD800  }
0x29: {  	[tilespmem:s16], [sflag:$0x5] =	stream.linear.gather [hbm4b:s15+s4], $0x2800, $0x38;
	[tilespmem:$0x1D000] =	vst v63  }
0x2a: {  	_ =	swait.ge [sflag:s12], $0x2800  }
0x2b: {  	[sflag:s12] =	ssyncset.done $0x0  }
0x2c: {  	[sflag:s12] =	ssyncadd.s32 $0xFFFFD800  }
0x2d: {  	[tilespmem:s18], [sflag:$0x1] =	stream.indirect.gather [spmem:s1], $0x40, s4, s17, $0xb8;
	[tilespmem:$0x1D000] =	vst v63  }
0x2e: {  	_ =	swait.ge [sflag:s19], $0x2000  }
0x2f: {  	[sflag:s19] =	ssyncset.done $0x0  }
0x30: {  	[sflag:s19] =	ssyncadd.s32 $0xFFFFE000  }
0x31: {  	[spmem:s3] =	stream.indirect.scatter.add.f32 [tilespmem:s18], [sflag:$0x3], $0x40, s16, s17, $0xb8;
	[tilespmem:$0x1D000] =	vst v63  }
0x32: {  	_ = 	snop  }
0x33: {  	[tilespmem:s20], [sflag:$0x2] =	stream.indirect.gather [spmem:s1], $0x40, s17, s17, $0xb8;
	[tilespmem:$0x1D000] =	vst v63  }
0x34: {  	_ =	swait.ge [sflag:s21], $0x2000  }
0x35: {  	[sflag:s21] =	ssyncset.done $0x0  }
0x36: {  	[sflag:s21] =	ssyncadd.s32 $0xFFFFE000  }
0x37: {  	[spmem:s3] =	stream.indirect.scatter.add.f32 [tilespmem:s20], [sflag:$0x4], $0x40, s22, s17, $0xb8;
	[tilespmem:$0x1D000] =	vst v63  }
0x38: {  	_ =	swait.ge [sflag:s23], $0x2000  }
0x39: {  	[sflag:s23] =	ssyncset.done $0x0  }
0x3a: {  	s29 =	simm.s32 $0xFFFF6800;
	[sflag:s23] =	ssyncadd.s32 $0xFFFFE000  }
0x3b: {  	[tilespmem:s18], [sflag:$0x1] =	stream.indirect.gather [spmem:s1], $0x40, s25, s17, $0xb8;
	[tilespmem:$0x1D000] =	vst v63  }
.LBB2_6:
0x3c: {  	_ =	swait.ge [sflag:s19], $0x2000  }
0x3d: {  	s30 =	sshra.s32 s29, $0x2;
	[sflag:s19] =	ssyncset.done $0x0  }
0x3e: {  	s31 =	sadd.s32 $0x4F00, s30;
	[sflag:s19] =	ssyncadd.s32 $0xFFFFE000  }
0x3f: {  	[spmem:s3] =	stream.indirect.scatter.add.f32 [tilespmem:s18], [sflag:$0x3], $0x40, s31, s17, $0xb8;
	[tilespmem:$0x1D000] =	vst v63  }
0x40: {  	_ =	swait.ge [sflag:s26], $0x2000  }
0x41: {  	[sflag:s26] =	ssyncset.done $0x0  }
0x42: {  	s31 =	sadd.s32 $0x2780, s30;
	[sflag:s26] =	ssyncadd.s32 $0xFFFFE000  }
0x43: {  	[tilespmem:s20], [sflag:$0x2] =	stream.indirect.gather [spmem:s1], $0x40, s31, s17, $0xb8;
	[tilespmem:$0x1D000] =	vst v63  }
0x44: {  	_ =	swait.ge [sflag:s21], $0x2000  }
0x45: {  	p1 =	seq.s32 s29, $0x0;
	[sflag:s21] =	ssyncset.done $0x0  }
.Ltmp3:
0x46: {  	s31 =	sadd.s32 $0x4F80, s30;
	[sflag:s21] =	ssyncadd.s32 $0xFFFFE000;
	(pc) =	sbr.rel @p1 .LBB2_8-.Ltmp3, $4  }
0x47: {  	[spmem:s3] =	stream.indirect.scatter.add.f32 [tilespmem:s20], [sflag:$0x4], $0x40, s31, s17, $0xb8;
	[tilespmem:$0x1D000] =	vst v63  }
0x48: {  	_ =	swait.ge [sflag:s23], $0x2000  }
0x49: {  	[sflag:s23] =	ssyncset.done $0x0  }
0x4a: {  	[sflag:s23] =	ssyncadd.s32 $0xFFFFE000  }
.Ltmp4:
0x4b: {  	(pc) =	sbr.rel .LBB2_6-.Ltmp4, $3  }
0x4c: {  	_ =	sdelay $0x1  }
0x4d: {  	s30 =	sadd.s32 $0x2800, s30;
	s29 =	sadd.s32 $0x400, s29  }
0x4e: {  	[tilespmem:s18], [sflag:$0x1] =	stream.indirect.gather [spmem:s1], $0x40, s30, s17, $0xb8;
	[tilespmem:$0x1D000] =	vst v63  }
.LBB2_2:
0x4f: {  	[tilespmem:s4], [sflag:$0x5] =	stream.linear.gather [hbm4b:s8+s4], $0x2800, $0x38;
	[tilespmem:$0x1D000] =	vst v63  }
0x50: {  	_ =	swait.ge [sflag:s12], $0x2800  }
0x51: {  	[sflag:s12] =	ssyncset.done $0x0  }
0x52: {  	[sflag:s12] =	ssyncadd.s32 $0xFFFFD800  }
0x53: {  	[tilespmem:s16], [sflag:$0x5] =	stream.linear.gather [hbm4b:s9+s4], $0x2800, $0x38;
	[tilespmem:$0x1D000] =	vst v63  }
0x54: {  	_ =	swait.ge [sflag:s12], $0x2800  }
0x55: {  	[sflag:s12] =	ssyncset.done $0x0  }
0x56: {  	[sflag:s12] =	ssyncadd.s32 $0xFFFFD800  }
0x57: {  	[tilespmem:s18], [sflag:$0x1] =	stream.indirect.gather [spmem:s1], $0x40, s4, s17, $0xb8;
	[tilespmem:$0x1D000] =	vst v63  }
0x58: {  	_ =	swait.ge [sflag:s19], $0x2000  }
0x59: {  	[sflag:s19] =	ssyncset.done $0x0  }
0x5a: {  	[sflag:s19] =	ssyncadd.s32 $0xFFFFE000  }
0x5b: {  	[spmem:s3] =	stream.indirect.scatter.add.f32 [tilespmem:s18], [sflag:$0x3], $0x40, s16, s17, $0xb8;
	[tilespmem:$0x1D000] =	vst v63  }
0x5c: {  	_ = 	snop  }
0x5d: {  	[tilespmem:s20], [sflag:$0x2] =	stream.indirect.gather [spmem:s1], $0x40, s17, s17, $0xb8;
	[tilespmem:$0x1D000] =	vst v63  }
0x5e: {  	_ =	swait.ge [sflag:s21], $0x2000  }
0x5f: {  	[sflag:s21] =	ssyncset.done $0x0  }
0x60: {  	[sflag:s21] =	ssyncadd.s32 $0xFFFFE000  }
0x61: {  	[spmem:s3] =	stream.indirect.scatter.add.f32 [tilespmem:s20], [sflag:$0x4], $0x40, s22, s17, $0xb8;
	[tilespmem:$0x1D000] =	vst v63  }
0x62: {  	_ =	swait.ge [sflag:s23], $0x2000  }
0x63: {  	[sflag:s23] =	ssyncset.done $0x0  }
0x64: {  	s29 =	simm.s32 $0xFFFF6800;
	[sflag:s23] =	ssyncadd.s32 $0xFFFFE000  }
0x65: {  	[tilespmem:s18], [sflag:$0x1] =	stream.indirect.gather [spmem:s1], $0x40, s25, s17, $0xb8;
	[tilespmem:$0x1D000] =	vst v63  }
.LBB2_3:
0x66: {  	_ =	swait.ge [sflag:s19], $0x2000  }
0x67: {  	s30 =	sshra.s32 s29, $0x2;
	[sflag:s19] =	ssyncset.done $0x0  }
0x68: {  	s31 =	sadd.s32 $0x4F00, s30;
	[sflag:s19] =	ssyncadd.s32 $0xFFFFE000  }
0x69: {  	[spmem:s3] =	stream.indirect.scatter.add.f32 [tilespmem:s18], [sflag:$0x3], $0x40, s31, s17, $0xb8;
	[tilespmem:$0x1D000] =	vst v63  }
0x6a: {  	_ =	swait.ge [sflag:s26], $0x2000  }
0x6b: {  	[sflag:s26] =	ssyncset.done $0x0  }
0x6c: {  	s31 =	sadd.s32 $0x2780, s30;
	[sflag:s26] =	ssyncadd.s32 $0xFFFFE000  }
0x6d: {  	[tilespmem:s20], [sflag:$0x2] =	stream.indirect.gather [spmem:s1], $0x40, s31, s17, $0xb8;
	[tilespmem:$0x1D000] =	vst v63  }
0x6e: {  	_ =	swait.ge [sflag:s21], $0x2000  }
0x6f: {  	p1 =	seq.s32 s29, $0x0;
	[sflag:s21] =	ssyncset.done $0x0  }
.Ltmp5:
0x70: {  	s31 =	sadd.s32 $0x4F80, s30;
	[sflag:s21] =	ssyncadd.s32 $0xFFFFE000;
	(pc) =	sbr.rel @p1 .LBB2_8-.Ltmp5, $4  }
0x71: {  	[spmem:s3] =	stream.indirect.scatter.add.f32 [tilespmem:s20], [sflag:$0x4], $0x40, s31, s17, $0xb8;
	[tilespmem:$0x1D000] =	vst v63  }
0x72: {  	_ =	swait.ge [sflag:s23], $0x2000  }
0x73: {  	[sflag:s23] =	ssyncset.done $0x0  }
0x74: {  	[sflag:s23] =	ssyncadd.s32 $0xFFFFE000  }
.Ltmp6:
0x75: {  	(pc) =	sbr.rel .LBB2_3-.Ltmp6, $3  }
0x76: {  	_ =	sdelay $0x1  }
0x77: {  	s30 =	sadd.s32 $0x2800, s30;
	s29 =	sadd.s32 $0x400, s29  }
0x78: {  	[tilespmem:s18], [sflag:$0x1] =	stream.indirect.gather [spmem:s1], $0x40, s30, s17, $0xb8;
	[tilespmem:$0x1D000] =	vst v63  }
.LBB2_9:
0x79: {  	_ =	sfence.sel $0x180000  }
0x7a: {  	[bflag:$0x0] =	sbarrier.arrive $0xFFFF  }
0x7b: {  	p0 =	sne.s32 s2, $0x0;
	_ =	strace $0x9000004D  }
0x7c: {  	s0 =	sadd.s32 @!p0 $0x100000, s0;
	[bflag:$0x2] =	sbarrier.arrive $0xFFFF  }
0x7d: {  	[sflag:s0] =	ssyncadd.tile.s32 @!p0 $0x1;
	_ =	shalt  }
.Lfunc_end2:
_tile_overlayer_lowered:
.L_overlay_start_2:
0x7e: {  	(tag) =	ssettag $0x2  }
0x7f: {  	s0 =	rddreg [dreg:$0x0];
	s2 =	stileid.u32  }
0x80: {  	s1 =	rddreg [dreg:$0x1];
	p0 =	sne.s32 s2, $0x0  }
0x81: {  	s3 =	rddreg [dreg:$0x2];
	[bflag:$0x3] =	sbarrier.arrive $0xFFFF;
	s2 =	simm.s32 @!p0 $0x1C05  }
0x82: {  	[timem:s3], [sflag:s2] =	dma.local @!p0 [hbm:s0], s1  }
0x83: {  	s0 =	simm.s32 @!p0 $0x5  }
0x84: {  	_ =	swait.ge @!p0 [sflag:s0], s1  }
0x85: {  	s1 =	ssub.s32 @!p0 $0x0, s1;
	[sflag:s0] =	ssyncset.done @!p0 $0x0  }
0x86: {  	[sflag:s0] =	ssyncadd.s32 @!p0 s1  }
0x87: {  	[bflag:$0x3] =	sbarrier.arrive $0xFFFF  }
0x88: {  	_ =	shalt  }

// kernel: kernel.17.cloned.1.call-start
scs
__scs_entry_jumppad:
0x0: {  	(pc) =	sbr.rel $0x88, $3  }
0x1: {  	(tag) =	ssettag $0x0;
	lr =	simm.s32 $0x1  }
0x2: {  	[smem:$0x3F82] =	sst lr;
	_ =	strace $0xD0000000  }
0x3: {  	_ = 	snop  }
0x4: {  	_ = 	snop  }
0x5: {  	_ = 	snop  }
0x6: {  	_ = 	snop  }
0x7: {  	_ = 	snop  }
__scs_overlays_trampoline_lowered:
0x8: {  	[smem:$0x3F91] =	sst s0  }
0x9: {  	[smem:$0x3F92] =	sst s1  }
0xa: {  	[smem:$0x3F93] =	sst s2  }
0xb: {  	[smem:$0x3F94] =	sst s3  }
0xc: {  	[smem:$0x3F95] =	sst s4  }
0xd: {  	[smem:$0x3F96] =	sst s5  }
0xe: {  	[smem:$0x3F97] =	sst s6  }
0xf: {  	[smem:$0x3F98] =	sst s7  }
0x10: {  	[smem:$0x3F99] =	sst s8  }
0x11: {  	[smem:$0x3F9A] =	sst s9;
	s0 =	simm.s32 @!p0 $0x0  }
0x12: {  	s1 =	sld [smem:$0x3F80];
	s0 =	simm.s32 @p0 $0x1  }
0x13: {  	[smem:$0x3F9B] =	sst s0;
	s0 =	simm.s32 @!p1 $0x0  }
0x14: {  	s2 =	sld [smem:$0x3F7F];
	s0 =	simm.s32 @p1 $0x1  }
0x15: {  	[smem:$0x3F9C] =	sst s0;
	s0 =	simm.s32 @!p2 $0x0  }
0x16: {  	s3 =	sld [smem:$0x3FDB];
	s0 =	simm.s32 @p2 $0x1  }
0x17: {  	s4 =	simm.s32 $0x1BF5;
	[smem:$0x3F9E] =	sst s0  }
0x18: {  	s0 =	sld [smem:$0x3F81];
	_ =	swait.ge [sflag:s4], $0x0  }
0x19: {  	s7 =	sld [smem:$0x3F82]  }
0x1a: {  	s8 =	sadd.s32 $0xFFFFE003, lr  }
0x1b: {  	s9 =	sadd.s32 $0xFFFFFEF7, lr;
	s5 =	simm.s32 $0xFFFFFFFF;
	p2 =	slt.u32 s8, $0xFFFFF086  }
0x1c: {  	p1 =	slt.u32 s9, $0xF7A;
	s5 =	simm.s32 @!p2 $0x0  }
0x1d: {  	s5 =	simm.s32 @p1 $0x1;
	p0 =	seq.s32 s7, s2  }
0x1e: {  	s7 =	smul.u32 @!p0 $0xF7A, s2;
	p2 =	seq.s32 @!p0 s5, $0x0  }
0x1f: {  	s9 =	smul.u32 $0xF7A, s1;
	s8 =	simm.s32 @!p0 $0x1BF5;
	p2 =	por !p2, p0  }
0x20: {  	[sflag:s8] =	ssyncset.s32 @!p0 $0xFFFFF086;
	s6 =	sadd.s32 @!p0 s3, s7;
	s7 =	simm.s32 @!p0 $0x108  }
0x21: {  	s3 =	sadd.s32 s3, s9;
	s6 =	sadd.s32 @!p0 $0x88, s6;
	s7 =	simm.s32 @p2 $0x1082  }
0x22: {  	[simem:s7], [sflag:s8] =	dma.local @!p0 [hbm:s6], $0xF7A  }
0x23: {  	s9 =	sor.u32 $0xD0000000, s2;
	s6 =	simm.s32 $0x108;
	_ =	swait.ge @!p0 [sflag:s8], $0x0  }
0x24: {  	s3 =	sadd.s32 $0x88, s3;
	s6 =	simm.s32 @!p1 $0x1082;
	[sflag:s4] =	ssyncset.s32 $0xFFFFF086  }
0x25: {  	[simem:s6], [sflag:s4] =	dma.local [hbm:s3], $0xF7A  }
0x26: {  	[smem:$0x3F82] =	sst s1;
	(tag) =	ssettag s2;
	_ =	strace s9  }
0x27: {  	s1 =	sld [smem:$0x3F92]  }
0x28: {  	s2 =	sld [smem:$0x3F93]  }
0x29: {  	s4 =	sld [smem:$0x3F95]  }
0x2a: {  	p0 =	seq.s32 s5, $0x0;
	s5 =	sld [smem:$0x3F96]  }
0x2b: {  	s6 =	sld [smem:$0x3F97]  }
0x2c: {  	s7 =	sld [smem:$0x3F98]  }
0x2d: {  	s3 =	simm.s32 $0x108;
	s8 =	sld [smem:$0x3F99]  }
0x2e: {  	s3 =	simm.s32 @!p0 $0x1082;
	s9 =	sld [smem:$0x3F9A]  }
0x2f: {  	lr =	sadd.s32 s0, s3;
	s0 =	sld [smem:$0x3F91]  }
0x30: {  	s3 =	sld [smem:$0x3F94]  }
0x31: {  	[smem:$0x3F9D] =	sst s10  }
0x32: {  	s10 =	sld [smem:$0x3F9B];
	_ =	sdelay $0x3  }
0x33: {  	p0 =	seq.s32 s10, $0x1;
	s10 =	sld [smem:$0x3F9D];
	_ =	sdelay $0x3  }
0x34: {  	[smem:$0x3F9D] =	sst s10  }
0x35: {  	s10 =	sld [smem:$0x3F9C];
	_ =	sdelay $0x3  }
0x36: {  	p1 =	seq.s32 s10, $0x1;
	s10 =	sld [smem:$0x3F9D];
	_ =	sdelay $0x3  }
0x37: {  	[smem:$0x3F9D] =	sst s10  }
0x38: {  	s10 =	sld [smem:$0x3F9E]  }
0x39: {  	_ = 	snop;
	(pc) =	sbr.ind lr, $3  }
0x3a: {  	_ = 	snop  }
0x3b: {  	_ = 	snop  }
0x3c: {  	p2 =	seq.s32 s10, $0x1;
	s10 =	sld [smem:$0x3F9D]  }
0x3d: {  	_ =	shalt  }
0x3e: {  	_ =	shalt  }
0x3f: {  	_ =	shalt  }
0x40: {  	_ =	shalt  }
0x41: {  	_ =	shalt  }
0x42: {  	_ =	shalt  }
0x43: {  	_ =	shalt  }
0x44: {  	_ =	shalt  }
0x45: {  	_ =	shalt  }
0x46: {  	_ =	shalt  }
0x47: {  	_ =	shalt  }
0x48: {  	_ =	shalt  }
0x49: {  	_ =	shalt  }
0x4a: {  	_ =	shalt  }
0x4b: {  	_ =	shalt  }
0x4c: {  	_ =	shalt  }
0x4d: {  	_ =	shalt  }
0x4e: {  	_ =	shalt  }
0x4f: {  	_ =	shalt  }
0x50: {  	_ =	shalt  }
0x51: {  	_ =	shalt  }
0x52: {  	_ =	shalt  }
0x53: {  	_ =	shalt  }
0x54: {  	_ =	shalt  }
0x55: {  	_ =	shalt  }
0x56: {  	_ =	shalt  }
0x57: {  	_ =	shalt  }
0x58: {  	_ =	shalt  }
0x59: {  	_ =	shalt  }
0x5a: {  	_ =	shalt  }
0x5b: {  	_ =	shalt  }
0x5c: {  	_ =	shalt  }
0x5d: {  	_ =	shalt  }
0x5e: {  	_ =	shalt  }
0x5f: {  	_ =	shalt  }
0x60: {  	_ =	shalt  }
0x61: {  	_ =	shalt  }
0x62: {  	_ =	shalt  }
0x63: {  	_ =	shalt  }
0x64: {  	_ =	shalt  }
0x65: {  	_ =	shalt  }
0x66: {  	_ =	shalt  }
0x67: {  	_ =	shalt  }
0x68: {  	_ =	shalt  }
0x69: {  	_ =	shalt  }
0x6a: {  	_ =	shalt  }
0x6b: {  	_ =	shalt  }
0x6c: {  	_ =	shalt  }
0x6d: {  	_ =	shalt  }
0x6e: {  	_ =	shalt  }
0x6f: {  	_ =	shalt  }
0x70: {  	_ =	shalt  }
0x71: {  	_ =	shalt  }
0x72: {  	_ =	shalt  }
0x73: {  	_ =	shalt  }
0x74: {  	_ =	shalt  }
0x75: {  	_ =	shalt  }
0x76: {  	_ =	shalt  }
0x77: {  	_ =	shalt  }
0x78: {  	_ =	shalt  }
0x79: {  	_ =	shalt  }
0x7a: {  	_ =	shalt  }
0x7b: {  	_ =	shalt  }
0x7c: {  	_ =	shalt  }
0x7d: {  	_ =	shalt  }
0x7e: {  	_ =	shalt  }
0x7f: {  	_ =	shalt  }
0x80: {  	_ =	shalt  }
0x81: {  	_ =	shalt  }
0x82: {  	_ =	shalt  }
0x83: {  	_ =	shalt  }
0x84: {  	_ =	shalt  }
0x85: {  	_ =	shalt  }
0x86: {  	_ =	shalt  }
0x87: {  	_ =	shalt  }
.Lfunc_end0:
.L_simem_size_0:
called_computation.2_lowered:
.L_overlay_start_0:
0x88: {  	s2 =	sld [smem:$0x3FD9]  }
0x89: {  	s3 =	sld [smem:$0x3FFE];
	_ =	sdelay $0x1  }
0x8a: {  	s1 =	srdreg.scid  }
0x8b: {  	s0 =	sand.u32 $0x1, s1  }
0x8c: {  	s16 =	sshll.u32 s0, $0xA;
	s2 =	sadd.s32 s3, s2  }
0x8d: {  	s2 =	sadd.s32 s2, s16  }
0x8e: {  	[smem:$0x3FA9] =	sst s2  }
0x8f: {  	_ = 	snop  }
0x90: {  	(tm) =	ssettm $0x1  }
0x91: {  	s17 =	sld [smem:$0x3FFB];
	_ =	sdelay $0x3  }
0x92: {  	_ =	strace s17  }
0x93: {  	s2 =	sld [smem:$0x3FFC];
	_ =	sdelay $0x3  }
0x94: {  	_ =	strace s2  }
0x95: {  	s2 =	sld [smem:$0x3FFD];
	_ =	sdelay $0x3  }
0x96: {  	_ =	strace s2  }
0x97: {  	_ =	strace $0x8FFFFFFF  }
0x98: {  	s18 =	sld [smem:$0x3FDB];
	_ =	sdelay $0x1  }
0x99: {  	s19 =	simm.s32 $_scs_section_size  }
0x9a: {  	s4 =	simm.s32 $_size__tile_overlayer_lowered;
	s5 =	simm.s32 $_tile_overlayer_lowered  }
0x9b: {  	s22 =	simm.s32 $0x1BFF;
	s21 =	sshll.u32 s5, $0x1;
	s2 =	sadd.s32 s19, s18  }
0x9c: {  	s6 =	simm.s32 $0x0;
	s20 =	sshll.u32 s4, $0x1;
	s4 =	sadd.s32 s21, s2  }
0x9d: {  	[timem:s6], [sflag:s22] =	dma.local [hbm:s4], s20  }
0x9e: {  	_ =	swait.ge [sflag:s22], s20  }
0x9f: {  	s3 =	ssub.s32 $0x0, s20;
	[sflag:s22] =	ssyncset.done $0x0  }
0xa0: {  	[sflag:s22] =	ssyncadd.s32 s3;
	_ =	sdelay $0x1  }
0xa1: {  	s23 =	simm.s32 $0x1B8B  }
0xa2: {  	_ =	swait.ge [sflag:s23], $0x1  }
0xa3: {  	[sflag:s23] =	ssyncset.done $0x0  }
0xa4: {  	s25 =	simm.s32 $0x1B8E;
	s24 =	sld [smem:$0x3FFE];
	[sflag:s23] =	ssyncadd.s32 $0xFFFFFFFF  }
0xa5: {  	s26 =	simm.s32 $execute0_lowered;
	[smem:$0x3FD2] =	sst s25  }
0xa6: {  	s4 =	sshll.u32 s26, $0x1;
	_ =	strace $0x80000049;
	[dreg:$0x1] =	wrdreg $0xFFFFFFFF  }
0xa7: {  	s28 =	simm.s32 $_size_execute0_lowered;
	s2 =	sadd.s32 s2, s4;
	[dreg:$0x0] =	wrdreg $0x0  }
0xa8: {  	s4 =	sshll.u32 s28, $0x1;
	[dreg:$0x2] =	wrdreg s2  }
0xa9: {  	[dreg:$0x3] =	wrdreg s4  }
0xaa: {  	[dreg:$0x4] =	wrdreg $0xC0  }
0xab: {  	_ =	task [dreg:s6], $0x5FFFF  }
0xac: {  	[dreg:$0x1] =	wrdreg $0xFFFFFFFF  }
0xad: {  	[dreg:$0x0] =	wrdreg $0x60  }
0xae: {  	[dreg:$0x2] =	wrdreg s24  }
0xaf: {  	[dreg:$0x3] =	wrdreg $0x90000  }
0xb0: {  	[dreg:$0x4] =	wrdreg $0x130000  }
0xb1: {  	[dreg:$0x5] =	wrdreg $0xA  }
0xb2: {  	_ =	task.clear_ibuf [dreg:s6], $0x6FFFF;
	_ =	strace $0x90000049  }
0xb3: {  	s29 =	simm.s32 $0xA;
	_ =	strace $0x8000004B  }
0xb4: {  	_ =	swait.ge [sflag:s29], $0x1  }
0xb5: {  	[sflag:s29] =	ssyncadd.s32 $0xFFFFFFFF  }
0xb6: {  	_ =	strace $0x9000004B  }
0xb7: {  	_ =	sfence  }
0xb8: {  	s30 =	sld [smem:$0x0];
	_ =	sdelay $0x2  }
0xb9: {  	s31 =	sshll.u32 s1, $0xD;
	s1 =	sshrl.u32 s1, $0x2  }
0xba: {  	s3 =	sand.u32 $0x4000, s31;
	s1 =	sadd.s32 s1, s30  }
0xbb: {  	s0 =	sor.u32 s3, s0;
	s1 =	sshll.u32 s1, $0x11  }
0xbc: {  	s0 =	sor.u32 s1, s0  }
0xbd: {  	s0 =	sadd.s32 $0x8F2B, s0  }
0xbe: {  	[sflag:s0] =	ssyncadd.remote.s32 $0x1  }
0xbf: {  	_ =	sfence.sel $0xFFFF  }
0xc0: {  	[dreg:$0x0] =	wrdreg $0xFFFFFFFF;
	(pc) =	sbr.abs _section_cstart, $3  }
0xc1: {  	[dreg:$0x1] =	wrdreg $0xFFFFFFFF  }
0xc2: {  	_ =	task.clear_ibuf [dreg:s6], $0x2FFFF;
	_ =	strace $0x9FFFFFFF  }
0xc3: {  	(tm) =	ssettm $0x7FFFFFFF  }
tec
execute0_lowered:
.L_overlay_start_1:
0x0: {  	(tag) =	ssettag $0x1  }
0x1: {  	s5 =	rddreg [dreg:$0x0]  }
0x2: {  	s1 =	rddreg [dreg:$0x1]  }
0x3: {  	s3 =	rddreg [dreg:$0x2]  }
0x4: {  	s0 =	rddreg [dreg:$0x3]  }
0x5: {  	s4 =	simm.s32 $0x0;
	s2 =	stileid.u32;
	s6 =	srdreg.scid  }
0x6: {  	s16 =	simm.s32 $0x2800;
	s17 =	simm.s32 $0x80;
	s18 =	simm.s32 $0x5000  }
0x7: {  	s19 =	simm.s32 $0x1;
	s20 =	simm.s32 $0x7000;
	s21 =	simm.s32 $0x2  }
0x8: {  	s22 =	simm.s32 $0x2880;
	s23 =	simm.s32 $0x3;
	s26 =	simm.s32 $0x4  }
0x9: {  	s28 =	simm.s32 $0x0;
	[smem:$0x7FF] =	sst s4;
	s7 =	smul.u32 $0xA000, s2  }
0xa: {  	s8 =	smul.u32 $0xA00, s2;
	s9 =	sand.u32 $0x1, s6;
	s30 =	sshll.u32 s2, $0x6  }
0xb: {  	_ =	strace $0x8000004A;
	s6 =	smul.u32 $0x14000, s9;
	s10 =	ssub.s32 $0x2, s9  }
0xc: {  	p0 =	seq.s32 s9, $0x1;
	s24 =	sshrl.u32 s7, $0x3;
	s11 =	sadd.s32 s8, s5  }
0xd: {  	s12 =	sshrl.u32 s10, $0x1;
	s31 =	sadd.s32 s7, s1;
	s14 =	sadd.s32 s7, s3  }
0xe: {  	s29 =	sadd.s32 s24, s5;
	s13 =	sadd.s32 s6, s5;
	s10 =	ssub.s32 s10, s12  }
.Ltmp0:
0xf: {  	s6 =	sor.u32 $0x1C05, s30;
	s8 =	sadd.s32 $0x10000, s11;
	(pc) =	sbr.rel .LBB2_1-.Ltmp0, $4  }
0x10: {  	s9 =	sadd.s32 $0x6000, s11;
	s11 =	sshrl.u32 s31, $0x3;
	s12 =	simm.s32 $0x5  }
0x11: {  	s5 =	sadd.s32 $0x71A00, s29;
	s7 =	sadd.s32 $0x85A00, s29;
	s25 =	sadd.s32 $0x99A00, s13  }
0x12: {  	s10 =	smax.u32 s10, $0x1;
	s13 =	sshrl.u32 s14, $0x3;
	s14 =	sadd.s32 $0x500, s8  }
0x13: {  	s15 =	sadd.s32 $0x500, s9;
	s24 =	sadd.s32 s24, s25;
	s25 =	simm.s32 $0x100  }
.LBB2_8:
0x14: {  	_ =	swait.ge [sflag:s26], $0x2000  }
0x15: {  	s28 =	sadd.s32 $0x1, s28;
	[sflag:s26] =	ssyncset.done $0x0  }
0x16: {  	p1 =	sne.s32 s28, s10;
	[sflag:s26] =	ssyncadd.s32 $0xFFFFE000  }
.Ltmp1:
0x17: {  	[bflag:$0x0] =	sbarrier.arrive $0xFFFF;
	(pc) =	sbr.rel @!p1 .LBB2_9-.Ltmp1, $4  }
0x18: {  	[hbm:s24], [sflag:s6] =	dma.local [spmem:s13], $0x1400  }
0x19: {  	_ =	swait.ge [sflag:s12], $0x1400  }
0x1a: {  	[sflag:s12] =	ssyncset.done $0x0  }
0x1b: {  	[sflag:s12] =	ssyncadd.s32 $0xFFFFEC00  }
.LBB2_1:
0x1c: {  	[spmem:s11], [sflag:s6] =	dma.local [hbm:s5], $0x1400  }
0x1d: {  	_ =	swait.ge [sflag:s12], $0x1400  }
0x1e: {  	[sflag:s12] =	ssyncset.done $0x0  }
0x1f: {  	[sflag:s12] =	ssyncadd.s32 $0xFFFFEC00  }
0x20: {  	[spmem:s13], [sflag:s6] =	dma.local [hbm:s7], $0x1400  }
.Ltmp2:
0x21: {  	_ =	swait.ge [sflag:s12], $0x1400;
	(pc) =	sbr.rel @!p0 .LBB2_2-.Ltmp2, $3  }
0x22: {  	[sflag:s12] =	ssyncset.done $0x0  }
0x23: {  	[sflag:s12] =	ssyncadd.s32 $0xFFFFEC00  }
0x24: {  	[bflag:$0x0] =	sbarrier.arrive $0xFFFF;
	_ =	sdelay $0x1  }
0x25: {  	[tilespmem:s4], [sflag:$0x5] =	stream.linear.gather [hbm4b:s14+s4], $0x2800, $0x38;
	[tilespmem:$0x1D000] =	vst v63  }
0x26: {  	_ =	swait.ge [sflag:s12], $0x2800  }
0x27: {  	[sflag:s12] =	ssyncset.done $0x0  }
0x28: {  	[sflag:s12] =	ssyncadd.s32 $0xFFFFD800  }
0x29: {  	[tilespmem:s16], [sflag:$0x5] =	stream.linear.gather [hbm4b:s15+s4], $0x2800, $0x38;
	[tilespmem:$0x1D000] =	vst v63  }
0x2a: {  	_ =	swait.ge [sflag:s12], $0x2800  }
0x2b: {  	[sflag:s12] =	ssyncset.done $0x0  }
0x2c: {  	[sflag:s12] =	ssyncadd.s32 $0xFFFFD800  }
0x2d: {  	[tilespmem:s18], [sflag:$0x1] =	stream.indirect.gather [spmem:s1], $0x40, s4, s17, $0xb8;
	[tilespmem:$0x1D000] =	vst v63  }
0x2e: {  	_ =	swait.ge [sflag:s19], $0x2000  }
0x2f: {  	[sflag:s19] =	ssyncset.done $0x0  }
0x30: {  	[sflag:s19] =	ssyncadd.s32 $0xFFFFE000  }
0x31: {  	[spmem:s3] =	stream.indirect.scatter.add.f32 [tilespmem:s18], [sflag:$0x3], $0x40, s16, s17, $0xb8;
	[tilespmem:$0x1D000] =	vst v63  }
0x32: {  	_ = 	snop  }
0x33: {  	[tilespmem:s20], [sflag:$0x2] =	stream.indirect.gather [spmem:s1], $0x40, s17, s17, $0xb8;
	[tilespmem:$0x1D000] =	vst v63  }
0x34: {  	_ =	swait.ge [sflag:s21], $0x2000  }
0x35: {  	[sflag:s21] =	ssyncset.done $0x0  }
0x36: {  	[sflag:s21] =	ssyncadd.s32 $0xFFFFE000  }
0x37: {  	[spmem:s3] =	stream.indirect.scatter.add.f32 [tilespmem:s20], [sflag:$0x4], $0x40, s22, s17, $0xb8;
	[tilespmem:$0x1D000] =	vst v63  }
0x38: {  	_ =	swait.ge [sflag:s23], $0x2000  }
0x39: {  	[sflag:s23] =	ssyncset.done $0x0  }
0x3a: {  	s29 =	simm.s32 $0xFFFF6800;
	[sflag:s23] =	ssyncadd.s32 $0xFFFFE000  }
0x3b: {  	[tilespmem:s18], [sflag:$0x1] =	stream.indirect.gather [spmem:s1], $0x40, s25, s17, $0xb8;
	[tilespmem:$0x1D000] =	vst v63  }
.LBB2_6:
0x3c: {  	_ =	swait.ge [sflag:s19], $0x2000  }
0x3d: {  	s30 =	sshra.s32 s29, $0x2;
	[sflag:s19] =	ssyncset.done $0x0  }
0x3e: {  	s31 =	sadd.s32 $0x4F00, s30;
	[sflag:s19] =	ssyncadd.s32 $0xFFFFE000  }
0x3f: {  	[spmem:s3] =	stream.indirect.scatter.add.f32 [tilespmem:s18], [sflag:$0x3], $0x40, s31, s17, $0xb8;
	[tilespmem:$0x1D000] =	vst v63  }
0x40: {  	_ =	swait.ge [sflag:s26], $0x2000  }
0x41: {  	[sflag:s26] =	ssyncset.done $0x0  }
0x42: {  	s31 =	sadd.s32 $0x2780, s30;
	[sflag:s26] =	ssyncadd.s32 $0xFFFFE000  }
0x43: {  	[tilespmem:s20], [sflag:$0x2] =	stream.indirect.gather [spmem:s1], $0x40, s31, s17, $0xb8;
	[tilespmem:$0x1D000] =	vst v63  }
0x44: {  	_ =	swait.ge [sflag:s21], $0x2000  }
0x45: {  	p1 =	seq.s32 s29, $0x0;
	[sflag:s21] =	ssyncset.done $0x0  }
.Ltmp3:
0x46: {  	s31 =	sadd.s32 $0x4F80, s30;
	[sflag:s21] =	ssyncadd.s32 $0xFFFFE000;
	(pc) =	sbr.rel @p1 .LBB2_8-.Ltmp3, $4  }
0x47: {  	[spmem:s3] =	stream.indirect.scatter.add.f32 [tilespmem:s20], [sflag:$0x4], $0x40, s31, s17, $0xb8;
	[tilespmem:$0x1D000] =	vst v63  }
0x48: {  	_ =	swait.ge [sflag:s23], $0x2000  }
0x49: {  	[sflag:s23] =	ssyncset.done $0x0  }
0x4a: {  	[sflag:s23] =	ssyncadd.s32 $0xFFFFE000  }
.Ltmp4:
0x4b: {  	(pc) =	sbr.rel .LBB2_6-.Ltmp4, $3  }
0x4c: {  	_ =	sdelay $0x1  }
0x4d: {  	s30 =	sadd.s32 $0x2800, s30;
	s29 =	sadd.s32 $0x400, s29  }
0x4e: {  	[tilespmem:s18], [sflag:$0x1] =	stream.indirect.gather [spmem:s1], $0x40, s30, s17, $0xb8;
	[tilespmem:$0x1D000] =	vst v63  }
.LBB2_2:
0x4f: {  	[tilespmem:s4], [sflag:$0x5] =	stream.linear.gather [hbm4b:s8+s4], $0x2800, $0x38;
	[tilespmem:$0x1D000] =	vst v63  }
0x50: {  	_ =	swait.ge [sflag:s12], $0x2800  }
0x51: {  	[sflag:s12] =	ssyncset.done $0x0  }
0x52: {  	[sflag:s12] =	ssyncadd.s32 $0xFFFFD800  }
0x53: {  	[tilespmem:s16], [sflag:$0x5] =	stream.linear.gather [hbm4b:s9+s4], $0x2800, $0x38;
	[tilespmem:$0x1D000] =	vst v63  }
0x54: {  	_ =	swait.ge [sflag:s12], $0x2800  }
0x55: {  	[sflag:s12] =	ssyncset.done $0x0  }
0x56: {  	[sflag:s12] =	ssyncadd.s32 $0xFFFFD800  }
0x57: {  	[tilespmem:s18], [sflag:$0x1] =	stream.indirect.gather [spmem:s1], $0x40, s4, s17, $0xb8;
	[tilespmem:$0x1D000] =	vst v63  }
0x58: {  	_ =	swait.ge [sflag:s19], $0x2000  }
0x59: {  	[sflag:s19] =	ssyncset.done $0x0  }
0x5a: {  	[sflag:s19] =	ssyncadd.s32 $0xFFFFE000  }
0x5b: {  	[spmem:s3] =	stream.indirect.scatter.add.f32 [tilespmem:s18], [sflag:$0x3], $0x40, s16, s17, $0xb8;
	[tilespmem:$0x1D000] =	vst v63  }
0x5c: {  	_ = 	snop  }
0x5d: {  	[tilespmem:s20], [sflag:$0x2] =	stream.indirect.gather [spmem:s1], $0x40, s17, s17, $0xb8;
	[tilespmem:$0x1D000] =	vst v63  }
0x5e: {  	_ =	swait.ge [sflag:s21], $0x2000  }
0x5f: {  	[sflag:s21] =	ssyncset.done $0x0  }
0x60: {  	[sflag:s21] =	ssyncadd.s32 $0xFFFFE000  }
0x61: {  	[spmem:s3] =	stream.indirect.scatter.add.f32 [tilespmem:s20], [sflag:$0x4], $0x40, s22, s17, $0xb8;
	[tilespmem:$0x1D000] =	vst v63  }
0x62: {  	_ =	swait.ge [sflag:s23], $0x2000  }
0x63: {  	[sflag:s23] =	ssyncset.done $0x0  }
0x64: {  	s29 =	simm.s32 $0xFFFF6800;
	[sflag:s23] =	ssyncadd.s32 $0xFFFFE000  }
0x65: {  	[tilespmem:s18], [sflag:$0x1] =	stream.indirect.gather [spmem:s1], $0x40, s25, s17, $0xb8;
	[tilespmem:$0x1D000] =	vst v63  }
.LBB2_3:
0x66: {  	_ =	swait.ge [sflag:s19], $0x2000  }
0x67: {  	s30 =	sshra.s32 s29, $0x2;
	[sflag:s19] =	ssyncset.done $0x0  }
0x68: {  	s31 =	sadd.s32 $0x4F00, s30;
	[sflag:s19] =	ssyncadd.s32 $0xFFFFE000  }
0x69: {  	[spmem:s3] =	stream.indirect.scatter.add.f32 [tilespmem:s18], [sflag:$0x3], $0x40, s31, s17, $0xb8;
	[tilespmem:$0x1D000] =	vst v63  }
0x6a: {  	_ =	swait.ge [sflag:s26], $0x2000  }
0x6b: {  	[sflag:s26] =	ssyncset.done $0x0  }
0x6c: {  	s31 =	sadd.s32 $0x2780, s30;
	[sflag:s26] =	ssyncadd.s32 $0xFFFFE000  }
0x6d: {  	[tilespmem:s20], [sflag:$0x2] =	stream.indirect.gather [spmem:s1], $0x40, s31, s17, $0xb8;
	[tilespmem:$0x1D000] =	vst v63  }
0x6e: {  	_ =	swait.ge [sflag:s21], $0x2000  }
0x6f: {  	p1 =	seq.s32 s29, $0x0;
	[sflag:s21] =	ssyncset.done $0x0  }
.Ltmp5:
0x70: {  	s31 =	sadd.s32 $0x4F80, s30;
	[sflag:s21] =	ssyncadd.s32 $0xFFFFE000;
	(pc) =	sbr.rel @p1 .LBB2_8-.Ltmp5, $4  }
0x71: {  	[spmem:s3] =	stream.indirect.scatter.add.f32 [tilespmem:s20], [sflag:$0x4], $0x40, s31, s17, $0xb8;
	[tilespmem:$0x1D000] =	vst v63  }
0x72: {  	_ =	swait.ge [sflag:s23], $0x2000  }
0x73: {  	[sflag:s23] =	ssyncset.done $0x0  }
0x74: {  	[sflag:s23] =	ssyncadd.s32 $0xFFFFE000  }
.Ltmp6:
0x75: {  	(pc) =	sbr.rel .LBB2_3-.Ltmp6, $3  }
0x76: {  	_ =	sdelay $0x1  }
0x77: {  	s30 =	sadd.s32 $0x2800, s30;
	s29 =	sadd.s32 $0x400, s29  }
0x78: {  	[tilespmem:s18], [sflag:$0x1] =	stream.indirect.gather [spmem:s1], $0x40, s30, s17, $0xb8;
	[tilespmem:$0x1D000] =	vst v63  }
.LBB2_9:
0x79: {  	_ =	sfence.sel $0x180000  }
0x7a: {  	[bflag:$0x0] =	sbarrier.arrive $0xFFFF  }
0x7b: {  	p0 =	sne.s32 s2, $0x0;
	_ =	strace $0x9000004A  }
0x7c: {  	s0 =	sadd.s32 @!p0 $0x100000, s0;
	[bflag:$0x2] =	sbarrier.arrive $0xFFFF  }
0x7d: {  	[sflag:s0] =	ssyncadd.tile.s32 @!p0 $0x1;
	_ =	shalt  }
.Lfunc_end2:
_tile_overlayer_lowered:
.L_overlay_start_2:
0x7e: {  	(tag) =	ssettag $0x2  }
0x7f: {  	s0 =	rddreg [dreg:$0x0];
	s2 =	stileid.u32  }
0x80: {  	s1 =	rddreg [dreg:$0x1];
	p0 =	sne.s32 s2, $0x0  }
0x81: {  	s3 =	rddreg [dreg:$0x2];
	[bflag:$0x3] =	sbarrier.arrive $0xFFFF;
	s2 =	simm.s32 @!p0 $0x1C05  }
0x82: {  	[timem:s3], [sflag:s2] =	dma.local @!p0 [hbm:s0], s1  }
0x83: {  	s0 =	simm.s32 @!p0 $0x5  }
0x84: {  	_ =	swait.ge @!p0 [sflag:s0], s1  }
0x85: {  	s1 =	ssub.s32 @!p0 $0x0, s1;
	[sflag:s0] =	ssyncset.done @!p0 $0x0  }
0x86: {  	[sflag:s0] =	ssyncadd.s32 @!p0 s1  }
0x87: {  	[bflag:$0x3] =	sbarrier.arrive $0xFFFF  }
0x88: {  	_ =	shalt  }

// kernel: kernel.20.cloned.1.call-start
scs
__scs_entry_jumppad:
0x0: {  	(pc) =	sbr.rel $0x88, $3  }
0x1: {  	(tag) =	ssettag $0x0;
	lr =	simm.s32 $0x1  }
0x2: {  	[smem:$0x3F82] =	sst lr;
	_ =	strace $0xD0000000  }
0x3: {  	_ = 	snop  }
0x4: {  	_ = 	snop  }
0x5: {  	_ = 	snop  }
0x6: {  	_ = 	snop  }
0x7: {  	_ = 	snop  }
__scs_overlays_trampoline_lowered:
0x8: {  	[smem:$0x3F91] =	sst s0  }
0x9: {  	[smem:$0x3F92] =	sst s1  }
0xa: {  	[smem:$0x3F93] =	sst s2  }
0xb: {  	[smem:$0x3F94] =	sst s3  }
0xc: {  	[smem:$0x3F95] =	sst s4  }
0xd: {  	[smem:$0x3F96] =	sst s5  }
0xe: {  	[smem:$0x3F97] =	sst s6  }
0xf: {  	[smem:$0x3F98] =	sst s7  }
0x10: {  	[smem:$0x3F99] =	sst s8  }
0x11: {  	[smem:$0x3F9A] =	sst s9;
	s0 =	simm.s32 @!p0 $0x0  }
0x12: {  	s1 =	sld [smem:$0x3F80];
	s0 =	simm.s32 @p0 $0x1  }
0x13: {  	[smem:$0x3F9B] =	sst s0;
	s0 =	simm.s32 @!p1 $0x0  }
0x14: {  	s2 =	sld [smem:$0x3F7F];
	s0 =	simm.s32 @p1 $0x1  }
0x15: {  	[smem:$0x3F9C] =	sst s0;
	s0 =	simm.s32 @!p2 $0x0  }
0x16: {  	s3 =	sld [smem:$0x3FDB];
	s0 =	simm.s32 @p2 $0x1  }
0x17: {  	s4 =	simm.s32 $0x1BF5;
	[smem:$0x3F9E] =	sst s0  }
0x18: {  	s0 =	sld [smem:$0x3F81];
	_ =	swait.ge [sflag:s4], $0x0  }
0x19: {  	s7 =	sld [smem:$0x3F82]  }
0x1a: {  	s8 =	sadd.s32 $0xFFFFE003, lr  }
0x1b: {  	s9 =	sadd.s32 $0xFFFFFEF7, lr;
	s5 =	simm.s32 $0xFFFFFFFF;
	p2 =	slt.u32 s8, $0xFFFFF086  }
0x1c: {  	p1 =	slt.u32 s9, $0xF7A;
	s5 =	simm.s32 @!p2 $0x0  }
0x1d: {  	s5 =	simm.s32 @p1 $0x1;
	p0 =	seq.s32 s7, s2  }
0x1e: {  	s7 =	smul.u32 @!p0 $0xF7A, s2;
	p2 =	seq.s32 @!p0 s5, $0x0  }
0x1f: {  	s9 =	smul.u32 $0xF7A, s1;
	s8 =	simm.s32 @!p0 $0x1BF5;
	p2 =	por !p2, p0  }
0x20: {  	[sflag:s8] =	ssyncset.s32 @!p0 $0xFFFFF086;
	s6 =	sadd.s32 @!p0 s3, s7;
	s7 =	simm.s32 @!p0 $0x108  }
0x21: {  	s3 =	sadd.s32 s3, s9;
	s6 =	sadd.s32 @!p0 $0x88, s6;
	s7 =	simm.s32 @p2 $0x1082  }
0x22: {  	[simem:s7], [sflag:s8] =	dma.local @!p0 [hbm:s6], $0xF7A  }
0x23: {  	s9 =	sor.u32 $0xD0000000, s2;
	s6 =	simm.s32 $0x108;
	_ =	swait.ge @!p0 [sflag:s8], $0x0  }
0x24: {  	s3 =	sadd.s32 $0x88, s3;
	s6 =	simm.s32 @!p1 $0x1082;
	[sflag:s4] =	ssyncset.s32 $0xFFFFF086  }
0x25: {  	[simem:s6], [sflag:s4] =	dma.local [hbm:s3], $0xF7A  }
0x26: {  	[smem:$0x3F82] =	sst s1;
	(tag) =	ssettag s2;
	_ =	strace s9  }
0x27: {  	s1 =	sld [smem:$0x3F92]  }
0x28: {  	s2 =	sld [smem:$0x3F93]  }
0x29: {  	s4 =	sld [smem:$0x3F95]  }
0x2a: {  	p0 =	seq.s32 s5, $0x0;
	s5 =	sld [smem:$0x3F96]  }
0x2b: {  	s6 =	sld [smem:$0x3F97]  }
0x2c: {  	s7 =	sld [smem:$0x3F98]  }
0x2d: {  	s3 =	simm.s32 $0x108;
	s8 =	sld [smem:$0x3F99]  }
0x2e: {  	s3 =	simm.s32 @!p0 $0x1082;
	s9 =	sld [smem:$0x3F9A]  }
0x2f: {  	lr =	sadd.s32 s0, s3;
	s0 =	sld [smem:$0x3F91]  }
0x30: {  	s3 =	sld [smem:$0x3F94]  }
0x31: {  	[smem:$0x3F9D] =	sst s10  }
0x32: {  	s10 =	sld [smem:$0x3F9B];
	_ =	sdelay $0x3  }
0x33: {  	p0 =	seq.s32 s10, $0x1;
	s10 =	sld [smem:$0x3F9D];
	_ =	sdelay $0x3  }
0x34: {  	[smem:$0x3F9D] =	sst s10  }
0x35: {  	s10 =	sld [smem:$0x3F9C];
	_ =	sdelay $0x3  }
0x36: {  	p1 =	seq.s32 s10, $0x1;
	s10 =	sld [smem:$0x3F9D];
	_ =	sdelay $0x3  }
0x37: {  	[smem:$0x3F9D] =	sst s10  }
0x38: {  	s10 =	sld [smem:$0x3F9E]  }
0x39: {  	_ = 	snop;
	(pc) =	sbr.ind lr, $3  }
0x3a: {  	_ = 	snop  }
0x3b: {  	_ = 	snop  }
0x3c: {  	p2 =	seq.s32 s10, $0x1;
	s10 =	sld [smem:$0x3F9D]  }
0x3d: {  	_ =	shalt  }
0x3e: {  	_ =	shalt  }
0x3f: {  	_ =	shalt  }
0x40: {  	_ =	shalt  }
0x41: {  	_ =	shalt  }
0x42: {  	_ =	shalt  }
0x43: {  	_ =	shalt  }
0x44: {  	_ =	shalt  }
0x45: {  	_ =	shalt  }
0x46: {  	_ =	shalt  }
0x47: {  	_ =	shalt  }
0x48: {  	_ =	shalt  }
0x49: {  	_ =	shalt  }
0x4a: {  	_ =	shalt  }
0x4b: {  	_ =	shalt  }
0x4c: {  	_ =	shalt  }
0x4d: {  	_ =	shalt  }
0x4e: {  	_ =	shalt  }
0x4f: {  	_ =	shalt  }
0x50: {  	_ =	shalt  }
0x51: {  	_ =	shalt  }
0x52: {  	_ =	shalt  }
0x53: {  	_ =	shalt  }
0x54: {  	_ =	shalt  }
0x55: {  	_ =	shalt  }
0x56: {  	_ =	shalt  }
0x57: {  	_ =	shalt  }
0x58: {  	_ =	shalt  }
0x59: {  	_ =	shalt  }
0x5a: {  	_ =	shalt  }
0x5b: {  	_ =	shalt  }
0x5c: {  	_ =	shalt  }
0x5d: {  	_ =	shalt  }
0x5e: {  	_ =	shalt  }
0x5f: {  	_ =	shalt  }
0x60: {  	_ =	shalt  }
0x61: {  	_ =	shalt  }
0x62: {  	_ =	shalt  }
0x63: {  	_ =	shalt  }
0x64: {  	_ =	shalt  }
0x65: {  	_ =	shalt  }
0x66: {  	_ =	shalt  }
0x67: {  	_ =	shalt  }
0x68: {  	_ =	shalt  }
0x69: {  	_ =	shalt  }
0x6a: {  	_ =	shalt  }
0x6b: {  	_ =	shalt  }
0x6c: {  	_ =	shalt  }
0x6d: {  	_ =	shalt  }
0x6e: {  	_ =	shalt  }
0x6f: {  	_ =	shalt  }
0x70: {  	_ =	shalt  }
0x71: {  	_ =	shalt  }
0x72: {  	_ =	shalt  }
0x73: {  	_ =	shalt  }
0x74: {  	_ =	shalt  }
0x75: {  	_ =	shalt  }
0x76: {  	_ =	shalt  }
0x77: {  	_ =	shalt  }
0x78: {  	_ =	shalt  }
0x79: {  	_ =	shalt  }
0x7a: {  	_ =	shalt  }
0x7b: {  	_ =	shalt  }
0x7c: {  	_ =	shalt  }
0x7d: {  	_ =	shalt  }
0x7e: {  	_ =	shalt  }
0x7f: {  	_ =	shalt  }
0x80: {  	_ =	shalt  }
0x81: {  	_ =	shalt  }
0x82: {  	_ =	shalt  }
0x83: {  	_ =	shalt  }
0x84: {  	_ =	shalt  }
0x85: {  	_ =	shalt  }
0x86: {  	_ =	shalt  }
0x87: {  	_ =	shalt  }
.Lfunc_end0:
.L_simem_size_0:
called_computation.3_lowered:
.L_overlay_start_0:
0x88: {  	s2 =	sld [smem:$0x3FD9]  }
0x89: {  	s3 =	sld [smem:$0x3FFE];
	_ =	sdelay $0x1  }
0x8a: {  	s1 =	srdreg.scid  }
0x8b: {  	s0 =	sand.u32 $0x1, s1  }
0x8c: {  	s16 =	sshll.u32 s0, $0xA;
	s2 =	sadd.s32 s3, s2  }
0x8d: {  	s2 =	sadd.s32 s2, s16  }
0x8e: {  	[smem:$0x3FA9] =	sst s2  }
0x8f: {  	_ = 	snop  }
0x90: {  	(tm) =	ssettm $0x1  }
0x91: {  	s17 =	sld [smem:$0x3FFB];
	_ =	sdelay $0x3  }
0x92: {  	_ =	strace s17  }
0x93: {  	s2 =	sld [smem:$0x3FFC];
	_ =	sdelay $0x3  }
0x94: {  	_ =	strace s2  }
0x95: {  	s2 =	sld [smem:$0x3FFD];
	_ =	sdelay $0x3  }
0x96: {  	_ =	strace s2  }
0x97: {  	_ =	strace $0x8FFFFFFF  }
0x98: {  	s18 =	sld [smem:$0x3FDB];
	_ =	sdelay $0x1  }
0x99: {  	s19 =	simm.s32 $_scs_section_size  }
0x9a: {  	s4 =	simm.s32 $_size__tile_overlayer_lowered;
	s5 =	simm.s32 $_tile_overlayer_lowered  }
0x9b: {  	s22 =	simm.s32 $0x1BFF;
	s21 =	sshll.u32 s5, $0x1;
	s2 =	sadd.s32 s19, s18  }
0x9c: {  	s6 =	simm.s32 $0x0;
	s20 =	sshll.u32 s4, $0x1;
	s4 =	sadd.s32 s21, s2  }
0x9d: {  	[timem:s6], [sflag:s22] =	dma.local [hbm:s4], s20  }
0x9e: {  	_ =	swait.ge [sflag:s22], s20  }
0x9f: {  	s3 =	ssub.s32 $0x0, s20;
	[sflag:s22] =	ssyncset.done $0x0  }
0xa0: {  	[sflag:s22] =	ssyncadd.s32 s3;
	_ =	sdelay $0x1  }
0xa1: {  	s23 =	simm.s32 $0x1B8B  }
0xa2: {  	_ =	swait.ge [sflag:s23], $0x1  }
0xa3: {  	[sflag:s23] =	ssyncset.done $0x0  }
0xa4: {  	s25 =	simm.s32 $0x1B8E;
	s24 =	sld [smem:$0x3FFE];
	[sflag:s23] =	ssyncadd.s32 $0xFFFFFFFF  }
0xa5: {  	s26 =	simm.s32 $execute0_lowered;
	[smem:$0x3FD2] =	sst s25  }
0xa6: {  	s4 =	sshll.u32 s26, $0x1;
	_ =	strace $0x8000004F;
	[dreg:$0x1] =	wrdreg $0xFFFFFFFF  }
0xa7: {  	s28 =	simm.s32 $_size_execute0_lowered;
	s2 =	sadd.s32 s2, s4;
	[dreg:$0x0] =	wrdreg $0x0  }
0xa8: {  	s4 =	sshll.u32 s28, $0x1;
	[dreg:$0x2] =	wrdreg s2  }
0xa9: {  	[dreg:$0x3] =	wrdreg s4  }
0xaa: {  	[dreg:$0x4] =	wrdreg $0xC0  }
0xab: {  	_ =	task [dreg:s6], $0x5FFFF  }
0xac: {  	[dreg:$0x1] =	wrdreg $0xFFFFFFFF  }
0xad: {  	[dreg:$0x0] =	wrdreg $0x60  }
0xae: {  	[dreg:$0x2] =	wrdreg s24  }
0xaf: {  	[dreg:$0x3] =	wrdreg $0x90000  }
0xb0: {  	[dreg:$0x4] =	wrdreg $0x130000  }
0xb1: {  	[dreg:$0x5] =	wrdreg $0x9  }
0xb2: {  	_ =	task.clear_ibuf [dreg:s6], $0x6FFFF;
	_ =	strace $0x9000004F  }
0xb3: {  	s29 =	simm.s32 $0x9;
	_ =	strace $0x80000051  }
0xb4: {  	_ =	swait.ge [sflag:s29], $0x1  }
0xb5: {  	[sflag:s29] =	ssyncadd.s32 $0xFFFFFFFF  }
0xb6: {  	_ =	strace $0x90000051  }
0xb7: {  	_ =	sfence  }
0xb8: {  	s30 =	sld [smem:$0x0];
	_ =	sdelay $0x2  }
0xb9: {  	s31 =	sshll.u32 s1, $0xD;
	s1 =	sshrl.u32 s1, $0x2  }
0xba: {  	s3 =	sand.u32 $0x4000, s31;
	s1 =	sadd.s32 s1, s30  }
0xbb: {  	s0 =	sor.u32 s3, s0;
	s1 =	sshll.u32 s1, $0x11  }
0xbc: {  	s0 =	sor.u32 s1, s0  }
0xbd: {  	s0 =	sadd.s32 $0x8F2B, s0  }
0xbe: {  	[sflag:s0] =	ssyncadd.remote.s32 $0x1  }
0xbf: {  	_ =	sfence.sel $0xFFFF  }
0xc0: {  	[dreg:$0x0] =	wrdreg $0xFFFFFFFF;
	(pc) =	sbr.abs _section_cstart, $3  }
0xc1: {  	[dreg:$0x1] =	wrdreg $0xFFFFFFFF  }
0xc2: {  	_ =	task.clear_ibuf [dreg:s6], $0x2FFFF;
	_ =	strace $0x9FFFFFFF  }
0xc3: {  	(tm) =	ssettm $0x7FFFFFFF  }
tec
execute0_lowered:
.L_overlay_start_1:
0x0: {  	(tag) =	ssettag $0x1  }
0x1: {  	s5 =	rddreg [dreg:$0x0]  }
0x2: {  	s1 =	rddreg [dreg:$0x1]  }
0x3: {  	s3 =	rddreg [dreg:$0x2]  }
0x4: {  	s0 =	rddreg [dreg:$0x3]  }
0x5: {  	s4 =	simm.s32 $0x0;
	s2 =	stileid.u32;
	s6 =	srdreg.scid  }
0x6: {  	s16 =	simm.s32 $0x2800;
	s17 =	simm.s32 $0x80;
	s18 =	simm.s32 $0x5000  }
0x7: {  	s19 =	simm.s32 $0x1;
	s20 =	simm.s32 $0x7000;
	s21 =	simm.s32 $0x2  }
0x8: {  	s22 =	simm.s32 $0x2880;
	s23 =	simm.s32 $0x3;
	s26 =	simm.s32 $0x4  }
0x9: {  	s28 =	simm.s32 $0x0;
	[smem:$0x7FF] =	sst s4;
	s7 =	smul.u32 $0xA000, s2  }
0xa: {  	s8 =	smul.u32 $0xA00, s2;
	s9 =	sand.u32 $0x1, s6;
	s30 =	sshll.u32 s2, $0x6  }
0xb: {  	_ =	strace $0x80000050;
	s6 =	smul.u32 $0x14000, s9;
	s10 =	ssub.s32 $0x2, s9  }
0xc: {  	p0 =	seq.s32 s9, $0x1;
	s24 =	sshrl.u32 s7, $0x3;
	s11 =	sadd.s32 s8, s5  }
0xd: {  	s12 =	sshrl.u32 s10, $0x1;
	s31 =	sadd.s32 s7, s1;
	s14 =	sadd.s32 s7, s3  }
0xe: {  	s29 =	sadd.s32 s24, s5;
	s13 =	sadd.s32 s6, s5;
	s10 =	ssub.s32 s10, s12  }
.Ltmp0:
0xf: {  	s6 =	sor.u32 $0x1C05, s30;
	s8 =	sadd.s32 $0x10000, s11;
	(pc) =	sbr.rel .LBB2_1-.Ltmp0, $4  }
0x10: {  	s9 =	sadd.s32 $0x6000, s11;
	s11 =	sshrl.u32 s31, $0x3;
	s12 =	simm.s32 $0x5  }
0x11: {  	s5 =	sadd.s32 $0x71A00, s29;
	s7 =	sadd.s32 $0x85A00, s29;
	s25 =	sadd.s32 $0x1A000, s13  }
0x12: {  	s10 =	smax.u32 s10, $0x1;
	s13 =	sshrl.u32 s14, $0x3;
	s14 =	sadd.s32 $0x500, s8  }
0x13: {  	s15 =	sadd.s32 $0x500, s9;
	s24 =	sadd.s32 s24, s25;
	s25 =	simm.s32 $0x100  }
.LBB2_8:
0x14: {  	_ =	swait.ge [sflag:s26], $0x2000  }
0x15: {  	s28 =	sadd.s32 $0x1, s28;
	[sflag:s26] =	ssyncset.done $0x0  }
0x16: {  	p1 =	sne.s32 s28, s10;
	[sflag:s26] =	ssyncadd.s32 $0xFFFFE000  }
.Ltmp1:
0x17: {  	[bflag:$0x0] =	sbarrier.arrive $0xFFFF;
	(pc) =	sbr.rel @!p1 .LBB2_9-.Ltmp1, $4  }
0x18: {  	[hbm:s24], [sflag:s6] =	dma.local [spmem:s13], $0x1400  }
0x19: {  	_ =	swait.ge [sflag:s12], $0x1400  }
0x1a: {  	[sflag:s12] =	ssyncset.done $0x0  }
0x1b: {  	[sflag:s12] =	ssyncadd.s32 $0xFFFFEC00  }
.LBB2_1:
0x1c: {  	[spmem:s11], [sflag:s6] =	dma.local [hbm:s5], $0x1400  }
0x1d: {  	_ =	swait.ge [sflag:s12], $0x1400  }
0x1e: {  	[sflag:s12] =	ssyncset.done $0x0  }
0x1f: {  	[sflag:s12] =	ssyncadd.s32 $0xFFFFEC00  }
0x20: {  	[spmem:s13], [sflag:s6] =	dma.local [hbm:s7], $0x1400  }
.Ltmp2:
0x21: {  	_ =	swait.ge [sflag:s12], $0x1400;
	(pc) =	sbr.rel @!p0 .LBB2_2-.Ltmp2, $3  }
0x22: {  	[sflag:s12] =	ssyncset.done $0x0  }
0x23: {  	[sflag:s12] =	ssyncadd.s32 $0xFFFFEC00  }
0x24: {  	[bflag:$0x0] =	sbarrier.arrive $0xFFFF;
	_ =	sdelay $0x1  }
0x25: {  	[tilespmem:s4], [sflag:$0x5] =	stream.linear.gather [hbm4b:s14+s4], $0x2800, $0x38;
	[tilespmem:$0x1D000] =	vst v63  }
0x26: {  	_ =	swait.ge [sflag:s12], $0x2800  }
0x27: {  	[sflag:s12] =	ssyncset.done $0x0  }
0x28: {  	[sflag:s12] =	ssyncadd.s32 $0xFFFFD800  }
0x29: {  	[tilespmem:s16], [sflag:$0x5] =	stream.linear.gather [hbm4b:s15+s4], $0x2800, $0x38;
	[tilespmem:$0x1D000] =	vst v63  }
0x2a: {  	_ =	swait.ge [sflag:s12], $0x2800  }
0x2b: {  	[sflag:s12] =	ssyncset.done $0x0  }
0x2c: {  	[sflag:s12] =	ssyncadd.s32 $0xFFFFD800  }
0x2d: {  	[tilespmem:s18], [sflag:$0x1] =	stream.indirect.gather [spmem:s1], $0x40, s4, s17, $0xb8;
	[tilespmem:$0x1D000] =	vst v63  }
0x2e: {  	_ =	swait.ge [sflag:s19], $0x2000  }
0x2f: {  	[sflag:s19] =	ssyncset.done $0x0  }
0x30: {  	[sflag:s19] =	ssyncadd.s32 $0xFFFFE000  }
0x31: {  	[spmem:s3] =	stream.indirect.scatter.add.f32 [tilespmem:s18], [sflag:$0x3], $0x40, s16, s17, $0xb8;
	[tilespmem:$0x1D000] =	vst v63  }
0x32: {  	_ = 	snop  }
0x33: {  	[tilespmem:s20], [sflag:$0x2] =	stream.indirect.gather [spmem:s1], $0x40, s17, s17, $0xb8;
	[tilespmem:$0x1D000] =	vst v63  }
0x34: {  	_ =	swait.ge [sflag:s21], $0x2000  }
0x35: {  	[sflag:s21] =	ssyncset.done $0x0  }
0x36: {  	[sflag:s21] =	ssyncadd.s32 $0xFFFFE000  }
0x37: {  	[spmem:s3] =	stream.indirect.scatter.add.f32 [tilespmem:s20], [sflag:$0x4], $0x40, s22, s17, $0xb8;
	[tilespmem:$0x1D000] =	vst v63  }
0x38: {  	_ =	swait.ge [sflag:s23], $0x2000  }
0x39: {  	[sflag:s23] =	ssyncset.done $0x0  }
0x3a: {  	s29 =	simm.s32 $0xFFFF6800;
	[sflag:s23] =	ssyncadd.s32 $0xFFFFE000  }
0x3b: {  	[tilespmem:s18], [sflag:$0x1] =	stream.indirect.gather [spmem:s1], $0x40, s25, s17, $0xb8;
	[tilespmem:$0x1D000] =	vst v63  }
.LBB2_6:
0x3c: {  	_ =	swait.ge [sflag:s19], $0x2000  }
0x3d: {  	s30 =	sshra.s32 s29, $0x2;
	[sflag:s19] =	ssyncset.done $0x0  }
0x3e: {  	s31 =	sadd.s32 $0x4F00, s30;
	[sflag:s19] =	ssyncadd.s32 $0xFFFFE000  }
0x3f: {  	[spmem:s3] =	stream.indirect.scatter.add.f32 [tilespmem:s18], [sflag:$0x3], $0x40, s31, s17, $0xb8;
	[tilespmem:$0x1D000] =	vst v63  }
0x40: {  	_ =	swait.ge [sflag:s26], $0x2000  }
0x41: {  	[sflag:s26] =	ssyncset.done $0x0  }
0x42: {  	s31 =	sadd.s32 $0x2780, s30;
	[sflag:s26] =	ssyncadd.s32 $0xFFFFE000  }
0x43: {  	[tilespmem:s20], [sflag:$0x2] =	stream.indirect.gather [spmem:s1], $0x40, s31, s17, $0xb8;
	[tilespmem:$0x1D000] =	vst v63  }
0x44: {  	_ =	swait.ge [sflag:s21], $0x2000  }
0x45: {  	p1 =	seq.s32 s29, $0x0;
	[sflag:s21] =	ssyncset.done $0x0  }
.Ltmp3:
0x46: {  	s31 =	sadd.s32 $0x4F80, s30;
	[sflag:s21] =	ssyncadd.s32 $0xFFFFE000;
	(pc) =	sbr.rel @p1 .LBB2_8-.Ltmp3, $4  }
0x47: {  	[spmem:s3] =	stream.indirect.scatter.add.f32 [tilespmem:s20], [sflag:$0x4], $0x40, s31, s17, $0xb8;
	[tilespmem:$0x1D000] =	vst v63  }
0x48: {  	_ =	swait.ge [sflag:s23], $0x2000  }
0x49: {  	[sflag:s23] =	ssyncset.done $0x0  }
0x4a: {  	[sflag:s23] =	ssyncadd.s32 $0xFFFFE000  }
.Ltmp4:
0x4b: {  	(pc) =	sbr.rel .LBB2_6-.Ltmp4, $3  }
0x4c: {  	_ =	sdelay $0x1  }
0x4d: {  	s30 =	sadd.s32 $0x2800, s30;
	s29 =	sadd.s32 $0x400, s29  }
0x4e: {  	[tilespmem:s18], [sflag:$0x1] =	stream.indirect.gather [spmem:s1], $0x40, s30, s17, $0xb8;
	[tilespmem:$0x1D000] =	vst v63  }
.LBB2_2:
0x4f: {  	[tilespmem:s4], [sflag:$0x5] =	stream.linear.gather [hbm4b:s8+s4], $0x2800, $0x38;
	[tilespmem:$0x1D000] =	vst v63  }
0x50: {  	_ =	swait.ge [sflag:s12], $0x2800  }
0x51: {  	[sflag:s12] =	ssyncset.done $0x0  }
0x52: {  	[sflag:s12] =	ssyncadd.s32 $0xFFFFD800  }
0x53: {  	[tilespmem:s16], [sflag:$0x5] =	stream.linear.gather [hbm4b:s9+s4], $0x2800, $0x38;
	[tilespmem:$0x1D000] =	vst v63  }
0x54: {  	_ =	swait.ge [sflag:s12], $0x2800  }
0x55: {  	[sflag:s12] =	ssyncset.done $0x0  }
0x56: {  	[sflag:s12] =	ssyncadd.s32 $0xFFFFD800  }
0x57: {  	[tilespmem:s18], [sflag:$0x1] =	stream.indirect.gather [spmem:s1], $0x40, s4, s17, $0xb8;
	[tilespmem:$0x1D000] =	vst v63  }
0x58: {  	_ =	swait.ge [sflag:s19], $0x2000  }
0x59: {  	[sflag:s19] =	ssyncset.done $0x0  }
0x5a: {  	[sflag:s19] =	ssyncadd.s32 $0xFFFFE000  }
0x5b: {  	[spmem:s3] =	stream.indirect.scatter.add.f32 [tilespmem:s18], [sflag:$0x3], $0x40, s16, s17, $0xb8;
	[tilespmem:$0x1D000] =	vst v63  }
0x5c: {  	_ = 	snop  }
0x5d: {  	[tilespmem:s20], [sflag:$0x2] =	stream.indirect.gather [spmem:s1], $0x40, s17, s17, $0xb8;
	[tilespmem:$0x1D000] =	vst v63  }
0x5e: {  	_ =	swait.ge [sflag:s21], $0x2000  }
0x5f: {  	[sflag:s21] =	ssyncset.done $0x0  }
0x60: {  	[sflag:s21] =	ssyncadd.s32 $0xFFFFE000  }
0x61: {  	[spmem:s3] =	stream.indirect.scatter.add.f32 [tilespmem:s20], [sflag:$0x4], $0x40, s22, s17, $0xb8;
	[tilespmem:$0x1D000] =	vst v63  }
0x62: {  	_ =	swait.ge [sflag:s23], $0x2000  }
0x63: {  	[sflag:s23] =	ssyncset.done $0x0  }
0x64: {  	s29 =	simm.s32 $0xFFFF6800;
	[sflag:s23] =	ssyncadd.s32 $0xFFFFE000  }
0x65: {  	[tilespmem:s18], [sflag:$0x1] =	stream.indirect.gather [spmem:s1], $0x40, s25, s17, $0xb8;
	[tilespmem:$0x1D000] =	vst v63  }
.LBB2_3:
0x66: {  	_ =	swait.ge [sflag:s19], $0x2000  }
0x67: {  	s30 =	sshra.s32 s29, $0x2;
	[sflag:s19] =	ssyncset.done $0x0  }
0x68: {  	s31 =	sadd.s32 $0x4F00, s30;
	[sflag:s19] =	ssyncadd.s32 $0xFFFFE000  }
0x69: {  	[spmem:s3] =	stream.indirect.scatter.add.f32 [tilespmem:s18], [sflag:$0x3], $0x40, s31, s17, $0xb8;
	[tilespmem:$0x1D000] =	vst v63  }
0x6a: {  	_ =	swait.ge [sflag:s26], $0x2000  }
0x6b: {  	[sflag:s26] =	ssyncset.done $0x0  }
0x6c: {  	s31 =	sadd.s32 $0x2780, s30;
	[sflag:s26] =	ssyncadd.s32 $0xFFFFE000  }
0x6d: {  	[tilespmem:s20], [sflag:$0x2] =	stream.indirect.gather [spmem:s1], $0x40, s31, s17, $0xb8;
	[tilespmem:$0x1D000] =	vst v63  }
0x6e: {  	_ =	swait.ge [sflag:s21], $0x2000  }
0x6f: {  	p1 =	seq.s32 s29, $0x0;
	[sflag:s21] =	ssyncset.done $0x0  }
.Ltmp5:
0x70: {  	s31 =	sadd.s32 $0x4F80, s30;
	[sflag:s21] =	ssyncadd.s32 $0xFFFFE000;
	(pc) =	sbr.rel @p1 .LBB2_8-.Ltmp5, $4  }
0x71: {  	[spmem:s3] =	stream.indirect.scatter.add.f32 [tilespmem:s20], [sflag:$0x4], $0x40, s31, s17, $0xb8;
	[tilespmem:$0x1D000] =	vst v63  }
0x72: {  	_ =	swait.ge [sflag:s23], $0x2000  }
0x73: {  	[sflag:s23] =	ssyncset.done $0x0  }
0x74: {  	[sflag:s23] =	ssyncadd.s32 $0xFFFFE000  }
.Ltmp6:
0x75: {  	(pc) =	sbr.rel .LBB2_3-.Ltmp6, $3  }
0x76: {  	_ =	sdelay $0x1  }
0x77: {  	s30 =	sadd.s32 $0x2800, s30;
	s29 =	sadd.s32 $0x400, s29  }
0x78: {  	[tilespmem:s18], [sflag:$0x1] =	stream.indirect.gather [spmem:s1], $0x40, s30, s17, $0xb8;
	[tilespmem:$0x1D000] =	vst v63  }
.LBB2_9:
0x79: {  	_ =	sfence.sel $0x180000  }
0x7a: {  	[bflag:$0x0] =	sbarrier.arrive $0xFFFF  }
0x7b: {  	p0 =	sne.s32 s2, $0x0;
	_ =	strace $0x90000050  }
0x7c: {  	s0 =	sadd.s32 @!p0 $0x100000, s0;
	[bflag:$0x2] =	sbarrier.arrive $0xFFFF  }
0x7d: {  	[sflag:s0] =	ssyncadd.tile.s32 @!p0 $0x1;
	_ =	shalt  }
.Lfunc_end2:
_tile_overlayer_lowered:
.L_overlay_start_2:
0x7e: {  	(tag) =	ssettag $0x2  }
0x7f: {  	s0 =	rddreg [dreg:$0x0];
	s2 =	stileid.u32  }
0x80: {  	s1 =	rddreg [dreg:$0x1];
	p0 =	sne.s32 s2, $0x0  }
0x81: {  	s3 =	rddreg [dreg:$0x2];
	[bflag:$0x3] =	sbarrier.arrive $0xFFFF;
	s2 =	simm.s32 @!p0 $0x1C05  }
0x82: {  	[timem:s3], [sflag:s2] =	dma.local @!p0 [hbm:s0], s1  }
0x83: {  	s0 =	simm.s32 @!p0 $0x5  }
0x84: {  	_ =	swait.ge @!p0 [sflag:s0], s1  }
0x85: {  	s1 =	ssub.s32 @!p0 $0x0, s1;
	[sflag:s0] =	ssyncset.done @!p0 $0x0  }
0x86: {  	[sflag:s0] =	ssyncadd.s32 @!p0 s1  }
0x87: {  	[bflag:$0x3] =	sbarrier.arrive $0xFFFF  }
0x88: {  	_ =	shalt  }

// kernel: kernel.23.cloned.1.call-start
scs
__scs_entry_jumppad:
0x0: {  	(pc) =	sbr.rel $0x88, $3  }
0x1: {  	(tag) =	ssettag $0x0;
	lr =	simm.s32 $0x1  }
0x2: {  	[smem:$0x3F82] =	sst lr;
	_ =	strace $0xD0000000  }
0x3: {  	_ = 	snop  }
0x4: {  	_ = 	snop  }
0x5: {  	_ = 	snop  }
0x6: {  	_ = 	snop  }
0x7: {  	_ = 	snop  }
__scs_overlays_trampoline_lowered:
0x8: {  	[smem:$0x3F91] =	sst s0  }
0x9: {  	[smem:$0x3F92] =	sst s1  }
0xa: {  	[smem:$0x3F93] =	sst s2  }
0xb: {  	[smem:$0x3F94] =	sst s3  }
0xc: {  	[smem:$0x3F95] =	sst s4  }
0xd: {  	[smem:$0x3F96] =	sst s5  }
0xe: {  	[smem:$0x3F97] =	sst s6  }
0xf: {  	[smem:$0x3F98] =	sst s7  }
0x10: {  	[smem:$0x3F99] =	sst s8  }
0x11: {  	[smem:$0x3F9A] =	sst s9;
	s0 =	simm.s32 @!p0 $0x0  }
0x12: {  	s1 =	sld [smem:$0x3F80];
	s0 =	simm.s32 @p0 $0x1  }
0x13: {  	[smem:$0x3F9B] =	sst s0;
	s0 =	simm.s32 @!p1 $0x0  }
0x14: {  	s2 =	sld [smem:$0x3F7F];
	s0 =	simm.s32 @p1 $0x1  }
0x15: {  	[smem:$0x3F9C] =	sst s0;
	s0 =	simm.s32 @!p2 $0x0  }
0x16: {  	s3 =	sld [smem:$0x3FDB];
	s0 =	simm.s32 @p2 $0x1  }
0x17: {  	s4 =	simm.s32 $0x1BF5;
	[smem:$0x3F9E] =	sst s0  }
0x18: {  	s0 =	sld [smem:$0x3F81];
	_ =	swait.ge [sflag:s4], $0x0  }
0x19: {  	s7 =	sld [smem:$0x3F82]  }
0x1a: {  	s8 =	sadd.s32 $0xFFFFE003, lr  }
0x1b: {  	s9 =	sadd.s32 $0xFFFFFEF7, lr;
	s5 =	simm.s32 $0xFFFFFFFF;
	p2 =	slt.u32 s8, $0xFFFFF086  }
0x1c: {  	p1 =	slt.u32 s9, $0xF7A;
	s5 =	simm.s32 @!p2 $0x0  }
0x1d: {  	s5 =	simm.s32 @p1 $0x1;
	p0 =	seq.s32 s7, s2  }
0x1e: {  	s7 =	smul.u32 @!p0 $0xF7A, s2;
	p2 =	seq.s32 @!p0 s5, $0x0  }
0x1f: {  	s9 =	smul.u32 $0xF7A, s1;
	s8 =	simm.s32 @!p0 $0x1BF5;
	p2 =	por !p2, p0  }
0x20: {  	[sflag:s8] =	ssyncset.s32 @!p0 $0xFFFFF086;
	s6 =	sadd.s32 @!p0 s3, s7;
	s7 =	simm.s32 @!p0 $0x108  }
0x21: {  	s3 =	sadd.s32 s3, s9;
	s6 =	sadd.s32 @!p0 $0x88, s6;
	s7 =	simm.s32 @p2 $0x1082  }
0x22: {  	[simem:s7], [sflag:s8] =	dma.local @!p0 [hbm:s6], $0xF7A  }
0x23: {  	s9 =	sor.u32 $0xD0000000, s2;
	s6 =	simm.s32 $0x108;
	_ =	swait.ge @!p0 [sflag:s8], $0x0  }
0x24: {  	s3 =	sadd.s32 $0x88, s3;
	s6 =	simm.s32 @!p1 $0x1082;
	[sflag:s4] =	ssyncset.s32 $0xFFFFF086  }
0x25: {  	[simem:s6], [sflag:s4] =	dma.local [hbm:s3], $0xF7A  }
0x26: {  	[smem:$0x3F82] =	sst s1;
	(tag) =	ssettag s2;
	_ =	strace s9  }
0x27: {  	s1 =	sld [smem:$0x3F92]  }
0x28: {  	s2 =	sld [smem:$0x3F93]  }
0x29: {  	s4 =	sld [smem:$0x3F95]  }
0x2a: {  	p0 =	seq.s32 s5, $0x0;
	s5 =	sld [smem:$0x3F96]  }
0x2b: {  	s6 =	sld [smem:$0x3F97]  }
0x2c: {  	s7 =	sld [smem:$0x3F98]  }
0x2d: {  	s3 =	simm.s32 $0x108;
	s8 =	sld [smem:$0x3F99]  }
0x2e: {  	s3 =	simm.s32 @!p0 $0x1082;
	s9 =	sld [smem:$0x3F9A]  }
0x2f: {  	lr =	sadd.s32 s0, s3;
	s0 =	sld [smem:$0x3F91]  }
0x30: {  	s3 =	sld [smem:$0x3F94]  }
0x31: {  	[smem:$0x3F9D] =	sst s10  }
0x32: {  	s10 =	sld [smem:$0x3F9B];
	_ =	sdelay $0x3  }
0x33: {  	p0 =	seq.s32 s10, $0x1;
	s10 =	sld [smem:$0x3F9D];
	_ =	sdelay $0x3  }
0x34: {  	[smem:$0x3F9D] =	sst s10  }
0x35: {  	s10 =	sld [smem:$0x3F9C];
	_ =	sdelay $0x3  }
0x36: {  	p1 =	seq.s32 s10, $0x1;
	s10 =	sld [smem:$0x3F9D];
	_ =	sdelay $0x3  }
0x37: {  	[smem:$0x3F9D] =	sst s10  }
0x38: {  	s10 =	sld [smem:$0x3F9E]  }
0x39: {  	_ = 	snop;
	(pc) =	sbr.ind lr, $3  }
0x3a: {  	_ = 	snop  }
0x3b: {  	_ = 	snop  }
0x3c: {  	p2 =	seq.s32 s10, $0x1;
	s10 =	sld [smem:$0x3F9D]  }
0x3d: {  	_ =	shalt  }
0x3e: {  	_ =	shalt  }
0x3f: {  	_ =	shalt  }
0x40: {  	_ =	shalt  }
0x41: {  	_ =	shalt  }
0x42: {  	_ =	shalt  }
0x43: {  	_ =	shalt  }
0x44: {  	_ =	shalt  }
0x45: {  	_ =	shalt  }
0x46: {  	_ =	shalt  }
0x47: {  	_ =	shalt  }
0x48: {  	_ =	shalt  }
0x49: {  	_ =	shalt  }
0x4a: {  	_ =	shalt  }
0x4b: {  	_ =	shalt  }
0x4c: {  	_ =	shalt  }
0x4d: {  	_ =	shalt  }
0x4e: {  	_ =	shalt  }
0x4f: {  	_ =	shalt  }
0x50: {  	_ =	shalt  }
0x51: {  	_ =	shalt  }
0x52: {  	_ =	shalt  }
0x53: {  	_ =	shalt  }
0x54: {  	_ =	shalt  }
0x55: {  	_ =	shalt  }
0x56: {  	_ =	shalt  }
0x57: {  	_ =	shalt  }
0x58: {  	_ =	shalt  }
0x59: {  	_ =	shalt  }
0x5a: {  	_ =	shalt  }
0x5b: {  	_ =	shalt  }
0x5c: {  	_ =	shalt  }
0x5d: {  	_ =	shalt  }
0x5e: {  	_ =	shalt  }
0x5f: {  	_ =	shalt  }
0x60: {  	_ =	shalt  }
0x61: {  	_ =	shalt  }
0x62: {  	_ =	shalt  }
0x63: {  	_ =	shalt  }
0x64: {  	_ =	shalt  }
0x65: {  	_ =	shalt  }
0x66: {  	_ =	shalt  }
0x67: {  	_ =	shalt  }
0x68: {  	_ =	shalt  }
0x69: {  	_ =	shalt  }
0x6a: {  	_ =	shalt  }
0x6b: {  	_ =	shalt  }
0x6c: {  	_ =	shalt  }
0x6d: {  	_ =	shalt  }
0x6e: {  	_ =	shalt  }
0x6f: {  	_ =	shalt  }
0x70: {  	_ =	shalt  }
0x71: {  	_ =	shalt  }
0x72: {  	_ =	shalt  }
0x73: {  	_ =	shalt  }
0x74: {  	_ =	shalt  }
0x75: {  	_ =	shalt  }
0x76: {  	_ =	shalt  }
0x77: {  	_ =	shalt  }
0x78: {  	_ =	shalt  }
0x79: {  	_ =	shalt  }
0x7a: {  	_ =	shalt  }
0x7b: {  	_ =	shalt  }
0x7c: {  	_ =	shalt  }
0x7d: {  	_ =	shalt  }
0x7e: {  	_ =	shalt  }
0x7f: {  	_ =	shalt  }
0x80: {  	_ =	shalt  }
0x81: {  	_ =	shalt  }
0x82: {  	_ =	shalt  }
0x83: {  	_ =	shalt  }
0x84: {  	_ =	shalt  }
0x85: {  	_ =	shalt  }
0x86: {  	_ =	shalt  }
0x87: {  	_ =	shalt  }
.Lfunc_end0:
.L_simem_size_0:
called_computation.4_lowered:
.L_overlay_start_0:
0x88: {  	s2 =	sld [smem:$0x3FD9]  }
0x89: {  	s3 =	sld [smem:$0x3FFE];
	_ =	sdelay $0x1  }
0x8a: {  	s1 =	srdreg.scid  }
0x8b: {  	s0 =	sand.u32 $0x1, s1  }
0x8c: {  	s16 =	sshll.u32 s0, $0xA;
	s2 =	sadd.s32 s3, s2  }
0x8d: {  	s2 =	sadd.s32 s2, s16  }
0x8e: {  	[smem:$0x3FA9] =	sst s2  }
0x8f: {  	_ = 	snop  }
0x90: {  	(tm) =	ssettm $0x1  }
0x91: {  	s17 =	sld [smem:$0x3FFB];
	_ =	sdelay $0x3  }
0x92: {  	_ =	strace s17  }
0x93: {  	s2 =	sld [smem:$0x3FFC];
	_ =	sdelay $0x3  }
0x94: {  	_ =	strace s2  }
0x95: {  	s2 =	sld [smem:$0x3FFD];
	_ =	sdelay $0x3  }
0x96: {  	_ =	strace s2  }
0x97: {  	_ =	strace $0x8FFFFFFF  }
0x98: {  	s18 =	sld [smem:$0x3FDB];
	_ =	sdelay $0x1  }
0x99: {  	s19 =	simm.s32 $_scs_section_size  }
0x9a: {  	s4 =	simm.s32 $_size__tile_overlayer_lowered;
	s5 =	simm.s32 $_tile_overlayer_lowered  }
0x9b: {  	s22 =	simm.s32 $0x1BFF;
	s21 =	sshll.u32 s5, $0x1;
	s2 =	sadd.s32 s19, s18  }
0x9c: {  	s6 =	simm.s32 $0x0;
	s20 =	sshll.u32 s4, $0x1;
	s4 =	sadd.s32 s21, s2  }
0x9d: {  	[timem:s6], [sflag:s22] =	dma.local [hbm:s4], s20  }
0x9e: {  	_ =	swait.ge [sflag:s22], s20  }
0x9f: {  	s3 =	ssub.s32 $0x0, s20;
	[sflag:s22] =	ssyncset.done $0x0  }
0xa0: {  	[sflag:s22] =	ssyncadd.s32 s3;
	_ =	sdelay $0x1  }
0xa1: {  	s23 =	simm.s32 $0x1B8B  }
0xa2: {  	_ =	swait.ge [sflag:s23], $0x1  }
0xa3: {  	[sflag:s23] =	ssyncset.done $0x0  }
0xa4: {  	s25 =	simm.s32 $0x1B8E;
	s24 =	sld [smem:$0x3FFE];
	[sflag:s23] =	ssyncadd.s32 $0xFFFFFFFF  }
0xa5: {  	s26 =	simm.s32 $execute0_lowered;
	[smem:$0x3FD2] =	sst s25  }
0xa6: {  	s4 =	sshll.u32 s26, $0x1;
	_ =	strace $0x80000052;
	[dreg:$0x1] =	wrdreg $0xFFFFFFFF  }
0xa7: {  	s28 =	simm.s32 $_size_execute0_lowered;
	s2 =	sadd.s32 s2, s4;
	[dreg:$0x0] =	wrdreg $0x0  }
0xa8: {  	s4 =	sshll.u32 s28, $0x1;
	[dreg:$0x2] =	wrdreg s2  }
0xa9: {  	[dreg:$0x3] =	wrdreg s4  }
0xaa: {  	[dreg:$0x4] =	wrdreg $0xC0  }
0xab: {  	_ =	task [dreg:s6], $0x5FFFF  }
0xac: {  	[dreg:$0x1] =	wrdreg $0xFFFFFFFF  }
0xad: {  	[dreg:$0x0] =	wrdreg $0x60  }
0xae: {  	[dreg:$0x2] =	wrdreg s24  }
0xaf: {  	[dreg:$0x3] =	wrdreg $0x90000  }
0xb0: {  	[dreg:$0x4] =	wrdreg $0x130000  }
0xb1: {  	[dreg:$0x5] =	wrdreg $0x9  }
0xb2: {  	_ =	task.clear_ibuf [dreg:s6], $0x6FFFF;
	_ =	strace $0x90000052  }
0xb3: {  	s29 =	simm.s32 $0x9;
	_ =	strace $0x80000054  }
0xb4: {  	_ =	swait.ge [sflag:s29], $0x1  }
0xb5: {  	[sflag:s29] =	ssyncadd.s32 $0xFFFFFFFF  }
0xb6: {  	_ =	strace $0x90000054  }
0xb7: {  	_ =	sfence  }
0xb8: {  	s30 =	sld [smem:$0x0];
	_ =	sdelay $0x2  }
0xb9: {  	s31 =	sshll.u32 s1, $0xD;
	s1 =	sshrl.u32 s1, $0x2  }
0xba: {  	s3 =	sand.u32 $0x4000, s31;
	s1 =	sadd.s32 s1, s30  }
0xbb: {  	s0 =	sor.u32 s3, s0;
	s1 =	sshll.u32 s1, $0x11  }
0xbc: {  	s0 =	sor.u32 s1, s0  }
0xbd: {  	s0 =	sadd.s32 $0x8F2B, s0  }
0xbe: {  	[sflag:s0] =	ssyncadd.remote.s32 $0x1  }
0xbf: {  	_ =	sfence.sel $0xFFFF  }
0xc0: {  	[dreg:$0x0] =	wrdreg $0xFFFFFFFF;
	(pc) =	sbr.abs _section_cstart, $3  }
0xc1: {  	[dreg:$0x1] =	wrdreg $0xFFFFFFFF  }
0xc2: {  	_ =	task.clear_ibuf [dreg:s6], $0x2FFFF;
	_ =	strace $0x9FFFFFFF  }
0xc3: {  	(tm) =	ssettm $0x7FFFFFFF  }
tec
execute0_lowered:
.L_overlay_start_1:
0x0: {  	(tag) =	ssettag $0x1  }
0x1: {  	s5 =	rddreg [dreg:$0x0]  }
0x2: {  	s1 =	rddreg [dreg:$0x1]  }
0x3: {  	s3 =	rddreg [dreg:$0x2]  }
0x4: {  	s0 =	rddreg [dreg:$0x3]  }
0x5: {  	s4 =	simm.s32 $0x0;
	s2 =	stileid.u32;
	s6 =	srdreg.scid  }
0x6: {  	s16 =	simm.s32 $0x2800;
	s17 =	simm.s32 $0x80;
	s18 =	simm.s32 $0x5000  }
0x7: {  	s19 =	simm.s32 $0x1;
	s20 =	simm.s32 $0x7000;
	s21 =	simm.s32 $0x2  }
0x8: {  	s22 =	simm.s32 $0x2880;
	s23 =	simm.s32 $0x3;
	s26 =	simm.s32 $0x4  }
0x9: {  	s28 =	simm.s32 $0x0;
	[smem:$0x7FF] =	sst s4;
	s7 =	smul.u32 $0xA000, s2  }
0xa: {  	s8 =	smul.u32 $0xA00, s2;
	s9 =	sand.u32 $0x1, s6;
	s30 =	sshll.u32 s2, $0x6  }
0xb: {  	_ =	strace $0x80000053;
	s6 =	smul.u32 $0x14000, s9;
	s10 =	ssub.s32 $0x2, s9  }
0xc: {  	p0 =	seq.s32 s9, $0x1;
	s24 =	sshrl.u32 s7, $0x3;
	s11 =	sadd.s32 s8, s5  }
0xd: {  	s12 =	sshrl.u32 s10, $0x1;
	s31 =	sadd.s32 s7, s1;
	s14 =	sadd.s32 s7, s3  }
0xe: {  	s29 =	sadd.s32 s24, s5;
	s13 =	sadd.s32 s6, s5;
	s10 =	ssub.s32 s10, s12  }
.Ltmp0:
0xf: {  	s6 =	sor.u32 $0x1C05, s30;
	s8 =	sadd.s32 $0x10000, s11;
	(pc) =	sbr.rel .LBB2_1-.Ltmp0, $4  }
0x10: {  	s9 =	sadd.s32 $0x6000, s11;
	s11 =	sshrl.u32 s31, $0x3;
	s12 =	simm.s32 $0x5  }
0x11: {  	s5 =	sadd.s32 $0x1A000, s29;
	s7 =	sadd.s32 $0x85A00, s29;
	s25 =	sadd.s32 $0x2E000, s13  }
0x12: {  	s10 =	smax.u32 s10, $0x1;
	s13 =	sshrl.u32 s14, $0x3;
	s14 =	sadd.s32 $0x500, s8  }
0x13: {  	s15 =	sadd.s32 $0x500, s9;
	s24 =	sadd.s32 s24, s25;
	s25 =	simm.s32 $0x100  }
.LBB2_8:
0x14: {  	_ =	swait.ge [sflag:s26], $0x2000  }
0x15: {  	s28 =	sadd.s32 $0x1, s28;
	[sflag:s26] =	ssyncset.done $0x0  }
0x16: {  	p1 =	sne.s32 s28, s10;
	[sflag:s26] =	ssyncadd.s32 $0xFFFFE000  }
.Ltmp1:
0x17: {  	[bflag:$0x0] =	sbarrier.arrive $0xFFFF;
	(pc) =	sbr.rel @!p1 .LBB2_9-.Ltmp1, $4  }
0x18: {  	[hbm:s24], [sflag:s6] =	dma.local [spmem:s13], $0x1400  }
0x19: {  	_ =	swait.ge [sflag:s12], $0x1400  }
0x1a: {  	[sflag:s12] =	ssyncset.done $0x0  }
0x1b: {  	[sflag:s12] =	ssyncadd.s32 $0xFFFFEC00  }
.LBB2_1:
0x1c: {  	[spmem:s11], [sflag:s6] =	dma.local [hbm:s5], $0x1400  }
0x1d: {  	_ =	swait.ge [sflag:s12], $0x1400  }
0x1e: {  	[sflag:s12] =	ssyncset.done $0x0  }
0x1f: {  	[sflag:s12] =	ssyncadd.s32 $0xFFFFEC00  }
0x20: {  	[spmem:s13], [sflag:s6] =	dma.local [hbm:s7], $0x1400  }
.Ltmp2:
0x21: {  	_ =	swait.ge [sflag:s12], $0x1400;
	(pc) =	sbr.rel @!p0 .LBB2_2-.Ltmp2, $3  }
0x22: {  	[sflag:s12] =	ssyncset.done $0x0  }
0x23: {  	[sflag:s12] =	ssyncadd.s32 $0xFFFFEC00  }
0x24: {  	[bflag:$0x0] =	sbarrier.arrive $0xFFFF;
	_ =	sdelay $0x1  }
0x25: {  	[tilespmem:s4], [sflag:$0x5] =	stream.linear.gather [hbm4b:s14+s4], $0x2800, $0x38;
	[tilespmem:$0x1D000] =	vst v63  }
0x26: {  	_ =	swait.ge [sflag:s12], $0x2800  }
0x27: {  	[sflag:s12] =	ssyncset.done $0x0  }
0x28: {  	[sflag:s12] =	ssyncadd.s32 $0xFFFFD800  }
0x29: {  	[tilespmem:s16], [sflag:$0x5] =	stream.linear.gather [hbm4b:s15+s4], $0x2800, $0x38;
	[tilespmem:$0x1D000] =	vst v63  }
0x2a: {  	_ =	swait.ge [sflag:s12], $0x2800  }
0x2b: {  	[sflag:s12] =	ssyncset.done $0x0  }
0x2c: {  	[sflag:s12] =	ssyncadd.s32 $0xFFFFD800  }
0x2d: {  	[tilespmem:s18], [sflag:$0x1] =	stream.indirect.gather [spmem:s1], $0x40, s4, s17, $0xb8;
	[tilespmem:$0x1D000] =	vst v63  }
0x2e: {  	_ =	swait.ge [sflag:s19], $0x2000  }
0x2f: {  	[sflag:s19] =	ssyncset.done $0x0  }
0x30: {  	[sflag:s19] =	ssyncadd.s32 $0xFFFFE000  }
0x31: {  	[spmem:s3] =	stream.indirect.scatter.add.f32 [tilespmem:s18], [sflag:$0x3], $0x40, s16, s17, $0xb8;
	[tilespmem:$0x1D000] =	vst v63  }
0x32: {  	_ = 	snop  }
0x33: {  	[tilespmem:s20], [sflag:$0x2] =	stream.indirect.gather [spmem:s1], $0x40, s17, s17, $0xb8;
	[tilespmem:$0x1D000] =	vst v63  }
0x34: {  	_ =	swait.ge [sflag:s21], $0x2000  }
0x35: {  	[sflag:s21] =	ssyncset.done $0x0  }
0x36: {  	[sflag:s21] =	ssyncadd.s32 $0xFFFFE000  }
0x37: {  	[spmem:s3] =	stream.indirect.scatter.add.f32 [tilespmem:s20], [sflag:$0x4], $0x40, s22, s17, $0xb8;
	[tilespmem:$0x1D000] =	vst v63  }
0x38: {  	_ =	swait.ge [sflag:s23], $0x2000  }
0x39: {  	[sflag:s23] =	ssyncset.done $0x0  }
0x3a: {  	s29 =	simm.s32 $0xFFFF6800;
	[sflag:s23] =	ssyncadd.s32 $0xFFFFE000  }
0x3b: {  	[tilespmem:s18], [sflag:$0x1] =	stream.indirect.gather [spmem:s1], $0x40, s25, s17, $0xb8;
	[tilespmem:$0x1D000] =	vst v63  }
.LBB2_6:
0x3c: {  	_ =	swait.ge [sflag:s19], $0x2000  }
0x3d: {  	s30 =	sshra.s32 s29, $0x2;
	[sflag:s19] =	ssyncset.done $0x0  }
0x3e: {  	s31 =	sadd.s32 $0x4F00, s30;
	[sflag:s19] =	ssyncadd.s32 $0xFFFFE000  }
0x3f: {  	[spmem:s3] =	stream.indirect.scatter.add.f32 [tilespmem:s18], [sflag:$0x3], $0x40, s31, s17, $0xb8;
	[tilespmem:$0x1D000] =	vst v63  }
0x40: {  	_ =	swait.ge [sflag:s26], $0x2000  }
0x41: {  	[sflag:s26] =	ssyncset.done $0x0  }
0x42: {  	s31 =	sadd.s32 $0x2780, s30;
	[sflag:s26] =	ssyncadd.s32 $0xFFFFE000  }
0x43: {  	[tilespmem:s20], [sflag:$0x2] =	stream.indirect.gather [spmem:s1], $0x40, s31, s17, $0xb8;
	[tilespmem:$0x1D000] =	vst v63  }
0x44: {  	_ =	swait.ge [sflag:s21], $0x2000  }
0x45: {  	p1 =	seq.s32 s29, $0x0;
	[sflag:s21] =	ssyncset.done $0x0  }
.Ltmp3:
0x46: {  	s31 =	sadd.s32 $0x4F80, s30;
	[sflag:s21] =	ssyncadd.s32 $0xFFFFE000;
	(pc) =	sbr.rel @p1 .LBB2_8-.Ltmp3, $4  }
0x47: {  	[spmem:s3] =	stream.indirect.scatter.add.f32 [tilespmem:s20], [sflag:$0x4], $0x40, s31, s17, $0xb8;
	[tilespmem:$0x1D000] =	vst v63  }
0x48: {  	_ =	swait.ge [sflag:s23], $0x2000  }
0x49: {  	[sflag:s23] =	ssyncset.done $0x0  }
0x4a: {  	[sflag:s23] =	ssyncadd.s32 $0xFFFFE000  }
.Ltmp4:
0x4b: {  	(pc) =	sbr.rel .LBB2_6-.Ltmp4, $3  }
0x4c: {  	_ =	sdelay $0x1  }
0x4d: {  	s30 =	sadd.s32 $0x2800, s30;
	s29 =	sadd.s32 $0x400, s29  }
0x4e: {  	[tilespmem:s18], [sflag:$0x1] =	stream.indirect.gather [spmem:s1], $0x40, s30, s17, $0xb8;
	[tilespmem:$0x1D000] =	vst v63  }
.LBB2_2:
0x4f: {  	[tilespmem:s4], [sflag:$0x5] =	stream.linear.gather [hbm4b:s8+s4], $0x2800, $0x38;
	[tilespmem:$0x1D000] =	vst v63  }
0x50: {  	_ =	swait.ge [sflag:s12], $0x2800  }
0x51: {  	[sflag:s12] =	ssyncset.done $0x0  }
0x52: {  	[sflag:s12] =	ssyncadd.s32 $0xFFFFD800  }
0x53: {  	[tilespmem:s16], [sflag:$0x5] =	stream.linear.gather [hbm4b:s9+s4], $0x2800, $0x38;
	[tilespmem:$0x1D000] =	vst v63  }
0x54: {  	_ =	swait.ge [sflag:s12], $0x2800  }
0x55: {  	[sflag:s12] =	ssyncset.done $0x0  }
0x56: {  	[sflag:s12] =	ssyncadd.s32 $0xFFFFD800  }
0x57: {  	[tilespmem:s18], [sflag:$0x1] =	stream.indirect.gather [spmem:s1], $0x40, s4, s17, $0xb8;
	[tilespmem:$0x1D000] =	vst v63  }
0x58: {  	_ =	swait.ge [sflag:s19], $0x2000  }
0x59: {  	[sflag:s19] =	ssyncset.done $0x0  }
0x5a: {  	[sflag:s19] =	ssyncadd.s32 $0xFFFFE000  }
0x5b: {  	[spmem:s3] =	stream.indirect.scatter.add.f32 [tilespmem:s18], [sflag:$0x3], $0x40, s16, s17, $0xb8;
	[tilespmem:$0x1D000] =	vst v63  }
0x5c: {  	_ = 	snop  }
0x5d: {  	[tilespmem:s20], [sflag:$0x2] =	stream.indirect.gather [spmem:s1], $0x40, s17, s17, $0xb8;
	[tilespmem:$0x1D000] =	vst v63  }
0x5e: {  	_ =	swait.ge [sflag:s21], $0x2000  }
0x5f: {  	[sflag:s21] =	ssyncset.done $0x0  }
0x60: {  	[sflag:s21] =	ssyncadd.s32 $0xFFFFE000  }
0x61: {  	[spmem:s3] =	stream.indirect.scatter.add.f32 [tilespmem:s20], [sflag:$0x4], $0x40, s22, s17, $0xb8;
	[tilespmem:$0x1D000] =	vst v63  }
0x62: {  	_ =	swait.ge [sflag:s23], $0x2000  }
0x63: {  	[sflag:s23] =	ssyncset.done $0x0  }
0x64: {  	s29 =	simm.s32 $0xFFFF6800;
	[sflag:s23] =	ssyncadd.s32 $0xFFFFE000  }
0x65: {  	[tilespmem:s18], [sflag:$0x1] =	stream.indirect.gather [spmem:s1], $0x40, s25, s17, $0xb8;
	[tilespmem:$0x1D000] =	vst v63  }
.LBB2_3:
0x66: {  	_ =	swait.ge [sflag:s19], $0x2000  }
0x67: {  	s30 =	sshra.s32 s29, $0x2;
	[sflag:s19] =	ssyncset.done $0x0  }
0x68: {  	s31 =	sadd.s32 $0x4F00, s30;
	[sflag:s19] =	ssyncadd.s32 $0xFFFFE000  }
0x69: {  	[spmem:s3] =	stream.indirect.scatter.add.f32 [tilespmem:s18], [sflag:$0x3], $0x40, s31, s17, $0xb8;
	[tilespmem:$0x1D000] =	vst v63  }
0x6a: {  	_ =	swait.ge [sflag:s26], $0x2000  }
0x6b: {  	[sflag:s26] =	ssyncset.done $0x0  }
0x6c: {  	s31 =	sadd.s32 $0x2780, s30;
	[sflag:s26] =	ssyncadd.s32 $0xFFFFE000  }
0x6d: {  	[tilespmem:s20], [sflag:$0x2] =	stream.indirect.gather [spmem:s1], $0x40, s31, s17, $0xb8;
	[tilespmem:$0x1D000] =	vst v63  }
0x6e: {  	_ =	swait.ge [sflag:s21], $0x2000  }
0x6f: {  	p1 =	seq.s32 s29, $0x0;
	[sflag:s21] =	ssyncset.done $0x0  }
.Ltmp5:
0x70: {  	s31 =	sadd.s32 $0x4F80, s30;
	[sflag:s21] =	ssyncadd.s32 $0xFFFFE000;
	(pc) =	sbr.rel @p1 .LBB2_8-.Ltmp5, $4  }
0x71: {  	[spmem:s3] =	stream.indirect.scatter.add.f32 [tilespmem:s20], [sflag:$0x4], $0x40, s31, s17, $0xb8;
	[tilespmem:$0x1D000] =	vst v63  }
0x72: {  	_ =	swait.ge [sflag:s23], $0x2000  }
0x73: {  	[sflag:s23] =	ssyncset.done $0x0  }
0x74: {  	[sflag:s23] =	ssyncadd.s32 $0xFFFFE000  }
.Ltmp6:
0x75: {  	(pc) =	sbr.rel .LBB2_3-.Ltmp6, $3  }
0x76: {  	_ =	sdelay $0x1  }
0x77: {  	s30 =	sadd.s32 $0x2800, s30;
	s29 =	sadd.s32 $0x400, s29  }
0x78: {  	[tilespmem:s18], [sflag:$0x1] =	stream.indirect.gather [spmem:s1], $0x40, s30, s17, $0xb8;
	[tilespmem:$0x1D000] =	vst v63  }
.LBB2_9:
0x79: {  	_ =	sfence.sel $0x180000  }
0x7a: {  	[bflag:$0x0] =	sbarrier.arrive $0xFFFF  }
0x7b: {  	p0 =	sne.s32 s2, $0x0;
	_ =	strace $0x90000053  }
0x7c: {  	s0 =	sadd.s32 @!p0 $0x100000, s0;
	[bflag:$0x2] =	sbarrier.arrive $0xFFFF  }
0x7d: {  	[sflag:s0] =	ssyncadd.tile.s32 @!p0 $0x1;
	_ =	shalt  }
.Lfunc_end2:
_tile_overlayer_lowered:
.L_overlay_start_2:
0x7e: {  	(tag) =	ssettag $0x2  }
0x7f: {  	s0 =	rddreg [dreg:$0x0];
	s2 =	stileid.u32  }
0x80: {  	s1 =	rddreg [dreg:$0x1];
	p0 =	sne.s32 s2, $0x0  }
0x81: {  	s3 =	rddreg [dreg:$0x2];
	[bflag:$0x3] =	sbarrier.arrive $0xFFFF;
	s2 =	simm.s32 @!p0 $0x1C05  }
0x82: {  	[timem:s3], [sflag:s2] =	dma.local @!p0 [hbm:s0], s1  }
0x83: {  	s0 =	simm.s32 @!p0 $0x5  }
0x84: {  	_ =	swait.ge @!p0 [sflag:s0], s1  }
0x85: {  	s1 =	ssub.s32 @!p0 $0x0, s1;
	[sflag:s0] =	ssyncset.done @!p0 $0x0  }
0x86: {  	[sflag:s0] =	ssyncadd.s32 @!p0 s1  }
0x87: {  	[bflag:$0x3] =	sbarrier.arrive $0xFFFF  }
0x88: {  	_ =	shalt  }

</sc_bundles>
